<compile_context>
chip_gen: v7x
topology: tpu7x:2x2x1
jax: 0.10.2.dev20260603
libtpu: 0.0.44.dev20260713+nightly
codegen_flags: <defaults>
</compile_context>

<pallas_src>
import functools

import jax
import jax.numpy as jnp
from jax import lax
from jax.experimental import pallas as pl
from jax.experimental.pallas import tpu as pltpu
from jax.experimental.pallas import tpu_sc as plsc

B, C, H, W = 256, 1, 512, 64
NODE = 4
H_OUT = H * NODE

NUM_WORKERS = 32
W_STRIP = 16
STRIPS_PER_BATCH = W // W_STRIP
NUM_STRIPS = B * STRIPS_PER_BATCH
STRIPS_PER_WORKER = NUM_STRIPS // NUM_WORKERS
LANES = 16
SEGS = H // LANES
OUT_SEGS = H_OUT // LANES


def kernel(hidden, indices, node_count):
    del node_count
    hid_t = jnp.transpose(hidden, (0, 1, 3, 2))
    idx_t = jnp.transpose(indices, (0, 1, 3, 2))

    mesh = plsc.VectorSubcoreMesh(core_axis_name="c", subcore_axis_name="s")

    @functools.partial(
        pl.kernel,
        out_type=jax.ShapeDtypeStruct((B, W, H_OUT), jnp.float32),
        mesh=mesh,
        compiler_params=pltpu.CompilerParams(
            needs_layout_passes=False, use_tc_tiling_on_sc=True),
        scratch_types=[
            pltpu.VMEM((W_STRIP, H), jnp.int32),
            pltpu.VMEM((W_STRIP, H), jnp.int32),
            pltpu.VMEM((W_STRIP, H), jnp.float32),
            pltpu.VMEM((W_STRIP, H), jnp.float32),
            pltpu.VMEM((W_STRIP, H_OUT), jnp.float32),
            pltpu.VMEM((W_STRIP, H_OUT), jnp.float32),
            pltpu.SemaphoreType.DMA,
            pltpu.SemaphoreType.DMA,
            pltpu.SemaphoreType.DMA,
            pltpu.SemaphoreType.DMA,
        ],
    )
    def run(hid_hbm, idx_hbm, out_hbm, idxbuf0, idxbuf1, hidbuf0, hidbuf1,
            outbuf0, outbuf1, insem0, insem1, outsem0, outsem1):
        idxbufs = (idxbuf0, idxbuf1)
        hidbufs = (hidbuf0, hidbuf1)
        outbufs = (outbuf0, outbuf1)
        insems = (insem0, insem1)
        outsems = (outsem0, outsem1)
        wid = lax.axis_index("s") * 2 + lax.axis_index("c")
        c0 = wid * STRIPS_PER_WORKER
        zeros = jnp.zeros((LANES,), jnp.float32)

        def in_slices(c):
            b = lax.div(c, STRIPS_PER_BATCH)
            w0 = lax.rem(c, STRIPS_PER_BATCH) * W_STRIP
            return (idx_hbm.at[b, 0, pl.ds(w0, W_STRIP), :],
                    hid_hbm.at[b, 0, pl.ds(w0, W_STRIP), :])

        def out_slice(c):
            b = lax.div(c, STRIPS_PER_BATCH)
            w0 = lax.rem(c, STRIPS_PER_BATCH) * W_STRIP
            return out_hbm.at[b, pl.ds(w0, W_STRIP), :]

        def start_in(c, s):
            isl, hsl = in_slices(c)
            pltpu.async_copy(isl, idxbufs[s], insems[s])
            pltpu.async_copy(hsl, hidbufs[s], insems[s])

        def wait_in(c, s):
            isl, hsl = in_slices(c)
            pltpu.make_async_copy(isl, idxbufs[s], insems[s]).wait()
            pltpu.make_async_copy(hsl, hidbufs[s], insems[s]).wait()

        start_in(c0, 0)
        start_in(c0 + 1, 1)

        def pair_body(t2, carry):
            for s in range(2):
                t = t2 * 2 + s
                c = c0 + t
                outbuf = outbufs[s]

                @pl.when(t >= 2)
                def _wait_prev_out():
                    pltpu.make_async_copy(outbuf, out_slice(c), outsems[s]).wait()

                def zero_body(wr, carry2):
                    for seg in range(OUT_SEGS):
                        outbuf[wr, pl.ds(seg * LANES, LANES)] = zeros
                    return carry2

                lax.fori_loop(0, W_STRIP, zero_body, 0, unroll=2)
                wait_in(c, s)
                idxbuf, hidbuf = idxbufs[s], hidbufs[s]

                def scat_body(wr, carry2):
                    row = jnp.full((LANES,), 0, jnp.int32) + wr
                    for seg in range(SEGS):
                        iv = idxbuf[wr, pl.ds(seg * LANES, LANES)]
                        col = lax.shift_right_logical(iv, 6)
                        vv = hidbuf[wr, pl.ds(seg * LANES, LANES)]
                        plsc.store_scatter(outbuf, [row, col], vv)
                    return carry2

                lax.fori_loop(0, W_STRIP, scat_body, 0, unroll=2)
                pltpu.async_copy(outbuf, out_slice(c), outsems[s])

                @pl.when(t + 2 < STRIPS_PER_WORKER)
                def _prefetch_in():
                    start_in(c + 2, s)
            return carry

        lax.fori_loop(0, STRIPS_PER_WORKER // 2, pair_body, 0)
        for s in range(2):
            c_last = c0 + STRIPS_PER_WORKER - 2 + s
            pltpu.make_async_copy(outbufs[s], out_slice(c_last), outsems[s]).wait()

    out_t = run(hid_t, idx_t)
    return jnp.transpose(out_t, (0, 2, 1))

# --- scband reference (transcript-rebuilt; emitter-appended) ---
"""Pipeline reference for scband-maxunpool-readout-layer-20023137534851 (READ-ONLY COPY).

The authoritative reference and input builder live on the scoring server;
editing this copy changes nothing except your own understanding.
"""

import jax, jax.numpy as jnp
import numpy as np


def setup_inputs(seed: int = 0) -> dict:
    key = jax.random.key(seed)
    B, C, H, W = 256, 1, 512, 64
    node_count = 4
    k1, k2 = jax.random.split(key)
    hidden = jax.random.normal(k1, (B, C, H, W), dtype=jnp.float32)
    # Structured max-unpool indices: each input (h, w) maps to row h*node_count + r
    # within the output plane, mimicking indices produced by a real max_pool2d
    # with kernel (node_count, 1). Guarantees in-range, collision-free scatter.
    r = jax.random.randint(k2, (B, C, H, W), 0, node_count)
    h_idx = jnp.arange(H).reshape(1, 1, H, 1)
    w_idx = jnp.arange(W).reshape(1, 1, 1, W)
    indices = ((h_idx * node_count + r) * W + w_idx).astype(jnp.int32)
    return {"hidden": hidden, "indices": indices, "node_count": node_count}


def reference(hidden, indices, node_count):
    # Faithful port of F.max_unpool2d(hidden, indices, kernel_size=(node_count, 1))
    # followed by h.squeeze(1).
    NODE_COUNT = 4  # static value always passed by setup_inputs
    B, C, H, W = hidden.shape
    H_out = H * NODE_COUNT
    W_out = W
    nc = jnp.asarray(node_count)
    unit = (nc // nc).astype(hidden.dtype)
    flat_vals = hidden.reshape(B, C, H * W) * unit
    flat_idx = indices.reshape(B, C, H * W)
    out = jnp.zeros((B, C, H_out * W_out), dtype=hidden.dtype)
    b = jnp.arange(B).reshape(B, 1, 1)
    c = jnp.arange(C).reshape(1, C, 1)
    out = out.at[b, c, flat_idx].set(flat_vals)
    out = out.reshape(B, C, H_out, W_out)
    return jnp.squeeze(out, axis=1)

if __name__ == "__main__":
    import jax
    _d = setup_inputs()
    print(jax.jit(kernel)(*tuple(_d.values())))

</pallas_src>

<mosaic_0001>
#map = affine_map<(d0, d1) -> (0, 0, 0, 0)>
#map1 = affine_map<(d0, d1) -> (0, 0, 0)>
module attributes {stable_mosaic.version = 14 : i64} {
  func.func @run(%arg0: i32, %arg1: i32, %arg2: memref<256x1x64x512xf32, #tpu.memory_space<hbm>>, %arg3: memref<256x1x64x512xi32, #tpu.memory_space<hbm>>, %arg4: memref<256x64x2048xf32, #tpu.memory_space<hbm>>, %arg5: memref<16x512xi32, #tpu.memory_space<vmem>>, %arg6: memref<16x512xi32, #tpu.memory_space<vmem>>, %arg7: memref<16x512xf32, #tpu.memory_space<vmem>>, %arg8: memref<16x512xf32, #tpu.memory_space<vmem>>, %arg9: memref<16x2048xf32, #tpu.memory_space<vmem>>, %arg10: memref<16x2048xf32, #tpu.memory_space<vmem>>, %arg11: memref<!tpu.dma_semaphore, #tpu.memory_space<semaphore_mem>>, %arg12: memref<!tpu.dma_semaphore, #tpu.memory_space<semaphore_mem>>, %arg13: memref<!tpu.dma_semaphore, #tpu.memory_space<semaphore_mem>>, %arg14: memref<!tpu.dma_semaphore, #tpu.memory_space<semaphore_mem>>) attributes {dimension_semantics = [#tpu.dimension_semantics<core_parallel>, #tpu.dimension_semantics<subcore_parallel>], iteration_bounds = array<i64: 2, 16>, scalar_prefetch = 0 : i64, scratch_operands = 10 : i64, tpu.core_type = #tpu.core_type<sc_vector_subcore>, window_params = [{transform_indices = #map}, {transform_indices = #map}, {transform_indices = #map1}]} {
    %mul3A = arith.constant 2 : i32
    %mul3A_0 = arith.muli %arg1, %mul3A : i32
    %add3A = arith.addi %mul3A_0, %arg0 : i32
    %mul3A_1 = arith.constant 32 : i32
    %mul3A_2 = arith.muli %add3A, %mul3A_1 : i32
    %broadcast_in_dim3A = arith.constant 0.000000e+00 : f32
    %broadcast_in_dim3A_3 = vector.broadcast %broadcast_in_dim3A : f32 to vector<16xf32>
    %div3A = arith.constant 4 : i32
    %div3A_4 = arith.divsi %mul3A_2, %div3A : i32
    %rem3A = arith.constant 4 : i32
    %rem3A_5 = arith.remsi %mul3A_2, %rem3A : i32
    %mul3A_6 = arith.constant 16 : i32
    %mul3A_7 = arith.muli %rem3A_5, %mul3A_6 : i32
    %dma_start3A = arith.constant 0 : i32
    %dma_start3A_8 = arith.constant 0 : i32
    %dma_start3A_9 = tpu.memref_slice %arg3[%div3A_4, %dma_start3A, %mul3A_7, %dma_start3A_8] : memref<256x1x64x512xi32, #tpu.memory_space<hbm>> -> memref<1x1x16x512xi32, #tpu.memory_space<hbm>>
    %dma_start3A_10 = tpu.memref_squeeze %dma_start3A_9 : memref<1x1x16x512xi32, #tpu.memory_space<hbm>> -> memref<16x512xi32, #tpu.memory_space<hbm>>
    %dma_start3A_11 = arith.constant 0 : i32
    %dma_start3A_12 = tpu.memref_slice %arg3[%div3A_4, %dma_start3A, %mul3A_7, %dma_start3A_11] : memref<256x1x64x512xi32, #tpu.memory_space<hbm>> -> memref<1x1x16x512xi32, #tpu.memory_space<hbm>>
    %dma_start3A_13 = tpu.memref_squeeze %dma_start3A_12 : memref<1x1x16x512xi32, #tpu.memory_space<hbm>> -> memref<16x512xi32, #tpu.memory_space<hbm>>
    tpu.enqueue_dma source(%dma_start3A_13 : memref<16x512xi32, #tpu.memory_space<hbm>>) target(%arg5 : memref<16x512xi32, #tpu.memory_space<vmem>>) target_semaphore(%arg11 : memref<!tpu.dma_semaphore, #tpu.memory_space<semaphore_mem>>)
    %dma_start3A_14 = arith.constant 0 : i32
    %dma_start3A_15 = arith.constant 0 : i32
    %dma_start3A_16 = tpu.memref_slice %arg2[%div3A_4, %dma_start3A_14, %mul3A_7, %dma_start3A_15] : memref<256x1x64x512xf32, #tpu.memory_space<hbm>> -> memref<1x1x16x512xf32, #tpu.memory_space<hbm>>
    %dma_start3A_17 = tpu.memref_squeeze %dma_start3A_16 : memref<1x1x16x512xf32, #tpu.memory_space<hbm>> -> memref<16x512xf32, #tpu.memory_space<hbm>>
    %dma_start3A_18 = arith.constant 0 : i32
    %dma_start3A_19 = tpu.memref_slice %arg2[%div3A_4, %dma_start3A_14, %mul3A_7, %dma_start3A_18] : memref<256x1x64x512xf32, #tpu.memory_space<hbm>> -> memref<1x1x16x512xf32, #tpu.memory_space<hbm>>
    %dma_start3A_20 = tpu.memref_squeeze %dma_start3A_19 : memref<1x1x16x512xf32, #tpu.memory_space<hbm>> -> memref<16x512xf32, #tpu.memory_space<hbm>>
    tpu.enqueue_dma source(%dma_start3A_20 : memref<16x512xf32, #tpu.memory_space<hbm>>) target(%arg7 : memref<16x512xf32, #tpu.memory_space<vmem>>) target_semaphore(%arg11 : memref<!tpu.dma_semaphore, #tpu.memory_space<semaphore_mem>>)
    %add3A_21 = arith.constant 1 : i32
    %add3A_22 = arith.addi %mul3A_2, %add3A_21 : i32
    %div3A_23 = arith.constant 4 : i32
    %div3A_24 = arith.divsi %add3A_22, %div3A_23 : i32
    %rem3A_25 = arith.constant 4 : i32
    %rem3A_26 = arith.remsi %add3A_22, %rem3A_25 : i32
    %mul3A_27 = arith.constant 16 : i32
    %mul3A_28 = arith.muli %rem3A_26, %mul3A_27 : i32
    %dma_start3A_29 = arith.constant 0 : i32
    %dma_start3A_30 = arith.constant 0 : i32
    %dma_start3A_31 = tpu.memref_slice %arg3[%div3A_24, %dma_start3A_29, %mul3A_28, %dma_start3A_30] : memref<256x1x64x512xi32, #tpu.memory_space<hbm>> -> memref<1x1x16x512xi32, #tpu.memory_space<hbm>>
    %dma_start3A_32 = tpu.memref_squeeze %dma_start3A_31 : memref<1x1x16x512xi32, #tpu.memory_space<hbm>> -> memref<16x512xi32, #tpu.memory_space<hbm>>
    %dma_start3A_33 = arith.constant 0 : i32
    %dma_start3A_34 = tpu.memref_slice %arg3[%div3A_24, %dma_start3A_29, %mul3A_28, %dma_start3A_33] : memref<256x1x64x512xi32, #tpu.memory_space<hbm>> -> memref<1x1x16x512xi32, #tpu.memory_space<hbm>>
    %dma_start3A_35 = tpu.memref_squeeze %dma_start3A_34 : memref<1x1x16x512xi32, #tpu.memory_space<hbm>> -> memref<16x512xi32, #tpu.memory_space<hbm>>
    tpu.enqueue_dma source(%dma_start3A_35 : memref<16x512xi32, #tpu.memory_space<hbm>>) target(%arg6 : memref<16x512xi32, #tpu.memory_space<vmem>>) target_semaphore(%arg12 : memref<!tpu.dma_semaphore, #tpu.memory_space<semaphore_mem>>)
    %dma_start3A_36 = arith.constant 0 : i32
    %dma_start3A_37 = arith.constant 0 : i32
    %dma_start3A_38 = tpu.memref_slice %arg2[%div3A_24, %dma_start3A_36, %mul3A_28, %dma_start3A_37] : memref<256x1x64x512xf32, #tpu.memory_space<hbm>> -> memref<1x1x16x512xf32, #tpu.memory_space<hbm>>
    %dma_start3A_39 = tpu.memref_squeeze %dma_start3A_38 : memref<1x1x16x512xf32, #tpu.memory_space<hbm>> -> memref<16x512xf32, #tpu.memory_space<hbm>>
    %dma_start3A_40 = arith.constant 0 : i32
    %dma_start3A_41 = tpu.memref_slice %arg2[%div3A_24, %dma_start3A_36, %mul3A_28, %dma_start3A_40] : memref<256x1x64x512xf32, #tpu.memory_space<hbm>> -> memref<1x1x16x512xf32, #tpu.memory_space<hbm>>
    %dma_start3A_42 = tpu.memref_squeeze %dma_start3A_41 : memref<1x1x16x512xf32, #tpu.memory_space<hbm>> -> memref<16x512xf32, #tpu.memory_space<hbm>>
    tpu.enqueue_dma source(%dma_start3A_42 : memref<16x512xf32, #tpu.memory_space<hbm>>) target(%arg8 : memref<16x512xf32, #tpu.memory_space<vmem>>) target_semaphore(%arg12 : memref<!tpu.dma_semaphore, #tpu.memory_space<semaphore_mem>>)
    %scan3A = arith.constant 0 : i32
    %scan3A_43 = arith.constant 0 : i32
    %scan3A_44 = arith.constant 16 : i32
    %scan3A_45 = arith.addi %scan3A_43, %scan3A_44 : i32
    %scan3A_46 = arith.constant 1 : i32
    scf.for %scan3A_82 = %scan3A_43 to %scan3A_45 step %scan3A_46  : i32 {
      %mul3A_83 = arith.constant 2 : i32
      %mul3A_84 = arith.muli %scan3A_82, %mul3A_83 : i32
      %add3A_85 = arith.constant 0 : i32
      %add3A_86 = arith.addi %mul3A_84, %add3A_85 : i32
      %add3A_87 = arith.addi %mul3A_2, %add3A_86 : i32
      %ge3A = arith.constant 2 : i32
      %ge3A_88 = arith.cmpi sge, %add3A_86, %ge3A : i32
      %convert_element_type3A = arith.extui %ge3A_88 : i1 to i32
      %cond3A = arith.constant 0 : i32
      %cond3A_89 = arith.cmpi ne, %convert_element_type3A, %cond3A : i32
      scf.if %cond3A_89 {
        %div3A_201 = arith.constant 4 : i32
        %div3A_202 = arith.divsi %add3A_87, %div3A_201 : i32
        %rem3A_203 = arith.constant 4 : i32
        %rem3A_204 = arith.remsi %add3A_87, %rem3A_203 : i32
        %mul3A_205 = arith.constant 16 : i32
        %mul3A_206 = arith.muli %rem3A_204, %mul3A_205 : i32
        %dma_wait3A_207 = arith.constant 0 : i32
        %dma_wait3A_208 = tpu.memref_slice %arg4[%div3A_202, %mul3A_206, %dma_wait3A_207] : memref<256x64x2048xf32, #tpu.memory_space<hbm>> -> memref<1x16x2048xf32, #tpu.memory_space<hbm>>
        %dma_wait3A_209 = tpu.memref_squeeze %dma_wait3A_208 : memref<1x16x2048xf32, #tpu.memory_space<hbm>> -> memref<16x2048xf32, #tpu.memory_space<hbm>>
        %dma_wait3A_210 = arith.constant 0 : i32
        %dma_wait3A_211 = tpu.memref_slice %arg4[%div3A_202, %mul3A_206, %dma_wait3A_210] : memref<256x64x2048xf32, #tpu.memory_space<hbm>> -> memref<1x16x2048xf32, #tpu.memory_space<hbm>>
        %dma_wait3A_212 = tpu.memref_squeeze %dma_wait3A_211 : memref<1x16x2048xf32, #tpu.memory_space<hbm>> -> memref<16x2048xf32, #tpu.memory_space<hbm>>
        tpu.wait_dma2 semaphore(%arg13 : memref<!tpu.dma_semaphore, #tpu.memory_space<semaphore_mem>>) src(%arg9 : memref<16x2048xf32, #tpu.memory_space<vmem>>) dst(%dma_wait3A_212 : memref<16x2048xf32, #tpu.memory_space<hbm>>)
      } else {
      }
      %scan3A_90 = arith.constant 0 : i32
      %scan3A_91 = arith.constant 0 : i32
      %scan3A_92 = arith.constant 16 : i32
      %scan3A_93 = arith.addi %scan3A_91, %scan3A_92 : i32
      %scan3A_94 = arith.constant 2 : i32
      scf.for %scan3A_201 = %scan3A_91 to %scan3A_93 step %scan3A_94  : i32 {
        %swap3A = arith.index_cast %scan3A_201 : i32 to index
        %swap3A_202 = arith.constant 0 : index
        %swap3A_203 = tpu.vector_load %arg9[%swap3A, %swap3A_202] {strides = array<i32>} : memref<16x2048xf32, #tpu.memory_space<vmem>>, vector<16xf32>,
        tpu.vector_store %arg9[%swap3A, %swap3A_202], %broadcast_in_dim3A_3 {strides = array<i32>} : memref<16x2048xf32, #tpu.memory_space<vmem>>, vector<16xf32>,
        %swap3A_204 = arith.index_cast %scan3A_201 : i32 to index
        %swap3A_205 = arith.constant 16 : index
        %swap3A_206 = tpu.vector_load %arg9[%swap3A_204, %swap3A_205] {strides = array<i32>} : memref<16x2048xf32, #tpu.memory_space<vmem>>, vector<16xf32>,
        tpu.vector_store %arg9[%swap3A_204, %swap3A_205], %broadcast_in_dim3A_3 {strides = array<i32>} : memref<16x2048xf32, #tpu.memory_space<vmem>>, vector<16xf32>,
        %swap3A_207 = arith.index_cast %scan3A_201 : i32 to index
        %swap3A_208 = arith.constant 32 : index
        %swap3A_209 = tpu.vector_load %arg9[%swap3A_207, %swap3A_208] {strides = array<i32>} : memref<16x2048xf32, #tpu.memory_space<vmem>>, vector<16xf32>,
        tpu.vector_store %arg9[%swap3A_207, %swap3A_208], %broadcast_in_dim3A_3 {strides = array<i32>} : memref<16x2048xf32, #tpu.memory_space<vmem>>, vector<16xf32>,
        %swap3A_210 = arith.index_cast %scan3A_201 : i32 to index
        %swap3A_211 = arith.constant 48 : index
        %swap3A_212 = tpu.vector_load %arg9[%swap3A_210, %swap3A_211] {strides = array<i32>} : memref<16x2048xf32, #tpu.memory_space<vmem>>, vector<16xf32>,
        tpu.vector_store %arg9[%swap3A_210, %swap3A_211], %broadcast_in_dim3A_3 {strides = array<i32>} : memref<16x2048xf32, #tpu.memory_space<vmem>>, vector<16xf32>,
        %swap3A_213 = arith.index_cast %scan3A_201 : i32 to index
        %swap3A_214 = arith.constant 64 : index
        %swap3A_215 = tpu.vector_load %arg9[%swap3A_213, %swap3A_214] {strides = array<i32>} : memref<16x2048xf32, #tpu.memory_space<vmem>>, vector<16xf32>,
        tpu.vector_store %arg9[%swap3A_213, %swap3A_214], %broadcast_in_dim3A_3 {strides = array<i32>} : memref<16x2048xf32, #tpu.memory_space<vmem>>, vector<16xf32>,
        %swap3A_216 = arith.index_cast %scan3A_201 : i32 to index
        %swap3A_217 = arith.constant 80 : index
        %swap3A_218 = tpu.vector_load %arg9[%swap3A_216, %swap3A_217] {strides = array<i32>} : memref<16x2048xf32, #tpu.memory_space<vmem>>, vector<16xf32>,
        tpu.vector_store %arg9[%swap3A_216, %swap3A_217], %broadcast_in_dim3A_3 {strides = array<i32>} : memref<16x2048xf32, #tpu.memory_space<vmem>>, vector<16xf32>,
        %swap3A_219 = arith.index_cast %scan3A_201 : i32 to index
        %swap3A_220 = arith.constant 96 : index
        %swap3A_221 = tpu.vector_load %arg9[%swap3A_219, %swap3A_220] {strides = array<i32>} : memref<16x2048xf32, #tpu.memory_space<vmem>>, vector<16xf32>,
        tpu.vector_store %arg9[%swap3A_219, %swap3A_220], %broadcast_in_dim3A_3 {strides = array<i32>} : memref<16x2048xf32, #tpu.memory_space<vmem>>, vector<16xf32>,
        %swap3A_222 = arith.index_cast %scan3A_201 : i32 to index
        %swap3A_223 = arith.constant 112 : index
        %swap3A_224 = tpu.vector_load %arg9[%swap3A_222, %swap3A_223] {strides = array<i32>} : memref<16x2048xf32, #tpu.memory_space<vmem>>, vector<16xf32>,
        tpu.vector_store %arg9[%swap3A_222, %swap3A_223], %broadcast_in_dim3A_3 {strides = array<i32>} : memref<16x2048xf32, #tpu.memory_space<vmem>>, vector<16xf32>,
        %swap3A_225 = arith.index_cast %scan3A_201 : i32 to index
        %swap3A_226 = arith.constant 128 : index
        %swap3A_227 = tpu.vector_load %arg9[%swap3A_225, %swap3A_226] {strides = array<i32>} : memref<16x2048xf32, #tpu.memory_space<vmem>>, vector<16xf32>,
        tpu.vector_store %arg9[%swap3A_225, %swap3A_226], %broadcast_in_dim3A_3 {strides = array<i32>} : memref<16x2048xf32, #tpu.memory_space<vmem>>, vector<16xf32>,
        %swap3A_228 = arith.index_cast %scan3A_201 : i32 to index
        %swap3A_229 = arith.constant 144 : index
        %swap3A_230 = tpu.vector_load %arg9[%swap3A_228, %swap3A_229] {strides = array<i32>} : memref<16x2048xf32, #tpu.memory_space<vmem>>, vector<16xf32>,
        tpu.vector_store %arg9[%swap3A_228, %swap3A_229], %broadcast_in_dim3A_3 {strides = array<i32>} : memref<16x2048xf32, #tpu.memory_space<vmem>>, vector<16xf32>,
        %swap3A_231 = arith.index_cast %scan3A_201 : i32 to index
        %swap3A_232 = arith.constant 160 : index
        %swap3A_233 = tpu.vector_load %arg9[%swap3A_231, %swap3A_232] {strides = array<i32>} : memref<16x2048xf32, #tpu.memory_space<vmem>>, vector<16xf32>,
        tpu.vector_store %arg9[%swap3A_231, %swap3A_232], %broadcast_in_dim3A_3 {strides = array<i32>} : memref<16x2048xf32, #tpu.memory_space<vmem>>, vector<16xf32>,
        %swap3A_234 = arith.index_cast %scan3A_201 : i32 to index
        %swap3A_235 = arith.constant 176 : index
        %swap3A_236 = tpu.vector_load %arg9[%swap3A_234, %swap3A_235] {strides = array<i32>} : memref<16x2048xf32, #tpu.memory_space<vmem>>, vector<16xf32>,
        tpu.vector_store %arg9[%swap3A_234, %swap3A_235], %broadcast_in_dim3A_3 {strides = array<i32>} : memref<16x2048xf32, #tpu.memory_space<vmem>>, vector<16xf32>,
        %swap3A_237 = arith.index_cast %scan3A_201 : i32 to index
        %swap3A_238 = arith.constant 192 : index
        %swap3A_239 = tpu.vector_load %arg9[%swap3A_237, %swap3A_238] {strides = array<i32>} : memref<16x2048xf32, #tpu.memory_space<vmem>>, vector<16xf32>,
        tpu.vector_store %arg9[%swap3A_237, %swap3A_238], %broadcast_in_dim3A_3 {strides = array<i32>} : memref<16x2048xf32, #tpu.memory_space<vmem>>, vector<16xf32>,
        %swap3A_240 = arith.index_cast %scan3A_201 : i32 to index
        %swap3A_241 = arith.constant 208 : index
        %swap3A_242 = tpu.vector_load %arg9[%swap3A_240, %swap3A_241] {strides = array<i32>} : memref<16x2048xf32, #tpu.memory_space<vmem>>, vector<16xf32>,
        tpu.vector_store %arg9[%swap3A_240, %swap3A_241], %broadcast_in_dim3A_3 {strides = array<i32>} : memref<16x2048xf32, #tpu.memory_space<vmem>>, vector<16xf32>,
        %swap3A_243 = arith.index_cast %scan3A_201 : i32 to index
        %swap3A_244 = arith.constant 224 : index
        %swap3A_245 = tpu.vector_load %arg9[%swap3A_243, %swap3A_244] {strides = array<i32>} : memref<16x2048xf32, #tpu.memory_space<vmem>>, vector<16xf32>,
        tpu.vector_store %arg9[%swap3A_243, %swap3A_244], %broadcast_in_dim3A_3 {strides = array<i32>} : memref<16x2048xf32, #tpu.memory_space<vmem>>, vector<16xf32>,
        %swap3A_246 = arith.index_cast %scan3A_201 : i32 to index
        %swap3A_247 = arith.constant 240 : index
        %swap3A_248 = tpu.vector_load %arg9[%swap3A_246, %swap3A_247] {strides = array<i32>} : memref<16x2048xf32, #tpu.memory_space<vmem>>, vector<16xf32>,
        tpu.vector_store %arg9[%swap3A_246, %swap3A_247], %broadcast_in_dim3A_3 {strides = array<i32>} : memref<16x2048xf32, #tpu.memory_space<vmem>>, vector<16xf32>,
        %swap3A_249 = arith.index_cast %scan3A_201 : i32 to index
        %swap3A_250 = arith.constant 256 : index
        %swap3A_251 = tpu.vector_load %arg9[%swap3A_249, %swap3A_250] {strides = array<i32>} : memref<16x2048xf32, #tpu.memory_space<vmem>>, vector<16xf32>,
        tpu.vector_store %arg9[%swap3A_249, %swap3A_250], %broadcast_in_dim3A_3 {strides = array<i32>} : memref<16x2048xf32, #tpu.memory_space<vmem>>, vector<16xf32>,
        %swap3A_252 = arith.index_cast %scan3A_201 : i32 to index
        %swap3A_253 = arith.constant 272 : index
        %swap3A_254 = tpu.vector_load %arg9[%swap3A_252, %swap3A_253] {strides = array<i32>} : memref<16x2048xf32, #tpu.memory_space<vmem>>, vector<16xf32>,
        tpu.vector_store %arg9[%swap3A_252, %swap3A_253], %broadcast_in_dim3A_3 {strides = array<i32>} : memref<16x2048xf32, #tpu.memory_space<vmem>>, vector<16xf32>,
        %swap3A_255 = arith.index_cast %scan3A_201 : i32 to index
        %swap3A_256 = arith.constant 288 : index
        %swap3A_257 = tpu.vector_load %arg9[%swap3A_255, %swap3A_256] {strides = array<i32>} : memref<16x2048xf32, #tpu.memory_space<vmem>>, vector<16xf32>,
        tpu.vector_store %arg9[%swap3A_255, %swap3A_256], %broadcast_in_dim3A_3 {strides = array<i32>} : memref<16x2048xf32, #tpu.memory_space<vmem>>, vector<16xf32>,
        %swap3A_258 = arith.index_cast %scan3A_201 : i32 to index
        %swap3A_259 = arith.constant 304 : index
        %swap3A_260 = tpu.vector_load %arg9[%swap3A_258, %swap3A_259] {strides = array<i32>} : memref<16x2048xf32, #tpu.memory_space<vmem>>, vector<16xf32>,
        tpu.vector_store %arg9[%swap3A_258, %swap3A_259], %broadcast_in_dim3A_3 {strides = array<i32>} : memref<16x2048xf32, #tpu.memory_space<vmem>>, vector<16xf32>,
        %swap3A_261 = arith.index_cast %scan3A_201 : i32 to index
        %swap3A_262 = arith.constant 320 : index
        %swap3A_263 = tpu.vector_load %arg9[%swap3A_261, %swap3A_262] {strides = array<i32>} : memref<16x2048xf32, #tpu.memory_space<vmem>>, vector<16xf32>,
        tpu.vector_store %arg9[%swap3A_261, %swap3A_262], %broadcast_in_dim3A_3 {strides = array<i32>} : memref<16x2048xf32, #tpu.memory_space<vmem>>, vector<16xf32>,
        %swap3A_264 = arith.index_cast %scan3A_201 : i32 to index
        %swap3A_265 = arith.constant 336 : index
        %swap3A_266 = tpu.vector_load %arg9[%swap3A_264, %swap3A_265] {strides = array<i32>} : memref<16x2048xf32, #tpu.memory_space<vmem>>, vector<16xf32>,
        tpu.vector_store %arg9[%swap3A_264, %swap3A_265], %broadcast_in_dim3A_3 {strides = array<i32>} : memref<16x2048xf32, #tpu.memory_space<vmem>>, vector<16xf32>,
        %swap3A_267 = arith.index_cast %scan3A_201 : i32 to index
        %swap3A_268 = arith.constant 352 : index
        %swap3A_269 = tpu.vector_load %arg9[%swap3A_267, %swap3A_268] {strides = array<i32>} : memref<16x2048xf32, #tpu.memory_space<vmem>>, vector<16xf32>,
        tpu.vector_store %arg9[%swap3A_267, %swap3A_268], %broadcast_in_dim3A_3 {strides = array<i32>} : memref<16x2048xf32, #tpu.memory_space<vmem>>, vector<16xf32>,
        %swap3A_270 = arith.index_cast %scan3A_201 : i32 to index
        %swap3A_271 = arith.constant 368 : index
        %swap3A_272 = tpu.vector_load %arg9[%swap3A_270, %swap3A_271] {strides = array<i32>} : memref<16x2048xf32, #tpu.memory_space<vmem>>, vector<16xf32>,
        tpu.vector_store %arg9[%swap3A_270, %swap3A_271], %broadcast_in_dim3A_3 {strides = array<i32>} : memref<16x2048xf32, #tpu.memory_space<vmem>>, vector<16xf32>,
        %swap3A_273 = arith.index_cast %scan3A_201 : i32 to index
        %swap3A_274 = arith.constant 384 : index
        %swap3A_275 = tpu.vector_load %arg9[%swap3A_273, %swap3A_274] {strides = array<i32>} : memref<16x2048xf32, #tpu.memory_space<vmem>>, vector<16xf32>,
        tpu.vector_store %arg9[%swap3A_273, %swap3A_274], %broadcast_in_dim3A_3 {strides = array<i32>} : memref<16x2048xf32, #tpu.memory_space<vmem>>, vector<16xf32>,
        %swap3A_276 = arith.index_cast %scan3A_201 : i32 to index
        %swap3A_277 = arith.constant 400 : index
        %swap3A_278 = tpu.vector_load %arg9[%swap3A_276, %swap3A_277] {strides = array<i32>} : memref<16x2048xf32, #tpu.memory_space<vmem>>, vector<16xf32>,
        tpu.vector_store %arg9[%swap3A_276, %swap3A_277], %broadcast_in_dim3A_3 {strides = array<i32>} : memref<16x2048xf32, #tpu.memory_space<vmem>>, vector<16xf32>,
        %swap3A_279 = arith.index_cast %scan3A_201 : i32 to index
        %swap3A_280 = arith.constant 416 : index
        %swap3A_281 = tpu.vector_load %arg9[%swap3A_279, %swap3A_280] {strides = array<i32>} : memref<16x2048xf32, #tpu.memory_space<vmem>>, vector<16xf32>,
        tpu.vector_store %arg9[%swap3A_279, %swap3A_280], %broadcast_in_dim3A_3 {strides = array<i32>} : memref<16x2048xf32, #tpu.memory_space<vmem>>, vector<16xf32>,
        %swap3A_282 = arith.index_cast %scan3A_201 : i32 to index
        %swap3A_283 = arith.constant 432 : index
        %swap3A_284 = tpu.vector_load %arg9[%swap3A_282, %swap3A_283] {strides = array<i32>} : memref<16x2048xf32, #tpu.memory_space<vmem>>, vector<16xf32>,
        tpu.vector_store %arg9[%swap3A_282, %swap3A_283], %broadcast_in_dim3A_3 {strides = array<i32>} : memref<16x2048xf32, #tpu.memory_space<vmem>>, vector<16xf32>,
        %swap3A_285 = arith.index_cast %scan3A_201 : i32 to index
        %swap3A_286 = arith.constant 448 : index
        %swap3A_287 = tpu.vector_load %arg9[%swap3A_285, %swap3A_286] {strides = array<i32>} : memref<16x2048xf32, #tpu.memory_space<vmem>>, vector<16xf32>,
        tpu.vector_store %arg9[%swap3A_285, %swap3A_286], %broadcast_in_dim3A_3 {strides = array<i32>} : memref<16x2048xf32, #tpu.memory_space<vmem>>, vector<16xf32>,
        %swap3A_288 = arith.index_cast %scan3A_201 : i32 to index
        %swap3A_289 = arith.constant 464 : index
        %swap3A_290 = tpu.vector_load %arg9[%swap3A_288, %swap3A_289] {strides = array<i32>} : memref<16x2048xf32, #tpu.memory_space<vmem>>, vector<16xf32>,
        tpu.vector_store %arg9[%swap3A_288, %swap3A_289], %broadcast_in_dim3A_3 {strides = array<i32>} : memref<16x2048xf32, #tpu.memory_space<vmem>>, vector<16xf32>,
        %swap3A_291 = arith.index_cast %scan3A_201 : i32 to index
        %swap3A_292 = arith.constant 480 : index
        %swap3A_293 = tpu.vector_load %arg9[%swap3A_291, %swap3A_292] {strides = array<i32>} : memref<16x2048xf32, #tpu.memory_space<vmem>>, vector<16xf32>,
        tpu.vector_store %arg9[%swap3A_291, %swap3A_292], %broadcast_in_dim3A_3 {strides = array<i32>} : memref<16x2048xf32, #tpu.memory_space<vmem>>, vector<16xf32>,
        %swap3A_294 = arith.index_cast %scan3A_201 : i32 to index
        %swap3A_295 = arith.constant 496 : index
        %swap3A_296 = tpu.vector_load %arg9[%swap3A_294, %swap3A_295] {strides = array<i32>} : memref<16x2048xf32, #tpu.memory_space<vmem>>, vector<16xf32>,
        tpu.vector_store %arg9[%swap3A_294, %swap3A_295], %broadcast_in_dim3A_3 {strides = array<i32>} : memref<16x2048xf32, #tpu.memory_space<vmem>>, vector<16xf32>,
        %swap3A_297 = arith.index_cast %scan3A_201 : i32 to index
        %swap3A_298 = arith.constant 512 : index
        %swap3A_299 = tpu.vector_load %arg9[%swap3A_297, %swap3A_298] {strides = array<i32>} : memref<16x2048xf32, #tpu.memory_space<vmem>>, vector<16xf32>,
        tpu.vector_store %arg9[%swap3A_297, %swap3A_298], %broadcast_in_dim3A_3 {strides = array<i32>} : memref<16x2048xf32, #tpu.memory_space<vmem>>, vector<16xf32>,
        %swap3A_300 = arith.index_cast %scan3A_201 : i32 to index
        %swap3A_301 = arith.constant 528 : index
        %swap3A_302 = tpu.vector_load %arg9[%swap3A_300, %swap3A_301] {strides = array<i32>} : memref<16x2048xf32, #tpu.memory_space<vmem>>, vector<16xf32>,
        tpu.vector_store %arg9[%swap3A_300, %swap3A_301], %broadcast_in_dim3A_3 {strides = array<i32>} : memref<16x2048xf32, #tpu.memory_space<vmem>>, vector<16xf32>,
        %swap3A_303 = arith.index_cast %scan3A_201 : i32 to index
        %swap3A_304 = arith.constant 544 : index
        %swap3A_305 = tpu.vector_load %arg9[%swap3A_303, %swap3A_304] {strides = array<i32>} : memref<16x2048xf32, #tpu.memory_space<vmem>>, vector<16xf32>,
        tpu.vector_store %arg9[%swap3A_303, %swap3A_304], %broadcast_in_dim3A_3 {strides = array<i32>} : memref<16x2048xf32, #tpu.memory_space<vmem>>, vector<16xf32>,
        %swap3A_306 = arith.index_cast %scan3A_201 : i32 to index
        %swap3A_307 = arith.constant 560 : index
        %swap3A_308 = tpu.vector_load %arg9[%swap3A_306, %swap3A_307] {strides = array<i32>} : memref<16x2048xf32, #tpu.memory_space<vmem>>, vector<16xf32>,
        tpu.vector_store %arg9[%swap3A_306, %swap3A_307], %broadcast_in_dim3A_3 {strides = array<i32>} : memref<16x2048xf32, #tpu.memory_space<vmem>>, vector<16xf32>,
        %swap3A_309 = arith.index_cast %scan3A_201 : i32 to index
        %swap3A_310 = arith.constant 576 : index
        %swap3A_311 = tpu.vector_load %arg9[%swap3A_309, %swap3A_310] {strides = array<i32>} : memref<16x2048xf32, #tpu.memory_space<vmem>>, vector<16xf32>,
        tpu.vector_store %arg9[%swap3A_309, %swap3A_310], %broadcast_in_dim3A_3 {strides = array<i32>} : memref<16x2048xf32, #tpu.memory_space<vmem>>, vector<16xf32>,
        %swap3A_312 = arith.index_cast %scan3A_201 : i32 to index
        %swap3A_313 = arith.constant 592 : index
        %swap3A_314 = tpu.vector_load %arg9[%swap3A_312, %swap3A_313] {strides = array<i32>} : memref<16x2048xf32, #tpu.memory_space<vmem>>, vector<16xf32>,
        tpu.vector_store %arg9[%swap3A_312, %swap3A_313], %broadcast_in_dim3A_3 {strides = array<i32>} : memref<16x2048xf32, #tpu.memory_space<vmem>>, vector<16xf32>,
        %swap3A_315 = arith.index_cast %scan3A_201 : i32 to index
        %swap3A_316 = arith.constant 608 : index
        %swap3A_317 = tpu.vector_load %arg9[%swap3A_315, %swap3A_316] {strides = array<i32>} : memref<16x2048xf32, #tpu.memory_space<vmem>>, vector<16xf32>,
        tpu.vector_store %arg9[%swap3A_315, %swap3A_316], %broadcast_in_dim3A_3 {strides = array<i32>} : memref<16x2048xf32, #tpu.memory_space<vmem>>, vector<16xf32>,
        %swap3A_318 = arith.index_cast %scan3A_201 : i32 to index
        %swap3A_319 = arith.constant 624 : index
        %swap3A_320 = tpu.vector_load %arg9[%swap3A_318, %swap3A_319] {strides = array<i32>} : memref<16x2048xf32, #tpu.memory_space<vmem>>, vector<16xf32>,
        tpu.vector_store %arg9[%swap3A_318, %swap3A_319], %broadcast_in_dim3A_3 {strides = array<i32>} : memref<16x2048xf32, #tpu.memory_space<vmem>>, vector<16xf32>,
        %swap3A_321 = arith.index_cast %scan3A_201 : i32 to index
        %swap3A_322 = arith.constant 640 : index
        %swap3A_323 = tpu.vector_load %arg9[%swap3A_321, %swap3A_322] {strides = array<i32>} : memref<16x2048xf32, #tpu.memory_space<vmem>>, vector<16xf32>,
        tpu.vector_store %arg9[%swap3A_321, %swap3A_322], %broadcast_in_dim3A_3 {strides = array<i32>} : memref<16x2048xf32, #tpu.memory_space<vmem>>, vector<16xf32>,
        %swap3A_324 = arith.index_cast %scan3A_201 : i32 to index
        %swap3A_325 = arith.constant 656 : index
        %swap3A_326 = tpu.vector_load %arg9[%swap3A_324, %swap3A_325] {strides = array<i32>} : memref<16x2048xf32, #tpu.memory_space<vmem>>, vector<16xf32>,
        tpu.vector_store %arg9[%swap3A_324, %swap3A_325], %broadcast_in_dim3A_3 {strides = array<i32>} : memref<16x2048xf32, #tpu.memory_space<vmem>>, vector<16xf32>,
        %swap3A_327 = arith.index_cast %scan3A_201 : i32 to index
        %swap3A_328 = arith.constant 672 : index
        %swap3A_329 = tpu.vector_load %arg9[%swap3A_327, %swap3A_328] {strides = array<i32>} : memref<16x2048xf32, #tpu.memory_space<vmem>>, vector<16xf32>,
        tpu.vector_store %arg9[%swap3A_327, %swap3A_328], %broadcast_in_dim3A_3 {strides = array<i32>} : memref<16x2048xf32, #tpu.memory_space<vmem>>, vector<16xf32>,
        %swap3A_330 = arith.index_cast %scan3A_201 : i32 to index
        %swap3A_331 = arith.constant 688 : index
        %swap3A_332 = tpu.vector_load %arg9[%swap3A_330, %swap3A_331] {strides = array<i32>} : memref<16x2048xf32, #tpu.memory_space<vmem>>, vector<16xf32>,
        tpu.vector_store %arg9[%swap3A_330, %swap3A_331], %broadcast_in_dim3A_3 {strides = array<i32>} : memref<16x2048xf32, #tpu.memory_space<vmem>>, vector<16xf32>,
        %swap3A_333 = arith.index_cast %scan3A_201 : i32 to index
        %swap3A_334 = arith.constant 704 : index
        %swap3A_335 = tpu.vector_load %arg9[%swap3A_333, %swap3A_334] {strides = array<i32>} : memref<16x2048xf32, #tpu.memory_space<vmem>>, vector<16xf32>,
        tpu.vector_store %arg9[%swap3A_333, %swap3A_334], %broadcast_in_dim3A_3 {strides = array<i32>} : memref<16x2048xf32, #tpu.memory_space<vmem>>, vector<16xf32>,
        %swap3A_336 = arith.index_cast %scan3A_201 : i32 to index
        %swap3A_337 = arith.constant 720 : index
        %swap3A_338 = tpu.vector_load %arg9[%swap3A_336, %swap3A_337] {strides = array<i32>} : memref<16x2048xf32, #tpu.memory_space<vmem>>, vector<16xf32>,
        tpu.vector_store %arg9[%swap3A_336, %swap3A_337], %broadcast_in_dim3A_3 {strides = array<i32>} : memref<16x2048xf32, #tpu.memory_space<vmem>>, vector<16xf32>,
        %swap3A_339 = arith.index_cast %scan3A_201 : i32 to index
        %swap3A_340 = arith.constant 736 : index
        %swap3A_341 = tpu.vector_load %arg9[%swap3A_339, %swap3A_340] {strides = array<i32>} : memref<16x2048xf32, #tpu.memory_space<vmem>>, vector<16xf32>,
        tpu.vector_store %arg9[%swap3A_339, %swap3A_340], %broadcast_in_dim3A_3 {strides = array<i32>} : memref<16x2048xf32, #tpu.memory_space<vmem>>, vector<16xf32>,
        %swap3A_342 = arith.index_cast %scan3A_201 : i32 to index
        %swap3A_343 = arith.constant 752 : index
        %swap3A_344 = tpu.vector_load %arg9[%swap3A_342, %swap3A_343] {strides = array<i32>} : memref<16x2048xf32, #tpu.memory_space<vmem>>, vector<16xf32>,
        tpu.vector_store %arg9[%swap3A_342, %swap3A_343], %broadcast_in_dim3A_3 {strides = array<i32>} : memref<16x2048xf32, #tpu.memory_space<vmem>>, vector<16xf32>,
        %swap3A_345 = arith.index_cast %scan3A_201 : i32 to index
        %swap3A_346 = arith.constant 768 : index
        %swap3A_347 = tpu.vector_load %arg9[%swap3A_345, %swap3A_346] {strides = array<i32>} : memref<16x2048xf32, #tpu.memory_space<vmem>>, vector<16xf32>,
        tpu.vector_store %arg9[%swap3A_345, %swap3A_346], %broadcast_in_dim3A_3 {strides = array<i32>} : memref<16x2048xf32, #tpu.memory_space<vmem>>, vector<16xf32>,
        %swap3A_348 = arith.index_cast %scan3A_201 : i32 to index
        %swap3A_349 = arith.constant 784 : index
        %swap3A_350 = tpu.vector_load %arg9[%swap3A_348, %swap3A_349] {strides = array<i32>} : memref<16x2048xf32, #tpu.memory_space<vmem>>, vector<16xf32>,
        tpu.vector_store %arg9[%swap3A_348, %swap3A_349], %broadcast_in_dim3A_3 {strides = array<i32>} : memref<16x2048xf32, #tpu.memory_space<vmem>>, vector<16xf32>,
        %swap3A_351 = arith.index_cast %scan3A_201 : i32 to index
        %swap3A_352 = arith.constant 800 : index
        %swap3A_353 = tpu.vector_load %arg9[%swap3A_351, %swap3A_352] {strides = array<i32>} : memref<16x2048xf32, #tpu.memory_space<vmem>>, vector<16xf32>,
        tpu.vector_store %arg9[%swap3A_351, %swap3A_352], %broadcast_in_dim3A_3 {strides = array<i32>} : memref<16x2048xf32, #tpu.memory_space<vmem>>, vector<16xf32>,
        %swap3A_354 = arith.index_cast %scan3A_201 : i32 to index
        %swap3A_355 = arith.constant 816 : index
        %swap3A_356 = tpu.vector_load %arg9[%swap3A_354, %swap3A_355] {strides = array<i32>} : memref<16x2048xf32, #tpu.memory_space<vmem>>, vector<16xf32>,
        tpu.vector_store %arg9[%swap3A_354, %swap3A_355], %broadcast_in_dim3A_3 {strides = array<i32>} : memref<16x2048xf32, #tpu.memory_space<vmem>>, vector<16xf32>,
        %swap3A_357 = arith.index_cast %scan3A_201 : i32 to index
        %swap3A_358 = arith.constant 832 : index
        %swap3A_359 = tpu.vector_load %arg9[%swap3A_357, %swap3A_358] {strides = array<i32>} : memref<16x2048xf32, #tpu.memory_space<vmem>>, vector<16xf32>,
        tpu.vector_store %arg9[%swap3A_357, %swap3A_358], %broadcast_in_dim3A_3 {strides = array<i32>} : memref<16x2048xf32, #tpu.memory_space<vmem>>, vector<16xf32>,
        %swap3A_360 = arith.index_cast %scan3A_201 : i32 to index
        %swap3A_361 = arith.constant 848 : index
        %swap3A_362 = tpu.vector_load %arg9[%swap3A_360, %swap3A_361] {strides = array<i32>} : memref<16x2048xf32, #tpu.memory_space<vmem>>, vector<16xf32>,
        tpu.vector_store %arg9[%swap3A_360, %swap3A_361], %broadcast_in_dim3A_3 {strides = array<i32>} : memref<16x2048xf32, #tpu.memory_space<vmem>>, vector<16xf32>,
        %swap3A_363 = arith.index_cast %scan3A_201 : i32 to index
        %swap3A_364 = arith.constant 864 : index
        %swap3A_365 = tpu.vector_load %arg9[%swap3A_363, %swap3A_364] {strides = array<i32>} : memref<16x2048xf32, #tpu.memory_space<vmem>>, vector<16xf32>,
        tpu.vector_store %arg9[%swap3A_363, %swap3A_364], %broadcast_in_dim3A_3 {strides = array<i32>} : memref<16x2048xf32, #tpu.memory_space<vmem>>, vector<16xf32>,
        %swap3A_366 = arith.index_cast %scan3A_201 : i32 to index
        %swap3A_367 = arith.constant 880 : index
        %swap3A_368 = tpu.vector_load %arg9[%swap3A_366, %swap3A_367] {strides = array<i32>} : memref<16x2048xf32, #tpu.memory_space<vmem>>, vector<16xf32>,
        tpu.vector_store %arg9[%swap3A_366, %swap3A_367], %broadcast_in_dim3A_3 {strides = array<i32>} : memref<16x2048xf32, #tpu.memory_space<vmem>>, vector<16xf32>,
        %swap3A_369 = arith.index_cast %scan3A_201 : i32 to index
        %swap3A_370 = arith.constant 896 : index
        %swap3A_371 = tpu.vector_load %arg9[%swap3A_369, %swap3A_370] {strides = array<i32>} : memref<16x2048xf32, #tpu.memory_space<vmem>>, vector<16xf32>,
        tpu.vector_store %arg9[%swap3A_369, %swap3A_370], %broadcast_in_dim3A_3 {strides = array<i32>} : memref<16x2048xf32, #tpu.memory_space<vmem>>, vector<16xf32>,
        %swap3A_372 = arith.index_cast %scan3A_201 : i32 to index
        %swap3A_373 = arith.constant 912 : index
        %swap3A_374 = tpu.vector_load %arg9[%swap3A_372, %swap3A_373] {strides = array<i32>} : memref<16x2048xf32, #tpu.memory_space<vmem>>, vector<16xf32>,
        tpu.vector_store %arg9[%swap3A_372, %swap3A_373], %broadcast_in_dim3A_3 {strides = array<i32>} : memref<16x2048xf32, #tpu.memory_space<vmem>>, vector<16xf32>,
        %swap3A_375 = arith.index_cast %scan3A_201 : i32 to index
        %swap3A_376 = arith.constant 928 : index
        %swap3A_377 = tpu.vector_load %arg9[%swap3A_375, %swap3A_376] {strides = array<i32>} : memref<16x2048xf32, #tpu.memory_space<vmem>>, vector<16xf32>,
        tpu.vector_store %arg9[%swap3A_375, %swap3A_376], %broadcast_in_dim3A_3 {strides = array<i32>} : memref<16x2048xf32, #tpu.memory_space<vmem>>, vector<16xf32>,
        %swap3A_378 = arith.index_cast %scan3A_201 : i32 to index
        %swap3A_379 = arith.constant 944 : index
        %swap3A_380 = tpu.vector_load %arg9[%swap3A_378, %swap3A_379] {strides = array<i32>} : memref<16x2048xf32, #tpu.memory_space<vmem>>, vector<16xf32>,
        tpu.vector_store %arg9[%swap3A_378, %swap3A_379], %broadcast_in_dim3A_3 {strides = array<i32>} : memref<16x2048xf32, #tpu.memory_space<vmem>>, vector<16xf32>,
        %swap3A_381 = arith.index_cast %scan3A_201 : i32 to index
        %swap3A_382 = arith.constant 960 : index
        %swap3A_383 = tpu.vector_load %arg9[%swap3A_381, %swap3A_382] {strides = array<i32>} : memref<16x2048xf32, #tpu.memory_space<vmem>>, vector<16xf32>,
        tpu.vector_store %arg9[%swap3A_381, %swap3A_382], %broadcast_in_dim3A_3 {strides = array<i32>} : memref<16x2048xf32, #tpu.memory_space<vmem>>, vector<16xf32>,
        %swap3A_384 = arith.index_cast %scan3A_201 : i32 to index
        %swap3A_385 = arith.constant 976 : index
        %swap3A_386 = tpu.vector_load %arg9[%swap3A_384, %swap3A_385] {strides = array<i32>} : memref<16x2048xf32, #tpu.memory_space<vmem>>, vector<16xf32>,
        tpu.vector_store %arg9[%swap3A_384, %swap3A_385], %broadcast_in_dim3A_3 {strides = array<i32>} : memref<16x2048xf32, #tpu.memory_space<vmem>>, vector<16xf32>,
        %swap3A_387 = arith.index_cast %scan3A_201 : i32 to index
        %swap3A_388 = arith.constant 992 : index
        %swap3A_389 = tpu.vector_load %arg9[%swap3A_387, %swap3A_388] {strides = array<i32>} : memref<16x2048xf32, #tpu.memory_space<vmem>>, vector<16xf32>,
        tpu.vector_store %arg9[%swap3A_387, %swap3A_388], %broadcast_in_dim3A_3 {strides = array<i32>} : memref<16x2048xf32, #tpu.memory_space<vmem>>, vector<16xf32>,
        %swap3A_390 = arith.index_cast %scan3A_201 : i32 to index
        %swap3A_391 = arith.constant 1008 : index
        %swap3A_392 = tpu.vector_load %arg9[%swap3A_390, %swap3A_391] {strides = array<i32>} : memref<16x2048xf32, #tpu.memory_space<vmem>>, vector<16xf32>,
        tpu.vector_store %arg9[%swap3A_390, %swap3A_391], %broadcast_in_dim3A_3 {strides = array<i32>} : memref<16x2048xf32, #tpu.memory_space<vmem>>, vector<16xf32>,
        %swap3A_393 = arith.index_cast %scan3A_201 : i32 to index
        %swap3A_394 = arith.constant 1024 : index
        %swap3A_395 = tpu.vector_load %arg9[%swap3A_393, %swap3A_394] {strides = array<i32>} : memref<16x2048xf32, #tpu.memory_space<vmem>>, vector<16xf32>,
        tpu.vector_store %arg9[%swap3A_393, %swap3A_394], %broadcast_in_dim3A_3 {strides = array<i32>} : memref<16x2048xf32, #tpu.memory_space<vmem>>, vector<16xf32>,
        %swap3A_396 = arith.index_cast %scan3A_201 : i32 to index
        %swap3A_397 = arith.constant 1040 : index
        %swap3A_398 = tpu.vector_load %arg9[%swap3A_396, %swap3A_397] {strides = array<i32>} : memref<16x2048xf32, #tpu.memory_space<vmem>>, vector<16xf32>,
        tpu.vector_store %arg9[%swap3A_396, %swap3A_397], %broadcast_in_dim3A_3 {strides = array<i32>} : memref<16x2048xf32, #tpu.memory_space<vmem>>, vector<16xf32>,
        %swap3A_399 = arith.index_cast %scan3A_201 : i32 to index
        %swap3A_400 = arith.constant 1056 : index
        %swap3A_401 = tpu.vector_load %arg9[%swap3A_399, %swap3A_400] {strides = array<i32>} : memref<16x2048xf32, #tpu.memory_space<vmem>>, vector<16xf32>,
        tpu.vector_store %arg9[%swap3A_399, %swap3A_400], %broadcast_in_dim3A_3 {strides = array<i32>} : memref<16x2048xf32, #tpu.memory_space<vmem>>, vector<16xf32>,
        %swap3A_402 = arith.index_cast %scan3A_201 : i32 to index
        %swap3A_403 = arith.constant 1072 : index
        %swap3A_404 = tpu.vector_load %arg9[%swap3A_402, %swap3A_403] {strides = array<i32>} : memref<16x2048xf32, #tpu.memory_space<vmem>>, vector<16xf32>,
        tpu.vector_store %arg9[%swap3A_402, %swap3A_403], %broadcast_in_dim3A_3 {strides = array<i32>} : memref<16x2048xf32, #tpu.memory_space<vmem>>, vector<16xf32>,
        %swap3A_405 = arith.index_cast %scan3A_201 : i32 to index
        %swap3A_406 = arith.constant 1088 : index
        %swap3A_407 = tpu.vector_load %arg9[%swap3A_405, %swap3A_406] {strides = array<i32>} : memref<16x2048xf32, #tpu.memory_space<vmem>>, vector<16xf32>,
        tpu.vector_store %arg9[%swap3A_405, %swap3A_406], %broadcast_in_dim3A_3 {strides = array<i32>} : memref<16x2048xf32, #tpu.memory_space<vmem>>, vector<16xf32>,
        %swap3A_408 = arith.index_cast %scan3A_201 : i32 to index
        %swap3A_409 = arith.constant 1104 : index
        %swap3A_410 = tpu.vector_load %arg9[%swap3A_408, %swap3A_409] {strides = array<i32>} : memref<16x2048xf32, #tpu.memory_space<vmem>>, vector<16xf32>,
        tpu.vector_store %arg9[%swap3A_408, %swap3A_409], %broadcast_in_dim3A_3 {strides = array<i32>} : memref<16x2048xf32, #tpu.memory_space<vmem>>, vector<16xf32>,
        %swap3A_411 = arith.index_cast %scan3A_201 : i32 to index
        %swap3A_412 = arith.constant 1120 : index
        %swap3A_413 = tpu.vector_load %arg9[%swap3A_411, %swap3A_412] {strides = array<i32>} : memref<16x2048xf32, #tpu.memory_space<vmem>>, vector<16xf32>,
        tpu.vector_store %arg9[%swap3A_411, %swap3A_412], %broadcast_in_dim3A_3 {strides = array<i32>} : memref<16x2048xf32, #tpu.memory_space<vmem>>, vector<16xf32>,
        %swap3A_414 = arith.index_cast %scan3A_201 : i32 to index
        %swap3A_415 = arith.constant 1136 : index
        %swap3A_416 = tpu.vector_load %arg9[%swap3A_414, %swap3A_415] {strides = array<i32>} : memref<16x2048xf32, #tpu.memory_space<vmem>>, vector<16xf32>,
        tpu.vector_store %arg9[%swap3A_414, %swap3A_415], %broadcast_in_dim3A_3 {strides = array<i32>} : memref<16x2048xf32, #tpu.memory_space<vmem>>, vector<16xf32>,
        %swap3A_417 = arith.index_cast %scan3A_201 : i32 to index
        %swap3A_418 = arith.constant 1152 : index
        %swap3A_419 = tpu.vector_load %arg9[%swap3A_417, %swap3A_418] {strides = array<i32>} : memref<16x2048xf32, #tpu.memory_space<vmem>>, vector<16xf32>,
        tpu.vector_store %arg9[%swap3A_417, %swap3A_418], %broadcast_in_dim3A_3 {strides = array<i32>} : memref<16x2048xf32, #tpu.memory_space<vmem>>, vector<16xf32>,
        %swap3A_420 = arith.index_cast %scan3A_201 : i32 to index
        %swap3A_421 = arith.constant 1168 : index
        %swap3A_422 = tpu.vector_load %arg9[%swap3A_420, %swap3A_421] {strides = array<i32>} : memref<16x2048xf32, #tpu.memory_space<vmem>>, vector<16xf32>,
        tpu.vector_store %arg9[%swap3A_420, %swap3A_421], %broadcast_in_dim3A_3 {strides = array<i32>} : memref<16x2048xf32, #tpu.memory_space<vmem>>, vector<16xf32>,
        %swap3A_423 = arith.index_cast %scan3A_201 : i32 to index
        %swap3A_424 = arith.constant 1184 : index
        %swap3A_425 = tpu.vector_load %arg9[%swap3A_423, %swap3A_424] {strides = array<i32>} : memref<16x2048xf32, #tpu.memory_space<vmem>>, vector<16xf32>,
        tpu.vector_store %arg9[%swap3A_423, %swap3A_424], %broadcast_in_dim3A_3 {strides = array<i32>} : memref<16x2048xf32, #tpu.memory_space<vmem>>, vector<16xf32>,
        %swap3A_426 = arith.index_cast %scan3A_201 : i32 to index
        %swap3A_427 = arith.constant 1200 : index
        %swap3A_428 = tpu.vector_load %arg9[%swap3A_426, %swap3A_427] {strides = array<i32>} : memref<16x2048xf32, #tpu.memory_space<vmem>>, vector<16xf32>,
        tpu.vector_store %arg9[%swap3A_426, %swap3A_427], %broadcast_in_dim3A_3 {strides = array<i32>} : memref<16x2048xf32, #tpu.memory_space<vmem>>, vector<16xf32>,
        %swap3A_429 = arith.index_cast %scan3A_201 : i32 to index
        %swap3A_430 = arith.constant 1216 : index
        %swap3A_431 = tpu.vector_load %arg9[%swap3A_429, %swap3A_430] {strides = array<i32>} : memref<16x2048xf32, #tpu.memory_space<vmem>>, vector<16xf32>,
        tpu.vector_store %arg9[%swap3A_429, %swap3A_430], %broadcast_in_dim3A_3 {strides = array<i32>} : memref<16x2048xf32, #tpu.memory_space<vmem>>, vector<16xf32>,
        %swap3A_432 = arith.index_cast %scan3A_201 : i32 to index
        %swap3A_433 = arith.constant 1232 : index
        %swap3A_434 = tpu.vector_load %arg9[%swap3A_432, %swap3A_433] {strides = array<i32>} : memref<16x2048xf32, #tpu.memory_space<vmem>>, vector<16xf32>,
        tpu.vector_store %arg9[%swap3A_432, %swap3A_433], %broadcast_in_dim3A_3 {strides = array<i32>} : memref<16x2048xf32, #tpu.memory_space<vmem>>, vector<16xf32>,
        %swap3A_435 = arith.index_cast %scan3A_201 : i32 to index
        %swap3A_436 = arith.constant 1248 : index
        %swap3A_437 = tpu.vector_load %arg9[%swap3A_435, %swap3A_436] {strides = array<i32>} : memref<16x2048xf32, #tpu.memory_space<vmem>>, vector<16xf32>,
        tpu.vector_store %arg9[%swap3A_435, %swap3A_436], %broadcast_in_dim3A_3 {strides = array<i32>} : memref<16x2048xf32, #tpu.memory_space<vmem>>, vector<16xf32>,
        %swap3A_438 = arith.index_cast %scan3A_201 : i32 to index
        %swap3A_439 = arith.constant 1264 : index
        %swap3A_440 = tpu.vector_load %arg9[%swap3A_438, %swap3A_439] {strides = array<i32>} : memref<16x2048xf32, #tpu.memory_space<vmem>>, vector<16xf32>,
        tpu.vector_store %arg9[%swap3A_438, %swap3A_439], %broadcast_in_dim3A_3 {strides = array<i32>} : memref<16x2048xf32, #tpu.memory_space<vmem>>, vector<16xf32>,
        %swap3A_441 = arith.index_cast %scan3A_201 : i32 to index
        %swap3A_442 = arith.constant 1280 : index
        %swap3A_443 = tpu.vector_load %arg9[%swap3A_441, %swap3A_442] {strides = array<i32>} : memref<16x2048xf32, #tpu.memory_space<vmem>>, vector<16xf32>,
        tpu.vector_store %arg9[%swap3A_441, %swap3A_442], %broadcast_in_dim3A_3 {strides = array<i32>} : memref<16x2048xf32, #tpu.memory_space<vmem>>, vector<16xf32>,
        %swap3A_444 = arith.index_cast %scan3A_201 : i32 to index
        %swap3A_445 = arith.constant 1296 : index
        %swap3A_446 = tpu.vector_load %arg9[%swap3A_444, %swap3A_445] {strides = array<i32>} : memref<16x2048xf32, #tpu.memory_space<vmem>>, vector<16xf32>,
        tpu.vector_store %arg9[%swap3A_444, %swap3A_445], %broadcast_in_dim3A_3 {strides = array<i32>} : memref<16x2048xf32, #tpu.memory_space<vmem>>, vector<16xf32>,
        %swap3A_447 = arith.index_cast %scan3A_201 : i32 to index
        %swap3A_448 = arith.constant 1312 : index
        %swap3A_449 = tpu.vector_load %arg9[%swap3A_447, %swap3A_448] {strides = array<i32>} : memref<16x2048xf32, #tpu.memory_space<vmem>>, vector<16xf32>,
        tpu.vector_store %arg9[%swap3A_447, %swap3A_448], %broadcast_in_dim3A_3 {strides = array<i32>} : memref<16x2048xf32, #tpu.memory_space<vmem>>, vector<16xf32>,
        %swap3A_450 = arith.index_cast %scan3A_201 : i32 to index
        %swap3A_451 = arith.constant 1328 : index
        %swap3A_452 = tpu.vector_load %arg9[%swap3A_450, %swap3A_451] {strides = array<i32>} : memref<16x2048xf32, #tpu.memory_space<vmem>>, vector<16xf32>,
        tpu.vector_store %arg9[%swap3A_450, %swap3A_451], %broadcast_in_dim3A_3 {strides = array<i32>} : memref<16x2048xf32, #tpu.memory_space<vmem>>, vector<16xf32>,
        %swap3A_453 = arith.index_cast %scan3A_201 : i32 to index
        %swap3A_454 = arith.constant 1344 : index
        %swap3A_455 = tpu.vector_load %arg9[%swap3A_453, %swap3A_454] {strides = array<i32>} : memref<16x2048xf32, #tpu.memory_space<vmem>>, vector<16xf32>,
        tpu.vector_store %arg9[%swap3A_453, %swap3A_454], %broadcast_in_dim3A_3 {strides = array<i32>} : memref<16x2048xf32, #tpu.memory_space<vmem>>, vector<16xf32>,
        %swap3A_456 = arith.index_cast %scan3A_201 : i32 to index
        %swap3A_457 = arith.constant 1360 : index
        %swap3A_458 = tpu.vector_load %arg9[%swap3A_456, %swap3A_457] {strides = array<i32>} : memref<16x2048xf32, #tpu.memory_space<vmem>>, vector<16xf32>,
        tpu.vector_store %arg9[%swap3A_456, %swap3A_457], %broadcast_in_dim3A_3 {strides = array<i32>} : memref<16x2048xf32, #tpu.memory_space<vmem>>, vector<16xf32>,
        %swap3A_459 = arith.index_cast %scan3A_201 : i32 to index
        %swap3A_460 = arith.constant 1376 : index
        %swap3A_461 = tpu.vector_load %arg9[%swap3A_459, %swap3A_460] {strides = array<i32>} : memref<16x2048xf32, #tpu.memory_space<vmem>>, vector<16xf32>,
        tpu.vector_store %arg9[%swap3A_459, %swap3A_460], %broadcast_in_dim3A_3 {strides = array<i32>} : memref<16x2048xf32, #tpu.memory_space<vmem>>, vector<16xf32>,
        %swap3A_462 = arith.index_cast %scan3A_201 : i32 to index
        %swap3A_463 = arith.constant 1392 : index
        %swap3A_464 = tpu.vector_load %arg9[%swap3A_462, %swap3A_463] {strides = array<i32>} : memref<16x2048xf32, #tpu.memory_space<vmem>>, vector<16xf32>,
        tpu.vector_store %arg9[%swap3A_462, %swap3A_463], %broadcast_in_dim3A_3 {strides = array<i32>} : memref<16x2048xf32, #tpu.memory_space<vmem>>, vector<16xf32>,
        %swap3A_465 = arith.index_cast %scan3A_201 : i32 to index
        %swap3A_466 = arith.constant 1408 : index
        %swap3A_467 = tpu.vector_load %arg9[%swap3A_465, %swap3A_466] {strides = array<i32>} : memref<16x2048xf32, #tpu.memory_space<vmem>>, vector<16xf32>,
        tpu.vector_store %arg9[%swap3A_465, %swap3A_466], %broadcast_in_dim3A_3 {strides = array<i32>} : memref<16x2048xf32, #tpu.memory_space<vmem>>, vector<16xf32>,
        %swap3A_468 = arith.index_cast %scan3A_201 : i32 to index
        %swap3A_469 = arith.constant 1424 : index
        %swap3A_470 = tpu.vector_load %arg9[%swap3A_468, %swap3A_469] {strides = array<i32>} : memref<16x2048xf32, #tpu.memory_space<vmem>>, vector<16xf32>,
        tpu.vector_store %arg9[%swap3A_468, %swap3A_469], %broadcast_in_dim3A_3 {strides = array<i32>} : memref<16x2048xf32, #tpu.memory_space<vmem>>, vector<16xf32>,
        %swap3A_471 = arith.index_cast %scan3A_201 : i32 to index
        %swap3A_472 = arith.constant 1440 : index
        %swap3A_473 = tpu.vector_load %arg9[%swap3A_471, %swap3A_472] {strides = array<i32>} : memref<16x2048xf32, #tpu.memory_space<vmem>>, vector<16xf32>,
        tpu.vector_store %arg9[%swap3A_471, %swap3A_472], %broadcast_in_dim3A_3 {strides = array<i32>} : memref<16x2048xf32, #tpu.memory_space<vmem>>, vector<16xf32>,
        %swap3A_474 = arith.index_cast %scan3A_201 : i32 to index
        %swap3A_475 = arith.constant 1456 : index
        %swap3A_476 = tpu.vector_load %arg9[%swap3A_474, %swap3A_475] {strides = array<i32>} : memref<16x2048xf32, #tpu.memory_space<vmem>>, vector<16xf32>,
        tpu.vector_store %arg9[%swap3A_474, %swap3A_475], %broadcast_in_dim3A_3 {strides = array<i32>} : memref<16x2048xf32, #tpu.memory_space<vmem>>, vector<16xf32>,
        %swap3A_477 = arith.index_cast %scan3A_201 : i32 to index
        %swap3A_478 = arith.constant 1472 : index
        %swap3A_479 = tpu.vector_load %arg9[%swap3A_477, %swap3A_478] {strides = array<i32>} : memref<16x2048xf32, #tpu.memory_space<vmem>>, vector<16xf32>,
        tpu.vector_store %arg9[%swap3A_477, %swap3A_478], %broadcast_in_dim3A_3 {strides = array<i32>} : memref<16x2048xf32, #tpu.memory_space<vmem>>, vector<16xf32>,
        %swap3A_480 = arith.index_cast %scan3A_201 : i32 to index
        %swap3A_481 = arith.constant 1488 : index
        %swap3A_482 = tpu.vector_load %arg9[%swap3A_480, %swap3A_481] {strides = array<i32>} : memref<16x2048xf32, #tpu.memory_space<vmem>>, vector<16xf32>,
        tpu.vector_store %arg9[%swap3A_480, %swap3A_481], %broadcast_in_dim3A_3 {strides = array<i32>} : memref<16x2048xf32, #tpu.memory_space<vmem>>, vector<16xf32>,
        %swap3A_483 = arith.index_cast %scan3A_201 : i32 to index
        %swap3A_484 = arith.constant 1504 : index
        %swap3A_485 = tpu.vector_load %arg9[%swap3A_483, %swap3A_484] {strides = array<i32>} : memref<16x2048xf32, #tpu.memory_space<vmem>>, vector<16xf32>,
        tpu.vector_store %arg9[%swap3A_483, %swap3A_484], %broadcast_in_dim3A_3 {strides = array<i32>} : memref<16x2048xf32, #tpu.memory_space<vmem>>, vector<16xf32>,
        %swap3A_486 = arith.index_cast %scan3A_201 : i32 to index
        %swap3A_487 = arith.constant 1520 : index
        %swap3A_488 = tpu.vector_load %arg9[%swap3A_486, %swap3A_487] {strides = array<i32>} : memref<16x2048xf32, #tpu.memory_space<vmem>>, vector<16xf32>,
        tpu.vector_store %arg9[%swap3A_486, %swap3A_487], %broadcast_in_dim3A_3 {strides = array<i32>} : memref<16x2048xf32, #tpu.memory_space<vmem>>, vector<16xf32>,
        %swap3A_489 = arith.index_cast %scan3A_201 : i32 to index
        %swap3A_490 = arith.constant 1536 : index
        %swap3A_491 = tpu.vector_load %arg9[%swap3A_489, %swap3A_490] {strides = array<i32>} : memref<16x2048xf32, #tpu.memory_space<vmem>>, vector<16xf32>,
        tpu.vector_store %arg9[%swap3A_489, %swap3A_490], %broadcast_in_dim3A_3 {strides = array<i32>} : memref<16x2048xf32, #tpu.memory_space<vmem>>, vector<16xf32>,
        %swap3A_492 = arith.index_cast %scan3A_201 : i32 to index
        %swap3A_493 = arith.constant 1552 : index
        %swap3A_494 = tpu.vector_load %arg9[%swap3A_492, %swap3A_493] {strides = array<i32>} : memref<16x2048xf32, #tpu.memory_space<vmem>>, vector<16xf32>,
        tpu.vector_store %arg9[%swap3A_492, %swap3A_493], %broadcast_in_dim3A_3 {strides = array<i32>} : memref<16x2048xf32, #tpu.memory_space<vmem>>, vector<16xf32>,
        %swap3A_495 = arith.index_cast %scan3A_201 : i32 to index
        %swap3A_496 = arith.constant 1568 : index
        %swap3A_497 = tpu.vector_load %arg9[%swap3A_495, %swap3A_496] {strides = array<i32>} : memref<16x2048xf32, #tpu.memory_space<vmem>>, vector<16xf32>,
        tpu.vector_store %arg9[%swap3A_495, %swap3A_496], %broadcast_in_dim3A_3 {strides = array<i32>} : memref<16x2048xf32, #tpu.memory_space<vmem>>, vector<16xf32>,
        %swap3A_498 = arith.index_cast %scan3A_201 : i32 to index
        %swap3A_499 = arith.constant 1584 : index
        %swap3A_500 = tpu.vector_load %arg9[%swap3A_498, %swap3A_499] {strides = array<i32>} : memref<16x2048xf32, #tpu.memory_space<vmem>>, vector<16xf32>,
        tpu.vector_store %arg9[%swap3A_498, %swap3A_499], %broadcast_in_dim3A_3 {strides = array<i32>} : memref<16x2048xf32, #tpu.memory_space<vmem>>, vector<16xf32>,
        %swap3A_501 = arith.index_cast %scan3A_201 : i32 to index
        %swap3A_502 = arith.constant 1600 : index
        %swap3A_503 = tpu.vector_load %arg9[%swap3A_501, %swap3A_502] {strides = array<i32>} : memref<16x2048xf32, #tpu.memory_space<vmem>>, vector<16xf32>,
        tpu.vector_store %arg9[%swap3A_501, %swap3A_502], %broadcast_in_dim3A_3 {strides = array<i32>} : memref<16x2048xf32, #tpu.memory_space<vmem>>, vector<16xf32>,
        %swap3A_504 = arith.index_cast %scan3A_201 : i32 to index
        %swap3A_505 = arith.constant 1616 : index
        %swap3A_506 = tpu.vector_load %arg9[%swap3A_504, %swap3A_505] {strides = array<i32>} : memref<16x2048xf32, #tpu.memory_space<vmem>>, vector<16xf32>,
        tpu.vector_store %arg9[%swap3A_504, %swap3A_505], %broadcast_in_dim3A_3 {strides = array<i32>} : memref<16x2048xf32, #tpu.memory_space<vmem>>, vector<16xf32>,
        %swap3A_507 = arith.index_cast %scan3A_201 : i32 to index
        %swap3A_508 = arith.constant 1632 : index
        %swap3A_509 = tpu.vector_load %arg9[%swap3A_507, %swap3A_508] {strides = array<i32>} : memref<16x2048xf32, #tpu.memory_space<vmem>>, vector<16xf32>,
        tpu.vector_store %arg9[%swap3A_507, %swap3A_508], %broadcast_in_dim3A_3 {strides = array<i32>} : memref<16x2048xf32, #tpu.memory_space<vmem>>, vector<16xf32>,
        %swap3A_510 = arith.index_cast %scan3A_201 : i32 to index
        %swap3A_511 = arith.constant 1648 : index
        %swap3A_512 = tpu.vector_load %arg9[%swap3A_510, %swap3A_511] {strides = array<i32>} : memref<16x2048xf32, #tpu.memory_space<vmem>>, vector<16xf32>,
        tpu.vector_store %arg9[%swap3A_510, %swap3A_511], %broadcast_in_dim3A_3 {strides = array<i32>} : memref<16x2048xf32, #tpu.memory_space<vmem>>, vector<16xf32>,
        %swap3A_513 = arith.index_cast %scan3A_201 : i32 to index
        %swap3A_514 = arith.constant 1664 : index
        %swap3A_515 = tpu.vector_load %arg9[%swap3A_513, %swap3A_514] {strides = array<i32>} : memref<16x2048xf32, #tpu.memory_space<vmem>>, vector<16xf32>,
        tpu.vector_store %arg9[%swap3A_513, %swap3A_514], %broadcast_in_dim3A_3 {strides = array<i32>} : memref<16x2048xf32, #tpu.memory_space<vmem>>, vector<16xf32>,
        %swap3A_516 = arith.index_cast %scan3A_201 : i32 to index
        %swap3A_517 = arith.constant 1680 : index
        %swap3A_518 = tpu.vector_load %arg9[%swap3A_516, %swap3A_517] {strides = array<i32>} : memref<16x2048xf32, #tpu.memory_space<vmem>>, vector<16xf32>,
        tpu.vector_store %arg9[%swap3A_516, %swap3A_517], %broadcast_in_dim3A_3 {strides = array<i32>} : memref<16x2048xf32, #tpu.memory_space<vmem>>, vector<16xf32>,
        %swap3A_519 = arith.index_cast %scan3A_201 : i32 to index
        %swap3A_520 = arith.constant 1696 : index
        %swap3A_521 = tpu.vector_load %arg9[%swap3A_519, %swap3A_520] {strides = array<i32>} : memref<16x2048xf32, #tpu.memory_space<vmem>>, vector<16xf32>,
        tpu.vector_store %arg9[%swap3A_519, %swap3A_520], %broadcast_in_dim3A_3 {strides = array<i32>} : memref<16x2048xf32, #tpu.memory_space<vmem>>, vector<16xf32>,
        %swap3A_522 = arith.index_cast %scan3A_201 : i32 to index
        %swap3A_523 = arith.constant 1712 : index
        %swap3A_524 = tpu.vector_load %arg9[%swap3A_522, %swap3A_523] {strides = array<i32>} : memref<16x2048xf32, #tpu.memory_space<vmem>>, vector<16xf32>,
        tpu.vector_store %arg9[%swap3A_522, %swap3A_523], %broadcast_in_dim3A_3 {strides = array<i32>} : memref<16x2048xf32, #tpu.memory_space<vmem>>, vector<16xf32>,
        %swap3A_525 = arith.index_cast %scan3A_201 : i32 to index
        %swap3A_526 = arith.constant 1728 : index
        %swap3A_527 = tpu.vector_load %arg9[%swap3A_525, %swap3A_526] {strides = array<i32>} : memref<16x2048xf32, #tpu.memory_space<vmem>>, vector<16xf32>,
        tpu.vector_store %arg9[%swap3A_525, %swap3A_526], %broadcast_in_dim3A_3 {strides = array<i32>} : memref<16x2048xf32, #tpu.memory_space<vmem>>, vector<16xf32>,
        %swap3A_528 = arith.index_cast %scan3A_201 : i32 to index
        %swap3A_529 = arith.constant 1744 : index
        %swap3A_530 = tpu.vector_load %arg9[%swap3A_528, %swap3A_529] {strides = array<i32>} : memref<16x2048xf32, #tpu.memory_space<vmem>>, vector<16xf32>,
        tpu.vector_store %arg9[%swap3A_528, %swap3A_529], %broadcast_in_dim3A_3 {strides = array<i32>} : memref<16x2048xf32, #tpu.memory_space<vmem>>, vector<16xf32>,
        %swap3A_531 = arith.index_cast %scan3A_201 : i32 to index
        %swap3A_532 = arith.constant 1760 : index
        %swap3A_533 = tpu.vector_load %arg9[%swap3A_531, %swap3A_532] {strides = array<i32>} : memref<16x2048xf32, #tpu.memory_space<vmem>>, vector<16xf32>,
        tpu.vector_store %arg9[%swap3A_531, %swap3A_532], %broadcast_in_dim3A_3 {strides = array<i32>} : memref<16x2048xf32, #tpu.memory_space<vmem>>, vector<16xf32>,
        %swap3A_534 = arith.index_cast %scan3A_201 : i32 to index
        %swap3A_535 = arith.constant 1776 : index
        %swap3A_536 = tpu.vector_load %arg9[%swap3A_534, %swap3A_535] {strides = array<i32>} : memref<16x2048xf32, #tpu.memory_space<vmem>>, vector<16xf32>,
        tpu.vector_store %arg9[%swap3A_534, %swap3A_535], %broadcast_in_dim3A_3 {strides = array<i32>} : memref<16x2048xf32, #tpu.memory_space<vmem>>, vector<16xf32>,
        %swap3A_537 = arith.index_cast %scan3A_201 : i32 to index
        %swap3A_538 = arith.constant 1792 : index
        %swap3A_539 = tpu.vector_load %arg9[%swap3A_537, %swap3A_538] {strides = array<i32>} : memref<16x2048xf32, #tpu.memory_space<vmem>>, vector<16xf32>,
        tpu.vector_store %arg9[%swap3A_537, %swap3A_538], %broadcast_in_dim3A_3 {strides = array<i32>} : memref<16x2048xf32, #tpu.memory_space<vmem>>, vector<16xf32>,
        %swap3A_540 = arith.index_cast %scan3A_201 : i32 to index
        %swap3A_541 = arith.constant 1808 : index
        %swap3A_542 = tpu.vector_load %arg9[%swap3A_540, %swap3A_541] {strides = array<i32>} : memref<16x2048xf32, #tpu.memory_space<vmem>>, vector<16xf32>,
        tpu.vector_store %arg9[%swap3A_540, %swap3A_541], %broadcast_in_dim3A_3 {strides = array<i32>} : memref<16x2048xf32, #tpu.memory_space<vmem>>, vector<16xf32>,
        %swap3A_543 = arith.index_cast %scan3A_201 : i32 to index
        %swap3A_544 = arith.constant 1824 : index
        %swap3A_545 = tpu.vector_load %arg9[%swap3A_543, %swap3A_544] {strides = array<i32>} : memref<16x2048xf32, #tpu.memory_space<vmem>>, vector<16xf32>,
        tpu.vector_store %arg9[%swap3A_543, %swap3A_544], %broadcast_in_dim3A_3 {strides = array<i32>} : memref<16x2048xf32, #tpu.memory_space<vmem>>, vector<16xf32>,
        %swap3A_546 = arith.index_cast %scan3A_201 : i32 to index
        %swap3A_547 = arith.constant 1840 : index
        %swap3A_548 = tpu.vector_load %arg9[%swap3A_546, %swap3A_547] {strides = array<i32>} : memref<16x2048xf32, #tpu.memory_space<vmem>>, vector<16xf32>,
        tpu.vector_store %arg9[%swap3A_546, %swap3A_547], %broadcast_in_dim3A_3 {strides = array<i32>} : memref<16x2048xf32, #tpu.memory_space<vmem>>, vector<16xf32>,
        %swap3A_549 = arith.index_cast %scan3A_201 : i32 to index
        %swap3A_550 = arith.constant 1856 : index
        %swap3A_551 = tpu.vector_load %arg9[%swap3A_549, %swap3A_550] {strides = array<i32>} : memref<16x2048xf32, #tpu.memory_space<vmem>>, vector<16xf32>,
        tpu.vector_store %arg9[%swap3A_549, %swap3A_550], %broadcast_in_dim3A_3 {strides = array<i32>} : memref<16x2048xf32, #tpu.memory_space<vmem>>, vector<16xf32>,
        %swap3A_552 = arith.index_cast %scan3A_201 : i32 to index
        %swap3A_553 = arith.constant 1872 : index
        %swap3A_554 = tpu.vector_load %arg9[%swap3A_552, %swap3A_553] {strides = array<i32>} : memref<16x2048xf32, #tpu.memory_space<vmem>>, vector<16xf32>,
        tpu.vector_store %arg9[%swap3A_552, %swap3A_553], %broadcast_in_dim3A_3 {strides = array<i32>} : memref<16x2048xf32, #tpu.memory_space<vmem>>, vector<16xf32>,
        %swap3A_555 = arith.index_cast %scan3A_201 : i32 to index
        %swap3A_556 = arith.constant 1888 : index
        %swap3A_557 = tpu.vector_load %arg9[%swap3A_555, %swap3A_556] {strides = array<i32>} : memref<16x2048xf32, #tpu.memory_space<vmem>>, vector<16xf32>,
        tpu.vector_store %arg9[%swap3A_555, %swap3A_556], %broadcast_in_dim3A_3 {strides = array<i32>} : memref<16x2048xf32, #tpu.memory_space<vmem>>, vector<16xf32>,
        %swap3A_558 = arith.index_cast %scan3A_201 : i32 to index
        %swap3A_559 = arith.constant 1904 : index
        %swap3A_560 = tpu.vector_load %arg9[%swap3A_558, %swap3A_559] {strides = array<i32>} : memref<16x2048xf32, #tpu.memory_space<vmem>>, vector<16xf32>,
        tpu.vector_store %arg9[%swap3A_558, %swap3A_559], %broadcast_in_dim3A_3 {strides = array<i32>} : memref<16x2048xf32, #tpu.memory_space<vmem>>, vector<16xf32>,
        %swap3A_561 = arith.index_cast %scan3A_201 : i32 to index
        %swap3A_562 = arith.constant 1920 : index
        %swap3A_563 = tpu.vector_load %arg9[%swap3A_561, %swap3A_562] {strides = array<i32>} : memref<16x2048xf32, #tpu.memory_space<vmem>>, vector<16xf32>,
        tpu.vector_store %arg9[%swap3A_561, %swap3A_562], %broadcast_in_dim3A_3 {strides = array<i32>} : memref<16x2048xf32, #tpu.memory_space<vmem>>, vector<16xf32>,
        %swap3A_564 = arith.index_cast %scan3A_201 : i32 to index
        %swap3A_565 = arith.constant 1936 : index
        %swap3A_566 = tpu.vector_load %arg9[%swap3A_564, %swap3A_565] {strides = array<i32>} : memref<16x2048xf32, #tpu.memory_space<vmem>>, vector<16xf32>,
        tpu.vector_store %arg9[%swap3A_564, %swap3A_565], %broadcast_in_dim3A_3 {strides = array<i32>} : memref<16x2048xf32, #tpu.memory_space<vmem>>, vector<16xf32>,
        %swap3A_567 = arith.index_cast %scan3A_201 : i32 to index
        %swap3A_568 = arith.constant 1952 : index
        %swap3A_569 = tpu.vector_load %arg9[%swap3A_567, %swap3A_568] {strides = array<i32>} : memref<16x2048xf32, #tpu.memory_space<vmem>>, vector<16xf32>,
        tpu.vector_store %arg9[%swap3A_567, %swap3A_568], %broadcast_in_dim3A_3 {strides = array<i32>} : memref<16x2048xf32, #tpu.memory_space<vmem>>, vector<16xf32>,
        %swap3A_570 = arith.index_cast %scan3A_201 : i32 to index
        %swap3A_571 = arith.constant 1968 : index
        %swap3A_572 = tpu.vector_load %arg9[%swap3A_570, %swap3A_571] {strides = array<i32>} : memref<16x2048xf32, #tpu.memory_space<vmem>>, vector<16xf32>,
        tpu.vector_store %arg9[%swap3A_570, %swap3A_571], %broadcast_in_dim3A_3 {strides = array<i32>} : memref<16x2048xf32, #tpu.memory_space<vmem>>, vector<16xf32>,
        %swap3A_573 = arith.index_cast %scan3A_201 : i32 to index
        %swap3A_574 = arith.constant 1984 : index
        %swap3A_575 = tpu.vector_load %arg9[%swap3A_573, %swap3A_574] {strides = array<i32>} : memref<16x2048xf32, #tpu.memory_space<vmem>>, vector<16xf32>,
        tpu.vector_store %arg9[%swap3A_573, %swap3A_574], %broadcast_in_dim3A_3 {strides = array<i32>} : memref<16x2048xf32, #tpu.memory_space<vmem>>, vector<16xf32>,
        %swap3A_576 = arith.index_cast %scan3A_201 : i32 to index
        %swap3A_577 = arith.constant 2000 : index
        %swap3A_578 = tpu.vector_load %arg9[%swap3A_576, %swap3A_577] {strides = array<i32>} : memref<16x2048xf32, #tpu.memory_space<vmem>>, vector<16xf32>,
        tpu.vector_store %arg9[%swap3A_576, %swap3A_577], %broadcast_in_dim3A_3 {strides = array<i32>} : memref<16x2048xf32, #tpu.memory_space<vmem>>, vector<16xf32>,
        %swap3A_579 = arith.index_cast %scan3A_201 : i32 to index
        %swap3A_580 = arith.constant 2016 : index
        %swap3A_581 = tpu.vector_load %arg9[%swap3A_579, %swap3A_580] {strides = array<i32>} : memref<16x2048xf32, #tpu.memory_space<vmem>>, vector<16xf32>,
        tpu.vector_store %arg9[%swap3A_579, %swap3A_580], %broadcast_in_dim3A_3 {strides = array<i32>} : memref<16x2048xf32, #tpu.memory_space<vmem>>, vector<16xf32>,
        %swap3A_582 = arith.index_cast %scan3A_201 : i32 to index
        %swap3A_583 = arith.constant 2032 : index
        %swap3A_584 = tpu.vector_load %arg9[%swap3A_582, %swap3A_583] {strides = array<i32>} : memref<16x2048xf32, #tpu.memory_space<vmem>>, vector<16xf32>,
        tpu.vector_store %arg9[%swap3A_582, %swap3A_583], %broadcast_in_dim3A_3 {strides = array<i32>} : memref<16x2048xf32, #tpu.memory_space<vmem>>, vector<16xf32>,
        %scan3A_585 = arith.constant 1 : i32
        %scan3A_586 = arith.addi %scan3A_201, %scan3A_585 : i32
        %swap3A_587 = arith.index_cast %scan3A_586 : i32 to index
        %swap3A_588 = arith.constant 0 : index
        %swap3A_589 = tpu.vector_load %arg9[%swap3A_587, %swap3A_588] {strides = array<i32>} : memref<16x2048xf32, #tpu.memory_space<vmem>>, vector<16xf32>,
        tpu.vector_store %arg9[%swap3A_587, %swap3A_588], %broadcast_in_dim3A_3 {strides = array<i32>} : memref<16x2048xf32, #tpu.memory_space<vmem>>, vector<16xf32>,
        %swap3A_590 = arith.index_cast %scan3A_586 : i32 to index
        %swap3A_591 = arith.constant 16 : index
        %swap3A_592 = tpu.vector_load %arg9[%swap3A_590, %swap3A_591] {strides = array<i32>} : memref<16x2048xf32, #tpu.memory_space<vmem>>, vector<16xf32>,
        tpu.vector_store %arg9[%swap3A_590, %swap3A_591], %broadcast_in_dim3A_3 {strides = array<i32>} : memref<16x2048xf32, #tpu.memory_space<vmem>>, vector<16xf32>,
        %swap3A_593 = arith.index_cast %scan3A_586 : i32 to index
        %swap3A_594 = arith.constant 32 : index
        %swap3A_595 = tpu.vector_load %arg9[%swap3A_593, %swap3A_594] {strides = array<i32>} : memref<16x2048xf32, #tpu.memory_space<vmem>>, vector<16xf32>,
        tpu.vector_store %arg9[%swap3A_593, %swap3A_594], %broadcast_in_dim3A_3 {strides = array<i32>} : memref<16x2048xf32, #tpu.memory_space<vmem>>, vector<16xf32>,
        %swap3A_596 = arith.index_cast %scan3A_586 : i32 to index
        %swap3A_597 = arith.constant 48 : index
        %swap3A_598 = tpu.vector_load %arg9[%swap3A_596, %swap3A_597] {strides = array<i32>} : memref<16x2048xf32, #tpu.memory_space<vmem>>, vector<16xf32>,
        tpu.vector_store %arg9[%swap3A_596, %swap3A_597], %broadcast_in_dim3A_3 {strides = array<i32>} : memref<16x2048xf32, #tpu.memory_space<vmem>>, vector<16xf32>,
        %swap3A_599 = arith.index_cast %scan3A_586 : i32 to index
        %swap3A_600 = arith.constant 64 : index
        %swap3A_601 = tpu.vector_load %arg9[%swap3A_599, %swap3A_600] {strides = array<i32>} : memref<16x2048xf32, #tpu.memory_space<vmem>>, vector<16xf32>,
        tpu.vector_store %arg9[%swap3A_599, %swap3A_600], %broadcast_in_dim3A_3 {strides = array<i32>} : memref<16x2048xf32, #tpu.memory_space<vmem>>, vector<16xf32>,
        %swap3A_602 = arith.index_cast %scan3A_586 : i32 to index
        %swap3A_603 = arith.constant 80 : index
        %swap3A_604 = tpu.vector_load %arg9[%swap3A_602, %swap3A_603] {strides = array<i32>} : memref<16x2048xf32, #tpu.memory_space<vmem>>, vector<16xf32>,
        tpu.vector_store %arg9[%swap3A_602, %swap3A_603], %broadcast_in_dim3A_3 {strides = array<i32>} : memref<16x2048xf32, #tpu.memory_space<vmem>>, vector<16xf32>,
        %swap3A_605 = arith.index_cast %scan3A_586 : i32 to index
        %swap3A_606 = arith.constant 96 : index
        %swap3A_607 = tpu.vector_load %arg9[%swap3A_605, %swap3A_606] {strides = array<i32>} : memref<16x2048xf32, #tpu.memory_space<vmem>>, vector<16xf32>,
        tpu.vector_store %arg9[%swap3A_605, %swap3A_606], %broadcast_in_dim3A_3 {strides = array<i32>} : memref<16x2048xf32, #tpu.memory_space<vmem>>, vector<16xf32>,
        %swap3A_608 = arith.index_cast %scan3A_586 : i32 to index
        %swap3A_609 = arith.constant 112 : index
        %swap3A_610 = tpu.vector_load %arg9[%swap3A_608, %swap3A_609] {strides = array<i32>} : memref<16x2048xf32, #tpu.memory_space<vmem>>, vector<16xf32>,
        tpu.vector_store %arg9[%swap3A_608, %swap3A_609], %broadcast_in_dim3A_3 {strides = array<i32>} : memref<16x2048xf32, #tpu.memory_space<vmem>>, vector<16xf32>,
        %swap3A_611 = arith.index_cast %scan3A_586 : i32 to index
        %swap3A_612 = arith.constant 128 : index
        %swap3A_613 = tpu.vector_load %arg9[%swap3A_611, %swap3A_612] {strides = array<i32>} : memref<16x2048xf32, #tpu.memory_space<vmem>>, vector<16xf32>,
        tpu.vector_store %arg9[%swap3A_611, %swap3A_612], %broadcast_in_dim3A_3 {strides = array<i32>} : memref<16x2048xf32, #tpu.memory_space<vmem>>, vector<16xf32>,
        %swap3A_614 = arith.index_cast %scan3A_586 : i32 to index
        %swap3A_615 = arith.constant 144 : index
        %swap3A_616 = tpu.vector_load %arg9[%swap3A_614, %swap3A_615] {strides = array<i32>} : memref<16x2048xf32, #tpu.memory_space<vmem>>, vector<16xf32>,
        tpu.vector_store %arg9[%swap3A_614, %swap3A_615], %broadcast_in_dim3A_3 {strides = array<i32>} : memref<16x2048xf32, #tpu.memory_space<vmem>>, vector<16xf32>,
        %swap3A_617 = arith.index_cast %scan3A_586 : i32 to index
        %swap3A_618 = arith.constant 160 : index
        %swap3A_619 = tpu.vector_load %arg9[%swap3A_617, %swap3A_618] {strides = array<i32>} : memref<16x2048xf32, #tpu.memory_space<vmem>>, vector<16xf32>,
        tpu.vector_store %arg9[%swap3A_617, %swap3A_618], %broadcast_in_dim3A_3 {strides = array<i32>} : memref<16x2048xf32, #tpu.memory_space<vmem>>, vector<16xf32>,
        %swap3A_620 = arith.index_cast %scan3A_586 : i32 to index
        %swap3A_621 = arith.constant 176 : index
        %swap3A_622 = tpu.vector_load %arg9[%swap3A_620, %swap3A_621] {strides = array<i32>} : memref<16x2048xf32, #tpu.memory_space<vmem>>, vector<16xf32>,
        tpu.vector_store %arg9[%swap3A_620, %swap3A_621], %broadcast_in_dim3A_3 {strides = array<i32>} : memref<16x2048xf32, #tpu.memory_space<vmem>>, vector<16xf32>,
        %swap3A_623 = arith.index_cast %scan3A_586 : i32 to index
        %swap3A_624 = arith.constant 192 : index
        %swap3A_625 = tpu.vector_load %arg9[%swap3A_623, %swap3A_624] {strides = array<i32>} : memref<16x2048xf32, #tpu.memory_space<vmem>>, vector<16xf32>,
        tpu.vector_store %arg9[%swap3A_623, %swap3A_624], %broadcast_in_dim3A_3 {strides = array<i32>} : memref<16x2048xf32, #tpu.memory_space<vmem>>, vector<16xf32>,
        %swap3A_626 = arith.index_cast %scan3A_586 : i32 to index
        %swap3A_627 = arith.constant 208 : index
        %swap3A_628 = tpu.vector_load %arg9[%swap3A_626, %swap3A_627] {strides = array<i32>} : memref<16x2048xf32, #tpu.memory_space<vmem>>, vector<16xf32>,
        tpu.vector_store %arg9[%swap3A_626, %swap3A_627], %broadcast_in_dim3A_3 {strides = array<i32>} : memref<16x2048xf32, #tpu.memory_space<vmem>>, vector<16xf32>,
        %swap3A_629 = arith.index_cast %scan3A_586 : i32 to index
        %swap3A_630 = arith.constant 224 : index
        %swap3A_631 = tpu.vector_load %arg9[%swap3A_629, %swap3A_630] {strides = array<i32>} : memref<16x2048xf32, #tpu.memory_space<vmem>>, vector<16xf32>,
        tpu.vector_store %arg9[%swap3A_629, %swap3A_630], %broadcast_in_dim3A_3 {strides = array<i32>} : memref<16x2048xf32, #tpu.memory_space<vmem>>, vector<16xf32>,
        %swap3A_632 = arith.index_cast %scan3A_586 : i32 to index
        %swap3A_633 = arith.constant 240 : index
        %swap3A_634 = tpu.vector_load %arg9[%swap3A_632, %swap3A_633] {strides = array<i32>} : memref<16x2048xf32, #tpu.memory_space<vmem>>, vector<16xf32>,
        tpu.vector_store %arg9[%swap3A_632, %swap3A_633], %broadcast_in_dim3A_3 {strides = array<i32>} : memref<16x2048xf32, #tpu.memory_space<vmem>>, vector<16xf32>,
        %swap3A_635 = arith.index_cast %scan3A_586 : i32 to index
        %swap3A_636 = arith.constant 256 : index
        %swap3A_637 = tpu.vector_load %arg9[%swap3A_635, %swap3A_636] {strides = array<i32>} : memref<16x2048xf32, #tpu.memory_space<vmem>>, vector<16xf32>,
        tpu.vector_store %arg9[%swap3A_635, %swap3A_636], %broadcast_in_dim3A_3 {strides = array<i32>} : memref<16x2048xf32, #tpu.memory_space<vmem>>, vector<16xf32>,
        %swap3A_638 = arith.index_cast %scan3A_586 : i32 to index
        %swap3A_639 = arith.constant 272 : index
        %swap3A_640 = tpu.vector_load %arg9[%swap3A_638, %swap3A_639] {strides = array<i32>} : memref<16x2048xf32, #tpu.memory_space<vmem>>, vector<16xf32>,
        tpu.vector_store %arg9[%swap3A_638, %swap3A_639], %broadcast_in_dim3A_3 {strides = array<i32>} : memref<16x2048xf32, #tpu.memory_space<vmem>>, vector<16xf32>,
        %swap3A_641 = arith.index_cast %scan3A_586 : i32 to index
        %swap3A_642 = arith.constant 288 : index
        %swap3A_643 = tpu.vector_load %arg9[%swap3A_641, %swap3A_642] {strides = array<i32>} : memref<16x2048xf32, #tpu.memory_space<vmem>>, vector<16xf32>,
        tpu.vector_store %arg9[%swap3A_641, %swap3A_642], %broadcast_in_dim3A_3 {strides = array<i32>} : memref<16x2048xf32, #tpu.memory_space<vmem>>, vector<16xf32>,
        %swap3A_644 = arith.index_cast %scan3A_586 : i32 to index
        %swap3A_645 = arith.constant 304 : index
        %swap3A_646 = tpu.vector_load %arg9[%swap3A_644, %swap3A_645] {strides = array<i32>} : memref<16x2048xf32, #tpu.memory_space<vmem>>, vector<16xf32>,
        tpu.vector_store %arg9[%swap3A_644, %swap3A_645], %broadcast_in_dim3A_3 {strides = array<i32>} : memref<16x2048xf32, #tpu.memory_space<vmem>>, vector<16xf32>,
        %swap3A_647 = arith.index_cast %scan3A_586 : i32 to index
        %swap3A_648 = arith.constant 320 : index
        %swap3A_649 = tpu.vector_load %arg9[%swap3A_647, %swap3A_648] {strides = array<i32>} : memref<16x2048xf32, #tpu.memory_space<vmem>>, vector<16xf32>,
        tpu.vector_store %arg9[%swap3A_647, %swap3A_648], %broadcast_in_dim3A_3 {strides = array<i32>} : memref<16x2048xf32, #tpu.memory_space<vmem>>, vector<16xf32>,
        %swap3A_650 = arith.index_cast %scan3A_586 : i32 to index
        %swap3A_651 = arith.constant 336 : index
        %swap3A_652 = tpu.vector_load %arg9[%swap3A_650, %swap3A_651] {strides = array<i32>} : memref<16x2048xf32, #tpu.memory_space<vmem>>, vector<16xf32>,
        tpu.vector_store %arg9[%swap3A_650, %swap3A_651], %broadcast_in_dim3A_3 {strides = array<i32>} : memref<16x2048xf32, #tpu.memory_space<vmem>>, vector<16xf32>,
        %swap3A_653 = arith.index_cast %scan3A_586 : i32 to index
        %swap3A_654 = arith.constant 352 : index
        %swap3A_655 = tpu.vector_load %arg9[%swap3A_653, %swap3A_654] {strides = array<i32>} : memref<16x2048xf32, #tpu.memory_space<vmem>>, vector<16xf32>,
        tpu.vector_store %arg9[%swap3A_653, %swap3A_654], %broadcast_in_dim3A_3 {strides = array<i32>} : memref<16x2048xf32, #tpu.memory_space<vmem>>, vector<16xf32>,
        %swap3A_656 = arith.index_cast %scan3A_586 : i32 to index
        %swap3A_657 = arith.constant 368 : index
        %swap3A_658 = tpu.vector_load %arg9[%swap3A_656, %swap3A_657] {strides = array<i32>} : memref<16x2048xf32, #tpu.memory_space<vmem>>, vector<16xf32>,
        tpu.vector_store %arg9[%swap3A_656, %swap3A_657], %broadcast_in_dim3A_3 {strides = array<i32>} : memref<16x2048xf32, #tpu.memory_space<vmem>>, vector<16xf32>,
        %swap3A_659 = arith.index_cast %scan3A_586 : i32 to index
        %swap3A_660 = arith.constant 384 : index
        %swap3A_661 = tpu.vector_load %arg9[%swap3A_659, %swap3A_660] {strides = array<i32>} : memref<16x2048xf32, #tpu.memory_space<vmem>>, vector<16xf32>,
        tpu.vector_store %arg9[%swap3A_659, %swap3A_660], %broadcast_in_dim3A_3 {strides = array<i32>} : memref<16x2048xf32, #tpu.memory_space<vmem>>, vector<16xf32>,
        %swap3A_662 = arith.index_cast %scan3A_586 : i32 to index
        %swap3A_663 = arith.constant 400 : index
        %swap3A_664 = tpu.vector_load %arg9[%swap3A_662, %swap3A_663] {strides = array<i32>} : memref<16x2048xf32, #tpu.memory_space<vmem>>, vector<16xf32>,
        tpu.vector_store %arg9[%swap3A_662, %swap3A_663], %broadcast_in_dim3A_3 {strides = array<i32>} : memref<16x2048xf32, #tpu.memory_space<vmem>>, vector<16xf32>,
        %swap3A_665 = arith.index_cast %scan3A_586 : i32 to index
        %swap3A_666 = arith.constant 416 : index
        %swap3A_667 = tpu.vector_load %arg9[%swap3A_665, %swap3A_666] {strides = array<i32>} : memref<16x2048xf32, #tpu.memory_space<vmem>>, vector<16xf32>,
        tpu.vector_store %arg9[%swap3A_665, %swap3A_666], %broadcast_in_dim3A_3 {strides = array<i32>} : memref<16x2048xf32, #tpu.memory_space<vmem>>, vector<16xf32>,
        %swap3A_668 = arith.index_cast %scan3A_586 : i32 to index
        %swap3A_669 = arith.constant 432 : index
        %swap3A_670 = tpu.vector_load %arg9[%swap3A_668, %swap3A_669] {strides = array<i32>} : memref<16x2048xf32, #tpu.memory_space<vmem>>, vector<16xf32>,
        tpu.vector_store %arg9[%swap3A_668, %swap3A_669], %broadcast_in_dim3A_3 {strides = array<i32>} : memref<16x2048xf32, #tpu.memory_space<vmem>>, vector<16xf32>,
        %swap3A_671 = arith.index_cast %scan3A_586 : i32 to index
        %swap3A_672 = arith.constant 448 : index
        %swap3A_673 = tpu.vector_load %arg9[%swap3A_671, %swap3A_672] {strides = array<i32>} : memref<16x2048xf32, #tpu.memory_space<vmem>>, vector<16xf32>,
        tpu.vector_store %arg9[%swap3A_671, %swap3A_672], %broadcast_in_dim3A_3 {strides = array<i32>} : memref<16x2048xf32, #tpu.memory_space<vmem>>, vector<16xf32>,
        %swap3A_674 = arith.index_cast %scan3A_586 : i32 to index
        %swap3A_675 = arith.constant 464 : index
        %swap3A_676 = tpu.vector_load %arg9[%swap3A_674, %swap3A_675] {strides = array<i32>} : memref<16x2048xf32, #tpu.memory_space<vmem>>, vector<16xf32>,
        tpu.vector_store %arg9[%swap3A_674, %swap3A_675], %broadcast_in_dim3A_3 {strides = array<i32>} : memref<16x2048xf32, #tpu.memory_space<vmem>>, vector<16xf32>,
        %swap3A_677 = arith.index_cast %scan3A_586 : i32 to index
        %swap3A_678 = arith.constant 480 : index
        %swap3A_679 = tpu.vector_load %arg9[%swap3A_677, %swap3A_678] {strides = array<i32>} : memref<16x2048xf32, #tpu.memory_space<vmem>>, vector<16xf32>,
        tpu.vector_store %arg9[%swap3A_677, %swap3A_678], %broadcast_in_dim3A_3 {strides = array<i32>} : memref<16x2048xf32, #tpu.memory_space<vmem>>, vector<16xf32>,
        %swap3A_680 = arith.index_cast %scan3A_586 : i32 to index
        %swap3A_681 = arith.constant 496 : index
        %swap3A_682 = tpu.vector_load %arg9[%swap3A_680, %swap3A_681] {strides = array<i32>} : memref<16x2048xf32, #tpu.memory_space<vmem>>, vector<16xf32>,
        tpu.vector_store %arg9[%swap3A_680, %swap3A_681], %broadcast_in_dim3A_3 {strides = array<i32>} : memref<16x2048xf32, #tpu.memory_space<vmem>>, vector<16xf32>,
        %swap3A_683 = arith.index_cast %scan3A_586 : i32 to index
        %swap3A_684 = arith.constant 512 : index
        %swap3A_685 = tpu.vector_load %arg9[%swap3A_683, %swap3A_684] {strides = array<i32>} : memref<16x2048xf32, #tpu.memory_space<vmem>>, vector<16xf32>,
        tpu.vector_store %arg9[%swap3A_683, %swap3A_684], %broadcast_in_dim3A_3 {strides = array<i32>} : memref<16x2048xf32, #tpu.memory_space<vmem>>, vector<16xf32>,
        %swap3A_686 = arith.index_cast %scan3A_586 : i32 to index
        %swap3A_687 = arith.constant 528 : index
        %swap3A_688 = tpu.vector_load %arg9[%swap3A_686, %swap3A_687] {strides = array<i32>} : memref<16x2048xf32, #tpu.memory_space<vmem>>, vector<16xf32>,
        tpu.vector_store %arg9[%swap3A_686, %swap3A_687], %broadcast_in_dim3A_3 {strides = array<i32>} : memref<16x2048xf32, #tpu.memory_space<vmem>>, vector<16xf32>,
        %swap3A_689 = arith.index_cast %scan3A_586 : i32 to index
        %swap3A_690 = arith.constant 544 : index
        %swap3A_691 = tpu.vector_load %arg9[%swap3A_689, %swap3A_690] {strides = array<i32>} : memref<16x2048xf32, #tpu.memory_space<vmem>>, vector<16xf32>,
        tpu.vector_store %arg9[%swap3A_689, %swap3A_690], %broadcast_in_dim3A_3 {strides = array<i32>} : memref<16x2048xf32, #tpu.memory_space<vmem>>, vector<16xf32>,
        %swap3A_692 = arith.index_cast %scan3A_586 : i32 to index
        %swap3A_693 = arith.constant 560 : index
        %swap3A_694 = tpu.vector_load %arg9[%swap3A_692, %swap3A_693] {strides = array<i32>} : memref<16x2048xf32, #tpu.memory_space<vmem>>, vector<16xf32>,
        tpu.vector_store %arg9[%swap3A_692, %swap3A_693], %broadcast_in_dim3A_3 {strides = array<i32>} : memref<16x2048xf32, #tpu.memory_space<vmem>>, vector<16xf32>,
        %swap3A_695 = arith.index_cast %scan3A_586 : i32 to index
        %swap3A_696 = arith.constant 576 : index
        %swap3A_697 = tpu.vector_load %arg9[%swap3A_695, %swap3A_696] {strides = array<i32>} : memref<16x2048xf32, #tpu.memory_space<vmem>>, vector<16xf32>,
        tpu.vector_store %arg9[%swap3A_695, %swap3A_696], %broadcast_in_dim3A_3 {strides = array<i32>} : memref<16x2048xf32, #tpu.memory_space<vmem>>, vector<16xf32>,
        %swap3A_698 = arith.index_cast %scan3A_586 : i32 to index
        %swap3A_699 = arith.constant 592 : index
        %swap3A_700 = tpu.vector_load %arg9[%swap3A_698, %swap3A_699] {strides = array<i32>} : memref<16x2048xf32, #tpu.memory_space<vmem>>, vector<16xf32>,
        tpu.vector_store %arg9[%swap3A_698, %swap3A_699], %broadcast_in_dim3A_3 {strides = array<i32>} : memref<16x2048xf32, #tpu.memory_space<vmem>>, vector<16xf32>,
        %swap3A_701 = arith.index_cast %scan3A_586 : i32 to index
        %swap3A_702 = arith.constant 608 : index
        %swap3A_703 = tpu.vector_load %arg9[%swap3A_701, %swap3A_702] {strides = array<i32>} : memref<16x2048xf32, #tpu.memory_space<vmem>>, vector<16xf32>,
        tpu.vector_store %arg9[%swap3A_701, %swap3A_702], %broadcast_in_dim3A_3 {strides = array<i32>} : memref<16x2048xf32, #tpu.memory_space<vmem>>, vector<16xf32>,
        %swap3A_704 = arith.index_cast %scan3A_586 : i32 to index
        %swap3A_705 = arith.constant 624 : index
        %swap3A_706 = tpu.vector_load %arg9[%swap3A_704, %swap3A_705] {strides = array<i32>} : memref<16x2048xf32, #tpu.memory_space<vmem>>, vector<16xf32>,
        tpu.vector_store %arg9[%swap3A_704, %swap3A_705], %broadcast_in_dim3A_3 {strides = array<i32>} : memref<16x2048xf32, #tpu.memory_space<vmem>>, vector<16xf32>,
        %swap3A_707 = arith.index_cast %scan3A_586 : i32 to index
        %swap3A_708 = arith.constant 640 : index
        %swap3A_709 = tpu.vector_load %arg9[%swap3A_707, %swap3A_708] {strides = array<i32>} : memref<16x2048xf32, #tpu.memory_space<vmem>>, vector<16xf32>,
        tpu.vector_store %arg9[%swap3A_707, %swap3A_708], %broadcast_in_dim3A_3 {strides = array<i32>} : memref<16x2048xf32, #tpu.memory_space<vmem>>, vector<16xf32>,
        %swap3A_710 = arith.index_cast %scan3A_586 : i32 to index
        %swap3A_711 = arith.constant 656 : index
        %swap3A_712 = tpu.vector_load %arg9[%swap3A_710, %swap3A_711] {strides = array<i32>} : memref<16x2048xf32, #tpu.memory_space<vmem>>, vector<16xf32>,
        tpu.vector_store %arg9[%swap3A_710, %swap3A_711], %broadcast_in_dim3A_3 {strides = array<i32>} : memref<16x2048xf32, #tpu.memory_space<vmem>>, vector<16xf32>,
        %swap3A_713 = arith.index_cast %scan3A_586 : i32 to index
        %swap3A_714 = arith.constant 672 : index
        %swap3A_715 = tpu.vector_load %arg9[%swap3A_713, %swap3A_714] {strides = array<i32>} : memref<16x2048xf32, #tpu.memory_space<vmem>>, vector<16xf32>,
        tpu.vector_store %arg9[%swap3A_713, %swap3A_714], %broadcast_in_dim3A_3 {strides = array<i32>} : memref<16x2048xf32, #tpu.memory_space<vmem>>, vector<16xf32>,
        %swap3A_716 = arith.index_cast %scan3A_586 : i32 to index
        %swap3A_717 = arith.constant 688 : index
        %swap3A_718 = tpu.vector_load %arg9[%swap3A_716, %swap3A_717] {strides = array<i32>} : memref<16x2048xf32, #tpu.memory_space<vmem>>, vector<16xf32>,
        tpu.vector_store %arg9[%swap3A_716, %swap3A_717], %broadcast_in_dim3A_3 {strides = array<i32>} : memref<16x2048xf32, #tpu.memory_space<vmem>>, vector<16xf32>,
        %swap3A_719 = arith.index_cast %scan3A_586 : i32 to index
        %swap3A_720 = arith.constant 704 : index
        %swap3A_721 = tpu.vector_load %arg9[%swap3A_719, %swap3A_720] {strides = array<i32>} : memref<16x2048xf32, #tpu.memory_space<vmem>>, vector<16xf32>,
        tpu.vector_store %arg9[%swap3A_719, %swap3A_720], %broadcast_in_dim3A_3 {strides = array<i32>} : memref<16x2048xf32, #tpu.memory_space<vmem>>, vector<16xf32>,
        %swap3A_722 = arith.index_cast %scan3A_586 : i32 to index
        %swap3A_723 = arith.constant 720 : index
        %swap3A_724 = tpu.vector_load %arg9[%swap3A_722, %swap3A_723] {strides = array<i32>} : memref<16x2048xf32, #tpu.memory_space<vmem>>, vector<16xf32>,
        tpu.vector_store %arg9[%swap3A_722, %swap3A_723], %broadcast_in_dim3A_3 {strides = array<i32>} : memref<16x2048xf32, #tpu.memory_space<vmem>>, vector<16xf32>,
        %swap3A_725 = arith.index_cast %scan3A_586 : i32 to index
        %swap3A_726 = arith.constant 736 : index
        %swap3A_727 = tpu.vector_load %arg9[%swap3A_725, %swap3A_726] {strides = array<i32>} : memref<16x2048xf32, #tpu.memory_space<vmem>>, vector<16xf32>,
        tpu.vector_store %arg9[%swap3A_725, %swap3A_726], %broadcast_in_dim3A_3 {strides = array<i32>} : memref<16x2048xf32, #tpu.memory_space<vmem>>, vector<16xf32>,
        %swap3A_728 = arith.index_cast %scan3A_586 : i32 to index
        %swap3A_729 = arith.constant 752 : index
        %swap3A_730 = tpu.vector_load %arg9[%swap3A_728, %swap3A_729] {strides = array<i32>} : memref<16x2048xf32, #tpu.memory_space<vmem>>, vector<16xf32>,
        tpu.vector_store %arg9[%swap3A_728, %swap3A_729], %broadcast_in_dim3A_3 {strides = array<i32>} : memref<16x2048xf32, #tpu.memory_space<vmem>>, vector<16xf32>,
        %swap3A_731 = arith.index_cast %scan3A_586 : i32 to index
        %swap3A_732 = arith.constant 768 : index
        %swap3A_733 = tpu.vector_load %arg9[%swap3A_731, %swap3A_732] {strides = array<i32>} : memref<16x2048xf32, #tpu.memory_space<vmem>>, vector<16xf32>,
        tpu.vector_store %arg9[%swap3A_731, %swap3A_732], %broadcast_in_dim3A_3 {strides = array<i32>} : memref<16x2048xf32, #tpu.memory_space<vmem>>, vector<16xf32>,
        %swap3A_734 = arith.index_cast %scan3A_586 : i32 to index
        %swap3A_735 = arith.constant 784 : index
        %swap3A_736 = tpu.vector_load %arg9[%swap3A_734, %swap3A_735] {strides = array<i32>} : memref<16x2048xf32, #tpu.memory_space<vmem>>, vector<16xf32>,
        tpu.vector_store %arg9[%swap3A_734, %swap3A_735], %broadcast_in_dim3A_3 {strides = array<i32>} : memref<16x2048xf32, #tpu.memory_space<vmem>>, vector<16xf32>,
        %swap3A_737 = arith.index_cast %scan3A_586 : i32 to index
        %swap3A_738 = arith.constant 800 : index
        %swap3A_739 = tpu.vector_load %arg9[%swap3A_737, %swap3A_738] {strides = array<i32>} : memref<16x2048xf32, #tpu.memory_space<vmem>>, vector<16xf32>,
        tpu.vector_store %arg9[%swap3A_737, %swap3A_738], %broadcast_in_dim3A_3 {strides = array<i32>} : memref<16x2048xf32, #tpu.memory_space<vmem>>, vector<16xf32>,
        %swap3A_740 = arith.index_cast %scan3A_586 : i32 to index
        %swap3A_741 = arith.constant 816 : index
        %swap3A_742 = tpu.vector_load %arg9[%swap3A_740, %swap3A_741] {strides = array<i32>} : memref<16x2048xf32, #tpu.memory_space<vmem>>, vector<16xf32>,
        tpu.vector_store %arg9[%swap3A_740, %swap3A_741], %broadcast_in_dim3A_3 {strides = array<i32>} : memref<16x2048xf32, #tpu.memory_space<vmem>>, vector<16xf32>,
        %swap3A_743 = arith.index_cast %scan3A_586 : i32 to index
        %swap3A_744 = arith.constant 832 : index
        %swap3A_745 = tpu.vector_load %arg9[%swap3A_743, %swap3A_744] {strides = array<i32>} : memref<16x2048xf32, #tpu.memory_space<vmem>>, vector<16xf32>,
        tpu.vector_store %arg9[%swap3A_743, %swap3A_744], %broadcast_in_dim3A_3 {strides = array<i32>} : memref<16x2048xf32, #tpu.memory_space<vmem>>, vector<16xf32>,
        %swap3A_746 = arith.index_cast %scan3A_586 : i32 to index
        %swap3A_747 = arith.constant 848 : index
        %swap3A_748 = tpu.vector_load %arg9[%swap3A_746, %swap3A_747] {strides = array<i32>} : memref<16x2048xf32, #tpu.memory_space<vmem>>, vector<16xf32>,
        tpu.vector_store %arg9[%swap3A_746, %swap3A_747], %broadcast_in_dim3A_3 {strides = array<i32>} : memref<16x2048xf32, #tpu.memory_space<vmem>>, vector<16xf32>,
        %swap3A_749 = arith.index_cast %scan3A_586 : i32 to index
        %swap3A_750 = arith.constant 864 : index
        %swap3A_751 = tpu.vector_load %arg9[%swap3A_749, %swap3A_750] {strides = array<i32>} : memref<16x2048xf32, #tpu.memory_space<vmem>>, vector<16xf32>,
        tpu.vector_store %arg9[%swap3A_749, %swap3A_750], %broadcast_in_dim3A_3 {strides = array<i32>} : memref<16x2048xf32, #tpu.memory_space<vmem>>, vector<16xf32>,
        %swap3A_752 = arith.index_cast %scan3A_586 : i32 to index
        %swap3A_753 = arith.constant 880 : index
        %swap3A_754 = tpu.vector_load %arg9[%swap3A_752, %swap3A_753] {strides = array<i32>} : memref<16x2048xf32, #tpu.memory_space<vmem>>, vector<16xf32>,
        tpu.vector_store %arg9[%swap3A_752, %swap3A_753], %broadcast_in_dim3A_3 {strides = array<i32>} : memref<16x2048xf32, #tpu.memory_space<vmem>>, vector<16xf32>,
        %swap3A_755 = arith.index_cast %scan3A_586 : i32 to index
        %swap3A_756 = arith.constant 896 : index
        %swap3A_757 = tpu.vector_load %arg9[%swap3A_755, %swap3A_756] {strides = array<i32>} : memref<16x2048xf32, #tpu.memory_space<vmem>>, vector<16xf32>,
        tpu.vector_store %arg9[%swap3A_755, %swap3A_756], %broadcast_in_dim3A_3 {strides = array<i32>} : memref<16x2048xf32, #tpu.memory_space<vmem>>, vector<16xf32>,
        %swap3A_758 = arith.index_cast %scan3A_586 : i32 to index
        %swap3A_759 = arith.constant 912 : index
        %swap3A_760 = tpu.vector_load %arg9[%swap3A_758, %swap3A_759] {strides = array<i32>} : memref<16x2048xf32, #tpu.memory_space<vmem>>, vector<16xf32>,
        tpu.vector_store %arg9[%swap3A_758, %swap3A_759], %broadcast_in_dim3A_3 {strides = array<i32>} : memref<16x2048xf32, #tpu.memory_space<vmem>>, vector<16xf32>,
        %swap3A_761 = arith.index_cast %scan3A_586 : i32 to index
        %swap3A_762 = arith.constant 928 : index
        %swap3A_763 = tpu.vector_load %arg9[%swap3A_761, %swap3A_762] {strides = array<i32>} : memref<16x2048xf32, #tpu.memory_space<vmem>>, vector<16xf32>,
        tpu.vector_store %arg9[%swap3A_761, %swap3A_762], %broadcast_in_dim3A_3 {strides = array<i32>} : memref<16x2048xf32, #tpu.memory_space<vmem>>, vector<16xf32>,
        %swap3A_764 = arith.index_cast %scan3A_586 : i32 to index
        %swap3A_765 = arith.constant 944 : index
        %swap3A_766 = tpu.vector_load %arg9[%swap3A_764, %swap3A_765] {strides = array<i32>} : memref<16x2048xf32, #tpu.memory_space<vmem>>, vector<16xf32>,
        tpu.vector_store %arg9[%swap3A_764, %swap3A_765], %broadcast_in_dim3A_3 {strides = array<i32>} : memref<16x2048xf32, #tpu.memory_space<vmem>>, vector<16xf32>,
        %swap3A_767 = arith.index_cast %scan3A_586 : i32 to index
        %swap3A_768 = arith.constant 960 : index
        %swap3A_769 = tpu.vector_load %arg9[%swap3A_767, %swap3A_768] {strides = array<i32>} : memref<16x2048xf32, #tpu.memory_space<vmem>>, vector<16xf32>,
        tpu.vector_store %arg9[%swap3A_767, %swap3A_768], %broadcast_in_dim3A_3 {strides = array<i32>} : memref<16x2048xf32, #tpu.memory_space<vmem>>, vector<16xf32>,
        %swap3A_770 = arith.index_cast %scan3A_586 : i32 to index
        %swap3A_771 = arith.constant 976 : index
        %swap3A_772 = tpu.vector_load %arg9[%swap3A_770, %swap3A_771] {strides = array<i32>} : memref<16x2048xf32, #tpu.memory_space<vmem>>, vector<16xf32>,
        tpu.vector_store %arg9[%swap3A_770, %swap3A_771], %broadcast_in_dim3A_3 {strides = array<i32>} : memref<16x2048xf32, #tpu.memory_space<vmem>>, vector<16xf32>,
        %swap3A_773 = arith.index_cast %scan3A_586 : i32 to index
        %swap3A_774 = arith.constant 992 : index
        %swap3A_775 = tpu.vector_load %arg9[%swap3A_773, %swap3A_774] {strides = array<i32>} : memref<16x2048xf32, #tpu.memory_space<vmem>>, vector<16xf32>,
        tpu.vector_store %arg9[%swap3A_773, %swap3A_774], %broadcast_in_dim3A_3 {strides = array<i32>} : memref<16x2048xf32, #tpu.memory_space<vmem>>, vector<16xf32>,
        %swap3A_776 = arith.index_cast %scan3A_586 : i32 to index
        %swap3A_777 = arith.constant 1008 : index
        %swap3A_778 = tpu.vector_load %arg9[%swap3A_776, %swap3A_777] {strides = array<i32>} : memref<16x2048xf32, #tpu.memory_space<vmem>>, vector<16xf32>,
        tpu.vector_store %arg9[%swap3A_776, %swap3A_777], %broadcast_in_dim3A_3 {strides = array<i32>} : memref<16x2048xf32, #tpu.memory_space<vmem>>, vector<16xf32>,
        %swap3A_779 = arith.index_cast %scan3A_586 : i32 to index
        %swap3A_780 = arith.constant 1024 : index
        %swap3A_781 = tpu.vector_load %arg9[%swap3A_779, %swap3A_780] {strides = array<i32>} : memref<16x2048xf32, #tpu.memory_space<vmem>>, vector<16xf32>,
        tpu.vector_store %arg9[%swap3A_779, %swap3A_780], %broadcast_in_dim3A_3 {strides = array<i32>} : memref<16x2048xf32, #tpu.memory_space<vmem>>, vector<16xf32>,
        %swap3A_782 = arith.index_cast %scan3A_586 : i32 to index
        %swap3A_783 = arith.constant 1040 : index
        %swap3A_784 = tpu.vector_load %arg9[%swap3A_782, %swap3A_783] {strides = array<i32>} : memref<16x2048xf32, #tpu.memory_space<vmem>>, vector<16xf32>,
        tpu.vector_store %arg9[%swap3A_782, %swap3A_783], %broadcast_in_dim3A_3 {strides = array<i32>} : memref<16x2048xf32, #tpu.memory_space<vmem>>, vector<16xf32>,
        %swap3A_785 = arith.index_cast %scan3A_586 : i32 to index
        %swap3A_786 = arith.constant 1056 : index
        %swap3A_787 = tpu.vector_load %arg9[%swap3A_785, %swap3A_786] {strides = array<i32>} : memref<16x2048xf32, #tpu.memory_space<vmem>>, vector<16xf32>,
        tpu.vector_store %arg9[%swap3A_785, %swap3A_786], %broadcast_in_dim3A_3 {strides = array<i32>} : memref<16x2048xf32, #tpu.memory_space<vmem>>, vector<16xf32>,
        %swap3A_788 = arith.index_cast %scan3A_586 : i32 to index
        %swap3A_789 = arith.constant 1072 : index
        %swap3A_790 = tpu.vector_load %arg9[%swap3A_788, %swap3A_789] {strides = array<i32>} : memref<16x2048xf32, #tpu.memory_space<vmem>>, vector<16xf32>,
        tpu.vector_store %arg9[%swap3A_788, %swap3A_789], %broadcast_in_dim3A_3 {strides = array<i32>} : memref<16x2048xf32, #tpu.memory_space<vmem>>, vector<16xf32>,
        %swap3A_791 = arith.index_cast %scan3A_586 : i32 to index
        %swap3A_792 = arith.constant 1088 : index
        %swap3A_793 = tpu.vector_load %arg9[%swap3A_791, %swap3A_792] {strides = array<i32>} : memref<16x2048xf32, #tpu.memory_space<vmem>>, vector<16xf32>,
        tpu.vector_store %arg9[%swap3A_791, %swap3A_792], %broadcast_in_dim3A_3 {strides = array<i32>} : memref<16x2048xf32, #tpu.memory_space<vmem>>, vector<16xf32>,
        %swap3A_794 = arith.index_cast %scan3A_586 : i32 to index
        %swap3A_795 = arith.constant 1104 : index
        %swap3A_796 = tpu.vector_load %arg9[%swap3A_794, %swap3A_795] {strides = array<i32>} : memref<16x2048xf32, #tpu.memory_space<vmem>>, vector<16xf32>,
        tpu.vector_store %arg9[%swap3A_794, %swap3A_795], %broadcast_in_dim3A_3 {strides = array<i32>} : memref<16x2048xf32, #tpu.memory_space<vmem>>, vector<16xf32>,
        %swap3A_797 = arith.index_cast %scan3A_586 : i32 to index
        %swap3A_798 = arith.constant 1120 : index
        %swap3A_799 = tpu.vector_load %arg9[%swap3A_797, %swap3A_798] {strides = array<i32>} : memref<16x2048xf32, #tpu.memory_space<vmem>>, vector<16xf32>,
        tpu.vector_store %arg9[%swap3A_797, %swap3A_798], %broadcast_in_dim3A_3 {strides = array<i32>} : memref<16x2048xf32, #tpu.memory_space<vmem>>, vector<16xf32>,
        %swap3A_800 = arith.index_cast %scan3A_586 : i32 to index
        %swap3A_801 = arith.constant 1136 : index
        %swap3A_802 = tpu.vector_load %arg9[%swap3A_800, %swap3A_801] {strides = array<i32>} : memref<16x2048xf32, #tpu.memory_space<vmem>>, vector<16xf32>,
        tpu.vector_store %arg9[%swap3A_800, %swap3A_801], %broadcast_in_dim3A_3 {strides = array<i32>} : memref<16x2048xf32, #tpu.memory_space<vmem>>, vector<16xf32>,
        %swap3A_803 = arith.index_cast %scan3A_586 : i32 to index
        %swap3A_804 = arith.constant 1152 : index
        %swap3A_805 = tpu.vector_load %arg9[%swap3A_803, %swap3A_804] {strides = array<i32>} : memref<16x2048xf32, #tpu.memory_space<vmem>>, vector<16xf32>,
        tpu.vector_store %arg9[%swap3A_803, %swap3A_804], %broadcast_in_dim3A_3 {strides = array<i32>} : memref<16x2048xf32, #tpu.memory_space<vmem>>, vector<16xf32>,
        %swap3A_806 = arith.index_cast %scan3A_586 : i32 to index
        %swap3A_807 = arith.constant 1168 : index
        %swap3A_808 = tpu.vector_load %arg9[%swap3A_806, %swap3A_807] {strides = array<i32>} : memref<16x2048xf32, #tpu.memory_space<vmem>>, vector<16xf32>,
        tpu.vector_store %arg9[%swap3A_806, %swap3A_807], %broadcast_in_dim3A_3 {strides = array<i32>} : memref<16x2048xf32, #tpu.memory_space<vmem>>, vector<16xf32>,
        %swap3A_809 = arith.index_cast %scan3A_586 : i32 to index
        %swap3A_810 = arith.constant 1184 : index
        %swap3A_811 = tpu.vector_load %arg9[%swap3A_809, %swap3A_810] {strides = array<i32>} : memref<16x2048xf32, #tpu.memory_space<vmem>>, vector<16xf32>,
        tpu.vector_store %arg9[%swap3A_809, %swap3A_810], %broadcast_in_dim3A_3 {strides = array<i32>} : memref<16x2048xf32, #tpu.memory_space<vmem>>, vector<16xf32>,
        %swap3A_812 = arith.index_cast %scan3A_586 : i32 to index
        %swap3A_813 = arith.constant 1200 : index
        %swap3A_814 = tpu.vector_load %arg9[%swap3A_812, %swap3A_813] {strides = array<i32>} : memref<16x2048xf32, #tpu.memory_space<vmem>>, vector<16xf32>,
        tpu.vector_store %arg9[%swap3A_812, %swap3A_813], %broadcast_in_dim3A_3 {strides = array<i32>} : memref<16x2048xf32, #tpu.memory_space<vmem>>, vector<16xf32>,
        %swap3A_815 = arith.index_cast %scan3A_586 : i32 to index
        %swap3A_816 = arith.constant 1216 : index
        %swap3A_817 = tpu.vector_load %arg9[%swap3A_815, %swap3A_816] {strides = array<i32>} : memref<16x2048xf32, #tpu.memory_space<vmem>>, vector<16xf32>,
        tpu.vector_store %arg9[%swap3A_815, %swap3A_816], %broadcast_in_dim3A_3 {strides = array<i32>} : memref<16x2048xf32, #tpu.memory_space<vmem>>, vector<16xf32>,
        %swap3A_818 = arith.index_cast %scan3A_586 : i32 to index
        %swap3A_819 = arith.constant 1232 : index
        %swap3A_820 = tpu.vector_load %arg9[%swap3A_818, %swap3A_819] {strides = array<i32>} : memref<16x2048xf32, #tpu.memory_space<vmem>>, vector<16xf32>,
        tpu.vector_store %arg9[%swap3A_818, %swap3A_819], %broadcast_in_dim3A_3 {strides = array<i32>} : memref<16x2048xf32, #tpu.memory_space<vmem>>, vector<16xf32>,
        %swap3A_821 = arith.index_cast %scan3A_586 : i32 to index
        %swap3A_822 = arith.constant 1248 : index
        %swap3A_823 = tpu.vector_load %arg9[%swap3A_821, %swap3A_822] {strides = array<i32>} : memref<16x2048xf32, #tpu.memory_space<vmem>>, vector<16xf32>,
        tpu.vector_store %arg9[%swap3A_821, %swap3A_822], %broadcast_in_dim3A_3 {strides = array<i32>} : memref<16x2048xf32, #tpu.memory_space<vmem>>, vector<16xf32>,
        %swap3A_824 = arith.index_cast %scan3A_586 : i32 to index
        %swap3A_825 = arith.constant 1264 : index
        %swap3A_826 = tpu.vector_load %arg9[%swap3A_824, %swap3A_825] {strides = array<i32>} : memref<16x2048xf32, #tpu.memory_space<vmem>>, vector<16xf32>,
        tpu.vector_store %arg9[%swap3A_824, %swap3A_825], %broadcast_in_dim3A_3 {strides = array<i32>} : memref<16x2048xf32, #tpu.memory_space<vmem>>, vector<16xf32>,
        %swap3A_827 = arith.index_cast %scan3A_586 : i32 to index
        %swap3A_828 = arith.constant 1280 : index
        %swap3A_829 = tpu.vector_load %arg9[%swap3A_827, %swap3A_828] {strides = array<i32>} : memref<16x2048xf32, #tpu.memory_space<vmem>>, vector<16xf32>,
        tpu.vector_store %arg9[%swap3A_827, %swap3A_828], %broadcast_in_dim3A_3 {strides = array<i32>} : memref<16x2048xf32, #tpu.memory_space<vmem>>, vector<16xf32>,
        %swap3A_830 = arith.index_cast %scan3A_586 : i32 to index
        %swap3A_831 = arith.constant 1296 : index
        %swap3A_832 = tpu.vector_load %arg9[%swap3A_830, %swap3A_831] {strides = array<i32>} : memref<16x2048xf32, #tpu.memory_space<vmem>>, vector<16xf32>,
        tpu.vector_store %arg9[%swap3A_830, %swap3A_831], %broadcast_in_dim3A_3 {strides = array<i32>} : memref<16x2048xf32, #tpu.memory_space<vmem>>, vector<16xf32>,
        %swap3A_833 = arith.index_cast %scan3A_586 : i32 to index
        %swap3A_834 = arith.constant 1312 : index
        %swap3A_835 = tpu.vector_load %arg9[%swap3A_833, %swap3A_834] {strides = array<i32>} : memref<16x2048xf32, #tpu.memory_space<vmem>>, vector<16xf32>,
        tpu.vector_store %arg9[%swap3A_833, %swap3A_834], %broadcast_in_dim3A_3 {strides = array<i32>} : memref<16x2048xf32, #tpu.memory_space<vmem>>, vector<16xf32>,
        %swap3A_836 = arith.index_cast %scan3A_586 : i32 to index
        %swap3A_837 = arith.constant 1328 : index
        %swap3A_838 = tpu.vector_load %arg9[%swap3A_836, %swap3A_837] {strides = array<i32>} : memref<16x2048xf32, #tpu.memory_space<vmem>>, vector<16xf32>,
        tpu.vector_store %arg9[%swap3A_836, %swap3A_837], %broadcast_in_dim3A_3 {strides = array<i32>} : memref<16x2048xf32, #tpu.memory_space<vmem>>, vector<16xf32>,
        %swap3A_839 = arith.index_cast %scan3A_586 : i32 to index
        %swap3A_840 = arith.constant 1344 : index
        %swap3A_841 = tpu.vector_load %arg9[%swap3A_839, %swap3A_840] {strides = array<i32>} : memref<16x2048xf32, #tpu.memory_space<vmem>>, vector<16xf32>,
        tpu.vector_store %arg9[%swap3A_839, %swap3A_840], %broadcast_in_dim3A_3 {strides = array<i32>} : memref<16x2048xf32, #tpu.memory_space<vmem>>, vector<16xf32>,
        %swap3A_842 = arith.index_cast %scan3A_586 : i32 to index
        %swap3A_843 = arith.constant 1360 : index
        %swap3A_844 = tpu.vector_load %arg9[%swap3A_842, %swap3A_843] {strides = array<i32>} : memref<16x2048xf32, #tpu.memory_space<vmem>>, vector<16xf32>,
        tpu.vector_store %arg9[%swap3A_842, %swap3A_843], %broadcast_in_dim3A_3 {strides = array<i32>} : memref<16x2048xf32, #tpu.memory_space<vmem>>, vector<16xf32>,
        %swap3A_845 = arith.index_cast %scan3A_586 : i32 to index
        %swap3A_846 = arith.constant 1376 : index
        %swap3A_847 = tpu.vector_load %arg9[%swap3A_845, %swap3A_846] {strides = array<i32>} : memref<16x2048xf32, #tpu.memory_space<vmem>>, vector<16xf32>,
        tpu.vector_store %arg9[%swap3A_845, %swap3A_846], %broadcast_in_dim3A_3 {strides = array<i32>} : memref<16x2048xf32, #tpu.memory_space<vmem>>, vector<16xf32>,
        %swap3A_848 = arith.index_cast %scan3A_586 : i32 to index
        %swap3A_849 = arith.constant 1392 : index
        %swap3A_850 = tpu.vector_load %arg9[%swap3A_848, %swap3A_849] {strides = array<i32>} : memref<16x2048xf32, #tpu.memory_space<vmem>>, vector<16xf32>,
        tpu.vector_store %arg9[%swap3A_848, %swap3A_849], %broadcast_in_dim3A_3 {strides = array<i32>} : memref<16x2048xf32, #tpu.memory_space<vmem>>, vector<16xf32>,
        %swap3A_851 = arith.index_cast %scan3A_586 : i32 to index
        %swap3A_852 = arith.constant 1408 : index
        %swap3A_853 = tpu.vector_load %arg9[%swap3A_851, %swap3A_852] {strides = array<i32>} : memref<16x2048xf32, #tpu.memory_space<vmem>>, vector<16xf32>,
        tpu.vector_store %arg9[%swap3A_851, %swap3A_852], %broadcast_in_dim3A_3 {strides = array<i32>} : memref<16x2048xf32, #tpu.memory_space<vmem>>, vector<16xf32>,
        %swap3A_854 = arith.index_cast %scan3A_586 : i32 to index
        %swap3A_855 = arith.constant 1424 : index
        %swap3A_856 = tpu.vector_load %arg9[%swap3A_854, %swap3A_855] {strides = array<i32>} : memref<16x2048xf32, #tpu.memory_space<vmem>>, vector<16xf32>,
        tpu.vector_store %arg9[%swap3A_854, %swap3A_855], %broadcast_in_dim3A_3 {strides = array<i32>} : memref<16x2048xf32, #tpu.memory_space<vmem>>, vector<16xf32>,
        %swap3A_857 = arith.index_cast %scan3A_586 : i32 to index
        %swap3A_858 = arith.constant 1440 : index
        %swap3A_859 = tpu.vector_load %arg9[%swap3A_857, %swap3A_858] {strides = array<i32>} : memref<16x2048xf32, #tpu.memory_space<vmem>>, vector<16xf32>,
        tpu.vector_store %arg9[%swap3A_857, %swap3A_858], %broadcast_in_dim3A_3 {strides = array<i32>} : memref<16x2048xf32, #tpu.memory_space<vmem>>, vector<16xf32>,
        %swap3A_860 = arith.index_cast %scan3A_586 : i32 to index
        %swap3A_861 = arith.constant 1456 : index
        %swap3A_862 = tpu.vector_load %arg9[%swap3A_860, %swap3A_861] {strides = array<i32>} : memref<16x2048xf32, #tpu.memory_space<vmem>>, vector<16xf32>,
        tpu.vector_store %arg9[%swap3A_860, %swap3A_861], %broadcast_in_dim3A_3 {strides = array<i32>} : memref<16x2048xf32, #tpu.memory_space<vmem>>, vector<16xf32>,
        %swap3A_863 = arith.index_cast %scan3A_586 : i32 to index
        %swap3A_864 = arith.constant 1472 : index
        %swap3A_865 = tpu.vector_load %arg9[%swap3A_863, %swap3A_864] {strides = array<i32>} : memref<16x2048xf32, #tpu.memory_space<vmem>>, vector<16xf32>,
        tpu.vector_store %arg9[%swap3A_863, %swap3A_864], %broadcast_in_dim3A_3 {strides = array<i32>} : memref<16x2048xf32, #tpu.memory_space<vmem>>, vector<16xf32>,
        %swap3A_866 = arith.index_cast %scan3A_586 : i32 to index
        %swap3A_867 = arith.constant 1488 : index
        %swap3A_868 = tpu.vector_load %arg9[%swap3A_866, %swap3A_867] {strides = array<i32>} : memref<16x2048xf32, #tpu.memory_space<vmem>>, vector<16xf32>,
        tpu.vector_store %arg9[%swap3A_866, %swap3A_867], %broadcast_in_dim3A_3 {strides = array<i32>} : memref<16x2048xf32, #tpu.memory_space<vmem>>, vector<16xf32>,
        %swap3A_869 = arith.index_cast %scan3A_586 : i32 to index
        %swap3A_870 = arith.constant 1504 : index
        %swap3A_871 = tpu.vector_load %arg9[%swap3A_869, %swap3A_870] {strides = array<i32>} : memref<16x2048xf32, #tpu.memory_space<vmem>>, vector<16xf32>,
        tpu.vector_store %arg9[%swap3A_869, %swap3A_870], %broadcast_in_dim3A_3 {strides = array<i32>} : memref<16x2048xf32, #tpu.memory_space<vmem>>, vector<16xf32>,
        %swap3A_872 = arith.index_cast %scan3A_586 : i32 to index
        %swap3A_873 = arith.constant 1520 : index
        %swap3A_874 = tpu.vector_load %arg9[%swap3A_872, %swap3A_873] {strides = array<i32>} : memref<16x2048xf32, #tpu.memory_space<vmem>>, vector<16xf32>,
        tpu.vector_store %arg9[%swap3A_872, %swap3A_873], %broadcast_in_dim3A_3 {strides = array<i32>} : memref<16x2048xf32, #tpu.memory_space<vmem>>, vector<16xf32>,
        %swap3A_875 = arith.index_cast %scan3A_586 : i32 to index
        %swap3A_876 = arith.constant 1536 : index
        %swap3A_877 = tpu.vector_load %arg9[%swap3A_875, %swap3A_876] {strides = array<i32>} : memref<16x2048xf32, #tpu.memory_space<vmem>>, vector<16xf32>,
        tpu.vector_store %arg9[%swap3A_875, %swap3A_876], %broadcast_in_dim3A_3 {strides = array<i32>} : memref<16x2048xf32, #tpu.memory_space<vmem>>, vector<16xf32>,
        %swap3A_878 = arith.index_cast %scan3A_586 : i32 to index
        %swap3A_879 = arith.constant 1552 : index
        %swap3A_880 = tpu.vector_load %arg9[%swap3A_878, %swap3A_879] {strides = array<i32>} : memref<16x2048xf32, #tpu.memory_space<vmem>>, vector<16xf32>,
        tpu.vector_store %arg9[%swap3A_878, %swap3A_879], %broadcast_in_dim3A_3 {strides = array<i32>} : memref<16x2048xf32, #tpu.memory_space<vmem>>, vector<16xf32>,
        %swap3A_881 = arith.index_cast %scan3A_586 : i32 to index
        %swap3A_882 = arith.constant 1568 : index
        %swap3A_883 = tpu.vector_load %arg9[%swap3A_881, %swap3A_882] {strides = array<i32>} : memref<16x2048xf32, #tpu.memory_space<vmem>>, vector<16xf32>,
        tpu.vector_store %arg9[%swap3A_881, %swap3A_882], %broadcast_in_dim3A_3 {strides = array<i32>} : memref<16x2048xf32, #tpu.memory_space<vmem>>, vector<16xf32>,
        %swap3A_884 = arith.index_cast %scan3A_586 : i32 to index
        %swap3A_885 = arith.constant 1584 : index
        %swap3A_886 = tpu.vector_load %arg9[%swap3A_884, %swap3A_885] {strides = array<i32>} : memref<16x2048xf32, #tpu.memory_space<vmem>>, vector<16xf32>,
        tpu.vector_store %arg9[%swap3A_884, %swap3A_885], %broadcast_in_dim3A_3 {strides = array<i32>} : memref<16x2048xf32, #tpu.memory_space<vmem>>, vector<16xf32>,
        %swap3A_887 = arith.index_cast %scan3A_586 : i32 to index
        %swap3A_888 = arith.constant 1600 : index
        %swap3A_889 = tpu.vector_load %arg9[%swap3A_887, %swap3A_888] {strides = array<i32>} : memref<16x2048xf32, #tpu.memory_space<vmem>>, vector<16xf32>,
        tpu.vector_store %arg9[%swap3A_887, %swap3A_888], %broadcast_in_dim3A_3 {strides = array<i32>} : memref<16x2048xf32, #tpu.memory_space<vmem>>, vector<16xf32>,
        %swap3A_890 = arith.index_cast %scan3A_586 : i32 to index
        %swap3A_891 = arith.constant 1616 : index
        %swap3A_892 = tpu.vector_load %arg9[%swap3A_890, %swap3A_891] {strides = array<i32>} : memref<16x2048xf32, #tpu.memory_space<vmem>>, vector<16xf32>,
        tpu.vector_store %arg9[%swap3A_890, %swap3A_891], %broadcast_in_dim3A_3 {strides = array<i32>} : memref<16x2048xf32, #tpu.memory_space<vmem>>, vector<16xf32>,
        %swap3A_893 = arith.index_cast %scan3A_586 : i32 to index
        %swap3A_894 = arith.constant 1632 : index
        %swap3A_895 = tpu.vector_load %arg9[%swap3A_893, %swap3A_894] {strides = array<i32>} : memref<16x2048xf32, #tpu.memory_space<vmem>>, vector<16xf32>,
        tpu.vector_store %arg9[%swap3A_893, %swap3A_894], %broadcast_in_dim3A_3 {strides = array<i32>} : memref<16x2048xf32, #tpu.memory_space<vmem>>, vector<16xf32>,
        %swap3A_896 = arith.index_cast %scan3A_586 : i32 to index
        %swap3A_897 = arith.constant 1648 : index
        %swap3A_898 = tpu.vector_load %arg9[%swap3A_896, %swap3A_897] {strides = array<i32>} : memref<16x2048xf32, #tpu.memory_space<vmem>>, vector<16xf32>,
        tpu.vector_store %arg9[%swap3A_896, %swap3A_897], %broadcast_in_dim3A_3 {strides = array<i32>} : memref<16x2048xf32, #tpu.memory_space<vmem>>, vector<16xf32>,
        %swap3A_899 = arith.index_cast %scan3A_586 : i32 to index
        %swap3A_900 = arith.constant 1664 : index
        %swap3A_901 = tpu.vector_load %arg9[%swap3A_899, %swap3A_900] {strides = array<i32>} : memref<16x2048xf32, #tpu.memory_space<vmem>>, vector<16xf32>,
        tpu.vector_store %arg9[%swap3A_899, %swap3A_900], %broadcast_in_dim3A_3 {strides = array<i32>} : memref<16x2048xf32, #tpu.memory_space<vmem>>, vector<16xf32>,
        %swap3A_902 = arith.index_cast %scan3A_586 : i32 to index
        %swap3A_903 = arith.constant 1680 : index
        %swap3A_904 = tpu.vector_load %arg9[%swap3A_902, %swap3A_903] {strides = array<i32>} : memref<16x2048xf32, #tpu.memory_space<vmem>>, vector<16xf32>,
        tpu.vector_store %arg9[%swap3A_902, %swap3A_903], %broadcast_in_dim3A_3 {strides = array<i32>} : memref<16x2048xf32, #tpu.memory_space<vmem>>, vector<16xf32>,
        %swap3A_905 = arith.index_cast %scan3A_586 : i32 to index
        %swap3A_906 = arith.constant 1696 : index
        %swap3A_907 = tpu.vector_load %arg9[%swap3A_905, %swap3A_906] {strides = array<i32>} : memref<16x2048xf32, #tpu.memory_space<vmem>>, vector<16xf32>,
        tpu.vector_store %arg9[%swap3A_905, %swap3A_906], %broadcast_in_dim3A_3 {strides = array<i32>} : memref<16x2048xf32, #tpu.memory_space<vmem>>, vector<16xf32>,
        %swap3A_908 = arith.index_cast %scan3A_586 : i32 to index
        %swap3A_909 = arith.constant 1712 : index
        %swap3A_910 = tpu.vector_load %arg9[%swap3A_908, %swap3A_909] {strides = array<i32>} : memref<16x2048xf32, #tpu.memory_space<vmem>>, vector<16xf32>,
        tpu.vector_store %arg9[%swap3A_908, %swap3A_909], %broadcast_in_dim3A_3 {strides = array<i32>} : memref<16x2048xf32, #tpu.memory_space<vmem>>, vector<16xf32>,
        %swap3A_911 = arith.index_cast %scan3A_586 : i32 to index
        %swap3A_912 = arith.constant 1728 : index
        %swap3A_913 = tpu.vector_load %arg9[%swap3A_911, %swap3A_912] {strides = array<i32>} : memref<16x2048xf32, #tpu.memory_space<vmem>>, vector<16xf32>,
        tpu.vector_store %arg9[%swap3A_911, %swap3A_912], %broadcast_in_dim3A_3 {strides = array<i32>} : memref<16x2048xf32, #tpu.memory_space<vmem>>, vector<16xf32>,
        %swap3A_914 = arith.index_cast %scan3A_586 : i32 to index
        %swap3A_915 = arith.constant 1744 : index
        %swap3A_916 = tpu.vector_load %arg9[%swap3A_914, %swap3A_915] {strides = array<i32>} : memref<16x2048xf32, #tpu.memory_space<vmem>>, vector<16xf32>,
        tpu.vector_store %arg9[%swap3A_914, %swap3A_915], %broadcast_in_dim3A_3 {strides = array<i32>} : memref<16x2048xf32, #tpu.memory_space<vmem>>, vector<16xf32>,
        %swap3A_917 = arith.index_cast %scan3A_586 : i32 to index
        %swap3A_918 = arith.constant 1760 : index
        %swap3A_919 = tpu.vector_load %arg9[%swap3A_917, %swap3A_918] {strides = array<i32>} : memref<16x2048xf32, #tpu.memory_space<vmem>>, vector<16xf32>,
        tpu.vector_store %arg9[%swap3A_917, %swap3A_918], %broadcast_in_dim3A_3 {strides = array<i32>} : memref<16x2048xf32, #tpu.memory_space<vmem>>, vector<16xf32>,
        %swap3A_920 = arith.index_cast %scan3A_586 : i32 to index
        %swap3A_921 = arith.constant 1776 : index
        %swap3A_922 = tpu.vector_load %arg9[%swap3A_920, %swap3A_921] {strides = array<i32>} : memref<16x2048xf32, #tpu.memory_space<vmem>>, vector<16xf32>,
        tpu.vector_store %arg9[%swap3A_920, %swap3A_921], %broadcast_in_dim3A_3 {strides = array<i32>} : memref<16x2048xf32, #tpu.memory_space<vmem>>, vector<16xf32>,
        %swap3A_923 = arith.index_cast %scan3A_586 : i32 to index
        %swap3A_924 = arith.constant 1792 : index
        %swap3A_925 = tpu.vector_load %arg9[%swap3A_923, %swap3A_924] {strides = array<i32>} : memref<16x2048xf32, #tpu.memory_space<vmem>>, vector<16xf32>,
        tpu.vector_store %arg9[%swap3A_923, %swap3A_924], %broadcast_in_dim3A_3 {strides = array<i32>} : memref<16x2048xf32, #tpu.memory_space<vmem>>, vector<16xf32>,
        %swap3A_926 = arith.index_cast %scan3A_586 : i32 to index
        %swap3A_927 = arith.constant 1808 : index
        %swap3A_928 = tpu.vector_load %arg9[%swap3A_926, %swap3A_927] {strides = array<i32>} : memref<16x2048xf32, #tpu.memory_space<vmem>>, vector<16xf32>,
        tpu.vector_store %arg9[%swap3A_926, %swap3A_927], %broadcast_in_dim3A_3 {strides = array<i32>} : memref<16x2048xf32, #tpu.memory_space<vmem>>, vector<16xf32>,
        %swap3A_929 = arith.index_cast %scan3A_586 : i32 to index
        %swap3A_930 = arith.constant 1824 : index
        %swap3A_931 = tpu.vector_load %arg9[%swap3A_929, %swap3A_930] {strides = array<i32>} : memref<16x2048xf32, #tpu.memory_space<vmem>>, vector<16xf32>,
        tpu.vector_store %arg9[%swap3A_929, %swap3A_930], %broadcast_in_dim3A_3 {strides = array<i32>} : memref<16x2048xf32, #tpu.memory_space<vmem>>, vector<16xf32>,
        %swap3A_932 = arith.index_cast %scan3A_586 : i32 to index
        %swap3A_933 = arith.constant 1840 : index
        %swap3A_934 = tpu.vector_load %arg9[%swap3A_932, %swap3A_933] {strides = array<i32>} : memref<16x2048xf32, #tpu.memory_space<vmem>>, vector<16xf32>,
        tpu.vector_store %arg9[%swap3A_932, %swap3A_933], %broadcast_in_dim3A_3 {strides = array<i32>} : memref<16x2048xf32, #tpu.memory_space<vmem>>, vector<16xf32>,
        %swap3A_935 = arith.index_cast %scan3A_586 : i32 to index
        %swap3A_936 = arith.constant 1856 : index
        %swap3A_937 = tpu.vector_load %arg9[%swap3A_935, %swap3A_936] {strides = array<i32>} : memref<16x2048xf32, #tpu.memory_space<vmem>>, vector<16xf32>,
        tpu.vector_store %arg9[%swap3A_935, %swap3A_936], %broadcast_in_dim3A_3 {strides = array<i32>} : memref<16x2048xf32, #tpu.memory_space<vmem>>, vector<16xf32>,
        %swap3A_938 = arith.index_cast %scan3A_586 : i32 to index
        %swap3A_939 = arith.constant 1872 : index
        %swap3A_940 = tpu.vector_load %arg9[%swap3A_938, %swap3A_939] {strides = array<i32>} : memref<16x2048xf32, #tpu.memory_space<vmem>>, vector<16xf32>,
        tpu.vector_store %arg9[%swap3A_938, %swap3A_939], %broadcast_in_dim3A_3 {strides = array<i32>} : memref<16x2048xf32, #tpu.memory_space<vmem>>, vector<16xf32>,
        %swap3A_941 = arith.index_cast %scan3A_586 : i32 to index
        %swap3A_942 = arith.constant 1888 : index
        %swap3A_943 = tpu.vector_load %arg9[%swap3A_941, %swap3A_942] {strides = array<i32>} : memref<16x2048xf32, #tpu.memory_space<vmem>>, vector<16xf32>,
        tpu.vector_store %arg9[%swap3A_941, %swap3A_942], %broadcast_in_dim3A_3 {strides = array<i32>} : memref<16x2048xf32, #tpu.memory_space<vmem>>, vector<16xf32>,
        %swap3A_944 = arith.index_cast %scan3A_586 : i32 to index
        %swap3A_945 = arith.constant 1904 : index
        %swap3A_946 = tpu.vector_load %arg9[%swap3A_944, %swap3A_945] {strides = array<i32>} : memref<16x2048xf32, #tpu.memory_space<vmem>>, vector<16xf32>,
        tpu.vector_store %arg9[%swap3A_944, %swap3A_945], %broadcast_in_dim3A_3 {strides = array<i32>} : memref<16x2048xf32, #tpu.memory_space<vmem>>, vector<16xf32>,
        %swap3A_947 = arith.index_cast %scan3A_586 : i32 to index
        %swap3A_948 = arith.constant 1920 : index
        %swap3A_949 = tpu.vector_load %arg9[%swap3A_947, %swap3A_948] {strides = array<i32>} : memref<16x2048xf32, #tpu.memory_space<vmem>>, vector<16xf32>,
        tpu.vector_store %arg9[%swap3A_947, %swap3A_948], %broadcast_in_dim3A_3 {strides = array<i32>} : memref<16x2048xf32, #tpu.memory_space<vmem>>, vector<16xf32>,
        %swap3A_950 = arith.index_cast %scan3A_586 : i32 to index
        %swap3A_951 = arith.constant 1936 : index
        %swap3A_952 = tpu.vector_load %arg9[%swap3A_950, %swap3A_951] {strides = array<i32>} : memref<16x2048xf32, #tpu.memory_space<vmem>>, vector<16xf32>,
        tpu.vector_store %arg9[%swap3A_950, %swap3A_951], %broadcast_in_dim3A_3 {strides = array<i32>} : memref<16x2048xf32, #tpu.memory_space<vmem>>, vector<16xf32>,
        %swap3A_953 = arith.index_cast %scan3A_586 : i32 to index
        %swap3A_954 = arith.constant 1952 : index
        %swap3A_955 = tpu.vector_load %arg9[%swap3A_953, %swap3A_954] {strides = array<i32>} : memref<16x2048xf32, #tpu.memory_space<vmem>>, vector<16xf32>,
        tpu.vector_store %arg9[%swap3A_953, %swap3A_954], %broadcast_in_dim3A_3 {strides = array<i32>} : memref<16x2048xf32, #tpu.memory_space<vmem>>, vector<16xf32>,
        %swap3A_956 = arith.index_cast %scan3A_586 : i32 to index
        %swap3A_957 = arith.constant 1968 : index
        %swap3A_958 = tpu.vector_load %arg9[%swap3A_956, %swap3A_957] {strides = array<i32>} : memref<16x2048xf32, #tpu.memory_space<vmem>>, vector<16xf32>,
        tpu.vector_store %arg9[%swap3A_956, %swap3A_957], %broadcast_in_dim3A_3 {strides = array<i32>} : memref<16x2048xf32, #tpu.memory_space<vmem>>, vector<16xf32>,
        %swap3A_959 = arith.index_cast %scan3A_586 : i32 to index
        %swap3A_960 = arith.constant 1984 : index
        %swap3A_961 = tpu.vector_load %arg9[%swap3A_959, %swap3A_960] {strides = array<i32>} : memref<16x2048xf32, #tpu.memory_space<vmem>>, vector<16xf32>,
        tpu.vector_store %arg9[%swap3A_959, %swap3A_960], %broadcast_in_dim3A_3 {strides = array<i32>} : memref<16x2048xf32, #tpu.memory_space<vmem>>, vector<16xf32>,
        %swap3A_962 = arith.index_cast %scan3A_586 : i32 to index
        %swap3A_963 = arith.constant 2000 : index
        %swap3A_964 = tpu.vector_load %arg9[%swap3A_962, %swap3A_963] {strides = array<i32>} : memref<16x2048xf32, #tpu.memory_space<vmem>>, vector<16xf32>,
        tpu.vector_store %arg9[%swap3A_962, %swap3A_963], %broadcast_in_dim3A_3 {strides = array<i32>} : memref<16x2048xf32, #tpu.memory_space<vmem>>, vector<16xf32>,
        %swap3A_965 = arith.index_cast %scan3A_586 : i32 to index
        %swap3A_966 = arith.constant 2016 : index
        %swap3A_967 = tpu.vector_load %arg9[%swap3A_965, %swap3A_966] {strides = array<i32>} : memref<16x2048xf32, #tpu.memory_space<vmem>>, vector<16xf32>,
        tpu.vector_store %arg9[%swap3A_965, %swap3A_966], %broadcast_in_dim3A_3 {strides = array<i32>} : memref<16x2048xf32, #tpu.memory_space<vmem>>, vector<16xf32>,
        %swap3A_968 = arith.index_cast %scan3A_586 : i32 to index
        %swap3A_969 = arith.constant 2032 : index
        %swap3A_970 = tpu.vector_load %arg9[%swap3A_968, %swap3A_969] {strides = array<i32>} : memref<16x2048xf32, #tpu.memory_space<vmem>>, vector<16xf32>,
        tpu.vector_store %arg9[%swap3A_968, %swap3A_969], %broadcast_in_dim3A_3 {strides = array<i32>} : memref<16x2048xf32, #tpu.memory_space<vmem>>, vector<16xf32>,
      }
      %scan3A_95 = arith.constant 16 : i32
      %div3A_96 = arith.constant 4 : i32
      %div3A_97 = arith.divsi %add3A_87, %div3A_96 : i32
      %rem3A_98 = arith.constant 4 : i32
      %rem3A_99 = arith.remsi %add3A_87, %rem3A_98 : i32
      %mul3A_100 = arith.constant 16 : i32
      %mul3A_101 = arith.muli %rem3A_99, %mul3A_100 : i32
      %dma_wait3A_102 = arith.constant 0 : i32
      %dma_wait3A_103 = arith.constant 0 : i32
      %dma_wait3A_104 = tpu.memref_slice %arg3[%div3A_97, %dma_wait3A_102, %mul3A_101, %dma_wait3A_103] : memref<256x1x64x512xi32, #tpu.memory_space<hbm>> -> memref<1x1x16x512xi32, #tpu.memory_space<hbm>>
      %dma_wait3A_105 = tpu.memref_squeeze %dma_wait3A_104 : memref<1x1x16x512xi32, #tpu.memory_space<hbm>> -> memref<16x512xi32, #tpu.memory_space<hbm>>
      %dma_wait3A_106 = arith.constant 0 : i32
      %dma_wait3A_107 = tpu.memref_slice %arg3[%div3A_97, %dma_wait3A_102, %mul3A_101, %dma_wait3A_106] : memref<256x1x64x512xi32, #tpu.memory_space<hbm>> -> memref<1x1x16x512xi32, #tpu.memory_space<hbm>>
      %dma_wait3A_108 = tpu.memref_squeeze %dma_wait3A_107 : memref<1x1x16x512xi32, #tpu.memory_space<hbm>> -> memref<16x512xi32, #tpu.memory_space<hbm>>
      tpu.wait_dma2 semaphore(%arg11 : memref<!tpu.dma_semaphore, #tpu.memory_space<semaphore_mem>>) src(%dma_wait3A_108 : memref<16x512xi32, #tpu.memory_space<hbm>>) dst(%arg5 : memref<16x512xi32, #tpu.memory_space<vmem>>)
      %dma_wait3A_109 = arith.constant 0 : i32
      %dma_wait3A_110 = arith.constant 0 : i32
      %dma_wait3A_111 = tpu.memref_slice %arg2[%div3A_97, %dma_wait3A_109, %mul3A_101, %dma_wait3A_110] : memref<256x1x64x512xf32, #tpu.memory_space<hbm>> -> memref<1x1x16x512xf32, #tpu.memory_space<hbm>>
      %dma_wait3A_112 = tpu.memref_squeeze %dma_wait3A_111 : memref<1x1x16x512xf32, #tpu.memory_space<hbm>> -> memref<16x512xf32, #tpu.memory_space<hbm>>
      %dma_wait3A_113 = arith.constant 0 : i32
      %dma_wait3A_114 = tpu.memref_slice %arg2[%div3A_97, %dma_wait3A_109, %mul3A_101, %dma_wait3A_113] : memref<256x1x64x512xf32, #tpu.memory_space<hbm>> -> memref<1x1x16x512xf32, #tpu.memory_space<hbm>>
      %dma_wait3A_115 = tpu.memref_squeeze %dma_wait3A_114 : memref<1x1x16x512xf32, #tpu.memory_space<hbm>> -> memref<16x512xf32, #tpu.memory_space<hbm>>
      tpu.wait_dma2 semaphore(%arg11 : memref<!tpu.dma_semaphore, #tpu.memory_space<semaphore_mem>>) src(%dma_wait3A_115 : memref<16x512xf32, #tpu.memory_space<hbm>>) dst(%arg7 : memref<16x512xf32, #tpu.memory_space<vmem>>)
      %scan3A_116 = arith.constant 0 : i32
      %scan3A_117 = arith.constant 0 : i32
      %scan3A_118 = arith.constant 16 : i32
      %scan3A_119 = arith.addi %scan3A_117, %scan3A_118 : i32
      %scan3A_120 = arith.constant 2 : i32
      scf.for %scan3A_201 = %scan3A_117 to %scan3A_119 step %scan3A_120  : i32 {
        %broadcast_in_dim3A_202 = arith.constant 0 : i32
        %broadcast_in_dim3A_203 = vector.broadcast %broadcast_in_dim3A_202 : i32 to vector<16xi32>
        %add3A_204 = vector.broadcast %scan3A_201 : i32 to vector<16xi32>
        %add3A_205 = arith.addi %broadcast_in_dim3A_203, %add3A_204 : vector<16xi32>
        %get3A = arith.index_cast %scan3A_201 : i32 to index
        %get3A_206 = arith.constant 0 : index
        %get3A_207 = tpu.vector_load %arg5[%get3A, %get3A_206] {strides = array<i32>} : memref<16x512xi32, #tpu.memory_space<vmem>>, vector<16xi32>,
        %shift_right_logical3A = arith.constant 6 : i32
        %shift_right_logical3A_208 = vector.broadcast %shift_right_logical3A : i32 to vector<16xi32>
        %shift_right_logical3A_209 = arith.shrui %get3A_207, %shift_right_logical3A_208 : vector<16xi32>
        %get3A_210 = arith.index_cast %scan3A_201 : i32 to index
        %get3A_211 = arith.constant 0 : index
        %get3A_212 = tpu.vector_load %arg7[%get3A_210, %get3A_211] {strides = array<i32>} : memref<16x512xf32, #tpu.memory_space<vmem>>, vector<16xf32>,
        tpu.vector_store_idx %arg9[%add3A_205, %shift_right_logical3A_209], %get3A_212 : memref<16x2048xf32, #tpu.memory_space<vmem>>[vector<16xi32>, vector<16xi32>], vector<16xf32>,
        %get3A_213 = arith.index_cast %scan3A_201 : i32 to index
        %get3A_214 = arith.constant 16 : index
        %get3A_215 = tpu.vector_load %arg5[%get3A_213, %get3A_214] {strides = array<i32>} : memref<16x512xi32, #tpu.memory_space<vmem>>, vector<16xi32>,
        %shift_right_logical3A_216 = arith.constant 6 : i32
        %shift_right_logical3A_217 = vector.broadcast %shift_right_logical3A_216 : i32 to vector<16xi32>
        %shift_right_logical3A_218 = arith.shrui %get3A_215, %shift_right_logical3A_217 : vector<16xi32>
        %get3A_219 = arith.index_cast %scan3A_201 : i32 to index
        %get3A_220 = arith.constant 16 : index
        %get3A_221 = tpu.vector_load %arg7[%get3A_219, %get3A_220] {strides = array<i32>} : memref<16x512xf32, #tpu.memory_space<vmem>>, vector<16xf32>,
        tpu.vector_store_idx %arg9[%add3A_205, %shift_right_logical3A_218], %get3A_221 : memref<16x2048xf32, #tpu.memory_space<vmem>>[vector<16xi32>, vector<16xi32>], vector<16xf32>,
        %get3A_222 = arith.index_cast %scan3A_201 : i32 to index
        %get3A_223 = arith.constant 32 : index
        %get3A_224 = tpu.vector_load %arg5[%get3A_222, %get3A_223] {strides = array<i32>} : memref<16x512xi32, #tpu.memory_space<vmem>>, vector<16xi32>,
        %shift_right_logical3A_225 = arith.constant 6 : i32
        %shift_right_logical3A_226 = vector.broadcast %shift_right_logical3A_225 : i32 to vector<16xi32>
        %shift_right_logical3A_227 = arith.shrui %get3A_224, %shift_right_logical3A_226 : vector<16xi32>
        %get3A_228 = arith.index_cast %scan3A_201 : i32 to index
        %get3A_229 = arith.constant 32 : index
        %get3A_230 = tpu.vector_load %arg7[%get3A_228, %get3A_229] {strides = array<i32>} : memref<16x512xf32, #tpu.memory_space<vmem>>, vector<16xf32>,
        tpu.vector_store_idx %arg9[%add3A_205, %shift_right_logical3A_227], %get3A_230 : memref<16x2048xf32, #tpu.memory_space<vmem>>[vector<16xi32>, vector<16xi32>], vector<16xf32>,
        %get3A_231 = arith.index_cast %scan3A_201 : i32 to index
        %get3A_232 = arith.constant 48 : index
        %get3A_233 = tpu.vector_load %arg5[%get3A_231, %get3A_232] {strides = array<i32>} : memref<16x512xi32, #tpu.memory_space<vmem>>, vector<16xi32>,
        %shift_right_logical3A_234 = arith.constant 6 : i32
        %shift_right_logical3A_235 = vector.broadcast %shift_right_logical3A_234 : i32 to vector<16xi32>
        %shift_right_logical3A_236 = arith.shrui %get3A_233, %shift_right_logical3A_235 : vector<16xi32>
        %get3A_237 = arith.index_cast %scan3A_201 : i32 to index
        %get3A_238 = arith.constant 48 : index
        %get3A_239 = tpu.vector_load %arg7[%get3A_237, %get3A_238] {strides = array<i32>} : memref<16x512xf32, #tpu.memory_space<vmem>>, vector<16xf32>,
        tpu.vector_store_idx %arg9[%add3A_205, %shift_right_logical3A_236], %get3A_239 : memref<16x2048xf32, #tpu.memory_space<vmem>>[vector<16xi32>, vector<16xi32>], vector<16xf32>,
        %get3A_240 = arith.index_cast %scan3A_201 : i32 to index
        %get3A_241 = arith.constant 64 : index
        %get3A_242 = tpu.vector_load %arg5[%get3A_240, %get3A_241] {strides = array<i32>} : memref<16x512xi32, #tpu.memory_space<vmem>>, vector<16xi32>,
        %shift_right_logical3A_243 = arith.constant 6 : i32
        %shift_right_logical3A_244 = vector.broadcast %shift_right_logical3A_243 : i32 to vector<16xi32>
        %shift_right_logical3A_245 = arith.shrui %get3A_242, %shift_right_logical3A_244 : vector<16xi32>
        %get3A_246 = arith.index_cast %scan3A_201 : i32 to index
        %get3A_247 = arith.constant 64 : index
        %get3A_248 = tpu.vector_load %arg7[%get3A_246, %get3A_247] {strides = array<i32>} : memref<16x512xf32, #tpu.memory_space<vmem>>, vector<16xf32>,
        tpu.vector_store_idx %arg9[%add3A_205, %shift_right_logical3A_245], %get3A_248 : memref<16x2048xf32, #tpu.memory_space<vmem>>[vector<16xi32>, vector<16xi32>], vector<16xf32>,
        %get3A_249 = arith.index_cast %scan3A_201 : i32 to index
        %get3A_250 = arith.constant 80 : index
        %get3A_251 = tpu.vector_load %arg5[%get3A_249, %get3A_250] {strides = array<i32>} : memref<16x512xi32, #tpu.memory_space<vmem>>, vector<16xi32>,
        %shift_right_logical3A_252 = arith.constant 6 : i32
        %shift_right_logical3A_253 = vector.broadcast %shift_right_logical3A_252 : i32 to vector<16xi32>
        %shift_right_logical3A_254 = arith.shrui %get3A_251, %shift_right_logical3A_253 : vector<16xi32>
        %get3A_255 = arith.index_cast %scan3A_201 : i32 to index
        %get3A_256 = arith.constant 80 : index
        %get3A_257 = tpu.vector_load %arg7[%get3A_255, %get3A_256] {strides = array<i32>} : memref<16x512xf32, #tpu.memory_space<vmem>>, vector<16xf32>,
        tpu.vector_store_idx %arg9[%add3A_205, %shift_right_logical3A_254], %get3A_257 : memref<16x2048xf32, #tpu.memory_space<vmem>>[vector<16xi32>, vector<16xi32>], vector<16xf32>,
        %get3A_258 = arith.index_cast %scan3A_201 : i32 to index
        %get3A_259 = arith.constant 96 : index
        %get3A_260 = tpu.vector_load %arg5[%get3A_258, %get3A_259] {strides = array<i32>} : memref<16x512xi32, #tpu.memory_space<vmem>>, vector<16xi32>,
        %shift_right_logical3A_261 = arith.constant 6 : i32
        %shift_right_logical3A_262 = vector.broadcast %shift_right_logical3A_261 : i32 to vector<16xi32>
        %shift_right_logical3A_263 = arith.shrui %get3A_260, %shift_right_logical3A_262 : vector<16xi32>
        %get3A_264 = arith.index_cast %scan3A_201 : i32 to index
        %get3A_265 = arith.constant 96 : index
        %get3A_266 = tpu.vector_load %arg7[%get3A_264, %get3A_265] {strides = array<i32>} : memref<16x512xf32, #tpu.memory_space<vmem>>, vector<16xf32>,
        tpu.vector_store_idx %arg9[%add3A_205, %shift_right_logical3A_263], %get3A_266 : memref<16x2048xf32, #tpu.memory_space<vmem>>[vector<16xi32>, vector<16xi32>], vector<16xf32>,
        %get3A_267 = arith.index_cast %scan3A_201 : i32 to index
        %get3A_268 = arith.constant 112 : index
        %get3A_269 = tpu.vector_load %arg5[%get3A_267, %get3A_268] {strides = array<i32>} : memref<16x512xi32, #tpu.memory_space<vmem>>, vector<16xi32>,
        %shift_right_logical3A_270 = arith.constant 6 : i32
        %shift_right_logical3A_271 = vector.broadcast %shift_right_logical3A_270 : i32 to vector<16xi32>
        %shift_right_logical3A_272 = arith.shrui %get3A_269, %shift_right_logical3A_271 : vector<16xi32>
        %get3A_273 = arith.index_cast %scan3A_201 : i32 to index
        %get3A_274 = arith.constant 112 : index
        %get3A_275 = tpu.vector_load %arg7[%get3A_273, %get3A_274] {strides = array<i32>} : memref<16x512xf32, #tpu.memory_space<vmem>>, vector<16xf32>,
        tpu.vector_store_idx %arg9[%add3A_205, %shift_right_logical3A_272], %get3A_275 : memref<16x2048xf32, #tpu.memory_space<vmem>>[vector<16xi32>, vector<16xi32>], vector<16xf32>,
        %get3A_276 = arith.index_cast %scan3A_201 : i32 to index
        %get3A_277 = arith.constant 128 : index
        %get3A_278 = tpu.vector_load %arg5[%get3A_276, %get3A_277] {strides = array<i32>} : memref<16x512xi32, #tpu.memory_space<vmem>>, vector<16xi32>,
        %shift_right_logical3A_279 = arith.constant 6 : i32
        %shift_right_logical3A_280 = vector.broadcast %shift_right_logical3A_279 : i32 to vector<16xi32>
        %shift_right_logical3A_281 = arith.shrui %get3A_278, %shift_right_logical3A_280 : vector<16xi32>
        %get3A_282 = arith.index_cast %scan3A_201 : i32 to index
        %get3A_283 = arith.constant 128 : index
        %get3A_284 = tpu.vector_load %arg7[%get3A_282, %get3A_283] {strides = array<i32>} : memref<16x512xf32, #tpu.memory_space<vmem>>, vector<16xf32>,
        tpu.vector_store_idx %arg9[%add3A_205, %shift_right_logical3A_281], %get3A_284 : memref<16x2048xf32, #tpu.memory_space<vmem>>[vector<16xi32>, vector<16xi32>], vector<16xf32>,
        %get3A_285 = arith.index_cast %scan3A_201 : i32 to index
        %get3A_286 = arith.constant 144 : index
        %get3A_287 = tpu.vector_load %arg5[%get3A_285, %get3A_286] {strides = array<i32>} : memref<16x512xi32, #tpu.memory_space<vmem>>, vector<16xi32>,
        %shift_right_logical3A_288 = arith.constant 6 : i32
        %shift_right_logical3A_289 = vector.broadcast %shift_right_logical3A_288 : i32 to vector<16xi32>
        %shift_right_logical3A_290 = arith.shrui %get3A_287, %shift_right_logical3A_289 : vector<16xi32>
        %get3A_291 = arith.index_cast %scan3A_201 : i32 to index
        %get3A_292 = arith.constant 144 : index
        %get3A_293 = tpu.vector_load %arg7[%get3A_291, %get3A_292] {strides = array<i32>} : memref<16x512xf32, #tpu.memory_space<vmem>>, vector<16xf32>,
        tpu.vector_store_idx %arg9[%add3A_205, %shift_right_logical3A_290], %get3A_293 : memref<16x2048xf32, #tpu.memory_space<vmem>>[vector<16xi32>, vector<16xi32>], vector<16xf32>,
        %get3A_294 = arith.index_cast %scan3A_201 : i32 to index
        %get3A_295 = arith.constant 160 : index
        %get3A_296 = tpu.vector_load %arg5[%get3A_294, %get3A_295] {strides = array<i32>} : memref<16x512xi32, #tpu.memory_space<vmem>>, vector<16xi32>,
        %shift_right_logical3A_297 = arith.constant 6 : i32
        %shift_right_logical3A_298 = vector.broadcast %shift_right_logical3A_297 : i32 to vector<16xi32>
        %shift_right_logical3A_299 = arith.shrui %get3A_296, %shift_right_logical3A_298 : vector<16xi32>
        %get3A_300 = arith.index_cast %scan3A_201 : i32 to index
        %get3A_301 = arith.constant 160 : index
        %get3A_302 = tpu.vector_load %arg7[%get3A_300, %get3A_301] {strides = array<i32>} : memref<16x512xf32, #tpu.memory_space<vmem>>, vector<16xf32>,
        tpu.vector_store_idx %arg9[%add3A_205, %shift_right_logical3A_299], %get3A_302 : memref<16x2048xf32, #tpu.memory_space<vmem>>[vector<16xi32>, vector<16xi32>], vector<16xf32>,
        %get3A_303 = arith.index_cast %scan3A_201 : i32 to index
        %get3A_304 = arith.constant 176 : index
        %get3A_305 = tpu.vector_load %arg5[%get3A_303, %get3A_304] {strides = array<i32>} : memref<16x512xi32, #tpu.memory_space<vmem>>, vector<16xi32>,
        %shift_right_logical3A_306 = arith.constant 6 : i32
        %shift_right_logical3A_307 = vector.broadcast %shift_right_logical3A_306 : i32 to vector<16xi32>
        %shift_right_logical3A_308 = arith.shrui %get3A_305, %shift_right_logical3A_307 : vector<16xi32>
        %get3A_309 = arith.index_cast %scan3A_201 : i32 to index
        %get3A_310 = arith.constant 176 : index
        %get3A_311 = tpu.vector_load %arg7[%get3A_309, %get3A_310] {strides = array<i32>} : memref<16x512xf32, #tpu.memory_space<vmem>>, vector<16xf32>,
        tpu.vector_store_idx %arg9[%add3A_205, %shift_right_logical3A_308], %get3A_311 : memref<16x2048xf32, #tpu.memory_space<vmem>>[vector<16xi32>, vector<16xi32>], vector<16xf32>,
        %get3A_312 = arith.index_cast %scan3A_201 : i32 to index
        %get3A_313 = arith.constant 192 : index
        %get3A_314 = tpu.vector_load %arg5[%get3A_312, %get3A_313] {strides = array<i32>} : memref<16x512xi32, #tpu.memory_space<vmem>>, vector<16xi32>,
        %shift_right_logical3A_315 = arith.constant 6 : i32
        %shift_right_logical3A_316 = vector.broadcast %shift_right_logical3A_315 : i32 to vector<16xi32>
        %shift_right_logical3A_317 = arith.shrui %get3A_314, %shift_right_logical3A_316 : vector<16xi32>
        %get3A_318 = arith.index_cast %scan3A_201 : i32 to index
        %get3A_319 = arith.constant 192 : index
        %get3A_320 = tpu.vector_load %arg7[%get3A_318, %get3A_319] {strides = array<i32>} : memref<16x512xf32, #tpu.memory_space<vmem>>, vector<16xf32>,
        tpu.vector_store_idx %arg9[%add3A_205, %shift_right_logical3A_317], %get3A_320 : memref<16x2048xf32, #tpu.memory_space<vmem>>[vector<16xi32>, vector<16xi32>], vector<16xf32>,
        %get3A_321 = arith.index_cast %scan3A_201 : i32 to index
        %get3A_322 = arith.constant 208 : index
        %get3A_323 = tpu.vector_load %arg5[%get3A_321, %get3A_322] {strides = array<i32>} : memref<16x512xi32, #tpu.memory_space<vmem>>, vector<16xi32>,
        %shift_right_logical3A_324 = arith.constant 6 : i32
        %shift_right_logical3A_325 = vector.broadcast %shift_right_logical3A_324 : i32 to vector<16xi32>
        %shift_right_logical3A_326 = arith.shrui %get3A_323, %shift_right_logical3A_325 : vector<16xi32>
        %get3A_327 = arith.index_cast %scan3A_201 : i32 to index
        %get3A_328 = arith.constant 208 : index
        %get3A_329 = tpu.vector_load %arg7[%get3A_327, %get3A_328] {strides = array<i32>} : memref<16x512xf32, #tpu.memory_space<vmem>>, vector<16xf32>,
        tpu.vector_store_idx %arg9[%add3A_205, %shift_right_logical3A_326], %get3A_329 : memref<16x2048xf32, #tpu.memory_space<vmem>>[vector<16xi32>, vector<16xi32>], vector<16xf32>,
        %get3A_330 = arith.index_cast %scan3A_201 : i32 to index
        %get3A_331 = arith.constant 224 : index
        %get3A_332 = tpu.vector_load %arg5[%get3A_330, %get3A_331] {strides = array<i32>} : memref<16x512xi32, #tpu.memory_space<vmem>>, vector<16xi32>,
        %shift_right_logical3A_333 = arith.constant 6 : i32
        %shift_right_logical3A_334 = vector.broadcast %shift_right_logical3A_333 : i32 to vector<16xi32>
        %shift_right_logical3A_335 = arith.shrui %get3A_332, %shift_right_logical3A_334 : vector<16xi32>
        %get3A_336 = arith.index_cast %scan3A_201 : i32 to index
        %get3A_337 = arith.constant 224 : index
        %get3A_338 = tpu.vector_load %arg7[%get3A_336, %get3A_337] {strides = array<i32>} : memref<16x512xf32, #tpu.memory_space<vmem>>, vector<16xf32>,
        tpu.vector_store_idx %arg9[%add3A_205, %shift_right_logical3A_335], %get3A_338 : memref<16x2048xf32, #tpu.memory_space<vmem>>[vector<16xi32>, vector<16xi32>], vector<16xf32>,
        %get3A_339 = arith.index_cast %scan3A_201 : i32 to index
        %get3A_340 = arith.constant 240 : index
        %get3A_341 = tpu.vector_load %arg5[%get3A_339, %get3A_340] {strides = array<i32>} : memref<16x512xi32, #tpu.memory_space<vmem>>, vector<16xi32>,
        %shift_right_logical3A_342 = arith.constant 6 : i32
        %shift_right_logical3A_343 = vector.broadcast %shift_right_logical3A_342 : i32 to vector<16xi32>
        %shift_right_logical3A_344 = arith.shrui %get3A_341, %shift_right_logical3A_343 : vector<16xi32>
        %get3A_345 = arith.index_cast %scan3A_201 : i32 to index
        %get3A_346 = arith.constant 240 : index
        %get3A_347 = tpu.vector_load %arg7[%get3A_345, %get3A_346] {strides = array<i32>} : memref<16x512xf32, #tpu.memory_space<vmem>>, vector<16xf32>,
        tpu.vector_store_idx %arg9[%add3A_205, %shift_right_logical3A_344], %get3A_347 : memref<16x2048xf32, #tpu.memory_space<vmem>>[vector<16xi32>, vector<16xi32>], vector<16xf32>,
        %get3A_348 = arith.index_cast %scan3A_201 : i32 to index
        %get3A_349 = arith.constant 256 : index
        %get3A_350 = tpu.vector_load %arg5[%get3A_348, %get3A_349] {strides = array<i32>} : memref<16x512xi32, #tpu.memory_space<vmem>>, vector<16xi32>,
        %shift_right_logical3A_351 = arith.constant 6 : i32
        %shift_right_logical3A_352 = vector.broadcast %shift_right_logical3A_351 : i32 to vector<16xi32>
        %shift_right_logical3A_353 = arith.shrui %get3A_350, %shift_right_logical3A_352 : vector<16xi32>
        %get3A_354 = arith.index_cast %scan3A_201 : i32 to index
        %get3A_355 = arith.constant 256 : index
        %get3A_356 = tpu.vector_load %arg7[%get3A_354, %get3A_355] {strides = array<i32>} : memref<16x512xf32, #tpu.memory_space<vmem>>, vector<16xf32>,
        tpu.vector_store_idx %arg9[%add3A_205, %shift_right_logical3A_353], %get3A_356 : memref<16x2048xf32, #tpu.memory_space<vmem>>[vector<16xi32>, vector<16xi32>], vector<16xf32>,
        %get3A_357 = arith.index_cast %scan3A_201 : i32 to index
        %get3A_358 = arith.constant 272 : index
        %get3A_359 = tpu.vector_load %arg5[%get3A_357, %get3A_358] {strides = array<i32>} : memref<16x512xi32, #tpu.memory_space<vmem>>, vector<16xi32>,
        %shift_right_logical3A_360 = arith.constant 6 : i32
        %shift_right_logical3A_361 = vector.broadcast %shift_right_logical3A_360 : i32 to vector<16xi32>
        %shift_right_logical3A_362 = arith.shrui %get3A_359, %shift_right_logical3A_361 : vector<16xi32>
        %get3A_363 = arith.index_cast %scan3A_201 : i32 to index
        %get3A_364 = arith.constant 272 : index
        %get3A_365 = tpu.vector_load %arg7[%get3A_363, %get3A_364] {strides = array<i32>} : memref<16x512xf32, #tpu.memory_space<vmem>>, vector<16xf32>,
        tpu.vector_store_idx %arg9[%add3A_205, %shift_right_logical3A_362], %get3A_365 : memref<16x2048xf32, #tpu.memory_space<vmem>>[vector<16xi32>, vector<16xi32>], vector<16xf32>,
        %get3A_366 = arith.index_cast %scan3A_201 : i32 to index
        %get3A_367 = arith.constant 288 : index
        %get3A_368 = tpu.vector_load %arg5[%get3A_366, %get3A_367] {strides = array<i32>} : memref<16x512xi32, #tpu.memory_space<vmem>>, vector<16xi32>,
        %shift_right_logical3A_369 = arith.constant 6 : i32
        %shift_right_logical3A_370 = vector.broadcast %shift_right_logical3A_369 : i32 to vector<16xi32>
        %shift_right_logical3A_371 = arith.shrui %get3A_368, %shift_right_logical3A_370 : vector<16xi32>
        %get3A_372 = arith.index_cast %scan3A_201 : i32 to index
        %get3A_373 = arith.constant 288 : index
        %get3A_374 = tpu.vector_load %arg7[%get3A_372, %get3A_373] {strides = array<i32>} : memref<16x512xf32, #tpu.memory_space<vmem>>, vector<16xf32>,
        tpu.vector_store_idx %arg9[%add3A_205, %shift_right_logical3A_371], %get3A_374 : memref<16x2048xf32, #tpu.memory_space<vmem>>[vector<16xi32>, vector<16xi32>], vector<16xf32>,
        %get3A_375 = arith.index_cast %scan3A_201 : i32 to index
        %get3A_376 = arith.constant 304 : index
        %get3A_377 = tpu.vector_load %arg5[%get3A_375, %get3A_376] {strides = array<i32>} : memref<16x512xi32, #tpu.memory_space<vmem>>, vector<16xi32>,
        %shift_right_logical3A_378 = arith.constant 6 : i32
        %shift_right_logical3A_379 = vector.broadcast %shift_right_logical3A_378 : i32 to vector<16xi32>
        %shift_right_logical3A_380 = arith.shrui %get3A_377, %shift_right_logical3A_379 : vector<16xi32>
        %get3A_381 = arith.index_cast %scan3A_201 : i32 to index
        %get3A_382 = arith.constant 304 : index
        %get3A_383 = tpu.vector_load %arg7[%get3A_381, %get3A_382] {strides = array<i32>} : memref<16x512xf32, #tpu.memory_space<vmem>>, vector<16xf32>,
        tpu.vector_store_idx %arg9[%add3A_205, %shift_right_logical3A_380], %get3A_383 : memref<16x2048xf32, #tpu.memory_space<vmem>>[vector<16xi32>, vector<16xi32>], vector<16xf32>,
        %get3A_384 = arith.index_cast %scan3A_201 : i32 to index
        %get3A_385 = arith.constant 320 : index
        %get3A_386 = tpu.vector_load %arg5[%get3A_384, %get3A_385] {strides = array<i32>} : memref<16x512xi32, #tpu.memory_space<vmem>>, vector<16xi32>,
        %shift_right_logical3A_387 = arith.constant 6 : i32
        %shift_right_logical3A_388 = vector.broadcast %shift_right_logical3A_387 : i32 to vector<16xi32>
        %shift_right_logical3A_389 = arith.shrui %get3A_386, %shift_right_logical3A_388 : vector<16xi32>
        %get3A_390 = arith.index_cast %scan3A_201 : i32 to index
        %get3A_391 = arith.constant 320 : index
        %get3A_392 = tpu.vector_load %arg7[%get3A_390, %get3A_391] {strides = array<i32>} : memref<16x512xf32, #tpu.memory_space<vmem>>, vector<16xf32>,
        tpu.vector_store_idx %arg9[%add3A_205, %shift_right_logical3A_389], %get3A_392 : memref<16x2048xf32, #tpu.memory_space<vmem>>[vector<16xi32>, vector<16xi32>], vector<16xf32>,
        %get3A_393 = arith.index_cast %scan3A_201 : i32 to index
        %get3A_394 = arith.constant 336 : index
        %get3A_395 = tpu.vector_load %arg5[%get3A_393, %get3A_394] {strides = array<i32>} : memref<16x512xi32, #tpu.memory_space<vmem>>, vector<16xi32>,
        %shift_right_logical3A_396 = arith.constant 6 : i32
        %shift_right_logical3A_397 = vector.broadcast %shift_right_logical3A_396 : i32 to vector<16xi32>
        %shift_right_logical3A_398 = arith.shrui %get3A_395, %shift_right_logical3A_397 : vector<16xi32>
        %get3A_399 = arith.index_cast %scan3A_201 : i32 to index
        %get3A_400 = arith.constant 336 : index
        %get3A_401 = tpu.vector_load %arg7[%get3A_399, %get3A_400] {strides = array<i32>} : memref<16x512xf32, #tpu.memory_space<vmem>>, vector<16xf32>,
        tpu.vector_store_idx %arg9[%add3A_205, %shift_right_logical3A_398], %get3A_401 : memref<16x2048xf32, #tpu.memory_space<vmem>>[vector<16xi32>, vector<16xi32>], vector<16xf32>,
        %get3A_402 = arith.index_cast %scan3A_201 : i32 to index
        %get3A_403 = arith.constant 352 : index
        %get3A_404 = tpu.vector_load %arg5[%get3A_402, %get3A_403] {strides = array<i32>} : memref<16x512xi32, #tpu.memory_space<vmem>>, vector<16xi32>,
        %shift_right_logical3A_405 = arith.constant 6 : i32
        %shift_right_logical3A_406 = vector.broadcast %shift_right_logical3A_405 : i32 to vector<16xi32>
        %shift_right_logical3A_407 = arith.shrui %get3A_404, %shift_right_logical3A_406 : vector<16xi32>
        %get3A_408 = arith.index_cast %scan3A_201 : i32 to index
        %get3A_409 = arith.constant 352 : index
        %get3A_410 = tpu.vector_load %arg7[%get3A_408, %get3A_409] {strides = array<i32>} : memref<16x512xf32, #tpu.memory_space<vmem>>, vector<16xf32>,
        tpu.vector_store_idx %arg9[%add3A_205, %shift_right_logical3A_407], %get3A_410 : memref<16x2048xf32, #tpu.memory_space<vmem>>[vector<16xi32>, vector<16xi32>], vector<16xf32>,
        %get3A_411 = arith.index_cast %scan3A_201 : i32 to index
        %get3A_412 = arith.constant 368 : index
        %get3A_413 = tpu.vector_load %arg5[%get3A_411, %get3A_412] {strides = array<i32>} : memref<16x512xi32, #tpu.memory_space<vmem>>, vector<16xi32>,
        %shift_right_logical3A_414 = arith.constant 6 : i32
        %shift_right_logical3A_415 = vector.broadcast %shift_right_logical3A_414 : i32 to vector<16xi32>
        %shift_right_logical3A_416 = arith.shrui %get3A_413, %shift_right_logical3A_415 : vector<16xi32>
        %get3A_417 = arith.index_cast %scan3A_201 : i32 to index
        %get3A_418 = arith.constant 368 : index
        %get3A_419 = tpu.vector_load %arg7[%get3A_417, %get3A_418] {strides = array<i32>} : memref<16x512xf32, #tpu.memory_space<vmem>>, vector<16xf32>,
        tpu.vector_store_idx %arg9[%add3A_205, %shift_right_logical3A_416], %get3A_419 : memref<16x2048xf32, #tpu.memory_space<vmem>>[vector<16xi32>, vector<16xi32>], vector<16xf32>,
        %get3A_420 = arith.index_cast %scan3A_201 : i32 to index
        %get3A_421 = arith.constant 384 : index
        %get3A_422 = tpu.vector_load %arg5[%get3A_420, %get3A_421] {strides = array<i32>} : memref<16x512xi32, #tpu.memory_space<vmem>>, vector<16xi32>,
        %shift_right_logical3A_423 = arith.constant 6 : i32
        %shift_right_logical3A_424 = vector.broadcast %shift_right_logical3A_423 : i32 to vector<16xi32>
        %shift_right_logical3A_425 = arith.shrui %get3A_422, %shift_right_logical3A_424 : vector<16xi32>
        %get3A_426 = arith.index_cast %scan3A_201 : i32 to index
        %get3A_427 = arith.constant 384 : index
        %get3A_428 = tpu.vector_load %arg7[%get3A_426, %get3A_427] {strides = array<i32>} : memref<16x512xf32, #tpu.memory_space<vmem>>, vector<16xf32>,
        tpu.vector_store_idx %arg9[%add3A_205, %shift_right_logical3A_425], %get3A_428 : memref<16x2048xf32, #tpu.memory_space<vmem>>[vector<16xi32>, vector<16xi32>], vector<16xf32>,
        %get3A_429 = arith.index_cast %scan3A_201 : i32 to index
        %get3A_430 = arith.constant 400 : index
        %get3A_431 = tpu.vector_load %arg5[%get3A_429, %get3A_430] {strides = array<i32>} : memref<16x512xi32, #tpu.memory_space<vmem>>, vector<16xi32>,
        %shift_right_logical3A_432 = arith.constant 6 : i32
        %shift_right_logical3A_433 = vector.broadcast %shift_right_logical3A_432 : i32 to vector<16xi32>
        %shift_right_logical3A_434 = arith.shrui %get3A_431, %shift_right_logical3A_433 : vector<16xi32>
        %get3A_435 = arith.index_cast %scan3A_201 : i32 to index
        %get3A_436 = arith.constant 400 : index
        %get3A_437 = tpu.vector_load %arg7[%get3A_435, %get3A_436] {strides = array<i32>} : memref<16x512xf32, #tpu.memory_space<vmem>>, vector<16xf32>,
        tpu.vector_store_idx %arg9[%add3A_205, %shift_right_logical3A_434], %get3A_437 : memref<16x2048xf32, #tpu.memory_space<vmem>>[vector<16xi32>, vector<16xi32>], vector<16xf32>,
        %get3A_438 = arith.index_cast %scan3A_201 : i32 to index
        %get3A_439 = arith.constant 416 : index
        %get3A_440 = tpu.vector_load %arg5[%get3A_438, %get3A_439] {strides = array<i32>} : memref<16x512xi32, #tpu.memory_space<vmem>>, vector<16xi32>,
        %shift_right_logical3A_441 = arith.constant 6 : i32
        %shift_right_logical3A_442 = vector.broadcast %shift_right_logical3A_441 : i32 to vector<16xi32>
        %shift_right_logical3A_443 = arith.shrui %get3A_440, %shift_right_logical3A_442 : vector<16xi32>
        %get3A_444 = arith.index_cast %scan3A_201 : i32 to index
        %get3A_445 = arith.constant 416 : index
        %get3A_446 = tpu.vector_load %arg7[%get3A_444, %get3A_445] {strides = array<i32>} : memref<16x512xf32, #tpu.memory_space<vmem>>, vector<16xf32>,
        tpu.vector_store_idx %arg9[%add3A_205, %shift_right_logical3A_443], %get3A_446 : memref<16x2048xf32, #tpu.memory_space<vmem>>[vector<16xi32>, vector<16xi32>], vector<16xf32>,
        %get3A_447 = arith.index_cast %scan3A_201 : i32 to index
        %get3A_448 = arith.constant 432 : index
        %get3A_449 = tpu.vector_load %arg5[%get3A_447, %get3A_448] {strides = array<i32>} : memref<16x512xi32, #tpu.memory_space<vmem>>, vector<16xi32>,
        %shift_right_logical3A_450 = arith.constant 6 : i32
        %shift_right_logical3A_451 = vector.broadcast %shift_right_logical3A_450 : i32 to vector<16xi32>
        %shift_right_logical3A_452 = arith.shrui %get3A_449, %shift_right_logical3A_451 : vector<16xi32>
        %get3A_453 = arith.index_cast %scan3A_201 : i32 to index
        %get3A_454 = arith.constant 432 : index
        %get3A_455 = tpu.vector_load %arg7[%get3A_453, %get3A_454] {strides = array<i32>} : memref<16x512xf32, #tpu.memory_space<vmem>>, vector<16xf32>,
        tpu.vector_store_idx %arg9[%add3A_205, %shift_right_logical3A_452], %get3A_455 : memref<16x2048xf32, #tpu.memory_space<vmem>>[vector<16xi32>, vector<16xi32>], vector<16xf32>,
        %get3A_456 = arith.index_cast %scan3A_201 : i32 to index
        %get3A_457 = arith.constant 448 : index
        %get3A_458 = tpu.vector_load %arg5[%get3A_456, %get3A_457] {strides = array<i32>} : memref<16x512xi32, #tpu.memory_space<vmem>>, vector<16xi32>,
        %shift_right_logical3A_459 = arith.constant 6 : i32
        %shift_right_logical3A_460 = vector.broadcast %shift_right_logical3A_459 : i32 to vector<16xi32>
        %shift_right_logical3A_461 = arith.shrui %get3A_458, %shift_right_logical3A_460 : vector<16xi32>
        %get3A_462 = arith.index_cast %scan3A_201 : i32 to index
        %get3A_463 = arith.constant 448 : index
        %get3A_464 = tpu.vector_load %arg7[%get3A_462, %get3A_463] {strides = array<i32>} : memref<16x512xf32, #tpu.memory_space<vmem>>, vector<16xf32>,
        tpu.vector_store_idx %arg9[%add3A_205, %shift_right_logical3A_461], %get3A_464 : memref<16x2048xf32, #tpu.memory_space<vmem>>[vector<16xi32>, vector<16xi32>], vector<16xf32>,
        %get3A_465 = arith.index_cast %scan3A_201 : i32 to index
        %get3A_466 = arith.constant 464 : index
        %get3A_467 = tpu.vector_load %arg5[%get3A_465, %get3A_466] {strides = array<i32>} : memref<16x512xi32, #tpu.memory_space<vmem>>, vector<16xi32>,
        %shift_right_logical3A_468 = arith.constant 6 : i32
        %shift_right_logical3A_469 = vector.broadcast %shift_right_logical3A_468 : i32 to vector<16xi32>
        %shift_right_logical3A_470 = arith.shrui %get3A_467, %shift_right_logical3A_469 : vector<16xi32>
        %get3A_471 = arith.index_cast %scan3A_201 : i32 to index
        %get3A_472 = arith.constant 464 : index
        %get3A_473 = tpu.vector_load %arg7[%get3A_471, %get3A_472] {strides = array<i32>} : memref<16x512xf32, #tpu.memory_space<vmem>>, vector<16xf32>,
        tpu.vector_store_idx %arg9[%add3A_205, %shift_right_logical3A_470], %get3A_473 : memref<16x2048xf32, #tpu.memory_space<vmem>>[vector<16xi32>, vector<16xi32>], vector<16xf32>,
        %get3A_474 = arith.index_cast %scan3A_201 : i32 to index
        %get3A_475 = arith.constant 480 : index
        %get3A_476 = tpu.vector_load %arg5[%get3A_474, %get3A_475] {strides = array<i32>} : memref<16x512xi32, #tpu.memory_space<vmem>>, vector<16xi32>,
        %shift_right_logical3A_477 = arith.constant 6 : i32
        %shift_right_logical3A_478 = vector.broadcast %shift_right_logical3A_477 : i32 to vector<16xi32>
        %shift_right_logical3A_479 = arith.shrui %get3A_476, %shift_right_logical3A_478 : vector<16xi32>
        %get3A_480 = arith.index_cast %scan3A_201 : i32 to index
        %get3A_481 = arith.constant 480 : index
        %get3A_482 = tpu.vector_load %arg7[%get3A_480, %get3A_481] {strides = array<i32>} : memref<16x512xf32, #tpu.memory_space<vmem>>, vector<16xf32>,
        tpu.vector_store_idx %arg9[%add3A_205, %shift_right_logical3A_479], %get3A_482 : memref<16x2048xf32, #tpu.memory_space<vmem>>[vector<16xi32>, vector<16xi32>], vector<16xf32>,
        %get3A_483 = arith.index_cast %scan3A_201 : i32 to index
        %get3A_484 = arith.constant 496 : index
        %get3A_485 = tpu.vector_load %arg5[%get3A_483, %get3A_484] {strides = array<i32>} : memref<16x512xi32, #tpu.memory_space<vmem>>, vector<16xi32>,
        %shift_right_logical3A_486 = arith.constant 6 : i32
        %shift_right_logical3A_487 = vector.broadcast %shift_right_logical3A_486 : i32 to vector<16xi32>
        %shift_right_logical3A_488 = arith.shrui %get3A_485, %shift_right_logical3A_487 : vector<16xi32>
        %get3A_489 = arith.index_cast %scan3A_201 : i32 to index
        %get3A_490 = arith.constant 496 : index
        %get3A_491 = tpu.vector_load %arg7[%get3A_489, %get3A_490] {strides = array<i32>} : memref<16x512xf32, #tpu.memory_space<vmem>>, vector<16xf32>,
        tpu.vector_store_idx %arg9[%add3A_205, %shift_right_logical3A_488], %get3A_491 : memref<16x2048xf32, #tpu.memory_space<vmem>>[vector<16xi32>, vector<16xi32>], vector<16xf32>,
        %scan3A_492 = arith.constant 1 : i32
        %scan3A_493 = arith.addi %scan3A_201, %scan3A_492 : i32
        %broadcast_in_dim3A_494 = arith.constant 0 : i32
        %broadcast_in_dim3A_495 = vector.broadcast %broadcast_in_dim3A_494 : i32 to vector<16xi32>
        %add3A_496 = vector.broadcast %scan3A_493 : i32 to vector<16xi32>
        %add3A_497 = arith.addi %broadcast_in_dim3A_495, %add3A_496 : vector<16xi32>
        %get3A_498 = arith.index_cast %scan3A_493 : i32 to index
        %get3A_499 = arith.constant 0 : index
        %get3A_500 = tpu.vector_load %arg5[%get3A_498, %get3A_499] {strides = array<i32>} : memref<16x512xi32, #tpu.memory_space<vmem>>, vector<16xi32>,
        %shift_right_logical3A_501 = arith.constant 6 : i32
        %shift_right_logical3A_502 = vector.broadcast %shift_right_logical3A_501 : i32 to vector<16xi32>
        %shift_right_logical3A_503 = arith.shrui %get3A_500, %shift_right_logical3A_502 : vector<16xi32>
        %get3A_504 = arith.index_cast %scan3A_493 : i32 to index
        %get3A_505 = arith.constant 0 : index
        %get3A_506 = tpu.vector_load %arg7[%get3A_504, %get3A_505] {strides = array<i32>} : memref<16x512xf32, #tpu.memory_space<vmem>>, vector<16xf32>,
        tpu.vector_store_idx %arg9[%add3A_497, %shift_right_logical3A_503], %get3A_506 : memref<16x2048xf32, #tpu.memory_space<vmem>>[vector<16xi32>, vector<16xi32>], vector<16xf32>,
        %get3A_507 = arith.index_cast %scan3A_493 : i32 to index
        %get3A_508 = arith.constant 16 : index
        %get3A_509 = tpu.vector_load %arg5[%get3A_507, %get3A_508] {strides = array<i32>} : memref<16x512xi32, #tpu.memory_space<vmem>>, vector<16xi32>,
        %shift_right_logical3A_510 = arith.constant 6 : i32
        %shift_right_logical3A_511 = vector.broadcast %shift_right_logical3A_510 : i32 to vector<16xi32>
        %shift_right_logical3A_512 = arith.shrui %get3A_509, %shift_right_logical3A_511 : vector<16xi32>
        %get3A_513 = arith.index_cast %scan3A_493 : i32 to index
        %get3A_514 = arith.constant 16 : index
        %get3A_515 = tpu.vector_load %arg7[%get3A_513, %get3A_514] {strides = array<i32>} : memref<16x512xf32, #tpu.memory_space<vmem>>, vector<16xf32>,
        tpu.vector_store_idx %arg9[%add3A_497, %shift_right_logical3A_512], %get3A_515 : memref<16x2048xf32, #tpu.memory_space<vmem>>[vector<16xi32>, vector<16xi32>], vector<16xf32>,
        %get3A_516 = arith.index_cast %scan3A_493 : i32 to index
        %get3A_517 = arith.constant 32 : index
        %get3A_518 = tpu.vector_load %arg5[%get3A_516, %get3A_517] {strides = array<i32>} : memref<16x512xi32, #tpu.memory_space<vmem>>, vector<16xi32>,
        %shift_right_logical3A_519 = arith.constant 6 : i32
        %shift_right_logical3A_520 = vector.broadcast %shift_right_logical3A_519 : i32 to vector<16xi32>
        %shift_right_logical3A_521 = arith.shrui %get3A_518, %shift_right_logical3A_520 : vector<16xi32>
        %get3A_522 = arith.index_cast %scan3A_493 : i32 to index
        %get3A_523 = arith.constant 32 : index
        %get3A_524 = tpu.vector_load %arg7[%get3A_522, %get3A_523] {strides = array<i32>} : memref<16x512xf32, #tpu.memory_space<vmem>>, vector<16xf32>,
        tpu.vector_store_idx %arg9[%add3A_497, %shift_right_logical3A_521], %get3A_524 : memref<16x2048xf32, #tpu.memory_space<vmem>>[vector<16xi32>, vector<16xi32>], vector<16xf32>,
        %get3A_525 = arith.index_cast %scan3A_493 : i32 to index
        %get3A_526 = arith.constant 48 : index
        %get3A_527 = tpu.vector_load %arg5[%get3A_525, %get3A_526] {strides = array<i32>} : memref<16x512xi32, #tpu.memory_space<vmem>>, vector<16xi32>,
        %shift_right_logical3A_528 = arith.constant 6 : i32
        %shift_right_logical3A_529 = vector.broadcast %shift_right_logical3A_528 : i32 to vector<16xi32>
        %shift_right_logical3A_530 = arith.shrui %get3A_527, %shift_right_logical3A_529 : vector<16xi32>
        %get3A_531 = arith.index_cast %scan3A_493 : i32 to index
        %get3A_532 = arith.constant 48 : index
        %get3A_533 = tpu.vector_load %arg7[%get3A_531, %get3A_532] {strides = array<i32>} : memref<16x512xf32, #tpu.memory_space<vmem>>, vector<16xf32>,
        tpu.vector_store_idx %arg9[%add3A_497, %shift_right_logical3A_530], %get3A_533 : memref<16x2048xf32, #tpu.memory_space<vmem>>[vector<16xi32>, vector<16xi32>], vector<16xf32>,
        %get3A_534 = arith.index_cast %scan3A_493 : i32 to index
        %get3A_535 = arith.constant 64 : index
        %get3A_536 = tpu.vector_load %arg5[%get3A_534, %get3A_535] {strides = array<i32>} : memref<16x512xi32, #tpu.memory_space<vmem>>, vector<16xi32>,
        %shift_right_logical3A_537 = arith.constant 6 : i32
        %shift_right_logical3A_538 = vector.broadcast %shift_right_logical3A_537 : i32 to vector<16xi32>
        %shift_right_logical3A_539 = arith.shrui %get3A_536, %shift_right_logical3A_538 : vector<16xi32>
        %get3A_540 = arith.index_cast %scan3A_493 : i32 to index
        %get3A_541 = arith.constant 64 : index
        %get3A_542 = tpu.vector_load %arg7[%get3A_540, %get3A_541] {strides = array<i32>} : memref<16x512xf32, #tpu.memory_space<vmem>>, vector<16xf32>,
        tpu.vector_store_idx %arg9[%add3A_497, %shift_right_logical3A_539], %get3A_542 : memref<16x2048xf32, #tpu.memory_space<vmem>>[vector<16xi32>, vector<16xi32>], vector<16xf32>,
        %get3A_543 = arith.index_cast %scan3A_493 : i32 to index
        %get3A_544 = arith.constant 80 : index
        %get3A_545 = tpu.vector_load %arg5[%get3A_543, %get3A_544] {strides = array<i32>} : memref<16x512xi32, #tpu.memory_space<vmem>>, vector<16xi32>,
        %shift_right_logical3A_546 = arith.constant 6 : i32
        %shift_right_logical3A_547 = vector.broadcast %shift_right_logical3A_546 : i32 to vector<16xi32>
        %shift_right_logical3A_548 = arith.shrui %get3A_545, %shift_right_logical3A_547 : vector<16xi32>
        %get3A_549 = arith.index_cast %scan3A_493 : i32 to index
        %get3A_550 = arith.constant 80 : index
        %get3A_551 = tpu.vector_load %arg7[%get3A_549, %get3A_550] {strides = array<i32>} : memref<16x512xf32, #tpu.memory_space<vmem>>, vector<16xf32>,
        tpu.vector_store_idx %arg9[%add3A_497, %shift_right_logical3A_548], %get3A_551 : memref<16x2048xf32, #tpu.memory_space<vmem>>[vector<16xi32>, vector<16xi32>], vector<16xf32>,
        %get3A_552 = arith.index_cast %scan3A_493 : i32 to index
        %get3A_553 = arith.constant 96 : index
        %get3A_554 = tpu.vector_load %arg5[%get3A_552, %get3A_553] {strides = array<i32>} : memref<16x512xi32, #tpu.memory_space<vmem>>, vector<16xi32>,
        %shift_right_logical3A_555 = arith.constant 6 : i32
        %shift_right_logical3A_556 = vector.broadcast %shift_right_logical3A_555 : i32 to vector<16xi32>
        %shift_right_logical3A_557 = arith.shrui %get3A_554, %shift_right_logical3A_556 : vector<16xi32>
        %get3A_558 = arith.index_cast %scan3A_493 : i32 to index
        %get3A_559 = arith.constant 96 : index
        %get3A_560 = tpu.vector_load %arg7[%get3A_558, %get3A_559] {strides = array<i32>} : memref<16x512xf32, #tpu.memory_space<vmem>>, vector<16xf32>,
        tpu.vector_store_idx %arg9[%add3A_497, %shift_right_logical3A_557], %get3A_560 : memref<16x2048xf32, #tpu.memory_space<vmem>>[vector<16xi32>, vector<16xi32>], vector<16xf32>,
        %get3A_561 = arith.index_cast %scan3A_493 : i32 to index
        %get3A_562 = arith.constant 112 : index
        %get3A_563 = tpu.vector_load %arg5[%get3A_561, %get3A_562] {strides = array<i32>} : memref<16x512xi32, #tpu.memory_space<vmem>>, vector<16xi32>,
        %shift_right_logical3A_564 = arith.constant 6 : i32
        %shift_right_logical3A_565 = vector.broadcast %shift_right_logical3A_564 : i32 to vector<16xi32>
        %shift_right_logical3A_566 = arith.shrui %get3A_563, %shift_right_logical3A_565 : vector<16xi32>
        %get3A_567 = arith.index_cast %scan3A_493 : i32 to index
        %get3A_568 = arith.constant 112 : index
        %get3A_569 = tpu.vector_load %arg7[%get3A_567, %get3A_568] {strides = array<i32>} : memref<16x512xf32, #tpu.memory_space<vmem>>, vector<16xf32>,
        tpu.vector_store_idx %arg9[%add3A_497, %shift_right_logical3A_566], %get3A_569 : memref<16x2048xf32, #tpu.memory_space<vmem>>[vector<16xi32>, vector<16xi32>], vector<16xf32>,
        %get3A_570 = arith.index_cast %scan3A_493 : i32 to index
        %get3A_571 = arith.constant 128 : index
        %get3A_572 = tpu.vector_load %arg5[%get3A_570, %get3A_571] {strides = array<i32>} : memref<16x512xi32, #tpu.memory_space<vmem>>, vector<16xi32>,
        %shift_right_logical3A_573 = arith.constant 6 : i32
        %shift_right_logical3A_574 = vector.broadcast %shift_right_logical3A_573 : i32 to vector<16xi32>
        %shift_right_logical3A_575 = arith.shrui %get3A_572, %shift_right_logical3A_574 : vector<16xi32>
        %get3A_576 = arith.index_cast %scan3A_493 : i32 to index
        %get3A_577 = arith.constant 128 : index
        %get3A_578 = tpu.vector_load %arg7[%get3A_576, %get3A_577] {strides = array<i32>} : memref<16x512xf32, #tpu.memory_space<vmem>>, vector<16xf32>,
        tpu.vector_store_idx %arg9[%add3A_497, %shift_right_logical3A_575], %get3A_578 : memref<16x2048xf32, #tpu.memory_space<vmem>>[vector<16xi32>, vector<16xi32>], vector<16xf32>,
        %get3A_579 = arith.index_cast %scan3A_493 : i32 to index
        %get3A_580 = arith.constant 144 : index
        %get3A_581 = tpu.vector_load %arg5[%get3A_579, %get3A_580] {strides = array<i32>} : memref<16x512xi32, #tpu.memory_space<vmem>>, vector<16xi32>,
        %shift_right_logical3A_582 = arith.constant 6 : i32
        %shift_right_logical3A_583 = vector.broadcast %shift_right_logical3A_582 : i32 to vector<16xi32>
        %shift_right_logical3A_584 = arith.shrui %get3A_581, %shift_right_logical3A_583 : vector<16xi32>
        %get3A_585 = arith.index_cast %scan3A_493 : i32 to index
        %get3A_586 = arith.constant 144 : index
        %get3A_587 = tpu.vector_load %arg7[%get3A_585, %get3A_586] {strides = array<i32>} : memref<16x512xf32, #tpu.memory_space<vmem>>, vector<16xf32>,
        tpu.vector_store_idx %arg9[%add3A_497, %shift_right_logical3A_584], %get3A_587 : memref<16x2048xf32, #tpu.memory_space<vmem>>[vector<16xi32>, vector<16xi32>], vector<16xf32>,
        %get3A_588 = arith.index_cast %scan3A_493 : i32 to index
        %get3A_589 = arith.constant 160 : index
        %get3A_590 = tpu.vector_load %arg5[%get3A_588, %get3A_589] {strides = array<i32>} : memref<16x512xi32, #tpu.memory_space<vmem>>, vector<16xi32>,
        %shift_right_logical3A_591 = arith.constant 6 : i32
        %shift_right_logical3A_592 = vector.broadcast %shift_right_logical3A_591 : i32 to vector<16xi32>
        %shift_right_logical3A_593 = arith.shrui %get3A_590, %shift_right_logical3A_592 : vector<16xi32>
        %get3A_594 = arith.index_cast %scan3A_493 : i32 to index
        %get3A_595 = arith.constant 160 : index
        %get3A_596 = tpu.vector_load %arg7[%get3A_594, %get3A_595] {strides = array<i32>} : memref<16x512xf32, #tpu.memory_space<vmem>>, vector<16xf32>,
        tpu.vector_store_idx %arg9[%add3A_497, %shift_right_logical3A_593], %get3A_596 : memref<16x2048xf32, #tpu.memory_space<vmem>>[vector<16xi32>, vector<16xi32>], vector<16xf32>,
        %get3A_597 = arith.index_cast %scan3A_493 : i32 to index
        %get3A_598 = arith.constant 176 : index
        %get3A_599 = tpu.vector_load %arg5[%get3A_597, %get3A_598] {strides = array<i32>} : memref<16x512xi32, #tpu.memory_space<vmem>>, vector<16xi32>,
        %shift_right_logical3A_600 = arith.constant 6 : i32
        %shift_right_logical3A_601 = vector.broadcast %shift_right_logical3A_600 : i32 to vector<16xi32>
        %shift_right_logical3A_602 = arith.shrui %get3A_599, %shift_right_logical3A_601 : vector<16xi32>
        %get3A_603 = arith.index_cast %scan3A_493 : i32 to index
        %get3A_604 = arith.constant 176 : index
        %get3A_605 = tpu.vector_load %arg7[%get3A_603, %get3A_604] {strides = array<i32>} : memref<16x512xf32, #tpu.memory_space<vmem>>, vector<16xf32>,
        tpu.vector_store_idx %arg9[%add3A_497, %shift_right_logical3A_602], %get3A_605 : memref<16x2048xf32, #tpu.memory_space<vmem>>[vector<16xi32>, vector<16xi32>], vector<16xf32>,
        %get3A_606 = arith.index_cast %scan3A_493 : i32 to index
        %get3A_607 = arith.constant 192 : index
        %get3A_608 = tpu.vector_load %arg5[%get3A_606, %get3A_607] {strides = array<i32>} : memref<16x512xi32, #tpu.memory_space<vmem>>, vector<16xi32>,
        %shift_right_logical3A_609 = arith.constant 6 : i32
        %shift_right_logical3A_610 = vector.broadcast %shift_right_logical3A_609 : i32 to vector<16xi32>
        %shift_right_logical3A_611 = arith.shrui %get3A_608, %shift_right_logical3A_610 : vector<16xi32>
        %get3A_612 = arith.index_cast %scan3A_493 : i32 to index
        %get3A_613 = arith.constant 192 : index
        %get3A_614 = tpu.vector_load %arg7[%get3A_612, %get3A_613] {strides = array<i32>} : memref<16x512xf32, #tpu.memory_space<vmem>>, vector<16xf32>,
        tpu.vector_store_idx %arg9[%add3A_497, %shift_right_logical3A_611], %get3A_614 : memref<16x2048xf32, #tpu.memory_space<vmem>>[vector<16xi32>, vector<16xi32>], vector<16xf32>,
        %get3A_615 = arith.index_cast %scan3A_493 : i32 to index
        %get3A_616 = arith.constant 208 : index
        %get3A_617 = tpu.vector_load %arg5[%get3A_615, %get3A_616] {strides = array<i32>} : memref<16x512xi32, #tpu.memory_space<vmem>>, vector<16xi32>,
        %shift_right_logical3A_618 = arith.constant 6 : i32
        %shift_right_logical3A_619 = vector.broadcast %shift_right_logical3A_618 : i32 to vector<16xi32>
        %shift_right_logical3A_620 = arith.shrui %get3A_617, %shift_right_logical3A_619 : vector<16xi32>
        %get3A_621 = arith.index_cast %scan3A_493 : i32 to index
        %get3A_622 = arith.constant 208 : index
        %get3A_623 = tpu.vector_load %arg7[%get3A_621, %get3A_622] {strides = array<i32>} : memref<16x512xf32, #tpu.memory_space<vmem>>, vector<16xf32>,
        tpu.vector_store_idx %arg9[%add3A_497, %shift_right_logical3A_620], %get3A_623 : memref<16x2048xf32, #tpu.memory_space<vmem>>[vector<16xi32>, vector<16xi32>], vector<16xf32>,
        %get3A_624 = arith.index_cast %scan3A_493 : i32 to index
        %get3A_625 = arith.constant 224 : index
        %get3A_626 = tpu.vector_load %arg5[%get3A_624, %get3A_625] {strides = array<i32>} : memref<16x512xi32, #tpu.memory_space<vmem>>, vector<16xi32>,
        %shift_right_logical3A_627 = arith.constant 6 : i32
        %shift_right_logical3A_628 = vector.broadcast %shift_right_logical3A_627 : i32 to vector<16xi32>
        %shift_right_logical3A_629 = arith.shrui %get3A_626, %shift_right_logical3A_628 : vector<16xi32>
        %get3A_630 = arith.index_cast %scan3A_493 : i32 to index
        %get3A_631 = arith.constant 224 : index
        %get3A_632 = tpu.vector_load %arg7[%get3A_630, %get3A_631] {strides = array<i32>} : memref<16x512xf32, #tpu.memory_space<vmem>>, vector<16xf32>,
        tpu.vector_store_idx %arg9[%add3A_497, %shift_right_logical3A_629], %get3A_632 : memref<16x2048xf32, #tpu.memory_space<vmem>>[vector<16xi32>, vector<16xi32>], vector<16xf32>,
        %get3A_633 = arith.index_cast %scan3A_493 : i32 to index
        %get3A_634 = arith.constant 240 : index
        %get3A_635 = tpu.vector_load %arg5[%get3A_633, %get3A_634] {strides = array<i32>} : memref<16x512xi32, #tpu.memory_space<vmem>>, vector<16xi32>,
        %shift_right_logical3A_636 = arith.constant 6 : i32
        %shift_right_logical3A_637 = vector.broadcast %shift_right_logical3A_636 : i32 to vector<16xi32>
        %shift_right_logical3A_638 = arith.shrui %get3A_635, %shift_right_logical3A_637 : vector<16xi32>
        %get3A_639 = arith.index_cast %scan3A_493 : i32 to index
        %get3A_640 = arith.constant 240 : index
        %get3A_641 = tpu.vector_load %arg7[%get3A_639, %get3A_640] {strides = array<i32>} : memref<16x512xf32, #tpu.memory_space<vmem>>, vector<16xf32>,
        tpu.vector_store_idx %arg9[%add3A_497, %shift_right_logical3A_638], %get3A_641 : memref<16x2048xf32, #tpu.memory_space<vmem>>[vector<16xi32>, vector<16xi32>], vector<16xf32>,
        %get3A_642 = arith.index_cast %scan3A_493 : i32 to index
        %get3A_643 = arith.constant 256 : index
        %get3A_644 = tpu.vector_load %arg5[%get3A_642, %get3A_643] {strides = array<i32>} : memref<16x512xi32, #tpu.memory_space<vmem>>, vector<16xi32>,
        %shift_right_logical3A_645 = arith.constant 6 : i32
        %shift_right_logical3A_646 = vector.broadcast %shift_right_logical3A_645 : i32 to vector<16xi32>
        %shift_right_logical3A_647 = arith.shrui %get3A_644, %shift_right_logical3A_646 : vector<16xi32>
        %get3A_648 = arith.index_cast %scan3A_493 : i32 to index
        %get3A_649 = arith.constant 256 : index
        %get3A_650 = tpu.vector_load %arg7[%get3A_648, %get3A_649] {strides = array<i32>} : memref<16x512xf32, #tpu.memory_space<vmem>>, vector<16xf32>,
        tpu.vector_store_idx %arg9[%add3A_497, %shift_right_logical3A_647], %get3A_650 : memref<16x2048xf32, #tpu.memory_space<vmem>>[vector<16xi32>, vector<16xi32>], vector<16xf32>,
        %get3A_651 = arith.index_cast %scan3A_493 : i32 to index
        %get3A_652 = arith.constant 272 : index
        %get3A_653 = tpu.vector_load %arg5[%get3A_651, %get3A_652] {strides = array<i32>} : memref<16x512xi32, #tpu.memory_space<vmem>>, vector<16xi32>,
        %shift_right_logical3A_654 = arith.constant 6 : i32
        %shift_right_logical3A_655 = vector.broadcast %shift_right_logical3A_654 : i32 to vector<16xi32>
        %shift_right_logical3A_656 = arith.shrui %get3A_653, %shift_right_logical3A_655 : vector<16xi32>
        %get3A_657 = arith.index_cast %scan3A_493 : i32 to index
        %get3A_658 = arith.constant 272 : index
        %get3A_659 = tpu.vector_load %arg7[%get3A_657, %get3A_658] {strides = array<i32>} : memref<16x512xf32, #tpu.memory_space<vmem>>, vector<16xf32>,
        tpu.vector_store_idx %arg9[%add3A_497, %shift_right_logical3A_656], %get3A_659 : memref<16x2048xf32, #tpu.memory_space<vmem>>[vector<16xi32>, vector<16xi32>], vector<16xf32>,
        %get3A_660 = arith.index_cast %scan3A_493 : i32 to index
        %get3A_661 = arith.constant 288 : index
        %get3A_662 = tpu.vector_load %arg5[%get3A_660, %get3A_661] {strides = array<i32>} : memref<16x512xi32, #tpu.memory_space<vmem>>, vector<16xi32>,
        %shift_right_logical3A_663 = arith.constant 6 : i32
        %shift_right_logical3A_664 = vector.broadcast %shift_right_logical3A_663 : i32 to vector<16xi32>
        %shift_right_logical3A_665 = arith.shrui %get3A_662, %shift_right_logical3A_664 : vector<16xi32>
        %get3A_666 = arith.index_cast %scan3A_493 : i32 to index
        %get3A_667 = arith.constant 288 : index
        %get3A_668 = tpu.vector_load %arg7[%get3A_666, %get3A_667] {strides = array<i32>} : memref<16x512xf32, #tpu.memory_space<vmem>>, vector<16xf32>,
        tpu.vector_store_idx %arg9[%add3A_497, %shift_right_logical3A_665], %get3A_668 : memref<16x2048xf32, #tpu.memory_space<vmem>>[vector<16xi32>, vector<16xi32>], vector<16xf32>,
        %get3A_669 = arith.index_cast %scan3A_493 : i32 to index
        %get3A_670 = arith.constant 304 : index
        %get3A_671 = tpu.vector_load %arg5[%get3A_669, %get3A_670] {strides = array<i32>} : memref<16x512xi32, #tpu.memory_space<vmem>>, vector<16xi32>,
        %shift_right_logical3A_672 = arith.constant 6 : i32
        %shift_right_logical3A_673 = vector.broadcast %shift_right_logical3A_672 : i32 to vector<16xi32>
        %shift_right_logical3A_674 = arith.shrui %get3A_671, %shift_right_logical3A_673 : vector<16xi32>
        %get3A_675 = arith.index_cast %scan3A_493 : i32 to index
        %get3A_676 = arith.constant 304 : index
        %get3A_677 = tpu.vector_load %arg7[%get3A_675, %get3A_676] {strides = array<i32>} : memref<16x512xf32, #tpu.memory_space<vmem>>, vector<16xf32>,
        tpu.vector_store_idx %arg9[%add3A_497, %shift_right_logical3A_674], %get3A_677 : memref<16x2048xf32, #tpu.memory_space<vmem>>[vector<16xi32>, vector<16xi32>], vector<16xf32>,
        %get3A_678 = arith.index_cast %scan3A_493 : i32 to index
        %get3A_679 = arith.constant 320 : index
        %get3A_680 = tpu.vector_load %arg5[%get3A_678, %get3A_679] {strides = array<i32>} : memref<16x512xi32, #tpu.memory_space<vmem>>, vector<16xi32>,
        %shift_right_logical3A_681 = arith.constant 6 : i32
        %shift_right_logical3A_682 = vector.broadcast %shift_right_logical3A_681 : i32 to vector<16xi32>
        %shift_right_logical3A_683 = arith.shrui %get3A_680, %shift_right_logical3A_682 : vector<16xi32>
        %get3A_684 = arith.index_cast %scan3A_493 : i32 to index
        %get3A_685 = arith.constant 320 : index
        %get3A_686 = tpu.vector_load %arg7[%get3A_684, %get3A_685] {strides = array<i32>} : memref<16x512xf32, #tpu.memory_space<vmem>>, vector<16xf32>,
        tpu.vector_store_idx %arg9[%add3A_497, %shift_right_logical3A_683], %get3A_686 : memref<16x2048xf32, #tpu.memory_space<vmem>>[vector<16xi32>, vector<16xi32>], vector<16xf32>,
        %get3A_687 = arith.index_cast %scan3A_493 : i32 to index
        %get3A_688 = arith.constant 336 : index
        %get3A_689 = tpu.vector_load %arg5[%get3A_687, %get3A_688] {strides = array<i32>} : memref<16x512xi32, #tpu.memory_space<vmem>>, vector<16xi32>,
        %shift_right_logical3A_690 = arith.constant 6 : i32
        %shift_right_logical3A_691 = vector.broadcast %shift_right_logical3A_690 : i32 to vector<16xi32>
        %shift_right_logical3A_692 = arith.shrui %get3A_689, %shift_right_logical3A_691 : vector<16xi32>
        %get3A_693 = arith.index_cast %scan3A_493 : i32 to index
        %get3A_694 = arith.constant 336 : index
        %get3A_695 = tpu.vector_load %arg7[%get3A_693, %get3A_694] {strides = array<i32>} : memref<16x512xf32, #tpu.memory_space<vmem>>, vector<16xf32>,
        tpu.vector_store_idx %arg9[%add3A_497, %shift_right_logical3A_692], %get3A_695 : memref<16x2048xf32, #tpu.memory_space<vmem>>[vector<16xi32>, vector<16xi32>], vector<16xf32>,
        %get3A_696 = arith.index_cast %scan3A_493 : i32 to index
        %get3A_697 = arith.constant 352 : index
        %get3A_698 = tpu.vector_load %arg5[%get3A_696, %get3A_697] {strides = array<i32>} : memref<16x512xi32, #tpu.memory_space<vmem>>, vector<16xi32>,
        %shift_right_logical3A_699 = arith.constant 6 : i32
        %shift_right_logical3A_700 = vector.broadcast %shift_right_logical3A_699 : i32 to vector<16xi32>
        %shift_right_logical3A_701 = arith.shrui %get3A_698, %shift_right_logical3A_700 : vector<16xi32>
        %get3A_702 = arith.index_cast %scan3A_493 : i32 to index
        %get3A_703 = arith.constant 352 : index
        %get3A_704 = tpu.vector_load %arg7[%get3A_702, %get3A_703] {strides = array<i32>} : memref<16x512xf32, #tpu.memory_space<vmem>>, vector<16xf32>,
        tpu.vector_store_idx %arg9[%add3A_497, %shift_right_logical3A_701], %get3A_704 : memref<16x2048xf32, #tpu.memory_space<vmem>>[vector<16xi32>, vector<16xi32>], vector<16xf32>,
        %get3A_705 = arith.index_cast %scan3A_493 : i32 to index
        %get3A_706 = arith.constant 368 : index
        %get3A_707 = tpu.vector_load %arg5[%get3A_705, %get3A_706] {strides = array<i32>} : memref<16x512xi32, #tpu.memory_space<vmem>>, vector<16xi32>,
        %shift_right_logical3A_708 = arith.constant 6 : i32
        %shift_right_logical3A_709 = vector.broadcast %shift_right_logical3A_708 : i32 to vector<16xi32>
        %shift_right_logical3A_710 = arith.shrui %get3A_707, %shift_right_logical3A_709 : vector<16xi32>
        %get3A_711 = arith.index_cast %scan3A_493 : i32 to index
        %get3A_712 = arith.constant 368 : index
        %get3A_713 = tpu.vector_load %arg7[%get3A_711, %get3A_712] {strides = array<i32>} : memref<16x512xf32, #tpu.memory_space<vmem>>, vector<16xf32>,
        tpu.vector_store_idx %arg9[%add3A_497, %shift_right_logical3A_710], %get3A_713 : memref<16x2048xf32, #tpu.memory_space<vmem>>[vector<16xi32>, vector<16xi32>], vector<16xf32>,
        %get3A_714 = arith.index_cast %scan3A_493 : i32 to index
        %get3A_715 = arith.constant 384 : index
        %get3A_716 = tpu.vector_load %arg5[%get3A_714, %get3A_715] {strides = array<i32>} : memref<16x512xi32, #tpu.memory_space<vmem>>, vector<16xi32>,
        %shift_right_logical3A_717 = arith.constant 6 : i32
        %shift_right_logical3A_718 = vector.broadcast %shift_right_logical3A_717 : i32 to vector<16xi32>
        %shift_right_logical3A_719 = arith.shrui %get3A_716, %shift_right_logical3A_718 : vector<16xi32>
        %get3A_720 = arith.index_cast %scan3A_493 : i32 to index
        %get3A_721 = arith.constant 384 : index
        %get3A_722 = tpu.vector_load %arg7[%get3A_720, %get3A_721] {strides = array<i32>} : memref<16x512xf32, #tpu.memory_space<vmem>>, vector<16xf32>,
        tpu.vector_store_idx %arg9[%add3A_497, %shift_right_logical3A_719], %get3A_722 : memref<16x2048xf32, #tpu.memory_space<vmem>>[vector<16xi32>, vector<16xi32>], vector<16xf32>,
        %get3A_723 = arith.index_cast %scan3A_493 : i32 to index
        %get3A_724 = arith.constant 400 : index
        %get3A_725 = tpu.vector_load %arg5[%get3A_723, %get3A_724] {strides = array<i32>} : memref<16x512xi32, #tpu.memory_space<vmem>>, vector<16xi32>,
        %shift_right_logical3A_726 = arith.constant 6 : i32
        %shift_right_logical3A_727 = vector.broadcast %shift_right_logical3A_726 : i32 to vector<16xi32>
        %shift_right_logical3A_728 = arith.shrui %get3A_725, %shift_right_logical3A_727 : vector<16xi32>
        %get3A_729 = arith.index_cast %scan3A_493 : i32 to index
        %get3A_730 = arith.constant 400 : index
        %get3A_731 = tpu.vector_load %arg7[%get3A_729, %get3A_730] {strides = array<i32>} : memref<16x512xf32, #tpu.memory_space<vmem>>, vector<16xf32>,
        tpu.vector_store_idx %arg9[%add3A_497, %shift_right_logical3A_728], %get3A_731 : memref<16x2048xf32, #tpu.memory_space<vmem>>[vector<16xi32>, vector<16xi32>], vector<16xf32>,
        %get3A_732 = arith.index_cast %scan3A_493 : i32 to index
        %get3A_733 = arith.constant 416 : index
        %get3A_734 = tpu.vector_load %arg5[%get3A_732, %get3A_733] {strides = array<i32>} : memref<16x512xi32, #tpu.memory_space<vmem>>, vector<16xi32>,
        %shift_right_logical3A_735 = arith.constant 6 : i32
        %shift_right_logical3A_736 = vector.broadcast %shift_right_logical3A_735 : i32 to vector<16xi32>
        %shift_right_logical3A_737 = arith.shrui %get3A_734, %shift_right_logical3A_736 : vector<16xi32>
        %get3A_738 = arith.index_cast %scan3A_493 : i32 to index
        %get3A_739 = arith.constant 416 : index
        %get3A_740 = tpu.vector_load %arg7[%get3A_738, %get3A_739] {strides = array<i32>} : memref<16x512xf32, #tpu.memory_space<vmem>>, vector<16xf32>,
        tpu.vector_store_idx %arg9[%add3A_497, %shift_right_logical3A_737], %get3A_740 : memref<16x2048xf32, #tpu.memory_space<vmem>>[vector<16xi32>, vector<16xi32>], vector<16xf32>,
        %get3A_741 = arith.index_cast %scan3A_493 : i32 to index
        %get3A_742 = arith.constant 432 : index
        %get3A_743 = tpu.vector_load %arg5[%get3A_741, %get3A_742] {strides = array<i32>} : memref<16x512xi32, #tpu.memory_space<vmem>>, vector<16xi32>,
        %shift_right_logical3A_744 = arith.constant 6 : i32
        %shift_right_logical3A_745 = vector.broadcast %shift_right_logical3A_744 : i32 to vector<16xi32>
        %shift_right_logical3A_746 = arith.shrui %get3A_743, %shift_right_logical3A_745 : vector<16xi32>
        %get3A_747 = arith.index_cast %scan3A_493 : i32 to index
        %get3A_748 = arith.constant 432 : index
        %get3A_749 = tpu.vector_load %arg7[%get3A_747, %get3A_748] {strides = array<i32>} : memref<16x512xf32, #tpu.memory_space<vmem>>, vector<16xf32>,
        tpu.vector_store_idx %arg9[%add3A_497, %shift_right_logical3A_746], %get3A_749 : memref<16x2048xf32, #tpu.memory_space<vmem>>[vector<16xi32>, vector<16xi32>], vector<16xf32>,
        %get3A_750 = arith.index_cast %scan3A_493 : i32 to index
        %get3A_751 = arith.constant 448 : index
        %get3A_752 = tpu.vector_load %arg5[%get3A_750, %get3A_751] {strides = array<i32>} : memref<16x512xi32, #tpu.memory_space<vmem>>, vector<16xi32>,
        %shift_right_logical3A_753 = arith.constant 6 : i32
        %shift_right_logical3A_754 = vector.broadcast %shift_right_logical3A_753 : i32 to vector<16xi32>
        %shift_right_logical3A_755 = arith.shrui %get3A_752, %shift_right_logical3A_754 : vector<16xi32>
        %get3A_756 = arith.index_cast %scan3A_493 : i32 to index
        %get3A_757 = arith.constant 448 : index
        %get3A_758 = tpu.vector_load %arg7[%get3A_756, %get3A_757] {strides = array<i32>} : memref<16x512xf32, #tpu.memory_space<vmem>>, vector<16xf32>,
        tpu.vector_store_idx %arg9[%add3A_497, %shift_right_logical3A_755], %get3A_758 : memref<16x2048xf32, #tpu.memory_space<vmem>>[vector<16xi32>, vector<16xi32>], vector<16xf32>,
        %get3A_759 = arith.index_cast %scan3A_493 : i32 to index
        %get3A_760 = arith.constant 464 : index
        %get3A_761 = tpu.vector_load %arg5[%get3A_759, %get3A_760] {strides = array<i32>} : memref<16x512xi32, #tpu.memory_space<vmem>>, vector<16xi32>,
        %shift_right_logical3A_762 = arith.constant 6 : i32
        %shift_right_logical3A_763 = vector.broadcast %shift_right_logical3A_762 : i32 to vector<16xi32>
        %shift_right_logical3A_764 = arith.shrui %get3A_761, %shift_right_logical3A_763 : vector<16xi32>
        %get3A_765 = arith.index_cast %scan3A_493 : i32 to index
        %get3A_766 = arith.constant 464 : index
        %get3A_767 = tpu.vector_load %arg7[%get3A_765, %get3A_766] {strides = array<i32>} : memref<16x512xf32, #tpu.memory_space<vmem>>, vector<16xf32>,
        tpu.vector_store_idx %arg9[%add3A_497, %shift_right_logical3A_764], %get3A_767 : memref<16x2048xf32, #tpu.memory_space<vmem>>[vector<16xi32>, vector<16xi32>], vector<16xf32>,
        %get3A_768 = arith.index_cast %scan3A_493 : i32 to index
        %get3A_769 = arith.constant 480 : index
        %get3A_770 = tpu.vector_load %arg5[%get3A_768, %get3A_769] {strides = array<i32>} : memref<16x512xi32, #tpu.memory_space<vmem>>, vector<16xi32>,
        %shift_right_logical3A_771 = arith.constant 6 : i32
        %shift_right_logical3A_772 = vector.broadcast %shift_right_logical3A_771 : i32 to vector<16xi32>
        %shift_right_logical3A_773 = arith.shrui %get3A_770, %shift_right_logical3A_772 : vector<16xi32>
        %get3A_774 = arith.index_cast %scan3A_493 : i32 to index
        %get3A_775 = arith.constant 480 : index
        %get3A_776 = tpu.vector_load %arg7[%get3A_774, %get3A_775] {strides = array<i32>} : memref<16x512xf32, #tpu.memory_space<vmem>>, vector<16xf32>,
        tpu.vector_store_idx %arg9[%add3A_497, %shift_right_logical3A_773], %get3A_776 : memref<16x2048xf32, #tpu.memory_space<vmem>>[vector<16xi32>, vector<16xi32>], vector<16xf32>,
        %get3A_777 = arith.index_cast %scan3A_493 : i32 to index
        %get3A_778 = arith.constant 496 : index
        %get3A_779 = tpu.vector_load %arg5[%get3A_777, %get3A_778] {strides = array<i32>} : memref<16x512xi32, #tpu.memory_space<vmem>>, vector<16xi32>,
        %shift_right_logical3A_780 = arith.constant 6 : i32
        %shift_right_logical3A_781 = vector.broadcast %shift_right_logical3A_780 : i32 to vector<16xi32>
        %shift_right_logical3A_782 = arith.shrui %get3A_779, %shift_right_logical3A_781 : vector<16xi32>
        %get3A_783 = arith.index_cast %scan3A_493 : i32 to index
        %get3A_784 = arith.constant 496 : index
        %get3A_785 = tpu.vector_load %arg7[%get3A_783, %get3A_784] {strides = array<i32>} : memref<16x512xf32, #tpu.memory_space<vmem>>, vector<16xf32>,
        tpu.vector_store_idx %arg9[%add3A_497, %shift_right_logical3A_782], %get3A_785 : memref<16x2048xf32, #tpu.memory_space<vmem>>[vector<16xi32>, vector<16xi32>], vector<16xf32>,
      }
      %scan3A_121 = arith.constant 16 : i32
      %div3A_122 = arith.constant 4 : i32
      %div3A_123 = arith.divsi %add3A_87, %div3A_122 : i32
      %rem3A_124 = arith.constant 4 : i32
      %rem3A_125 = arith.remsi %add3A_87, %rem3A_124 : i32
      %mul3A_126 = arith.constant 16 : i32
      %mul3A_127 = arith.muli %rem3A_125, %mul3A_126 : i32
      %dma_start3A_128 = arith.constant 0 : i32
      %dma_start3A_129 = tpu.memref_slice %arg4[%div3A_123, %mul3A_127, %dma_start3A_128] : memref<256x64x2048xf32, #tpu.memory_space<hbm>> -> memref<1x16x2048xf32, #tpu.memory_space<hbm>>
      %dma_start3A_130 = tpu.memref_squeeze %dma_start3A_129 : memref<1x16x2048xf32, #tpu.memory_space<hbm>> -> memref<16x2048xf32, #tpu.memory_space<hbm>>
      %dma_start3A_131 = arith.constant 0 : i32
      %dma_start3A_132 = tpu.memref_slice %arg4[%div3A_123, %mul3A_127, %dma_start3A_131] : memref<256x64x2048xf32, #tpu.memory_space<hbm>> -> memref<1x16x2048xf32, #tpu.memory_space<hbm>>
      %dma_start3A_133 = tpu.memref_squeeze %dma_start3A_132 : memref<1x16x2048xf32, #tpu.memory_space<hbm>> -> memref<16x2048xf32, #tpu.memory_space<hbm>>
      tpu.enqueue_dma source(%arg9 : memref<16x2048xf32, #tpu.memory_space<vmem>>) target(%dma_start3A_133 : memref<16x2048xf32, #tpu.memory_space<hbm>>) target_semaphore(%arg13 : memref<!tpu.dma_semaphore, #tpu.memory_space<semaphore_mem>>)
      %add3A_134 = arith.constant 2 : i32
      %add3A_135 = arith.addi %add3A_86, %add3A_134 : i32
      %lt3A = arith.constant 32 : i32
      %lt3A_136 = arith.cmpi slt, %add3A_135, %lt3A : i32
      %convert_element_type3A_137 = arith.extui %lt3A_136 : i1 to i32
      %cond3A_138 = arith.constant 0 : i32
      %cond3A_139 = arith.cmpi ne, %convert_element_type3A_137, %cond3A_138 : i32
      scf.if %cond3A_139 {
        %add3A_201 = arith.constant 2 : i32
        %add3A_202 = arith.addi %add3A_87, %add3A_201 : i32
        %div3A_203 = arith.constant 4 : i32
        %div3A_204 = arith.divsi %add3A_202, %div3A_203 : i32
        %rem3A_205 = arith.constant 4 : i32
        %rem3A_206 = arith.remsi %add3A_202, %rem3A_205 : i32
        %mul3A_207 = arith.constant 16 : i32
        %mul3A_208 = arith.muli %rem3A_206, %mul3A_207 : i32
        %dma_start3A_209 = arith.constant 0 : i32
        %dma_start3A_210 = arith.constant 0 : i32
        %dma_start3A_211 = tpu.memref_slice %arg3[%div3A_204, %dma_start3A_209, %mul3A_208, %dma_start3A_210] : memref<256x1x64x512xi32, #tpu.memory_space<hbm>> -> memref<1x1x16x512xi32, #tpu.memory_space<hbm>>
        %dma_start3A_212 = tpu.memref_squeeze %dma_start3A_211 : memref<1x1x16x512xi32, #tpu.memory_space<hbm>> -> memref<16x512xi32, #tpu.memory_space<hbm>>
        %dma_start3A_213 = arith.constant 0 : i32
        %dma_start3A_214 = tpu.memref_slice %arg3[%div3A_204, %dma_start3A_209, %mul3A_208, %dma_start3A_213] : memref<256x1x64x512xi32, #tpu.memory_space<hbm>> -> memref<1x1x16x512xi32, #tpu.memory_space<hbm>>
        %dma_start3A_215 = tpu.memref_squeeze %dma_start3A_214 : memref<1x1x16x512xi32, #tpu.memory_space<hbm>> -> memref<16x512xi32, #tpu.memory_space<hbm>>
        tpu.enqueue_dma source(%dma_start3A_215 : memref<16x512xi32, #tpu.memory_space<hbm>>) target(%arg5 : memref<16x512xi32, #tpu.memory_space<vmem>>) target_semaphore(%arg11 : memref<!tpu.dma_semaphore, #tpu.memory_space<semaphore_mem>>)
        %dma_start3A_216 = arith.constant 0 : i32
        %dma_start3A_217 = arith.constant 0 : i32
        %dma_start3A_218 = tpu.memref_slice %arg2[%div3A_204, %dma_start3A_216, %mul3A_208, %dma_start3A_217] : memref<256x1x64x512xf32, #tpu.memory_space<hbm>> -> memref<1x1x16x512xf32, #tpu.memory_space<hbm>>
        %dma_start3A_219 = tpu.memref_squeeze %dma_start3A_218 : memref<1x1x16x512xf32, #tpu.memory_space<hbm>> -> memref<16x512xf32, #tpu.memory_space<hbm>>
        %dma_start3A_220 = arith.constant 0 : i32
        %dma_start3A_221 = tpu.memref_slice %arg2[%div3A_204, %dma_start3A_216, %mul3A_208, %dma_start3A_220] : memref<256x1x64x512xf32, #tpu.memory_space<hbm>> -> memref<1x1x16x512xf32, #tpu.memory_space<hbm>>
        %dma_start3A_222 = tpu.memref_squeeze %dma_start3A_221 : memref<1x1x16x512xf32, #tpu.memory_space<hbm>> -> memref<16x512xf32, #tpu.memory_space<hbm>>
        tpu.enqueue_dma source(%dma_start3A_222 : memref<16x512xf32, #tpu.memory_space<hbm>>) target(%arg7 : memref<16x512xf32, #tpu.memory_space<vmem>>) target_semaphore(%arg11 : memref<!tpu.dma_semaphore, #tpu.memory_space<semaphore_mem>>)
      } else {
      }
      %mul3A_140 = arith.constant 2 : i32
      %mul3A_141 = arith.muli %scan3A_82, %mul3A_140 : i32
      %add3A_142 = arith.constant 1 : i32
      %add3A_143 = arith.addi %mul3A_141, %add3A_142 : i32
      %add3A_144 = arith.addi %mul3A_2, %add3A_143 : i32
      %ge3A_145 = arith.constant 2 : i32
      %ge3A_146 = arith.cmpi sge, %add3A_143, %ge3A_145 : i32
      %convert_element_type3A_147 = arith.extui %ge3A_146 : i1 to i32
      %cond3A_148 = arith.constant 0 : i32
      %cond3A_149 = arith.cmpi ne, %convert_element_type3A_147, %cond3A_148 : i32
      scf.if %cond3A_149 {
        %div3A_201 = arith.constant 4 : i32
        %div3A_202 = arith.divsi %add3A_144, %div3A_201 : i32
        %rem3A_203 = arith.constant 4 : i32
        %rem3A_204 = arith.remsi %add3A_144, %rem3A_203 : i32
        %mul3A_205 = arith.constant 16 : i32
        %mul3A_206 = arith.muli %rem3A_204, %mul3A_205 : i32
        %dma_wait3A_207 = arith.constant 0 : i32
        %dma_wait3A_208 = tpu.memref_slice %arg4[%div3A_202, %mul3A_206, %dma_wait3A_207] : memref<256x64x2048xf32, #tpu.memory_space<hbm>> -> memref<1x16x2048xf32, #tpu.memory_space<hbm>>
        %dma_wait3A_209 = tpu.memref_squeeze %dma_wait3A_208 : memref<1x16x2048xf32, #tpu.memory_space<hbm>> -> memref<16x2048xf32, #tpu.memory_space<hbm>>
        %dma_wait3A_210 = arith.constant 0 : i32
        %dma_wait3A_211 = tpu.memref_slice %arg4[%div3A_202, %mul3A_206, %dma_wait3A_210] : memref<256x64x2048xf32, #tpu.memory_space<hbm>> -> memref<1x16x2048xf32, #tpu.memory_space<hbm>>
        %dma_wait3A_212 = tpu.memref_squeeze %dma_wait3A_211 : memref<1x16x2048xf32, #tpu.memory_space<hbm>> -> memref<16x2048xf32, #tpu.memory_space<hbm>>
        tpu.wait_dma2 semaphore(%arg14 : memref<!tpu.dma_semaphore, #tpu.memory_space<semaphore_mem>>) src(%arg10 : memref<16x2048xf32, #tpu.memory_space<vmem>>) dst(%dma_wait3A_212 : memref<16x2048xf32, #tpu.memory_space<hbm>>)
      } else {
      }
      %scan3A_150 = arith.constant 0 : i32
      %scan3A_151 = arith.constant 0 : i32
      %scan3A_152 = arith.constant 16 : i32
      %scan3A_153 = arith.addi %scan3A_151, %scan3A_152 : i32
      %scan3A_154 = arith.constant 2 : i32
      scf.for %scan3A_201 = %scan3A_151 to %scan3A_153 step %scan3A_154  : i32 {
        %swap3A = arith.index_cast %scan3A_201 : i32 to index
        %swap3A_202 = arith.constant 0 : index
        %swap3A_203 = tpu.vector_load %arg10[%swap3A, %swap3A_202] {strides = array<i32>} : memref<16x2048xf32, #tpu.memory_space<vmem>>, vector<16xf32>,
        tpu.vector_store %arg10[%swap3A, %swap3A_202], %broadcast_in_dim3A_3 {strides = array<i32>} : memref<16x2048xf32, #tpu.memory_space<vmem>>, vector<16xf32>,
        %swap3A_204 = arith.index_cast %scan3A_201 : i32 to index
        %swap3A_205 = arith.constant 16 : index
        %swap3A_206 = tpu.vector_load %arg10[%swap3A_204, %swap3A_205] {strides = array<i32>} : memref<16x2048xf32, #tpu.memory_space<vmem>>, vector<16xf32>,
        tpu.vector_store %arg10[%swap3A_204, %swap3A_205], %broadcast_in_dim3A_3 {strides = array<i32>} : memref<16x2048xf32, #tpu.memory_space<vmem>>, vector<16xf32>,
        %swap3A_207 = arith.index_cast %scan3A_201 : i32 to index
        %swap3A_208 = arith.constant 32 : index
        %swap3A_209 = tpu.vector_load %arg10[%swap3A_207, %swap3A_208] {strides = array<i32>} : memref<16x2048xf32, #tpu.memory_space<vmem>>, vector<16xf32>,
        tpu.vector_store %arg10[%swap3A_207, %swap3A_208], %broadcast_in_dim3A_3 {strides = array<i32>} : memref<16x2048xf32, #tpu.memory_space<vmem>>, vector<16xf32>,
        %swap3A_210 = arith.index_cast %scan3A_201 : i32 to index
        %swap3A_211 = arith.constant 48 : index
        %swap3A_212 = tpu.vector_load %arg10[%swap3A_210, %swap3A_211] {strides = array<i32>} : memref<16x2048xf32, #tpu.memory_space<vmem>>, vector<16xf32>,
        tpu.vector_store %arg10[%swap3A_210, %swap3A_211], %broadcast_in_dim3A_3 {strides = array<i32>} : memref<16x2048xf32, #tpu.memory_space<vmem>>, vector<16xf32>,
        %swap3A_213 = arith.index_cast %scan3A_201 : i32 to index
        %swap3A_214 = arith.constant 64 : index
        %swap3A_215 = tpu.vector_load %arg10[%swap3A_213, %swap3A_214] {strides = array<i32>} : memref<16x2048xf32, #tpu.memory_space<vmem>>, vector<16xf32>,
        tpu.vector_store %arg10[%swap3A_213, %swap3A_214], %broadcast_in_dim3A_3 {strides = array<i32>} : memref<16x2048xf32, #tpu.memory_space<vmem>>, vector<16xf32>,
        %swap3A_216 = arith.index_cast %scan3A_201 : i32 to index
        %swap3A_217 = arith.constant 80 : index
        %swap3A_218 = tpu.vector_load %arg10[%swap3A_216, %swap3A_217] {strides = array<i32>} : memref<16x2048xf32, #tpu.memory_space<vmem>>, vector<16xf32>,
        tpu.vector_store %arg10[%swap3A_216, %swap3A_217], %broadcast_in_dim3A_3 {strides = array<i32>} : memref<16x2048xf32, #tpu.memory_space<vmem>>, vector<16xf32>,
        %swap3A_219 = arith.index_cast %scan3A_201 : i32 to index
        %swap3A_220 = arith.constant 96 : index
        %swap3A_221 = tpu.vector_load %arg10[%swap3A_219, %swap3A_220] {strides = array<i32>} : memref<16x2048xf32, #tpu.memory_space<vmem>>, vector<16xf32>,
        tpu.vector_store %arg10[%swap3A_219, %swap3A_220], %broadcast_in_dim3A_3 {strides = array<i32>} : memref<16x2048xf32, #tpu.memory_space<vmem>>, vector<16xf32>,
        %swap3A_222 = arith.index_cast %scan3A_201 : i32 to index
        %swap3A_223 = arith.constant 112 : index
        %swap3A_224 = tpu.vector_load %arg10[%swap3A_222, %swap3A_223] {strides = array<i32>} : memref<16x2048xf32, #tpu.memory_space<vmem>>, vector<16xf32>,
        tpu.vector_store %arg10[%swap3A_222, %swap3A_223], %broadcast_in_dim3A_3 {strides = array<i32>} : memref<16x2048xf32, #tpu.memory_space<vmem>>, vector<16xf32>,
        %swap3A_225 = arith.index_cast %scan3A_201 : i32 to index
        %swap3A_226 = arith.constant 128 : index
        %swap3A_227 = tpu.vector_load %arg10[%swap3A_225, %swap3A_226] {strides = array<i32>} : memref<16x2048xf32, #tpu.memory_space<vmem>>, vector<16xf32>,
        tpu.vector_store %arg10[%swap3A_225, %swap3A_226], %broadcast_in_dim3A_3 {strides = array<i32>} : memref<16x2048xf32, #tpu.memory_space<vmem>>, vector<16xf32>,
        %swap3A_228 = arith.index_cast %scan3A_201 : i32 to index
        %swap3A_229 = arith.constant 144 : index
        %swap3A_230 = tpu.vector_load %arg10[%swap3A_228, %swap3A_229] {strides = array<i32>} : memref<16x2048xf32, #tpu.memory_space<vmem>>, vector<16xf32>,
        tpu.vector_store %arg10[%swap3A_228, %swap3A_229], %broadcast_in_dim3A_3 {strides = array<i32>} : memref<16x2048xf32, #tpu.memory_space<vmem>>, vector<16xf32>,
        %swap3A_231 = arith.index_cast %scan3A_201 : i32 to index
        %swap3A_232 = arith.constant 160 : index
        %swap3A_233 = tpu.vector_load %arg10[%swap3A_231, %swap3A_232] {strides = array<i32>} : memref<16x2048xf32, #tpu.memory_space<vmem>>, vector<16xf32>,
        tpu.vector_store %arg10[%swap3A_231, %swap3A_232], %broadcast_in_dim3A_3 {strides = array<i32>} : memref<16x2048xf32, #tpu.memory_space<vmem>>, vector<16xf32>,
        %swap3A_234 = arith.index_cast %scan3A_201 : i32 to index
        %swap3A_235 = arith.constant 176 : index
        %swap3A_236 = tpu.vector_load %arg10[%swap3A_234, %swap3A_235] {strides = array<i32>} : memref<16x2048xf32, #tpu.memory_space<vmem>>, vector<16xf32>,
        tpu.vector_store %arg10[%swap3A_234, %swap3A_235], %broadcast_in_dim3A_3 {strides = array<i32>} : memref<16x2048xf32, #tpu.memory_space<vmem>>, vector<16xf32>,
        %swap3A_237 = arith.index_cast %scan3A_201 : i32 to index
        %swap3A_238 = arith.constant 192 : index
        %swap3A_239 = tpu.vector_load %arg10[%swap3A_237, %swap3A_238] {strides = array<i32>} : memref<16x2048xf32, #tpu.memory_space<vmem>>, vector<16xf32>,
        tpu.vector_store %arg10[%swap3A_237, %swap3A_238], %broadcast_in_dim3A_3 {strides = array<i32>} : memref<16x2048xf32, #tpu.memory_space<vmem>>, vector<16xf32>,
        %swap3A_240 = arith.index_cast %scan3A_201 : i32 to index
        %swap3A_241 = arith.constant 208 : index
        %swap3A_242 = tpu.vector_load %arg10[%swap3A_240, %swap3A_241] {strides = array<i32>} : memref<16x2048xf32, #tpu.memory_space<vmem>>, vector<16xf32>,
        tpu.vector_store %arg10[%swap3A_240, %swap3A_241], %broadcast_in_dim3A_3 {strides = array<i32>} : memref<16x2048xf32, #tpu.memory_space<vmem>>, vector<16xf32>,
        %swap3A_243 = arith.index_cast %scan3A_201 : i32 to index
        %swap3A_244 = arith.constant 224 : index
        %swap3A_245 = tpu.vector_load %arg10[%swap3A_243, %swap3A_244] {strides = array<i32>} : memref<16x2048xf32, #tpu.memory_space<vmem>>, vector<16xf32>,
        tpu.vector_store %arg10[%swap3A_243, %swap3A_244], %broadcast_in_dim3A_3 {strides = array<i32>} : memref<16x2048xf32, #tpu.memory_space<vmem>>, vector<16xf32>,
        %swap3A_246 = arith.index_cast %scan3A_201 : i32 to index
        %swap3A_247 = arith.constant 240 : index
        %swap3A_248 = tpu.vector_load %arg10[%swap3A_246, %swap3A_247] {strides = array<i32>} : memref<16x2048xf32, #tpu.memory_space<vmem>>, vector<16xf32>,
        tpu.vector_store %arg10[%swap3A_246, %swap3A_247], %broadcast_in_dim3A_3 {strides = array<i32>} : memref<16x2048xf32, #tpu.memory_space<vmem>>, vector<16xf32>,
        %swap3A_249 = arith.index_cast %scan3A_201 : i32 to index
        %swap3A_250 = arith.constant 256 : index
        %swap3A_251 = tpu.vector_load %arg10[%swap3A_249, %swap3A_250] {strides = array<i32>} : memref<16x2048xf32, #tpu.memory_space<vmem>>, vector<16xf32>,
        tpu.vector_store %arg10[%swap3A_249, %swap3A_250], %broadcast_in_dim3A_3 {strides = array<i32>} : memref<16x2048xf32, #tpu.memory_space<vmem>>, vector<16xf32>,
        %swap3A_252 = arith.index_cast %scan3A_201 : i32 to index
        %swap3A_253 = arith.constant 272 : index
        %swap3A_254 = tpu.vector_load %arg10[%swap3A_252, %swap3A_253] {strides = array<i32>} : memref<16x2048xf32, #tpu.memory_space<vmem>>, vector<16xf32>,
        tpu.vector_store %arg10[%swap3A_252, %swap3A_253], %broadcast_in_dim3A_3 {strides = array<i32>} : memref<16x2048xf32, #tpu.memory_space<vmem>>, vector<16xf32>,
        %swap3A_255 = arith.index_cast %scan3A_201 : i32 to index
        %swap3A_256 = arith.constant 288 : index
        %swap3A_257 = tpu.vector_load %arg10[%swap3A_255, %swap3A_256] {strides = array<i32>} : memref<16x2048xf32, #tpu.memory_space<vmem>>, vector<16xf32>,
        tpu.vector_store %arg10[%swap3A_255, %swap3A_256], %broadcast_in_dim3A_3 {strides = array<i32>} : memref<16x2048xf32, #tpu.memory_space<vmem>>, vector<16xf32>,
        %swap3A_258 = arith.index_cast %scan3A_201 : i32 to index
        %swap3A_259 = arith.constant 304 : index
        %swap3A_260 = tpu.vector_load %arg10[%swap3A_258, %swap3A_259] {strides = array<i32>} : memref<16x2048xf32, #tpu.memory_space<vmem>>, vector<16xf32>,
        tpu.vector_store %arg10[%swap3A_258, %swap3A_259], %broadcast_in_dim3A_3 {strides = array<i32>} : memref<16x2048xf32, #tpu.memory_space<vmem>>, vector<16xf32>,
        %swap3A_261 = arith.index_cast %scan3A_201 : i32 to index
        %swap3A_262 = arith.constant 320 : index
        %swap3A_263 = tpu.vector_load %arg10[%swap3A_261, %swap3A_262] {strides = array<i32>} : memref<16x2048xf32, #tpu.memory_space<vmem>>, vector<16xf32>,
        tpu.vector_store %arg10[%swap3A_261, %swap3A_262], %broadcast_in_dim3A_3 {strides = array<i32>} : memref<16x2048xf32, #tpu.memory_space<vmem>>, vector<16xf32>,
        %swap3A_264 = arith.index_cast %scan3A_201 : i32 to index
        %swap3A_265 = arith.constant 336 : index
        %swap3A_266 = tpu.vector_load %arg10[%swap3A_264, %swap3A_265] {strides = array<i32>} : memref<16x2048xf32, #tpu.memory_space<vmem>>, vector<16xf32>,
        tpu.vector_store %arg10[%swap3A_264, %swap3A_265], %broadcast_in_dim3A_3 {strides = array<i32>} : memref<16x2048xf32, #tpu.memory_space<vmem>>, vector<16xf32>,
        %swap3A_267 = arith.index_cast %scan3A_201 : i32 to index
        %swap3A_268 = arith.constant 352 : index
        %swap3A_269 = tpu.vector_load %arg10[%swap3A_267, %swap3A_268] {strides = array<i32>} : memref<16x2048xf32, #tpu.memory_space<vmem>>, vector<16xf32>,
        tpu.vector_store %arg10[%swap3A_267, %swap3A_268], %broadcast_in_dim3A_3 {strides = array<i32>} : memref<16x2048xf32, #tpu.memory_space<vmem>>, vector<16xf32>,
        %swap3A_270 = arith.index_cast %scan3A_201 : i32 to index
        %swap3A_271 = arith.constant 368 : index
        %swap3A_272 = tpu.vector_load %arg10[%swap3A_270, %swap3A_271] {strides = array<i32>} : memref<16x2048xf32, #tpu.memory_space<vmem>>, vector<16xf32>,
        tpu.vector_store %arg10[%swap3A_270, %swap3A_271], %broadcast_in_dim3A_3 {strides = array<i32>} : memref<16x2048xf32, #tpu.memory_space<vmem>>, vector<16xf32>,
        %swap3A_273 = arith.index_cast %scan3A_201 : i32 to index
        %swap3A_274 = arith.constant 384 : index
        %swap3A_275 = tpu.vector_load %arg10[%swap3A_273, %swap3A_274] {strides = array<i32>} : memref<16x2048xf32, #tpu.memory_space<vmem>>, vector<16xf32>,
        tpu.vector_store %arg10[%swap3A_273, %swap3A_274], %broadcast_in_dim3A_3 {strides = array<i32>} : memref<16x2048xf32, #tpu.memory_space<vmem>>, vector<16xf32>,
        %swap3A_276 = arith.index_cast %scan3A_201 : i32 to index
        %swap3A_277 = arith.constant 400 : index
        %swap3A_278 = tpu.vector_load %arg10[%swap3A_276, %swap3A_277] {strides = array<i32>} : memref<16x2048xf32, #tpu.memory_space<vmem>>, vector<16xf32>,
        tpu.vector_store %arg10[%swap3A_276, %swap3A_277], %broadcast_in_dim3A_3 {strides = array<i32>} : memref<16x2048xf32, #tpu.memory_space<vmem>>, vector<16xf32>,
        %swap3A_279 = arith.index_cast %scan3A_201 : i32 to index
        %swap3A_280 = arith.constant 416 : index
        %swap3A_281 = tpu.vector_load %arg10[%swap3A_279, %swap3A_280] {strides = array<i32>} : memref<16x2048xf32, #tpu.memory_space<vmem>>, vector<16xf32>,
        tpu.vector_store %arg10[%swap3A_279, %swap3A_280], %broadcast_in_dim3A_3 {strides = array<i32>} : memref<16x2048xf32, #tpu.memory_space<vmem>>, vector<16xf32>,
        %swap3A_282 = arith.index_cast %scan3A_201 : i32 to index
        %swap3A_283 = arith.constant 432 : index
        %swap3A_284 = tpu.vector_load %arg10[%swap3A_282, %swap3A_283] {strides = array<i32>} : memref<16x2048xf32, #tpu.memory_space<vmem>>, vector<16xf32>,
        tpu.vector_store %arg10[%swap3A_282, %swap3A_283], %broadcast_in_dim3A_3 {strides = array<i32>} : memref<16x2048xf32, #tpu.memory_space<vmem>>, vector<16xf32>,
        %swap3A_285 = arith.index_cast %scan3A_201 : i32 to index
        %swap3A_286 = arith.constant 448 : index
        %swap3A_287 = tpu.vector_load %arg10[%swap3A_285, %swap3A_286] {strides = array<i32>} : memref<16x2048xf32, #tpu.memory_space<vmem>>, vector<16xf32>,
        tpu.vector_store %arg10[%swap3A_285, %swap3A_286], %broadcast_in_dim3A_3 {strides = array<i32>} : memref<16x2048xf32, #tpu.memory_space<vmem>>, vector<16xf32>,
        %swap3A_288 = arith.index_cast %scan3A_201 : i32 to index
        %swap3A_289 = arith.constant 464 : index
        %swap3A_290 = tpu.vector_load %arg10[%swap3A_288, %swap3A_289] {strides = array<i32>} : memref<16x2048xf32, #tpu.memory_space<vmem>>, vector<16xf32>,
        tpu.vector_store %arg10[%swap3A_288, %swap3A_289], %broadcast_in_dim3A_3 {strides = array<i32>} : memref<16x2048xf32, #tpu.memory_space<vmem>>, vector<16xf32>,
        %swap3A_291 = arith.index_cast %scan3A_201 : i32 to index
        %swap3A_292 = arith.constant 480 : index
        %swap3A_293 = tpu.vector_load %arg10[%swap3A_291, %swap3A_292] {strides = array<i32>} : memref<16x2048xf32, #tpu.memory_space<vmem>>, vector<16xf32>,
        tpu.vector_store %arg10[%swap3A_291, %swap3A_292], %broadcast_in_dim3A_3 {strides = array<i32>} : memref<16x2048xf32, #tpu.memory_space<vmem>>, vector<16xf32>,
        %swap3A_294 = arith.index_cast %scan3A_201 : i32 to index
        %swap3A_295 = arith.constant 496 : index
        %swap3A_296 = tpu.vector_load %arg10[%swap3A_294, %swap3A_295] {strides = array<i32>} : memref<16x2048xf32, #tpu.memory_space<vmem>>, vector<16xf32>,
        tpu.vector_store %arg10[%swap3A_294, %swap3A_295], %broadcast_in_dim3A_3 {strides = array<i32>} : memref<16x2048xf32, #tpu.memory_space<vmem>>, vector<16xf32>,
        %swap3A_297 = arith.index_cast %scan3A_201 : i32 to index
        %swap3A_298 = arith.constant 512 : index
        %swap3A_299 = tpu.vector_load %arg10[%swap3A_297, %swap3A_298] {strides = array<i32>} : memref<16x2048xf32, #tpu.memory_space<vmem>>, vector<16xf32>,
        tpu.vector_store %arg10[%swap3A_297, %swap3A_298], %broadcast_in_dim3A_3 {strides = array<i32>} : memref<16x2048xf32, #tpu.memory_space<vmem>>, vector<16xf32>,
        %swap3A_300 = arith.index_cast %scan3A_201 : i32 to index
        %swap3A_301 = arith.constant 528 : index
        %swap3A_302 = tpu.vector_load %arg10[%swap3A_300, %swap3A_301] {strides = array<i32>} : memref<16x2048xf32, #tpu.memory_space<vmem>>, vector<16xf32>,
        tpu.vector_store %arg10[%swap3A_300, %swap3A_301], %broadcast_in_dim3A_3 {strides = array<i32>} : memref<16x2048xf32, #tpu.memory_space<vmem>>, vector<16xf32>,
        %swap3A_303 = arith.index_cast %scan3A_201 : i32 to index
        %swap3A_304 = arith.constant 544 : index
        %swap3A_305 = tpu.vector_load %arg10[%swap3A_303, %swap3A_304] {strides = array<i32>} : memref<16x2048xf32, #tpu.memory_space<vmem>>, vector<16xf32>,
        tpu.vector_store %arg10[%swap3A_303, %swap3A_304], %broadcast_in_dim3A_3 {strides = array<i32>} : memref<16x2048xf32, #tpu.memory_space<vmem>>, vector<16xf32>,
        %swap3A_306 = arith.index_cast %scan3A_201 : i32 to index
        %swap3A_307 = arith.constant 560 : index
        %swap3A_308 = tpu.vector_load %arg10[%swap3A_306, %swap3A_307] {strides = array<i32>} : memref<16x2048xf32, #tpu.memory_space<vmem>>, vector<16xf32>,
        tpu.vector_store %arg10[%swap3A_306, %swap3A_307], %broadcast_in_dim3A_3 {strides = array<i32>} : memref<16x2048xf32, #tpu.memory_space<vmem>>, vector<16xf32>,
        %swap3A_309 = arith.index_cast %scan3A_201 : i32 to index
        %swap3A_310 = arith.constant 576 : index
        %swap3A_311 = tpu.vector_load %arg10[%swap3A_309, %swap3A_310] {strides = array<i32>} : memref<16x2048xf32, #tpu.memory_space<vmem>>, vector<16xf32>,
        tpu.vector_store %arg10[%swap3A_309, %swap3A_310], %broadcast_in_dim3A_3 {strides = array<i32>} : memref<16x2048xf32, #tpu.memory_space<vmem>>, vector<16xf32>,
        %swap3A_312 = arith.index_cast %scan3A_201 : i32 to index
        %swap3A_313 = arith.constant 592 : index
        %swap3A_314 = tpu.vector_load %arg10[%swap3A_312, %swap3A_313] {strides = array<i32>} : memref<16x2048xf32, #tpu.memory_space<vmem>>, vector<16xf32>,
        tpu.vector_store %arg10[%swap3A_312, %swap3A_313], %broadcast_in_dim3A_3 {strides = array<i32>} : memref<16x2048xf32, #tpu.memory_space<vmem>>, vector<16xf32>,
        %swap3A_315 = arith.index_cast %scan3A_201 : i32 to index
        %swap3A_316 = arith.constant 608 : index
        %swap3A_317 = tpu.vector_load %arg10[%swap3A_315, %swap3A_316] {strides = array<i32>} : memref<16x2048xf32, #tpu.memory_space<vmem>>, vector<16xf32>,
        tpu.vector_store %arg10[%swap3A_315, %swap3A_316], %broadcast_in_dim3A_3 {strides = array<i32>} : memref<16x2048xf32, #tpu.memory_space<vmem>>, vector<16xf32>,
        %swap3A_318 = arith.index_cast %scan3A_201 : i32 to index
        %swap3A_319 = arith.constant 624 : index
        %swap3A_320 = tpu.vector_load %arg10[%swap3A_318, %swap3A_319] {strides = array<i32>} : memref<16x2048xf32, #tpu.memory_space<vmem>>, vector<16xf32>,
        tpu.vector_store %arg10[%swap3A_318, %swap3A_319], %broadcast_in_dim3A_3 {strides = array<i32>} : memref<16x2048xf32, #tpu.memory_space<vmem>>, vector<16xf32>,
        %swap3A_321 = arith.index_cast %scan3A_201 : i32 to index
        %swap3A_322 = arith.constant 640 : index
        %swap3A_323 = tpu.vector_load %arg10[%swap3A_321, %swap3A_322] {strides = array<i32>} : memref<16x2048xf32, #tpu.memory_space<vmem>>, vector<16xf32>,
        tpu.vector_store %arg10[%swap3A_321, %swap3A_322], %broadcast_in_dim3A_3 {strides = array<i32>} : memref<16x2048xf32, #tpu.memory_space<vmem>>, vector<16xf32>,
        %swap3A_324 = arith.index_cast %scan3A_201 : i32 to index
        %swap3A_325 = arith.constant 656 : index
        %swap3A_326 = tpu.vector_load %arg10[%swap3A_324, %swap3A_325] {strides = array<i32>} : memref<16x2048xf32, #tpu.memory_space<vmem>>, vector<16xf32>,
        tpu.vector_store %arg10[%swap3A_324, %swap3A_325], %broadcast_in_dim3A_3 {strides = array<i32>} : memref<16x2048xf32, #tpu.memory_space<vmem>>, vector<16xf32>,
        %swap3A_327 = arith.index_cast %scan3A_201 : i32 to index
        %swap3A_328 = arith.constant 672 : index
        %swap3A_329 = tpu.vector_load %arg10[%swap3A_327, %swap3A_328] {strides = array<i32>} : memref<16x2048xf32, #tpu.memory_space<vmem>>, vector<16xf32>,
        tpu.vector_store %arg10[%swap3A_327, %swap3A_328], %broadcast_in_dim3A_3 {strides = array<i32>} : memref<16x2048xf32, #tpu.memory_space<vmem>>, vector<16xf32>,
        %swap3A_330 = arith.index_cast %scan3A_201 : i32 to index
        %swap3A_331 = arith.constant 688 : index
        %swap3A_332 = tpu.vector_load %arg10[%swap3A_330, %swap3A_331] {strides = array<i32>} : memref<16x2048xf32, #tpu.memory_space<vmem>>, vector<16xf32>,
        tpu.vector_store %arg10[%swap3A_330, %swap3A_331], %broadcast_in_dim3A_3 {strides = array<i32>} : memref<16x2048xf32, #tpu.memory_space<vmem>>, vector<16xf32>,
        %swap3A_333 = arith.index_cast %scan3A_201 : i32 to index
        %swap3A_334 = arith.constant 704 : index
        %swap3A_335 = tpu.vector_load %arg10[%swap3A_333, %swap3A_334] {strides = array<i32>} : memref<16x2048xf32, #tpu.memory_space<vmem>>, vector<16xf32>,
        tpu.vector_store %arg10[%swap3A_333, %swap3A_334], %broadcast_in_dim3A_3 {strides = array<i32>} : memref<16x2048xf32, #tpu.memory_space<vmem>>, vector<16xf32>,
        %swap3A_336 = arith.index_cast %scan3A_201 : i32 to index
        %swap3A_337 = arith.constant 720 : index
        %swap3A_338 = tpu.vector_load %arg10[%swap3A_336, %swap3A_337] {strides = array<i32>} : memref<16x2048xf32, #tpu.memory_space<vmem>>, vector<16xf32>,
        tpu.vector_store %arg10[%swap3A_336, %swap3A_337], %broadcast_in_dim3A_3 {strides = array<i32>} : memref<16x2048xf32, #tpu.memory_space<vmem>>, vector<16xf32>,
        %swap3A_339 = arith.index_cast %scan3A_201 : i32 to index
        %swap3A_340 = arith.constant 736 : index
        %swap3A_341 = tpu.vector_load %arg10[%swap3A_339, %swap3A_340] {strides = array<i32>} : memref<16x2048xf32, #tpu.memory_space<vmem>>, vector<16xf32>,
        tpu.vector_store %arg10[%swap3A_339, %swap3A_340], %broadcast_in_dim3A_3 {strides = array<i32>} : memref<16x2048xf32, #tpu.memory_space<vmem>>, vector<16xf32>,
        %swap3A_342 = arith.index_cast %scan3A_201 : i32 to index
        %swap3A_343 = arith.constant 752 : index
        %swap3A_344 = tpu.vector_load %arg10[%swap3A_342, %swap3A_343] {strides = array<i32>} : memref<16x2048xf32, #tpu.memory_space<vmem>>, vector<16xf32>,
        tpu.vector_store %arg10[%swap3A_342, %swap3A_343], %broadcast_in_dim3A_3 {strides = array<i32>} : memref<16x2048xf32, #tpu.memory_space<vmem>>, vector<16xf32>,
        %swap3A_345 = arith.index_cast %scan3A_201 : i32 to index
        %swap3A_346 = arith.constant 768 : index
        %swap3A_347 = tpu.vector_load %arg10[%swap3A_345, %swap3A_346] {strides = array<i32>} : memref<16x2048xf32, #tpu.memory_space<vmem>>, vector<16xf32>,
        tpu.vector_store %arg10[%swap3A_345, %swap3A_346], %broadcast_in_dim3A_3 {strides = array<i32>} : memref<16x2048xf32, #tpu.memory_space<vmem>>, vector<16xf32>,
        %swap3A_348 = arith.index_cast %scan3A_201 : i32 to index
        %swap3A_349 = arith.constant 784 : index
        %swap3A_350 = tpu.vector_load %arg10[%swap3A_348, %swap3A_349] {strides = array<i32>} : memref<16x2048xf32, #tpu.memory_space<vmem>>, vector<16xf32>,
        tpu.vector_store %arg10[%swap3A_348, %swap3A_349], %broadcast_in_dim3A_3 {strides = array<i32>} : memref<16x2048xf32, #tpu.memory_space<vmem>>, vector<16xf32>,
        %swap3A_351 = arith.index_cast %scan3A_201 : i32 to index
        %swap3A_352 = arith.constant 800 : index
        %swap3A_353 = tpu.vector_load %arg10[%swap3A_351, %swap3A_352] {strides = array<i32>} : memref<16x2048xf32, #tpu.memory_space<vmem>>, vector<16xf32>,
        tpu.vector_store %arg10[%swap3A_351, %swap3A_352], %broadcast_in_dim3A_3 {strides = array<i32>} : memref<16x2048xf32, #tpu.memory_space<vmem>>, vector<16xf32>,
        %swap3A_354 = arith.index_cast %scan3A_201 : i32 to index
        %swap3A_355 = arith.constant 816 : index
        %swap3A_356 = tpu.vector_load %arg10[%swap3A_354, %swap3A_355] {strides = array<i32>} : memref<16x2048xf32, #tpu.memory_space<vmem>>, vector<16xf32>,
        tpu.vector_store %arg10[%swap3A_354, %swap3A_355], %broadcast_in_dim3A_3 {strides = array<i32>} : memref<16x2048xf32, #tpu.memory_space<vmem>>, vector<16xf32>,
        %swap3A_357 = arith.index_cast %scan3A_201 : i32 to index
        %swap3A_358 = arith.constant 832 : index
        %swap3A_359 = tpu.vector_load %arg10[%swap3A_357, %swap3A_358] {strides = array<i32>} : memref<16x2048xf32, #tpu.memory_space<vmem>>, vector<16xf32>,
        tpu.vector_store %arg10[%swap3A_357, %swap3A_358], %broadcast_in_dim3A_3 {strides = array<i32>} : memref<16x2048xf32, #tpu.memory_space<vmem>>, vector<16xf32>,
        %swap3A_360 = arith.index_cast %scan3A_201 : i32 to index
        %swap3A_361 = arith.constant 848 : index
        %swap3A_362 = tpu.vector_load %arg10[%swap3A_360, %swap3A_361] {strides = array<i32>} : memref<16x2048xf32, #tpu.memory_space<vmem>>, vector<16xf32>,
        tpu.vector_store %arg10[%swap3A_360, %swap3A_361], %broadcast_in_dim3A_3 {strides = array<i32>} : memref<16x2048xf32, #tpu.memory_space<vmem>>, vector<16xf32>,
        %swap3A_363 = arith.index_cast %scan3A_201 : i32 to index
        %swap3A_364 = arith.constant 864 : index
        %swap3A_365 = tpu.vector_load %arg10[%swap3A_363, %swap3A_364] {strides = array<i32>} : memref<16x2048xf32, #tpu.memory_space<vmem>>, vector<16xf32>,
        tpu.vector_store %arg10[%swap3A_363, %swap3A_364], %broadcast_in_dim3A_3 {strides = array<i32>} : memref<16x2048xf32, #tpu.memory_space<vmem>>, vector<16xf32>,
        %swap3A_366 = arith.index_cast %scan3A_201 : i32 to index
        %swap3A_367 = arith.constant 880 : index
        %swap3A_368 = tpu.vector_load %arg10[%swap3A_366, %swap3A_367] {strides = array<i32>} : memref<16x2048xf32, #tpu.memory_space<vmem>>, vector<16xf32>,
        tpu.vector_store %arg10[%swap3A_366, %swap3A_367], %broadcast_in_dim3A_3 {strides = array<i32>} : memref<16x2048xf32, #tpu.memory_space<vmem>>, vector<16xf32>,
        %swap3A_369 = arith.index_cast %scan3A_201 : i32 to index
        %swap3A_370 = arith.constant 896 : index
        %swap3A_371 = tpu.vector_load %arg10[%swap3A_369, %swap3A_370] {strides = array<i32>} : memref<16x2048xf32, #tpu.memory_space<vmem>>, vector<16xf32>,
        tpu.vector_store %arg10[%swap3A_369, %swap3A_370], %broadcast_in_dim3A_3 {strides = array<i32>} : memref<16x2048xf32, #tpu.memory_space<vmem>>, vector<16xf32>,
        %swap3A_372 = arith.index_cast %scan3A_201 : i32 to index
        %swap3A_373 = arith.constant 912 : index
        %swap3A_374 = tpu.vector_load %arg10[%swap3A_372, %swap3A_373] {strides = array<i32>} : memref<16x2048xf32, #tpu.memory_space<vmem>>, vector<16xf32>,
        tpu.vector_store %arg10[%swap3A_372, %swap3A_373], %broadcast_in_dim3A_3 {strides = array<i32>} : memref<16x2048xf32, #tpu.memory_space<vmem>>, vector<16xf32>,
        %swap3A_375 = arith.index_cast %scan3A_201 : i32 to index
        %swap3A_376 = arith.constant 928 : index
        %swap3A_377 = tpu.vector_load %arg10[%swap3A_375, %swap3A_376] {strides = array<i32>} : memref<16x2048xf32, #tpu.memory_space<vmem>>, vector<16xf32>,
        tpu.vector_store %arg10[%swap3A_375, %swap3A_376], %broadcast_in_dim3A_3 {strides = array<i32>} : memref<16x2048xf32, #tpu.memory_space<vmem>>, vector<16xf32>,
        %swap3A_378 = arith.index_cast %scan3A_201 : i32 to index
        %swap3A_379 = arith.constant 944 : index
        %swap3A_380 = tpu.vector_load %arg10[%swap3A_378, %swap3A_379] {strides = array<i32>} : memref<16x2048xf32, #tpu.memory_space<vmem>>, vector<16xf32>,
        tpu.vector_store %arg10[%swap3A_378, %swap3A_379], %broadcast_in_dim3A_3 {strides = array<i32>} : memref<16x2048xf32, #tpu.memory_space<vmem>>, vector<16xf32>,
        %swap3A_381 = arith.index_cast %scan3A_201 : i32 to index
        %swap3A_382 = arith.constant 960 : index
        %swap3A_383 = tpu.vector_load %arg10[%swap3A_381, %swap3A_382] {strides = array<i32>} : memref<16x2048xf32, #tpu.memory_space<vmem>>, vector<16xf32>,
        tpu.vector_store %arg10[%swap3A_381, %swap3A_382], %broadcast_in_dim3A_3 {strides = array<i32>} : memref<16x2048xf32, #tpu.memory_space<vmem>>, vector<16xf32>,
        %swap3A_384 = arith.index_cast %scan3A_201 : i32 to index
        %swap3A_385 = arith.constant 976 : index
        %swap3A_386 = tpu.vector_load %arg10[%swap3A_384, %swap3A_385] {strides = array<i32>} : memref<16x2048xf32, #tpu.memory_space<vmem>>, vector<16xf32>,
        tpu.vector_store %arg10[%swap3A_384, %swap3A_385], %broadcast_in_dim3A_3 {strides = array<i32>} : memref<16x2048xf32, #tpu.memory_space<vmem>>, vector<16xf32>,
        %swap3A_387 = arith.index_cast %scan3A_201 : i32 to index
        %swap3A_388 = arith.constant 992 : index
        %swap3A_389 = tpu.vector_load %arg10[%swap3A_387, %swap3A_388] {strides = array<i32>} : memref<16x2048xf32, #tpu.memory_space<vmem>>, vector<16xf32>,
        tpu.vector_store %arg10[%swap3A_387, %swap3A_388], %broadcast_in_dim3A_3 {strides = array<i32>} : memref<16x2048xf32, #tpu.memory_space<vmem>>, vector<16xf32>,
        %swap3A_390 = arith.index_cast %scan3A_201 : i32 to index
        %swap3A_391 = arith.constant 1008 : index
        %swap3A_392 = tpu.vector_load %arg10[%swap3A_390, %swap3A_391] {strides = array<i32>} : memref<16x2048xf32, #tpu.memory_space<vmem>>, vector<16xf32>,
        tpu.vector_store %arg10[%swap3A_390, %swap3A_391], %broadcast_in_dim3A_3 {strides = array<i32>} : memref<16x2048xf32, #tpu.memory_space<vmem>>, vector<16xf32>,
        %swap3A_393 = arith.index_cast %scan3A_201 : i32 to index
        %swap3A_394 = arith.constant 1024 : index
        %swap3A_395 = tpu.vector_load %arg10[%swap3A_393, %swap3A_394] {strides = array<i32>} : memref<16x2048xf32, #tpu.memory_space<vmem>>, vector<16xf32>,
        tpu.vector_store %arg10[%swap3A_393, %swap3A_394], %broadcast_in_dim3A_3 {strides = array<i32>} : memref<16x2048xf32, #tpu.memory_space<vmem>>, vector<16xf32>,
        %swap3A_396 = arith.index_cast %scan3A_201 : i32 to index
        %swap3A_397 = arith.constant 1040 : index
        %swap3A_398 = tpu.vector_load %arg10[%swap3A_396, %swap3A_397] {strides = array<i32>} : memref<16x2048xf32, #tpu.memory_space<vmem>>, vector<16xf32>,
        tpu.vector_store %arg10[%swap3A_396, %swap3A_397], %broadcast_in_dim3A_3 {strides = array<i32>} : memref<16x2048xf32, #tpu.memory_space<vmem>>, vector<16xf32>,
        %swap3A_399 = arith.index_cast %scan3A_201 : i32 to index
        %swap3A_400 = arith.constant 1056 : index
        %swap3A_401 = tpu.vector_load %arg10[%swap3A_399, %swap3A_400] {strides = array<i32>} : memref<16x2048xf32, #tpu.memory_space<vmem>>, vector<16xf32>,
        tpu.vector_store %arg10[%swap3A_399, %swap3A_400], %broadcast_in_dim3A_3 {strides = array<i32>} : memref<16x2048xf32, #tpu.memory_space<vmem>>, vector<16xf32>,
        %swap3A_402 = arith.index_cast %scan3A_201 : i32 to index
        %swap3A_403 = arith.constant 1072 : index
        %swap3A_404 = tpu.vector_load %arg10[%swap3A_402, %swap3A_403] {strides = array<i32>} : memref<16x2048xf32, #tpu.memory_space<vmem>>, vector<16xf32>,
        tpu.vector_store %arg10[%swap3A_402, %swap3A_403], %broadcast_in_dim3A_3 {strides = array<i32>} : memref<16x2048xf32, #tpu.memory_space<vmem>>, vector<16xf32>,
        %swap3A_405 = arith.index_cast %scan3A_201 : i32 to index
        %swap3A_406 = arith.constant 1088 : index
        %swap3A_407 = tpu.vector_load %arg10[%swap3A_405, %swap3A_406] {strides = array<i32>} : memref<16x2048xf32, #tpu.memory_space<vmem>>, vector<16xf32>,
        tpu.vector_store %arg10[%swap3A_405, %swap3A_406], %broadcast_in_dim3A_3 {strides = array<i32>} : memref<16x2048xf32, #tpu.memory_space<vmem>>, vector<16xf32>,
        %swap3A_408 = arith.index_cast %scan3A_201 : i32 to index
        %swap3A_409 = arith.constant 1104 : index
        %swap3A_410 = tpu.vector_load %arg10[%swap3A_408, %swap3A_409] {strides = array<i32>} : memref<16x2048xf32, #tpu.memory_space<vmem>>, vector<16xf32>,
        tpu.vector_store %arg10[%swap3A_408, %swap3A_409], %broadcast_in_dim3A_3 {strides = array<i32>} : memref<16x2048xf32, #tpu.memory_space<vmem>>, vector<16xf32>,
        %swap3A_411 = arith.index_cast %scan3A_201 : i32 to index
        %swap3A_412 = arith.constant 1120 : index
        %swap3A_413 = tpu.vector_load %arg10[%swap3A_411, %swap3A_412] {strides = array<i32>} : memref<16x2048xf32, #tpu.memory_space<vmem>>, vector<16xf32>,
        tpu.vector_store %arg10[%swap3A_411, %swap3A_412], %broadcast_in_dim3A_3 {strides = array<i32>} : memref<16x2048xf32, #tpu.memory_space<vmem>>, vector<16xf32>,
        %swap3A_414 = arith.index_cast %scan3A_201 : i32 to index
        %swap3A_415 = arith.constant 1136 : index
        %swap3A_416 = tpu.vector_load %arg10[%swap3A_414, %swap3A_415] {strides = array<i32>} : memref<16x2048xf32, #tpu.memory_space<vmem>>, vector<16xf32>,
        tpu.vector_store %arg10[%swap3A_414, %swap3A_415], %broadcast_in_dim3A_3 {strides = array<i32>} : memref<16x2048xf32, #tpu.memory_space<vmem>>, vector<16xf32>,
        %swap3A_417 = arith.index_cast %scan3A_201 : i32 to index
        %swap3A_418 = arith.constant 1152 : index
        %swap3A_419 = tpu.vector_load %arg10[%swap3A_417, %swap3A_418] {strides = array<i32>} : memref<16x2048xf32, #tpu.memory_space<vmem>>, vector<16xf32>,
        tpu.vector_store %arg10[%swap3A_417, %swap3A_418], %broadcast_in_dim3A_3 {strides = array<i32>} : memref<16x2048xf32, #tpu.memory_space<vmem>>, vector<16xf32>,
        %swap3A_420 = arith.index_cast %scan3A_201 : i32 to index
        %swap3A_421 = arith.constant 1168 : index
        %swap3A_422 = tpu.vector_load %arg10[%swap3A_420, %swap3A_421] {strides = array<i32>} : memref<16x2048xf32, #tpu.memory_space<vmem>>, vector<16xf32>,
        tpu.vector_store %arg10[%swap3A_420, %swap3A_421], %broadcast_in_dim3A_3 {strides = array<i32>} : memref<16x2048xf32, #tpu.memory_space<vmem>>, vector<16xf32>,
        %swap3A_423 = arith.index_cast %scan3A_201 : i32 to index
        %swap3A_424 = arith.constant 1184 : index
        %swap3A_425 = tpu.vector_load %arg10[%swap3A_423, %swap3A_424] {strides = array<i32>} : memref<16x2048xf32, #tpu.memory_space<vmem>>, vector<16xf32>,
        tpu.vector_store %arg10[%swap3A_423, %swap3A_424], %broadcast_in_dim3A_3 {strides = array<i32>} : memref<16x2048xf32, #tpu.memory_space<vmem>>, vector<16xf32>,
        %swap3A_426 = arith.index_cast %scan3A_201 : i32 to index
        %swap3A_427 = arith.constant 1200 : index
        %swap3A_428 = tpu.vector_load %arg10[%swap3A_426, %swap3A_427] {strides = array<i32>} : memref<16x2048xf32, #tpu.memory_space<vmem>>, vector<16xf32>,
        tpu.vector_store %arg10[%swap3A_426, %swap3A_427], %broadcast_in_dim3A_3 {strides = array<i32>} : memref<16x2048xf32, #tpu.memory_space<vmem>>, vector<16xf32>,
        %swap3A_429 = arith.index_cast %scan3A_201 : i32 to index
        %swap3A_430 = arith.constant 1216 : index
        %swap3A_431 = tpu.vector_load %arg10[%swap3A_429, %swap3A_430] {strides = array<i32>} : memref<16x2048xf32, #tpu.memory_space<vmem>>, vector<16xf32>,
        tpu.vector_store %arg10[%swap3A_429, %swap3A_430], %broadcast_in_dim3A_3 {strides = array<i32>} : memref<16x2048xf32, #tpu.memory_space<vmem>>, vector<16xf32>,
        %swap3A_432 = arith.index_cast %scan3A_201 : i32 to index
        %swap3A_433 = arith.constant 1232 : index
        %swap3A_434 = tpu.vector_load %arg10[%swap3A_432, %swap3A_433] {strides = array<i32>} : memref<16x2048xf32, #tpu.memory_space<vmem>>, vector<16xf32>,
        tpu.vector_store %arg10[%swap3A_432, %swap3A_433], %broadcast_in_dim3A_3 {strides = array<i32>} : memref<16x2048xf32, #tpu.memory_space<vmem>>, vector<16xf32>,
        %swap3A_435 = arith.index_cast %scan3A_201 : i32 to index
        %swap3A_436 = arith.constant 1248 : index
        %swap3A_437 = tpu.vector_load %arg10[%swap3A_435, %swap3A_436] {strides = array<i32>} : memref<16x2048xf32, #tpu.memory_space<vmem>>, vector<16xf32>,
        tpu.vector_store %arg10[%swap3A_435, %swap3A_436], %broadcast_in_dim3A_3 {strides = array<i32>} : memref<16x2048xf32, #tpu.memory_space<vmem>>, vector<16xf32>,
        %swap3A_438 = arith.index_cast %scan3A_201 : i32 to index
        %swap3A_439 = arith.constant 1264 : index
        %swap3A_440 = tpu.vector_load %arg10[%swap3A_438, %swap3A_439] {strides = array<i32>} : memref<16x2048xf32, #tpu.memory_space<vmem>>, vector<16xf32>,
        tpu.vector_store %arg10[%swap3A_438, %swap3A_439], %broadcast_in_dim3A_3 {strides = array<i32>} : memref<16x2048xf32, #tpu.memory_space<vmem>>, vector<16xf32>,
        %swap3A_441 = arith.index_cast %scan3A_201 : i32 to index
        %swap3A_442 = arith.constant 1280 : index
        %swap3A_443 = tpu.vector_load %arg10[%swap3A_441, %swap3A_442] {strides = array<i32>} : memref<16x2048xf32, #tpu.memory_space<vmem>>, vector<16xf32>,
        tpu.vector_store %arg10[%swap3A_441, %swap3A_442], %broadcast_in_dim3A_3 {strides = array<i32>} : memref<16x2048xf32, #tpu.memory_space<vmem>>, vector<16xf32>,
        %swap3A_444 = arith.index_cast %scan3A_201 : i32 to index
        %swap3A_445 = arith.constant 1296 : index
        %swap3A_446 = tpu.vector_load %arg10[%swap3A_444, %swap3A_445] {strides = array<i32>} : memref<16x2048xf32, #tpu.memory_space<vmem>>, vector<16xf32>,
        tpu.vector_store %arg10[%swap3A_444, %swap3A_445], %broadcast_in_dim3A_3 {strides = array<i32>} : memref<16x2048xf32, #tpu.memory_space<vmem>>, vector<16xf32>,
        %swap3A_447 = arith.index_cast %scan3A_201 : i32 to index
        %swap3A_448 = arith.constant 1312 : index
        %swap3A_449 = tpu.vector_load %arg10[%swap3A_447, %swap3A_448] {strides = array<i32>} : memref<16x2048xf32, #tpu.memory_space<vmem>>, vector<16xf32>,
        tpu.vector_store %arg10[%swap3A_447, %swap3A_448], %broadcast_in_dim3A_3 {strides = array<i32>} : memref<16x2048xf32, #tpu.memory_space<vmem>>, vector<16xf32>,
        %swap3A_450 = arith.index_cast %scan3A_201 : i32 to index
        %swap3A_451 = arith.constant 1328 : index
        %swap3A_452 = tpu.vector_load %arg10[%swap3A_450, %swap3A_451] {strides = array<i32>} : memref<16x2048xf32, #tpu.memory_space<vmem>>, vector<16xf32>,
        tpu.vector_store %arg10[%swap3A_450, %swap3A_451], %broadcast_in_dim3A_3 {strides = array<i32>} : memref<16x2048xf32, #tpu.memory_space<vmem>>, vector<16xf32>,
        %swap3A_453 = arith.index_cast %scan3A_201 : i32 to index
        %swap3A_454 = arith.constant 1344 : index
        %swap3A_455 = tpu.vector_load %arg10[%swap3A_453, %swap3A_454] {strides = array<i32>} : memref<16x2048xf32, #tpu.memory_space<vmem>>, vector<16xf32>,
        tpu.vector_store %arg10[%swap3A_453, %swap3A_454], %broadcast_in_dim3A_3 {strides = array<i32>} : memref<16x2048xf32, #tpu.memory_space<vmem>>, vector<16xf32>,
        %swap3A_456 = arith.index_cast %scan3A_201 : i32 to index
        %swap3A_457 = arith.constant 1360 : index
        %swap3A_458 = tpu.vector_load %arg10[%swap3A_456, %swap3A_457] {strides = array<i32>} : memref<16x2048xf32, #tpu.memory_space<vmem>>, vector<16xf32>,
        tpu.vector_store %arg10[%swap3A_456, %swap3A_457], %broadcast_in_dim3A_3 {strides = array<i32>} : memref<16x2048xf32, #tpu.memory_space<vmem>>, vector<16xf32>,
        %swap3A_459 = arith.index_cast %scan3A_201 : i32 to index
        %swap3A_460 = arith.constant 1376 : index
        %swap3A_461 = tpu.vector_load %arg10[%swap3A_459, %swap3A_460] {strides = array<i32>} : memref<16x2048xf32, #tpu.memory_space<vmem>>, vector<16xf32>,
        tpu.vector_store %arg10[%swap3A_459, %swap3A_460], %broadcast_in_dim3A_3 {strides = array<i32>} : memref<16x2048xf32, #tpu.memory_space<vmem>>, vector<16xf32>,
        %swap3A_462 = arith.index_cast %scan3A_201 : i32 to index
        %swap3A_463 = arith.constant 1392 : index
        %swap3A_464 = tpu.vector_load %arg10[%swap3A_462, %swap3A_463] {strides = array<i32>} : memref<16x2048xf32, #tpu.memory_space<vmem>>, vector<16xf32>,
        tpu.vector_store %arg10[%swap3A_462, %swap3A_463], %broadcast_in_dim3A_3 {strides = array<i32>} : memref<16x2048xf32, #tpu.memory_space<vmem>>, vector<16xf32>,
        %swap3A_465 = arith.index_cast %scan3A_201 : i32 to index
        %swap3A_466 = arith.constant 1408 : index
        %swap3A_467 = tpu.vector_load %arg10[%swap3A_465, %swap3A_466] {strides = array<i32>} : memref<16x2048xf32, #tpu.memory_space<vmem>>, vector<16xf32>,
        tpu.vector_store %arg10[%swap3A_465, %swap3A_466], %broadcast_in_dim3A_3 {strides = array<i32>} : memref<16x2048xf32, #tpu.memory_space<vmem>>, vector<16xf32>,
        %swap3A_468 = arith.index_cast %scan3A_201 : i32 to index
        %swap3A_469 = arith.constant 1424 : index
        %swap3A_470 = tpu.vector_load %arg10[%swap3A_468, %swap3A_469] {strides = array<i32>} : memref<16x2048xf32, #tpu.memory_space<vmem>>, vector<16xf32>,
        tpu.vector_store %arg10[%swap3A_468, %swap3A_469], %broadcast_in_dim3A_3 {strides = array<i32>} : memref<16x2048xf32, #tpu.memory_space<vmem>>, vector<16xf32>,
        %swap3A_471 = arith.index_cast %scan3A_201 : i32 to index
        %swap3A_472 = arith.constant 1440 : index
        %swap3A_473 = tpu.vector_load %arg10[%swap3A_471, %swap3A_472] {strides = array<i32>} : memref<16x2048xf32, #tpu.memory_space<vmem>>, vector<16xf32>,
        tpu.vector_store %arg10[%swap3A_471, %swap3A_472], %broadcast_in_dim3A_3 {strides = array<i32>} : memref<16x2048xf32, #tpu.memory_space<vmem>>, vector<16xf32>,
        %swap3A_474 = arith.index_cast %scan3A_201 : i32 to index
        %swap3A_475 = arith.constant 1456 : index
        %swap3A_476 = tpu.vector_load %arg10[%swap3A_474, %swap3A_475] {strides = array<i32>} : memref<16x2048xf32, #tpu.memory_space<vmem>>, vector<16xf32>,
        tpu.vector_store %arg10[%swap3A_474, %swap3A_475], %broadcast_in_dim3A_3 {strides = array<i32>} : memref<16x2048xf32, #tpu.memory_space<vmem>>, vector<16xf32>,
        %swap3A_477 = arith.index_cast %scan3A_201 : i32 to index
        %swap3A_478 = arith.constant 1472 : index
        %swap3A_479 = tpu.vector_load %arg10[%swap3A_477, %swap3A_478] {strides = array<i32>} : memref<16x2048xf32, #tpu.memory_space<vmem>>, vector<16xf32>,
        tpu.vector_store %arg10[%swap3A_477, %swap3A_478], %broadcast_in_dim3A_3 {strides = array<i32>} : memref<16x2048xf32, #tpu.memory_space<vmem>>, vector<16xf32>,
        %swap3A_480 = arith.index_cast %scan3A_201 : i32 to index
        %swap3A_481 = arith.constant 1488 : index
        %swap3A_482 = tpu.vector_load %arg10[%swap3A_480, %swap3A_481] {strides = array<i32>} : memref<16x2048xf32, #tpu.memory_space<vmem>>, vector<16xf32>,
        tpu.vector_store %arg10[%swap3A_480, %swap3A_481], %broadcast_in_dim3A_3 {strides = array<i32>} : memref<16x2048xf32, #tpu.memory_space<vmem>>, vector<16xf32>,
        %swap3A_483 = arith.index_cast %scan3A_201 : i32 to index
        %swap3A_484 = arith.constant 1504 : index
        %swap3A_485 = tpu.vector_load %arg10[%swap3A_483, %swap3A_484] {strides = array<i32>} : memref<16x2048xf32, #tpu.memory_space<vmem>>, vector<16xf32>,
        tpu.vector_store %arg10[%swap3A_483, %swap3A_484], %broadcast_in_dim3A_3 {strides = array<i32>} : memref<16x2048xf32, #tpu.memory_space<vmem>>, vector<16xf32>,
        %swap3A_486 = arith.index_cast %scan3A_201 : i32 to index
        %swap3A_487 = arith.constant 1520 : index
        %swap3A_488 = tpu.vector_load %arg10[%swap3A_486, %swap3A_487] {strides = array<i32>} : memref<16x2048xf32, #tpu.memory_space<vmem>>, vector<16xf32>,
        tpu.vector_store %arg10[%swap3A_486, %swap3A_487], %broadcast_in_dim3A_3 {strides = array<i32>} : memref<16x2048xf32, #tpu.memory_space<vmem>>, vector<16xf32>,
        %swap3A_489 = arith.index_cast %scan3A_201 : i32 to index
        %swap3A_490 = arith.constant 1536 : index
        %swap3A_491 = tpu.vector_load %arg10[%swap3A_489, %swap3A_490] {strides = array<i32>} : memref<16x2048xf32, #tpu.memory_space<vmem>>, vector<16xf32>,
        tpu.vector_store %arg10[%swap3A_489, %swap3A_490], %broadcast_in_dim3A_3 {strides = array<i32>} : memref<16x2048xf32, #tpu.memory_space<vmem>>, vector<16xf32>,
        %swap3A_492 = arith.index_cast %scan3A_201 : i32 to index
        %swap3A_493 = arith.constant 1552 : index
        %swap3A_494 = tpu.vector_load %arg10[%swap3A_492, %swap3A_493] {strides = array<i32>} : memref<16x2048xf32, #tpu.memory_space<vmem>>, vector<16xf32>,
        tpu.vector_store %arg10[%swap3A_492, %swap3A_493], %broadcast_in_dim3A_3 {strides = array<i32>} : memref<16x2048xf32, #tpu.memory_space<vmem>>, vector<16xf32>,
        %swap3A_495 = arith.index_cast %scan3A_201 : i32 to index
        %swap3A_496 = arith.constant 1568 : index
        %swap3A_497 = tpu.vector_load %arg10[%swap3A_495, %swap3A_496] {strides = array<i32>} : memref<16x2048xf32, #tpu.memory_space<vmem>>, vector<16xf32>,
        tpu.vector_store %arg10[%swap3A_495, %swap3A_496], %broadcast_in_dim3A_3 {strides = array<i32>} : memref<16x2048xf32, #tpu.memory_space<vmem>>, vector<16xf32>,
        %swap3A_498 = arith.index_cast %scan3A_201 : i32 to index
        %swap3A_499 = arith.constant 1584 : index
        %swap3A_500 = tpu.vector_load %arg10[%swap3A_498, %swap3A_499] {strides = array<i32>} : memref<16x2048xf32, #tpu.memory_space<vmem>>, vector<16xf32>,
        tpu.vector_store %arg10[%swap3A_498, %swap3A_499], %broadcast_in_dim3A_3 {strides = array<i32>} : memref<16x2048xf32, #tpu.memory_space<vmem>>, vector<16xf32>,
        %swap3A_501 = arith.index_cast %scan3A_201 : i32 to index
        %swap3A_502 = arith.constant 1600 : index
        %swap3A_503 = tpu.vector_load %arg10[%swap3A_501, %swap3A_502] {strides = array<i32>} : memref<16x2048xf32, #tpu.memory_space<vmem>>, vector<16xf32>,
        tpu.vector_store %arg10[%swap3A_501, %swap3A_502], %broadcast_in_dim3A_3 {strides = array<i32>} : memref<16x2048xf32, #tpu.memory_space<vmem>>, vector<16xf32>,
        %swap3A_504 = arith.index_cast %scan3A_201 : i32 to index
        %swap3A_505 = arith.constant 1616 : index
        %swap3A_506 = tpu.vector_load %arg10[%swap3A_504, %swap3A_505] {strides = array<i32>} : memref<16x2048xf32, #tpu.memory_space<vmem>>, vector<16xf32>,
        tpu.vector_store %arg10[%swap3A_504, %swap3A_505], %broadcast_in_dim3A_3 {strides = array<i32>} : memref<16x2048xf32, #tpu.memory_space<vmem>>, vector<16xf32>,
        %swap3A_507 = arith.index_cast %scan3A_201 : i32 to index
        %swap3A_508 = arith.constant 1632 : index
        %swap3A_509 = tpu.vector_load %arg10[%swap3A_507, %swap3A_508] {strides = array<i32>} : memref<16x2048xf32, #tpu.memory_space<vmem>>, vector<16xf32>,
        tpu.vector_store %arg10[%swap3A_507, %swap3A_508], %broadcast_in_dim3A_3 {strides = array<i32>} : memref<16x2048xf32, #tpu.memory_space<vmem>>, vector<16xf32>,
        %swap3A_510 = arith.index_cast %scan3A_201 : i32 to index
        %swap3A_511 = arith.constant 1648 : index
        %swap3A_512 = tpu.vector_load %arg10[%swap3A_510, %swap3A_511] {strides = array<i32>} : memref<16x2048xf32, #tpu.memory_space<vmem>>, vector<16xf32>,
        tpu.vector_store %arg10[%swap3A_510, %swap3A_511], %broadcast_in_dim3A_3 {strides = array<i32>} : memref<16x2048xf32, #tpu.memory_space<vmem>>, vector<16xf32>,
        %swap3A_513 = arith.index_cast %scan3A_201 : i32 to index
        %swap3A_514 = arith.constant 1664 : index
        %swap3A_515 = tpu.vector_load %arg10[%swap3A_513, %swap3A_514] {strides = array<i32>} : memref<16x2048xf32, #tpu.memory_space<vmem>>, vector<16xf32>,
        tpu.vector_store %arg10[%swap3A_513, %swap3A_514], %broadcast_in_dim3A_3 {strides = array<i32>} : memref<16x2048xf32, #tpu.memory_space<vmem>>, vector<16xf32>,
        %swap3A_516 = arith.index_cast %scan3A_201 : i32 to index
        %swap3A_517 = arith.constant 1680 : index
        %swap3A_518 = tpu.vector_load %arg10[%swap3A_516, %swap3A_517] {strides = array<i32>} : memref<16x2048xf32, #tpu.memory_space<vmem>>, vector<16xf32>,
        tpu.vector_store %arg10[%swap3A_516, %swap3A_517], %broadcast_in_dim3A_3 {strides = array<i32>} : memref<16x2048xf32, #tpu.memory_space<vmem>>, vector<16xf32>,
        %swap3A_519 = arith.index_cast %scan3A_201 : i32 to index
        %swap3A_520 = arith.constant 1696 : index
        %swap3A_521 = tpu.vector_load %arg10[%swap3A_519, %swap3A_520] {strides = array<i32>} : memref<16x2048xf32, #tpu.memory_space<vmem>>, vector<16xf32>,
        tpu.vector_store %arg10[%swap3A_519, %swap3A_520], %broadcast_in_dim3A_3 {strides = array<i32>} : memref<16x2048xf32, #tpu.memory_space<vmem>>, vector<16xf32>,
        %swap3A_522 = arith.index_cast %scan3A_201 : i32 to index
        %swap3A_523 = arith.constant 1712 : index
        %swap3A_524 = tpu.vector_load %arg10[%swap3A_522, %swap3A_523] {strides = array<i32>} : memref<16x2048xf32, #tpu.memory_space<vmem>>, vector<16xf32>,
        tpu.vector_store %arg10[%swap3A_522, %swap3A_523], %broadcast_in_dim3A_3 {strides = array<i32>} : memref<16x2048xf32, #tpu.memory_space<vmem>>, vector<16xf32>,
        %swap3A_525 = arith.index_cast %scan3A_201 : i32 to index
        %swap3A_526 = arith.constant 1728 : index
        %swap3A_527 = tpu.vector_load %arg10[%swap3A_525, %swap3A_526] {strides = array<i32>} : memref<16x2048xf32, #tpu.memory_space<vmem>>, vector<16xf32>,
        tpu.vector_store %arg10[%swap3A_525, %swap3A_526], %broadcast_in_dim3A_3 {strides = array<i32>} : memref<16x2048xf32, #tpu.memory_space<vmem>>, vector<16xf32>,
        %swap3A_528 = arith.index_cast %scan3A_201 : i32 to index
        %swap3A_529 = arith.constant 1744 : index
        %swap3A_530 = tpu.vector_load %arg10[%swap3A_528, %swap3A_529] {strides = array<i32>} : memref<16x2048xf32, #tpu.memory_space<vmem>>, vector<16xf32>,
        tpu.vector_store %arg10[%swap3A_528, %swap3A_529], %broadcast_in_dim3A_3 {strides = array<i32>} : memref<16x2048xf32, #tpu.memory_space<vmem>>, vector<16xf32>,
        %swap3A_531 = arith.index_cast %scan3A_201 : i32 to index
        %swap3A_532 = arith.constant 1760 : index
        %swap3A_533 = tpu.vector_load %arg10[%swap3A_531, %swap3A_532] {strides = array<i32>} : memref<16x2048xf32, #tpu.memory_space<vmem>>, vector<16xf32>,
        tpu.vector_store %arg10[%swap3A_531, %swap3A_532], %broadcast_in_dim3A_3 {strides = array<i32>} : memref<16x2048xf32, #tpu.memory_space<vmem>>, vector<16xf32>,
        %swap3A_534 = arith.index_cast %scan3A_201 : i32 to index
        %swap3A_535 = arith.constant 1776 : index
        %swap3A_536 = tpu.vector_load %arg10[%swap3A_534, %swap3A_535] {strides = array<i32>} : memref<16x2048xf32, #tpu.memory_space<vmem>>, vector<16xf32>,
        tpu.vector_store %arg10[%swap3A_534, %swap3A_535], %broadcast_in_dim3A_3 {strides = array<i32>} : memref<16x2048xf32, #tpu.memory_space<vmem>>, vector<16xf32>,
        %swap3A_537 = arith.index_cast %scan3A_201 : i32 to index
        %swap3A_538 = arith.constant 1792 : index
        %swap3A_539 = tpu.vector_load %arg10[%swap3A_537, %swap3A_538] {strides = array<i32>} : memref<16x2048xf32, #tpu.memory_space<vmem>>, vector<16xf32>,
        tpu.vector_store %arg10[%swap3A_537, %swap3A_538], %broadcast_in_dim3A_3 {strides = array<i32>} : memref<16x2048xf32, #tpu.memory_space<vmem>>, vector<16xf32>,
        %swap3A_540 = arith.index_cast %scan3A_201 : i32 to index
        %swap3A_541 = arith.constant 1808 : index
        %swap3A_542 = tpu.vector_load %arg10[%swap3A_540, %swap3A_541] {strides = array<i32>} : memref<16x2048xf32, #tpu.memory_space<vmem>>, vector<16xf32>,
        tpu.vector_store %arg10[%swap3A_540, %swap3A_541], %broadcast_in_dim3A_3 {strides = array<i32>} : memref<16x2048xf32, #tpu.memory_space<vmem>>, vector<16xf32>,
        %swap3A_543 = arith.index_cast %scan3A_201 : i32 to index
        %swap3A_544 = arith.constant 1824 : index
        %swap3A_545 = tpu.vector_load %arg10[%swap3A_543, %swap3A_544] {strides = array<i32>} : memref<16x2048xf32, #tpu.memory_space<vmem>>, vector<16xf32>,
        tpu.vector_store %arg10[%swap3A_543, %swap3A_544], %broadcast_in_dim3A_3 {strides = array<i32>} : memref<16x2048xf32, #tpu.memory_space<vmem>>, vector<16xf32>,
        %swap3A_546 = arith.index_cast %scan3A_201 : i32 to index
        %swap3A_547 = arith.constant 1840 : index
        %swap3A_548 = tpu.vector_load %arg10[%swap3A_546, %swap3A_547] {strides = array<i32>} : memref<16x2048xf32, #tpu.memory_space<vmem>>, vector<16xf32>,
        tpu.vector_store %arg10[%swap3A_546, %swap3A_547], %broadcast_in_dim3A_3 {strides = array<i32>} : memref<16x2048xf32, #tpu.memory_space<vmem>>, vector<16xf32>,
        %swap3A_549 = arith.index_cast %scan3A_201 : i32 to index
        %swap3A_550 = arith.constant 1856 : index
        %swap3A_551 = tpu.vector_load %arg10[%swap3A_549, %swap3A_550] {strides = array<i32>} : memref<16x2048xf32, #tpu.memory_space<vmem>>, vector<16xf32>,
        tpu.vector_store %arg10[%swap3A_549, %swap3A_550], %broadcast_in_dim3A_3 {strides = array<i32>} : memref<16x2048xf32, #tpu.memory_space<vmem>>, vector<16xf32>,
        %swap3A_552 = arith.index_cast %scan3A_201 : i32 to index
        %swap3A_553 = arith.constant 1872 : index
        %swap3A_554 = tpu.vector_load %arg10[%swap3A_552, %swap3A_553] {strides = array<i32>} : memref<16x2048xf32, #tpu.memory_space<vmem>>, vector<16xf32>,
        tpu.vector_store %arg10[%swap3A_552, %swap3A_553], %broadcast_in_dim3A_3 {strides = array<i32>} : memref<16x2048xf32, #tpu.memory_space<vmem>>, vector<16xf32>,
        %swap3A_555 = arith.index_cast %scan3A_201 : i32 to index
        %swap3A_556 = arith.constant 1888 : index
        %swap3A_557 = tpu.vector_load %arg10[%swap3A_555, %swap3A_556] {strides = array<i32>} : memref<16x2048xf32, #tpu.memory_space<vmem>>, vector<16xf32>,
        tpu.vector_store %arg10[%swap3A_555, %swap3A_556], %broadcast_in_dim3A_3 {strides = array<i32>} : memref<16x2048xf32, #tpu.memory_space<vmem>>, vector<16xf32>,
        %swap3A_558 = arith.index_cast %scan3A_201 : i32 to index
        %swap3A_559 = arith.constant 1904 : index
        %swap3A_560 = tpu.vector_load %arg10[%swap3A_558, %swap3A_559] {strides = array<i32>} : memref<16x2048xf32, #tpu.memory_space<vmem>>, vector<16xf32>,
        tpu.vector_store %arg10[%swap3A_558, %swap3A_559], %broadcast_in_dim3A_3 {strides = array<i32>} : memref<16x2048xf32, #tpu.memory_space<vmem>>, vector<16xf32>,
        %swap3A_561 = arith.index_cast %scan3A_201 : i32 to index
        %swap3A_562 = arith.constant 1920 : index
        %swap3A_563 = tpu.vector_load %arg10[%swap3A_561, %swap3A_562] {strides = array<i32>} : memref<16x2048xf32, #tpu.memory_space<vmem>>, vector<16xf32>,
        tpu.vector_store %arg10[%swap3A_561, %swap3A_562], %broadcast_in_dim3A_3 {strides = array<i32>} : memref<16x2048xf32, #tpu.memory_space<vmem>>, vector<16xf32>,
        %swap3A_564 = arith.index_cast %scan3A_201 : i32 to index
        %swap3A_565 = arith.constant 1936 : index
        %swap3A_566 = tpu.vector_load %arg10[%swap3A_564, %swap3A_565] {strides = array<i32>} : memref<16x2048xf32, #tpu.memory_space<vmem>>, vector<16xf32>,
        tpu.vector_store %arg10[%swap3A_564, %swap3A_565], %broadcast_in_dim3A_3 {strides = array<i32>} : memref<16x2048xf32, #tpu.memory_space<vmem>>, vector<16xf32>,
        %swap3A_567 = arith.index_cast %scan3A_201 : i32 to index
        %swap3A_568 = arith.constant 1952 : index
        %swap3A_569 = tpu.vector_load %arg10[%swap3A_567, %swap3A_568] {strides = array<i32>} : memref<16x2048xf32, #tpu.memory_space<vmem>>, vector<16xf32>,
        tpu.vector_store %arg10[%swap3A_567, %swap3A_568], %broadcast_in_dim3A_3 {strides = array<i32>} : memref<16x2048xf32, #tpu.memory_space<vmem>>, vector<16xf32>,
        %swap3A_570 = arith.index_cast %scan3A_201 : i32 to index
        %swap3A_571 = arith.constant 1968 : index
        %swap3A_572 = tpu.vector_load %arg10[%swap3A_570, %swap3A_571] {strides = array<i32>} : memref<16x2048xf32, #tpu.memory_space<vmem>>, vector<16xf32>,
        tpu.vector_store %arg10[%swap3A_570, %swap3A_571], %broadcast_in_dim3A_3 {strides = array<i32>} : memref<16x2048xf32, #tpu.memory_space<vmem>>, vector<16xf32>,
        %swap3A_573 = arith.index_cast %scan3A_201 : i32 to index
        %swap3A_574 = arith.constant 1984 : index
        %swap3A_575 = tpu.vector_load %arg10[%swap3A_573, %swap3A_574] {strides = array<i32>} : memref<16x2048xf32, #tpu.memory_space<vmem>>, vector<16xf32>,
        tpu.vector_store %arg10[%swap3A_573, %swap3A_574], %broadcast_in_dim3A_3 {strides = array<i32>} : memref<16x2048xf32, #tpu.memory_space<vmem>>, vector<16xf32>,
        %swap3A_576 = arith.index_cast %scan3A_201 : i32 to index
        %swap3A_577 = arith.constant 2000 : index
        %swap3A_578 = tpu.vector_load %arg10[%swap3A_576, %swap3A_577] {strides = array<i32>} : memref<16x2048xf32, #tpu.memory_space<vmem>>, vector<16xf32>,
        tpu.vector_store %arg10[%swap3A_576, %swap3A_577], %broadcast_in_dim3A_3 {strides = array<i32>} : memref<16x2048xf32, #tpu.memory_space<vmem>>, vector<16xf32>,
        %swap3A_579 = arith.index_cast %scan3A_201 : i32 to index
        %swap3A_580 = arith.constant 2016 : index
        %swap3A_581 = tpu.vector_load %arg10[%swap3A_579, %swap3A_580] {strides = array<i32>} : memref<16x2048xf32, #tpu.memory_space<vmem>>, vector<16xf32>,
        tpu.vector_store %arg10[%swap3A_579, %swap3A_580], %broadcast_in_dim3A_3 {strides = array<i32>} : memref<16x2048xf32, #tpu.memory_space<vmem>>, vector<16xf32>,
        %swap3A_582 = arith.index_cast %scan3A_201 : i32 to index
        %swap3A_583 = arith.constant 2032 : index
        %swap3A_584 = tpu.vector_load %arg10[%swap3A_582, %swap3A_583] {strides = array<i32>} : memref<16x2048xf32, #tpu.memory_space<vmem>>, vector<16xf32>,
        tpu.vector_store %arg10[%swap3A_582, %swap3A_583], %broadcast_in_dim3A_3 {strides = array<i32>} : memref<16x2048xf32, #tpu.memory_space<vmem>>, vector<16xf32>,
        %scan3A_585 = arith.constant 1 : i32
        %scan3A_586 = arith.addi %scan3A_201, %scan3A_585 : i32
        %swap3A_587 = arith.index_cast %scan3A_586 : i32 to index
        %swap3A_588 = arith.constant 0 : index
        %swap3A_589 = tpu.vector_load %arg10[%swap3A_587, %swap3A_588] {strides = array<i32>} : memref<16x2048xf32, #tpu.memory_space<vmem>>, vector<16xf32>,
        tpu.vector_store %arg10[%swap3A_587, %swap3A_588], %broadcast_in_dim3A_3 {strides = array<i32>} : memref<16x2048xf32, #tpu.memory_space<vmem>>, vector<16xf32>,
        %swap3A_590 = arith.index_cast %scan3A_586 : i32 to index
        %swap3A_591 = arith.constant 16 : index
        %swap3A_592 = tpu.vector_load %arg10[%swap3A_590, %swap3A_591] {strides = array<i32>} : memref<16x2048xf32, #tpu.memory_space<vmem>>, vector<16xf32>,
        tpu.vector_store %arg10[%swap3A_590, %swap3A_591], %broadcast_in_dim3A_3 {strides = array<i32>} : memref<16x2048xf32, #tpu.memory_space<vmem>>, vector<16xf32>,
        %swap3A_593 = arith.index_cast %scan3A_586 : i32 to index
        %swap3A_594 = arith.constant 32 : index
        %swap3A_595 = tpu.vector_load %arg10[%swap3A_593, %swap3A_594] {strides = array<i32>} : memref<16x2048xf32, #tpu.memory_space<vmem>>, vector<16xf32>,
        tpu.vector_store %arg10[%swap3A_593, %swap3A_594], %broadcast_in_dim3A_3 {strides = array<i32>} : memref<16x2048xf32, #tpu.memory_space<vmem>>, vector<16xf32>,
        %swap3A_596 = arith.index_cast %scan3A_586 : i32 to index
        %swap3A_597 = arith.constant 48 : index
        %swap3A_598 = tpu.vector_load %arg10[%swap3A_596, %swap3A_597] {strides = array<i32>} : memref<16x2048xf32, #tpu.memory_space<vmem>>, vector<16xf32>,
        tpu.vector_store %arg10[%swap3A_596, %swap3A_597], %broadcast_in_dim3A_3 {strides = array<i32>} : memref<16x2048xf32, #tpu.memory_space<vmem>>, vector<16xf32>,
        %swap3A_599 = arith.index_cast %scan3A_586 : i32 to index
        %swap3A_600 = arith.constant 64 : index
        %swap3A_601 = tpu.vector_load %arg10[%swap3A_599, %swap3A_600] {strides = array<i32>} : memref<16x2048xf32, #tpu.memory_space<vmem>>, vector<16xf32>,
        tpu.vector_store %arg10[%swap3A_599, %swap3A_600], %broadcast_in_dim3A_3 {strides = array<i32>} : memref<16x2048xf32, #tpu.memory_space<vmem>>, vector<16xf32>,
        %swap3A_602 = arith.index_cast %scan3A_586 : i32 to index
        %swap3A_603 = arith.constant 80 : index
        %swap3A_604 = tpu.vector_load %arg10[%swap3A_602, %swap3A_603] {strides = array<i32>} : memref<16x2048xf32, #tpu.memory_space<vmem>>, vector<16xf32>,
        tpu.vector_store %arg10[%swap3A_602, %swap3A_603], %broadcast_in_dim3A_3 {strides = array<i32>} : memref<16x2048xf32, #tpu.memory_space<vmem>>, vector<16xf32>,
        %swap3A_605 = arith.index_cast %scan3A_586 : i32 to index
        %swap3A_606 = arith.constant 96 : index
        %swap3A_607 = tpu.vector_load %arg10[%swap3A_605, %swap3A_606] {strides = array<i32>} : memref<16x2048xf32, #tpu.memory_space<vmem>>, vector<16xf32>,
        tpu.vector_store %arg10[%swap3A_605, %swap3A_606], %broadcast_in_dim3A_3 {strides = array<i32>} : memref<16x2048xf32, #tpu.memory_space<vmem>>, vector<16xf32>,
        %swap3A_608 = arith.index_cast %scan3A_586 : i32 to index
        %swap3A_609 = arith.constant 112 : index
        %swap3A_610 = tpu.vector_load %arg10[%swap3A_608, %swap3A_609] {strides = array<i32>} : memref<16x2048xf32, #tpu.memory_space<vmem>>, vector<16xf32>,
        tpu.vector_store %arg10[%swap3A_608, %swap3A_609], %broadcast_in_dim3A_3 {strides = array<i32>} : memref<16x2048xf32, #tpu.memory_space<vmem>>, vector<16xf32>,
        %swap3A_611 = arith.index_cast %scan3A_586 : i32 to index
        %swap3A_612 = arith.constant 128 : index
        %swap3A_613 = tpu.vector_load %arg10[%swap3A_611, %swap3A_612] {strides = array<i32>} : memref<16x2048xf32, #tpu.memory_space<vmem>>, vector<16xf32>,
        tpu.vector_store %arg10[%swap3A_611, %swap3A_612], %broadcast_in_dim3A_3 {strides = array<i32>} : memref<16x2048xf32, #tpu.memory_space<vmem>>, vector<16xf32>,
        %swap3A_614 = arith.index_cast %scan3A_586 : i32 to index
        %swap3A_615 = arith.constant 144 : index
        %swap3A_616 = tpu.vector_load %arg10[%swap3A_614, %swap3A_615] {strides = array<i32>} : memref<16x2048xf32, #tpu.memory_space<vmem>>, vector<16xf32>,
        tpu.vector_store %arg10[%swap3A_614, %swap3A_615], %broadcast_in_dim3A_3 {strides = array<i32>} : memref<16x2048xf32, #tpu.memory_space<vmem>>, vector<16xf32>,
        %swap3A_617 = arith.index_cast %scan3A_586 : i32 to index
        %swap3A_618 = arith.constant 160 : index
        %swap3A_619 = tpu.vector_load %arg10[%swap3A_617, %swap3A_618] {strides = array<i32>} : memref<16x2048xf32, #tpu.memory_space<vmem>>, vector<16xf32>,
        tpu.vector_store %arg10[%swap3A_617, %swap3A_618], %broadcast_in_dim3A_3 {strides = array<i32>} : memref<16x2048xf32, #tpu.memory_space<vmem>>, vector<16xf32>,
        %swap3A_620 = arith.index_cast %scan3A_586 : i32 to index
        %swap3A_621 = arith.constant 176 : index
        %swap3A_622 = tpu.vector_load %arg10[%swap3A_620, %swap3A_621] {strides = array<i32>} : memref<16x2048xf32, #tpu.memory_space<vmem>>, vector<16xf32>,
        tpu.vector_store %arg10[%swap3A_620, %swap3A_621], %broadcast_in_dim3A_3 {strides = array<i32>} : memref<16x2048xf32, #tpu.memory_space<vmem>>, vector<16xf32>,
        %swap3A_623 = arith.index_cast %scan3A_586 : i32 to index
        %swap3A_624 = arith.constant 192 : index
        %swap3A_625 = tpu.vector_load %arg10[%swap3A_623, %swap3A_624] {strides = array<i32>} : memref<16x2048xf32, #tpu.memory_space<vmem>>, vector<16xf32>,
        tpu.vector_store %arg10[%swap3A_623, %swap3A_624], %broadcast_in_dim3A_3 {strides = array<i32>} : memref<16x2048xf32, #tpu.memory_space<vmem>>, vector<16xf32>,
        %swap3A_626 = arith.index_cast %scan3A_586 : i32 to index
        %swap3A_627 = arith.constant 208 : index
        %swap3A_628 = tpu.vector_load %arg10[%swap3A_626, %swap3A_627] {strides = array<i32>} : memref<16x2048xf32, #tpu.memory_space<vmem>>, vector<16xf32>,
        tpu.vector_store %arg10[%swap3A_626, %swap3A_627], %broadcast_in_dim3A_3 {strides = array<i32>} : memref<16x2048xf32, #tpu.memory_space<vmem>>, vector<16xf32>,
        %swap3A_629 = arith.index_cast %scan3A_586 : i32 to index
        %swap3A_630 = arith.constant 224 : index
        %swap3A_631 = tpu.vector_load %arg10[%swap3A_629, %swap3A_630] {strides = array<i32>} : memref<16x2048xf32, #tpu.memory_space<vmem>>, vector<16xf32>,
        tpu.vector_store %arg10[%swap3A_629, %swap3A_630], %broadcast_in_dim3A_3 {strides = array<i32>} : memref<16x2048xf32, #tpu.memory_space<vmem>>, vector<16xf32>,
        %swap3A_632 = arith.index_cast %scan3A_586 : i32 to index
        %swap3A_633 = arith.constant 240 : index
        %swap3A_634 = tpu.vector_load %arg10[%swap3A_632, %swap3A_633] {strides = array<i32>} : memref<16x2048xf32, #tpu.memory_space<vmem>>, vector<16xf32>,
        tpu.vector_store %arg10[%swap3A_632, %swap3A_633], %broadcast_in_dim3A_3 {strides = array<i32>} : memref<16x2048xf32, #tpu.memory_space<vmem>>, vector<16xf32>,
        %swap3A_635 = arith.index_cast %scan3A_586 : i32 to index
        %swap3A_636 = arith.constant 256 : index
        %swap3A_637 = tpu.vector_load %arg10[%swap3A_635, %swap3A_636] {strides = array<i32>} : memref<16x2048xf32, #tpu.memory_space<vmem>>, vector<16xf32>,
        tpu.vector_store %arg10[%swap3A_635, %swap3A_636], %broadcast_in_dim3A_3 {strides = array<i32>} : memref<16x2048xf32, #tpu.memory_space<vmem>>, vector<16xf32>,
        %swap3A_638 = arith.index_cast %scan3A_586 : i32 to index
        %swap3A_639 = arith.constant 272 : index
        %swap3A_640 = tpu.vector_load %arg10[%swap3A_638, %swap3A_639] {strides = array<i32>} : memref<16x2048xf32, #tpu.memory_space<vmem>>, vector<16xf32>,
        tpu.vector_store %arg10[%swap3A_638, %swap3A_639], %broadcast_in_dim3A_3 {strides = array<i32>} : memref<16x2048xf32, #tpu.memory_space<vmem>>, vector<16xf32>,
        %swap3A_641 = arith.index_cast %scan3A_586 : i32 to index
        %swap3A_642 = arith.constant 288 : index
        %swap3A_643 = tpu.vector_load %arg10[%swap3A_641, %swap3A_642] {strides = array<i32>} : memref<16x2048xf32, #tpu.memory_space<vmem>>, vector<16xf32>,
        tpu.vector_store %arg10[%swap3A_641, %swap3A_642], %broadcast_in_dim3A_3 {strides = array<i32>} : memref<16x2048xf32, #tpu.memory_space<vmem>>, vector<16xf32>,
        %swap3A_644 = arith.index_cast %scan3A_586 : i32 to index
        %swap3A_645 = arith.constant 304 : index
        %swap3A_646 = tpu.vector_load %arg10[%swap3A_644, %swap3A_645] {strides = array<i32>} : memref<16x2048xf32, #tpu.memory_space<vmem>>, vector<16xf32>,
        tpu.vector_store %arg10[%swap3A_644, %swap3A_645], %broadcast_in_dim3A_3 {strides = array<i32>} : memref<16x2048xf32, #tpu.memory_space<vmem>>, vector<16xf32>,
        %swap3A_647 = arith.index_cast %scan3A_586 : i32 to index
        %swap3A_648 = arith.constant 320 : index
        %swap3A_649 = tpu.vector_load %arg10[%swap3A_647, %swap3A_648] {strides = array<i32>} : memref<16x2048xf32, #tpu.memory_space<vmem>>, vector<16xf32>,
        tpu.vector_store %arg10[%swap3A_647, %swap3A_648], %broadcast_in_dim3A_3 {strides = array<i32>} : memref<16x2048xf32, #tpu.memory_space<vmem>>, vector<16xf32>,
        %swap3A_650 = arith.index_cast %scan3A_586 : i32 to index
        %swap3A_651 = arith.constant 336 : index
        %swap3A_652 = tpu.vector_load %arg10[%swap3A_650, %swap3A_651] {strides = array<i32>} : memref<16x2048xf32, #tpu.memory_space<vmem>>, vector<16xf32>,
        tpu.vector_store %arg10[%swap3A_650, %swap3A_651], %broadcast_in_dim3A_3 {strides = array<i32>} : memref<16x2048xf32, #tpu.memory_space<vmem>>, vector<16xf32>,
        %swap3A_653 = arith.index_cast %scan3A_586 : i32 to index
        %swap3A_654 = arith.constant 352 : index
        %swap3A_655 = tpu.vector_load %arg10[%swap3A_653, %swap3A_654] {strides = array<i32>} : memref<16x2048xf32, #tpu.memory_space<vmem>>, vector<16xf32>,
        tpu.vector_store %arg10[%swap3A_653, %swap3A_654], %broadcast_in_dim3A_3 {strides = array<i32>} : memref<16x2048xf32, #tpu.memory_space<vmem>>, vector<16xf32>,
        %swap3A_656 = arith.index_cast %scan3A_586 : i32 to index
        %swap3A_657 = arith.constant 368 : index
        %swap3A_658 = tpu.vector_load %arg10[%swap3A_656, %swap3A_657] {strides = array<i32>} : memref<16x2048xf32, #tpu.memory_space<vmem>>, vector<16xf32>,
        tpu.vector_store %arg10[%swap3A_656, %swap3A_657], %broadcast_in_dim3A_3 {strides = array<i32>} : memref<16x2048xf32, #tpu.memory_space<vmem>>, vector<16xf32>,
        %swap3A_659 = arith.index_cast %scan3A_586 : i32 to index
        %swap3A_660 = arith.constant 384 : index
        %swap3A_661 = tpu.vector_load %arg10[%swap3A_659, %swap3A_660] {strides = array<i32>} : memref<16x2048xf32, #tpu.memory_space<vmem>>, vector<16xf32>,
        tpu.vector_store %arg10[%swap3A_659, %swap3A_660], %broadcast_in_dim3A_3 {strides = array<i32>} : memref<16x2048xf32, #tpu.memory_space<vmem>>, vector<16xf32>,
        %swap3A_662 = arith.index_cast %scan3A_586 : i32 to index
        %swap3A_663 = arith.constant 400 : index
        %swap3A_664 = tpu.vector_load %arg10[%swap3A_662, %swap3A_663] {strides = array<i32>} : memref<16x2048xf32, #tpu.memory_space<vmem>>, vector<16xf32>,
        tpu.vector_store %arg10[%swap3A_662, %swap3A_663], %broadcast_in_dim3A_3 {strides = array<i32>} : memref<16x2048xf32, #tpu.memory_space<vmem>>, vector<16xf32>,
        %swap3A_665 = arith.index_cast %scan3A_586 : i32 to index
        %swap3A_666 = arith.constant 416 : index
        %swap3A_667 = tpu.vector_load %arg10[%swap3A_665, %swap3A_666] {strides = array<i32>} : memref<16x2048xf32, #tpu.memory_space<vmem>>, vector<16xf32>,
        tpu.vector_store %arg10[%swap3A_665, %swap3A_666], %broadcast_in_dim3A_3 {strides = array<i32>} : memref<16x2048xf32, #tpu.memory_space<vmem>>, vector<16xf32>,
        %swap3A_668 = arith.index_cast %scan3A_586 : i32 to index
        %swap3A_669 = arith.constant 432 : index
        %swap3A_670 = tpu.vector_load %arg10[%swap3A_668, %swap3A_669] {strides = array<i32>} : memref<16x2048xf32, #tpu.memory_space<vmem>>, vector<16xf32>,
        tpu.vector_store %arg10[%swap3A_668, %swap3A_669], %broadcast_in_dim3A_3 {strides = array<i32>} : memref<16x2048xf32, #tpu.memory_space<vmem>>, vector<16xf32>,
        %swap3A_671 = arith.index_cast %scan3A_586 : i32 to index
        %swap3A_672 = arith.constant 448 : index
        %swap3A_673 = tpu.vector_load %arg10[%swap3A_671, %swap3A_672] {strides = array<i32>} : memref<16x2048xf32, #tpu.memory_space<vmem>>, vector<16xf32>,
        tpu.vector_store %arg10[%swap3A_671, %swap3A_672], %broadcast_in_dim3A_3 {strides = array<i32>} : memref<16x2048xf32, #tpu.memory_space<vmem>>, vector<16xf32>,
        %swap3A_674 = arith.index_cast %scan3A_586 : i32 to index
        %swap3A_675 = arith.constant 464 : index
        %swap3A_676 = tpu.vector_load %arg10[%swap3A_674, %swap3A_675] {strides = array<i32>} : memref<16x2048xf32, #tpu.memory_space<vmem>>, vector<16xf32>,
        tpu.vector_store %arg10[%swap3A_674, %swap3A_675], %broadcast_in_dim3A_3 {strides = array<i32>} : memref<16x2048xf32, #tpu.memory_space<vmem>>, vector<16xf32>,
        %swap3A_677 = arith.index_cast %scan3A_586 : i32 to index
        %swap3A_678 = arith.constant 480 : index
        %swap3A_679 = tpu.vector_load %arg10[%swap3A_677, %swap3A_678] {strides = array<i32>} : memref<16x2048xf32, #tpu.memory_space<vmem>>, vector<16xf32>,
        tpu.vector_store %arg10[%swap3A_677, %swap3A_678], %broadcast_in_dim3A_3 {strides = array<i32>} : memref<16x2048xf32, #tpu.memory_space<vmem>>, vector<16xf32>,
        %swap3A_680 = arith.index_cast %scan3A_586 : i32 to index
        %swap3A_681 = arith.constant 496 : index
        %swap3A_682 = tpu.vector_load %arg10[%swap3A_680, %swap3A_681] {strides = array<i32>} : memref<16x2048xf32, #tpu.memory_space<vmem>>, vector<16xf32>,
        tpu.vector_store %arg10[%swap3A_680, %swap3A_681], %broadcast_in_dim3A_3 {strides = array<i32>} : memref<16x2048xf32, #tpu.memory_space<vmem>>, vector<16xf32>,
        %swap3A_683 = arith.index_cast %scan3A_586 : i32 to index
        %swap3A_684 = arith.constant 512 : index
        %swap3A_685 = tpu.vector_load %arg10[%swap3A_683, %swap3A_684] {strides = array<i32>} : memref<16x2048xf32, #tpu.memory_space<vmem>>, vector<16xf32>,
        tpu.vector_store %arg10[%swap3A_683, %swap3A_684], %broadcast_in_dim3A_3 {strides = array<i32>} : memref<16x2048xf32, #tpu.memory_space<vmem>>, vector<16xf32>,
        %swap3A_686 = arith.index_cast %scan3A_586 : i32 to index
        %swap3A_687 = arith.constant 528 : index
        %swap3A_688 = tpu.vector_load %arg10[%swap3A_686, %swap3A_687] {strides = array<i32>} : memref<16x2048xf32, #tpu.memory_space<vmem>>, vector<16xf32>,
        tpu.vector_store %arg10[%swap3A_686, %swap3A_687], %broadcast_in_dim3A_3 {strides = array<i32>} : memref<16x2048xf32, #tpu.memory_space<vmem>>, vector<16xf32>,
        %swap3A_689 = arith.index_cast %scan3A_586 : i32 to index
        %swap3A_690 = arith.constant 544 : index
        %swap3A_691 = tpu.vector_load %arg10[%swap3A_689, %swap3A_690] {strides = array<i32>} : memref<16x2048xf32, #tpu.memory_space<vmem>>, vector<16xf32>,
        tpu.vector_store %arg10[%swap3A_689, %swap3A_690], %broadcast_in_dim3A_3 {strides = array<i32>} : memref<16x2048xf32, #tpu.memory_space<vmem>>, vector<16xf32>,
        %swap3A_692 = arith.index_cast %scan3A_586 : i32 to index
        %swap3A_693 = arith.constant 560 : index
        %swap3A_694 = tpu.vector_load %arg10[%swap3A_692, %swap3A_693] {strides = array<i32>} : memref<16x2048xf32, #tpu.memory_space<vmem>>, vector<16xf32>,
        tpu.vector_store %arg10[%swap3A_692, %swap3A_693], %broadcast_in_dim3A_3 {strides = array<i32>} : memref<16x2048xf32, #tpu.memory_space<vmem>>, vector<16xf32>,
        %swap3A_695 = arith.index_cast %scan3A_586 : i32 to index
        %swap3A_696 = arith.constant 576 : index
        %swap3A_697 = tpu.vector_load %arg10[%swap3A_695, %swap3A_696] {strides = array<i32>} : memref<16x2048xf32, #tpu.memory_space<vmem>>, vector<16xf32>,
        tpu.vector_store %arg10[%swap3A_695, %swap3A_696], %broadcast_in_dim3A_3 {strides = array<i32>} : memref<16x2048xf32, #tpu.memory_space<vmem>>, vector<16xf32>,
        %swap3A_698 = arith.index_cast %scan3A_586 : i32 to index
        %swap3A_699 = arith.constant 592 : index
        %swap3A_700 = tpu.vector_load %arg10[%swap3A_698, %swap3A_699] {strides = array<i32>} : memref<16x2048xf32, #tpu.memory_space<vmem>>, vector<16xf32>,
        tpu.vector_store %arg10[%swap3A_698, %swap3A_699], %broadcast_in_dim3A_3 {strides = array<i32>} : memref<16x2048xf32, #tpu.memory_space<vmem>>, vector<16xf32>,
        %swap3A_701 = arith.index_cast %scan3A_586 : i32 to index
        %swap3A_702 = arith.constant 608 : index
        %swap3A_703 = tpu.vector_load %arg10[%swap3A_701, %swap3A_702] {strides = array<i32>} : memref<16x2048xf32, #tpu.memory_space<vmem>>, vector<16xf32>,
        tpu.vector_store %arg10[%swap3A_701, %swap3A_702], %broadcast_in_dim3A_3 {strides = array<i32>} : memref<16x2048xf32, #tpu.memory_space<vmem>>, vector<16xf32>,
        %swap3A_704 = arith.index_cast %scan3A_586 : i32 to index
        %swap3A_705 = arith.constant 624 : index
        %swap3A_706 = tpu.vector_load %arg10[%swap3A_704, %swap3A_705] {strides = array<i32>} : memref<16x2048xf32, #tpu.memory_space<vmem>>, vector<16xf32>,
        tpu.vector_store %arg10[%swap3A_704, %swap3A_705], %broadcast_in_dim3A_3 {strides = array<i32>} : memref<16x2048xf32, #tpu.memory_space<vmem>>, vector<16xf32>,
        %swap3A_707 = arith.index_cast %scan3A_586 : i32 to index
        %swap3A_708 = arith.constant 640 : index
        %swap3A_709 = tpu.vector_load %arg10[%swap3A_707, %swap3A_708] {strides = array<i32>} : memref<16x2048xf32, #tpu.memory_space<vmem>>, vector<16xf32>,
        tpu.vector_store %arg10[%swap3A_707, %swap3A_708], %broadcast_in_dim3A_3 {strides = array<i32>} : memref<16x2048xf32, #tpu.memory_space<vmem>>, vector<16xf32>,
        %swap3A_710 = arith.index_cast %scan3A_586 : i32 to index
        %swap3A_711 = arith.constant 656 : index
        %swap3A_712 = tpu.vector_load %arg10[%swap3A_710, %swap3A_711] {strides = array<i32>} : memref<16x2048xf32, #tpu.memory_space<vmem>>, vector<16xf32>,
        tpu.vector_store %arg10[%swap3A_710, %swap3A_711], %broadcast_in_dim3A_3 {strides = array<i32>} : memref<16x2048xf32, #tpu.memory_space<vmem>>, vector<16xf32>,
        %swap3A_713 = arith.index_cast %scan3A_586 : i32 to index
        %swap3A_714 = arith.constant 672 : index
        %swap3A_715 = tpu.vector_load %arg10[%swap3A_713, %swap3A_714] {strides = array<i32>} : memref<16x2048xf32, #tpu.memory_space<vmem>>, vector<16xf32>,
        tpu.vector_store %arg10[%swap3A_713, %swap3A_714], %broadcast_in_dim3A_3 {strides = array<i32>} : memref<16x2048xf32, #tpu.memory_space<vmem>>, vector<16xf32>,
        %swap3A_716 = arith.index_cast %scan3A_586 : i32 to index
        %swap3A_717 = arith.constant 688 : index
        %swap3A_718 = tpu.vector_load %arg10[%swap3A_716, %swap3A_717] {strides = array<i32>} : memref<16x2048xf32, #tpu.memory_space<vmem>>, vector<16xf32>,
        tpu.vector_store %arg10[%swap3A_716, %swap3A_717], %broadcast_in_dim3A_3 {strides = array<i32>} : memref<16x2048xf32, #tpu.memory_space<vmem>>, vector<16xf32>,
        %swap3A_719 = arith.index_cast %scan3A_586 : i32 to index
        %swap3A_720 = arith.constant 704 : index
        %swap3A_721 = tpu.vector_load %arg10[%swap3A_719, %swap3A_720] {strides = array<i32>} : memref<16x2048xf32, #tpu.memory_space<vmem>>, vector<16xf32>,
        tpu.vector_store %arg10[%swap3A_719, %swap3A_720], %broadcast_in_dim3A_3 {strides = array<i32>} : memref<16x2048xf32, #tpu.memory_space<vmem>>, vector<16xf32>,
        %swap3A_722 = arith.index_cast %scan3A_586 : i32 to index
        %swap3A_723 = arith.constant 720 : index
        %swap3A_724 = tpu.vector_load %arg10[%swap3A_722, %swap3A_723] {strides = array<i32>} : memref<16x2048xf32, #tpu.memory_space<vmem>>, vector<16xf32>,
        tpu.vector_store %arg10[%swap3A_722, %swap3A_723], %broadcast_in_dim3A_3 {strides = array<i32>} : memref<16x2048xf32, #tpu.memory_space<vmem>>, vector<16xf32>,
        %swap3A_725 = arith.index_cast %scan3A_586 : i32 to index
        %swap3A_726 = arith.constant 736 : index
        %swap3A_727 = tpu.vector_load %arg10[%swap3A_725, %swap3A_726] {strides = array<i32>} : memref<16x2048xf32, #tpu.memory_space<vmem>>, vector<16xf32>,
        tpu.vector_store %arg10[%swap3A_725, %swap3A_726], %broadcast_in_dim3A_3 {strides = array<i32>} : memref<16x2048xf32, #tpu.memory_space<vmem>>, vector<16xf32>,
        %swap3A_728 = arith.index_cast %scan3A_586 : i32 to index
        %swap3A_729 = arith.constant 752 : index
        %swap3A_730 = tpu.vector_load %arg10[%swap3A_728, %swap3A_729] {strides = array<i32>} : memref<16x2048xf32, #tpu.memory_space<vmem>>, vector<16xf32>,
        tpu.vector_store %arg10[%swap3A_728, %swap3A_729], %broadcast_in_dim3A_3 {strides = array<i32>} : memref<16x2048xf32, #tpu.memory_space<vmem>>, vector<16xf32>,
        %swap3A_731 = arith.index_cast %scan3A_586 : i32 to index
        %swap3A_732 = arith.constant 768 : index
        %swap3A_733 = tpu.vector_load %arg10[%swap3A_731, %swap3A_732] {strides = array<i32>} : memref<16x2048xf32, #tpu.memory_space<vmem>>, vector<16xf32>,
        tpu.vector_store %arg10[%swap3A_731, %swap3A_732], %broadcast_in_dim3A_3 {strides = array<i32>} : memref<16x2048xf32, #tpu.memory_space<vmem>>, vector<16xf32>,
        %swap3A_734 = arith.index_cast %scan3A_586 : i32 to index
        %swap3A_735 = arith.constant 784 : index
        %swap3A_736 = tpu.vector_load %arg10[%swap3A_734, %swap3A_735] {strides = array<i32>} : memref<16x2048xf32, #tpu.memory_space<vmem>>, vector<16xf32>,
        tpu.vector_store %arg10[%swap3A_734, %swap3A_735], %broadcast_in_dim3A_3 {strides = array<i32>} : memref<16x2048xf32, #tpu.memory_space<vmem>>, vector<16xf32>,
        %swap3A_737 = arith.index_cast %scan3A_586 : i32 to index
        %swap3A_738 = arith.constant 800 : index
        %swap3A_739 = tpu.vector_load %arg10[%swap3A_737, %swap3A_738] {strides = array<i32>} : memref<16x2048xf32, #tpu.memory_space<vmem>>, vector<16xf32>,
        tpu.vector_store %arg10[%swap3A_737, %swap3A_738], %broadcast_in_dim3A_3 {strides = array<i32>} : memref<16x2048xf32, #tpu.memory_space<vmem>>, vector<16xf32>,
        %swap3A_740 = arith.index_cast %scan3A_586 : i32 to index
        %swap3A_741 = arith.constant 816 : index
        %swap3A_742 = tpu.vector_load %arg10[%swap3A_740, %swap3A_741] {strides = array<i32>} : memref<16x2048xf32, #tpu.memory_space<vmem>>, vector<16xf32>,
        tpu.vector_store %arg10[%swap3A_740, %swap3A_741], %broadcast_in_dim3A_3 {strides = array<i32>} : memref<16x2048xf32, #tpu.memory_space<vmem>>, vector<16xf32>,
        %swap3A_743 = arith.index_cast %scan3A_586 : i32 to index
        %swap3A_744 = arith.constant 832 : index
        %swap3A_745 = tpu.vector_load %arg10[%swap3A_743, %swap3A_744] {strides = array<i32>} : memref<16x2048xf32, #tpu.memory_space<vmem>>, vector<16xf32>,
        tpu.vector_store %arg10[%swap3A_743, %swap3A_744], %broadcast_in_dim3A_3 {strides = array<i32>} : memref<16x2048xf32, #tpu.memory_space<vmem>>, vector<16xf32>,
        %swap3A_746 = arith.index_cast %scan3A_586 : i32 to index
        %swap3A_747 = arith.constant 848 : index
        %swap3A_748 = tpu.vector_load %arg10[%swap3A_746, %swap3A_747] {strides = array<i32>} : memref<16x2048xf32, #tpu.memory_space<vmem>>, vector<16xf32>,
        tpu.vector_store %arg10[%swap3A_746, %swap3A_747], %broadcast_in_dim3A_3 {strides = array<i32>} : memref<16x2048xf32, #tpu.memory_space<vmem>>, vector<16xf32>,
        %swap3A_749 = arith.index_cast %scan3A_586 : i32 to index
        %swap3A_750 = arith.constant 864 : index
        %swap3A_751 = tpu.vector_load %arg10[%swap3A_749, %swap3A_750] {strides = array<i32>} : memref<16x2048xf32, #tpu.memory_space<vmem>>, vector<16xf32>,
        tpu.vector_store %arg10[%swap3A_749, %swap3A_750], %broadcast_in_dim3A_3 {strides = array<i32>} : memref<16x2048xf32, #tpu.memory_space<vmem>>, vector<16xf32>,
        %swap3A_752 = arith.index_cast %scan3A_586 : i32 to index
        %swap3A_753 = arith.constant 880 : index
        %swap3A_754 = tpu.vector_load %arg10[%swap3A_752, %swap3A_753] {strides = array<i32>} : memref<16x2048xf32, #tpu.memory_space<vmem>>, vector<16xf32>,
        tpu.vector_store %arg10[%swap3A_752, %swap3A_753], %broadcast_in_dim3A_3 {strides = array<i32>} : memref<16x2048xf32, #tpu.memory_space<vmem>>, vector<16xf32>,
        %swap3A_755 = arith.index_cast %scan3A_586 : i32 to index
        %swap3A_756 = arith.constant 896 : index
        %swap3A_757 = tpu.vector_load %arg10[%swap3A_755, %swap3A_756] {strides = array<i32>} : memref<16x2048xf32, #tpu.memory_space<vmem>>, vector<16xf32>,
        tpu.vector_store %arg10[%swap3A_755, %swap3A_756], %broadcast_in_dim3A_3 {strides = array<i32>} : memref<16x2048xf32, #tpu.memory_space<vmem>>, vector<16xf32>,
        %swap3A_758 = arith.index_cast %scan3A_586 : i32 to index
        %swap3A_759 = arith.constant 912 : index
        %swap3A_760 = tpu.vector_load %arg10[%swap3A_758, %swap3A_759] {strides = array<i32>} : memref<16x2048xf32, #tpu.memory_space<vmem>>, vector<16xf32>,
        tpu.vector_store %arg10[%swap3A_758, %swap3A_759], %broadcast_in_dim3A_3 {strides = array<i32>} : memref<16x2048xf32, #tpu.memory_space<vmem>>, vector<16xf32>,
        %swap3A_761 = arith.index_cast %scan3A_586 : i32 to index
        %swap3A_762 = arith.constant 928 : index
        %swap3A_763 = tpu.vector_load %arg10[%swap3A_761, %swap3A_762] {strides = array<i32>} : memref<16x2048xf32, #tpu.memory_space<vmem>>, vector<16xf32>,
        tpu.vector_store %arg10[%swap3A_761, %swap3A_762], %broadcast_in_dim3A_3 {strides = array<i32>} : memref<16x2048xf32, #tpu.memory_space<vmem>>, vector<16xf32>,
        %swap3A_764 = arith.index_cast %scan3A_586 : i32 to index
        %swap3A_765 = arith.constant 944 : index
        %swap3A_766 = tpu.vector_load %arg10[%swap3A_764, %swap3A_765] {strides = array<i32>} : memref<16x2048xf32, #tpu.memory_space<vmem>>, vector<16xf32>,
        tpu.vector_store %arg10[%swap3A_764, %swap3A_765], %broadcast_in_dim3A_3 {strides = array<i32>} : memref<16x2048xf32, #tpu.memory_space<vmem>>, vector<16xf32>,
        %swap3A_767 = arith.index_cast %scan3A_586 : i32 to index
        %swap3A_768 = arith.constant 960 : index
        %swap3A_769 = tpu.vector_load %arg10[%swap3A_767, %swap3A_768] {strides = array<i32>} : memref<16x2048xf32, #tpu.memory_space<vmem>>, vector<16xf32>,
        tpu.vector_store %arg10[%swap3A_767, %swap3A_768], %broadcast_in_dim3A_3 {strides = array<i32>} : memref<16x2048xf32, #tpu.memory_space<vmem>>, vector<16xf32>,
        %swap3A_770 = arith.index_cast %scan3A_586 : i32 to index
        %swap3A_771 = arith.constant 976 : index
        %swap3A_772 = tpu.vector_load %arg10[%swap3A_770, %swap3A_771] {strides = array<i32>} : memref<16x2048xf32, #tpu.memory_space<vmem>>, vector<16xf32>,
        tpu.vector_store %arg10[%swap3A_770, %swap3A_771], %broadcast_in_dim3A_3 {strides = array<i32>} : memref<16x2048xf32, #tpu.memory_space<vmem>>, vector<16xf32>,
        %swap3A_773 = arith.index_cast %scan3A_586 : i32 to index
        %swap3A_774 = arith.constant 992 : index
        %swap3A_775 = tpu.vector_load %arg10[%swap3A_773, %swap3A_774] {strides = array<i32>} : memref<16x2048xf32, #tpu.memory_space<vmem>>, vector<16xf32>,
        tpu.vector_store %arg10[%swap3A_773, %swap3A_774], %broadcast_in_dim3A_3 {strides = array<i32>} : memref<16x2048xf32, #tpu.memory_space<vmem>>, vector<16xf32>,
        %swap3A_776 = arith.index_cast %scan3A_586 : i32 to index
        %swap3A_777 = arith.constant 1008 : index
        %swap3A_778 = tpu.vector_load %arg10[%swap3A_776, %swap3A_777] {strides = array<i32>} : memref<16x2048xf32, #tpu.memory_space<vmem>>, vector<16xf32>,
        tpu.vector_store %arg10[%swap3A_776, %swap3A_777], %broadcast_in_dim3A_3 {strides = array<i32>} : memref<16x2048xf32, #tpu.memory_space<vmem>>, vector<16xf32>,
        %swap3A_779 = arith.index_cast %scan3A_586 : i32 to index
        %swap3A_780 = arith.constant 1024 : index
        %swap3A_781 = tpu.vector_load %arg10[%swap3A_779, %swap3A_780] {strides = array<i32>} : memref<16x2048xf32, #tpu.memory_space<vmem>>, vector<16xf32>,
        tpu.vector_store %arg10[%swap3A_779, %swap3A_780], %broadcast_in_dim3A_3 {strides = array<i32>} : memref<16x2048xf32, #tpu.memory_space<vmem>>, vector<16xf32>,
        %swap3A_782 = arith.index_cast %scan3A_586 : i32 to index
        %swap3A_783 = arith.constant 1040 : index
        %swap3A_784 = tpu.vector_load %arg10[%swap3A_782, %swap3A_783] {strides = array<i32>} : memref<16x2048xf32, #tpu.memory_space<vmem>>, vector<16xf32>,
        tpu.vector_store %arg10[%swap3A_782, %swap3A_783], %broadcast_in_dim3A_3 {strides = array<i32>} : memref<16x2048xf32, #tpu.memory_space<vmem>>, vector<16xf32>,
        %swap3A_785 = arith.index_cast %scan3A_586 : i32 to index
        %swap3A_786 = arith.constant 1056 : index
        %swap3A_787 = tpu.vector_load %arg10[%swap3A_785, %swap3A_786] {strides = array<i32>} : memref<16x2048xf32, #tpu.memory_space<vmem>>, vector<16xf32>,
        tpu.vector_store %arg10[%swap3A_785, %swap3A_786], %broadcast_in_dim3A_3 {strides = array<i32>} : memref<16x2048xf32, #tpu.memory_space<vmem>>, vector<16xf32>,
        %swap3A_788 = arith.index_cast %scan3A_586 : i32 to index
        %swap3A_789 = arith.constant 1072 : index
        %swap3A_790 = tpu.vector_load %arg10[%swap3A_788, %swap3A_789] {strides = array<i32>} : memref<16x2048xf32, #tpu.memory_space<vmem>>, vector<16xf32>,
        tpu.vector_store %arg10[%swap3A_788, %swap3A_789], %broadcast_in_dim3A_3 {strides = array<i32>} : memref<16x2048xf32, #tpu.memory_space<vmem>>, vector<16xf32>,
        %swap3A_791 = arith.index_cast %scan3A_586 : i32 to index
        %swap3A_792 = arith.constant 1088 : index
        %swap3A_793 = tpu.vector_load %arg10[%swap3A_791, %swap3A_792] {strides = array<i32>} : memref<16x2048xf32, #tpu.memory_space<vmem>>, vector<16xf32>,
        tpu.vector_store %arg10[%swap3A_791, %swap3A_792], %broadcast_in_dim3A_3 {strides = array<i32>} : memref<16x2048xf32, #tpu.memory_space<vmem>>, vector<16xf32>,
        %swap3A_794 = arith.index_cast %scan3A_586 : i32 to index
        %swap3A_795 = arith.constant 1104 : index
        %swap3A_796 = tpu.vector_load %arg10[%swap3A_794, %swap3A_795] {strides = array<i32>} : memref<16x2048xf32, #tpu.memory_space<vmem>>, vector<16xf32>,
        tpu.vector_store %arg10[%swap3A_794, %swap3A_795], %broadcast_in_dim3A_3 {strides = array<i32>} : memref<16x2048xf32, #tpu.memory_space<vmem>>, vector<16xf32>,
        %swap3A_797 = arith.index_cast %scan3A_586 : i32 to index
        %swap3A_798 = arith.constant 1120 : index
        %swap3A_799 = tpu.vector_load %arg10[%swap3A_797, %swap3A_798] {strides = array<i32>} : memref<16x2048xf32, #tpu.memory_space<vmem>>, vector<16xf32>,
        tpu.vector_store %arg10[%swap3A_797, %swap3A_798], %broadcast_in_dim3A_3 {strides = array<i32>} : memref<16x2048xf32, #tpu.memory_space<vmem>>, vector<16xf32>,
        %swap3A_800 = arith.index_cast %scan3A_586 : i32 to index
        %swap3A_801 = arith.constant 1136 : index
        %swap3A_802 = tpu.vector_load %arg10[%swap3A_800, %swap3A_801] {strides = array<i32>} : memref<16x2048xf32, #tpu.memory_space<vmem>>, vector<16xf32>,
        tpu.vector_store %arg10[%swap3A_800, %swap3A_801], %broadcast_in_dim3A_3 {strides = array<i32>} : memref<16x2048xf32, #tpu.memory_space<vmem>>, vector<16xf32>,
        %swap3A_803 = arith.index_cast %scan3A_586 : i32 to index
        %swap3A_804 = arith.constant 1152 : index
        %swap3A_805 = tpu.vector_load %arg10[%swap3A_803, %swap3A_804] {strides = array<i32>} : memref<16x2048xf32, #tpu.memory_space<vmem>>, vector<16xf32>,
        tpu.vector_store %arg10[%swap3A_803, %swap3A_804], %broadcast_in_dim3A_3 {strides = array<i32>} : memref<16x2048xf32, #tpu.memory_space<vmem>>, vector<16xf32>,
        %swap3A_806 = arith.index_cast %scan3A_586 : i32 to index
        %swap3A_807 = arith.constant 1168 : index
        %swap3A_808 = tpu.vector_load %arg10[%swap3A_806, %swap3A_807] {strides = array<i32>} : memref<16x2048xf32, #tpu.memory_space<vmem>>, vector<16xf32>,
        tpu.vector_store %arg10[%swap3A_806, %swap3A_807], %broadcast_in_dim3A_3 {strides = array<i32>} : memref<16x2048xf32, #tpu.memory_space<vmem>>, vector<16xf32>,
        %swap3A_809 = arith.index_cast %scan3A_586 : i32 to index
        %swap3A_810 = arith.constant 1184 : index
        %swap3A_811 = tpu.vector_load %arg10[%swap3A_809, %swap3A_810] {strides = array<i32>} : memref<16x2048xf32, #tpu.memory_space<vmem>>, vector<16xf32>,
        tpu.vector_store %arg10[%swap3A_809, %swap3A_810], %broadcast_in_dim3A_3 {strides = array<i32>} : memref<16x2048xf32, #tpu.memory_space<vmem>>, vector<16xf32>,
        %swap3A_812 = arith.index_cast %scan3A_586 : i32 to index
        %swap3A_813 = arith.constant 1200 : index
        %swap3A_814 = tpu.vector_load %arg10[%swap3A_812, %swap3A_813] {strides = array<i32>} : memref<16x2048xf32, #tpu.memory_space<vmem>>, vector<16xf32>,
        tpu.vector_store %arg10[%swap3A_812, %swap3A_813], %broadcast_in_dim3A_3 {strides = array<i32>} : memref<16x2048xf32, #tpu.memory_space<vmem>>, vector<16xf32>,
        %swap3A_815 = arith.index_cast %scan3A_586 : i32 to index
        %swap3A_816 = arith.constant 1216 : index
        %swap3A_817 = tpu.vector_load %arg10[%swap3A_815, %swap3A_816] {strides = array<i32>} : memref<16x2048xf32, #tpu.memory_space<vmem>>, vector<16xf32>,
        tpu.vector_store %arg10[%swap3A_815, %swap3A_816], %broadcast_in_dim3A_3 {strides = array<i32>} : memref<16x2048xf32, #tpu.memory_space<vmem>>, vector<16xf32>,
        %swap3A_818 = arith.index_cast %scan3A_586 : i32 to index
        %swap3A_819 = arith.constant 1232 : index
        %swap3A_820 = tpu.vector_load %arg10[%swap3A_818, %swap3A_819] {strides = array<i32>} : memref<16x2048xf32, #tpu.memory_space<vmem>>, vector<16xf32>,
        tpu.vector_store %arg10[%swap3A_818, %swap3A_819], %broadcast_in_dim3A_3 {strides = array<i32>} : memref<16x2048xf32, #tpu.memory_space<vmem>>, vector<16xf32>,
        %swap3A_821 = arith.index_cast %scan3A_586 : i32 to index
        %swap3A_822 = arith.constant 1248 : index
        %swap3A_823 = tpu.vector_load %arg10[%swap3A_821, %swap3A_822] {strides = array<i32>} : memref<16x2048xf32, #tpu.memory_space<vmem>>, vector<16xf32>,
        tpu.vector_store %arg10[%swap3A_821, %swap3A_822], %broadcast_in_dim3A_3 {strides = array<i32>} : memref<16x2048xf32, #tpu.memory_space<vmem>>, vector<16xf32>,
        %swap3A_824 = arith.index_cast %scan3A_586 : i32 to index
        %swap3A_825 = arith.constant 1264 : index
        %swap3A_826 = tpu.vector_load %arg10[%swap3A_824, %swap3A_825] {strides = array<i32>} : memref<16x2048xf32, #tpu.memory_space<vmem>>, vector<16xf32>,
        tpu.vector_store %arg10[%swap3A_824, %swap3A_825], %broadcast_in_dim3A_3 {strides = array<i32>} : memref<16x2048xf32, #tpu.memory_space<vmem>>, vector<16xf32>,
        %swap3A_827 = arith.index_cast %scan3A_586 : i32 to index
        %swap3A_828 = arith.constant 1280 : index
        %swap3A_829 = tpu.vector_load %arg10[%swap3A_827, %swap3A_828] {strides = array<i32>} : memref<16x2048xf32, #tpu.memory_space<vmem>>, vector<16xf32>,
        tpu.vector_store %arg10[%swap3A_827, %swap3A_828], %broadcast_in_dim3A_3 {strides = array<i32>} : memref<16x2048xf32, #tpu.memory_space<vmem>>, vector<16xf32>,
        %swap3A_830 = arith.index_cast %scan3A_586 : i32 to index
        %swap3A_831 = arith.constant 1296 : index
        %swap3A_832 = tpu.vector_load %arg10[%swap3A_830, %swap3A_831] {strides = array<i32>} : memref<16x2048xf32, #tpu.memory_space<vmem>>, vector<16xf32>,
        tpu.vector_store %arg10[%swap3A_830, %swap3A_831], %broadcast_in_dim3A_3 {strides = array<i32>} : memref<16x2048xf32, #tpu.memory_space<vmem>>, vector<16xf32>,
        %swap3A_833 = arith.index_cast %scan3A_586 : i32 to index
        %swap3A_834 = arith.constant 1312 : index
        %swap3A_835 = tpu.vector_load %arg10[%swap3A_833, %swap3A_834] {strides = array<i32>} : memref<16x2048xf32, #tpu.memory_space<vmem>>, vector<16xf32>,
        tpu.vector_store %arg10[%swap3A_833, %swap3A_834], %broadcast_in_dim3A_3 {strides = array<i32>} : memref<16x2048xf32, #tpu.memory_space<vmem>>, vector<16xf32>,
        %swap3A_836 = arith.index_cast %scan3A_586 : i32 to index
        %swap3A_837 = arith.constant 1328 : index
        %swap3A_838 = tpu.vector_load %arg10[%swap3A_836, %swap3A_837] {strides = array<i32>} : memref<16x2048xf32, #tpu.memory_space<vmem>>, vector<16xf32>,
        tpu.vector_store %arg10[%swap3A_836, %swap3A_837], %broadcast_in_dim3A_3 {strides = array<i32>} : memref<16x2048xf32, #tpu.memory_space<vmem>>, vector<16xf32>,
        %swap3A_839 = arith.index_cast %scan3A_586 : i32 to index
        %swap3A_840 = arith.constant 1344 : index
        %swap3A_841 = tpu.vector_load %arg10[%swap3A_839, %swap3A_840] {strides = array<i32>} : memref<16x2048xf32, #tpu.memory_space<vmem>>, vector<16xf32>,
        tpu.vector_store %arg10[%swap3A_839, %swap3A_840], %broadcast_in_dim3A_3 {strides = array<i32>} : memref<16x2048xf32, #tpu.memory_space<vmem>>, vector<16xf32>,
        %swap3A_842 = arith.index_cast %scan3A_586 : i32 to index
        %swap3A_843 = arith.constant 1360 : index
        %swap3A_844 = tpu.vector_load %arg10[%swap3A_842, %swap3A_843] {strides = array<i32>} : memref<16x2048xf32, #tpu.memory_space<vmem>>, vector<16xf32>,
        tpu.vector_store %arg10[%swap3A_842, %swap3A_843], %broadcast_in_dim3A_3 {strides = array<i32>} : memref<16x2048xf32, #tpu.memory_space<vmem>>, vector<16xf32>,
        %swap3A_845 = arith.index_cast %scan3A_586 : i32 to index
        %swap3A_846 = arith.constant 1376 : index
        %swap3A_847 = tpu.vector_load %arg10[%swap3A_845, %swap3A_846] {strides = array<i32>} : memref<16x2048xf32, #tpu.memory_space<vmem>>, vector<16xf32>,
        tpu.vector_store %arg10[%swap3A_845, %swap3A_846], %broadcast_in_dim3A_3 {strides = array<i32>} : memref<16x2048xf32, #tpu.memory_space<vmem>>, vector<16xf32>,
        %swap3A_848 = arith.index_cast %scan3A_586 : i32 to index
        %swap3A_849 = arith.constant 1392 : index
        %swap3A_850 = tpu.vector_load %arg10[%swap3A_848, %swap3A_849] {strides = array<i32>} : memref<16x2048xf32, #tpu.memory_space<vmem>>, vector<16xf32>,
        tpu.vector_store %arg10[%swap3A_848, %swap3A_849], %broadcast_in_dim3A_3 {strides = array<i32>} : memref<16x2048xf32, #tpu.memory_space<vmem>>, vector<16xf32>,
        %swap3A_851 = arith.index_cast %scan3A_586 : i32 to index
        %swap3A_852 = arith.constant 1408 : index
        %swap3A_853 = tpu.vector_load %arg10[%swap3A_851, %swap3A_852] {strides = array<i32>} : memref<16x2048xf32, #tpu.memory_space<vmem>>, vector<16xf32>,
        tpu.vector_store %arg10[%swap3A_851, %swap3A_852], %broadcast_in_dim3A_3 {strides = array<i32>} : memref<16x2048xf32, #tpu.memory_space<vmem>>, vector<16xf32>,
        %swap3A_854 = arith.index_cast %scan3A_586 : i32 to index
        %swap3A_855 = arith.constant 1424 : index
        %swap3A_856 = tpu.vector_load %arg10[%swap3A_854, %swap3A_855] {strides = array<i32>} : memref<16x2048xf32, #tpu.memory_space<vmem>>, vector<16xf32>,
        tpu.vector_store %arg10[%swap3A_854, %swap3A_855], %broadcast_in_dim3A_3 {strides = array<i32>} : memref<16x2048xf32, #tpu.memory_space<vmem>>, vector<16xf32>,
        %swap3A_857 = arith.index_cast %scan3A_586 : i32 to index
        %swap3A_858 = arith.constant 1440 : index
        %swap3A_859 = tpu.vector_load %arg10[%swap3A_857, %swap3A_858] {strides = array<i32>} : memref<16x2048xf32, #tpu.memory_space<vmem>>, vector<16xf32>,
        tpu.vector_store %arg10[%swap3A_857, %swap3A_858], %broadcast_in_dim3A_3 {strides = array<i32>} : memref<16x2048xf32, #tpu.memory_space<vmem>>, vector<16xf32>,
        %swap3A_860 = arith.index_cast %scan3A_586 : i32 to index
        %swap3A_861 = arith.constant 1456 : index
        %swap3A_862 = tpu.vector_load %arg10[%swap3A_860, %swap3A_861] {strides = array<i32>} : memref<16x2048xf32, #tpu.memory_space<vmem>>, vector<16xf32>,
        tpu.vector_store %arg10[%swap3A_860, %swap3A_861], %broadcast_in_dim3A_3 {strides = array<i32>} : memref<16x2048xf32, #tpu.memory_space<vmem>>, vector<16xf32>,
        %swap3A_863 = arith.index_cast %scan3A_586 : i32 to index
        %swap3A_864 = arith.constant 1472 : index
        %swap3A_865 = tpu.vector_load %arg10[%swap3A_863, %swap3A_864] {strides = array<i32>} : memref<16x2048xf32, #tpu.memory_space<vmem>>, vector<16xf32>,
        tpu.vector_store %arg10[%swap3A_863, %swap3A_864], %broadcast_in_dim3A_3 {strides = array<i32>} : memref<16x2048xf32, #tpu.memory_space<vmem>>, vector<16xf32>,
        %swap3A_866 = arith.index_cast %scan3A_586 : i32 to index
        %swap3A_867 = arith.constant 1488 : index
        %swap3A_868 = tpu.vector_load %arg10[%swap3A_866, %swap3A_867] {strides = array<i32>} : memref<16x2048xf32, #tpu.memory_space<vmem>>, vector<16xf32>,
        tpu.vector_store %arg10[%swap3A_866, %swap3A_867], %broadcast_in_dim3A_3 {strides = array<i32>} : memref<16x2048xf32, #tpu.memory_space<vmem>>, vector<16xf32>,
        %swap3A_869 = arith.index_cast %scan3A_586 : i32 to index
        %swap3A_870 = arith.constant 1504 : index
        %swap3A_871 = tpu.vector_load %arg10[%swap3A_869, %swap3A_870] {strides = array<i32>} : memref<16x2048xf32, #tpu.memory_space<vmem>>, vector<16xf32>,
        tpu.vector_store %arg10[%swap3A_869, %swap3A_870], %broadcast_in_dim3A_3 {strides = array<i32>} : memref<16x2048xf32, #tpu.memory_space<vmem>>, vector<16xf32>,
        %swap3A_872 = arith.index_cast %scan3A_586 : i32 to index
        %swap3A_873 = arith.constant 1520 : index
        %swap3A_874 = tpu.vector_load %arg10[%swap3A_872, %swap3A_873] {strides = array<i32>} : memref<16x2048xf32, #tpu.memory_space<vmem>>, vector<16xf32>,
        tpu.vector_store %arg10[%swap3A_872, %swap3A_873], %broadcast_in_dim3A_3 {strides = array<i32>} : memref<16x2048xf32, #tpu.memory_space<vmem>>, vector<16xf32>,
        %swap3A_875 = arith.index_cast %scan3A_586 : i32 to index
        %swap3A_876 = arith.constant 1536 : index
        %swap3A_877 = tpu.vector_load %arg10[%swap3A_875, %swap3A_876] {strides = array<i32>} : memref<16x2048xf32, #tpu.memory_space<vmem>>, vector<16xf32>,
        tpu.vector_store %arg10[%swap3A_875, %swap3A_876], %broadcast_in_dim3A_3 {strides = array<i32>} : memref<16x2048xf32, #tpu.memory_space<vmem>>, vector<16xf32>,
        %swap3A_878 = arith.index_cast %scan3A_586 : i32 to index
        %swap3A_879 = arith.constant 1552 : index
        %swap3A_880 = tpu.vector_load %arg10[%swap3A_878, %swap3A_879] {strides = array<i32>} : memref<16x2048xf32, #tpu.memory_space<vmem>>, vector<16xf32>,
        tpu.vector_store %arg10[%swap3A_878, %swap3A_879], %broadcast_in_dim3A_3 {strides = array<i32>} : memref<16x2048xf32, #tpu.memory_space<vmem>>, vector<16xf32>,
        %swap3A_881 = arith.index_cast %scan3A_586 : i32 to index
        %swap3A_882 = arith.constant 1568 : index
        %swap3A_883 = tpu.vector_load %arg10[%swap3A_881, %swap3A_882] {strides = array<i32>} : memref<16x2048xf32, #tpu.memory_space<vmem>>, vector<16xf32>,
        tpu.vector_store %arg10[%swap3A_881, %swap3A_882], %broadcast_in_dim3A_3 {strides = array<i32>} : memref<16x2048xf32, #tpu.memory_space<vmem>>, vector<16xf32>,
        %swap3A_884 = arith.index_cast %scan3A_586 : i32 to index
        %swap3A_885 = arith.constant 1584 : index
        %swap3A_886 = tpu.vector_load %arg10[%swap3A_884, %swap3A_885] {strides = array<i32>} : memref<16x2048xf32, #tpu.memory_space<vmem>>, vector<16xf32>,
        tpu.vector_store %arg10[%swap3A_884, %swap3A_885], %broadcast_in_dim3A_3 {strides = array<i32>} : memref<16x2048xf32, #tpu.memory_space<vmem>>, vector<16xf32>,
        %swap3A_887 = arith.index_cast %scan3A_586 : i32 to index
        %swap3A_888 = arith.constant 1600 : index
        %swap3A_889 = tpu.vector_load %arg10[%swap3A_887, %swap3A_888] {strides = array<i32>} : memref<16x2048xf32, #tpu.memory_space<vmem>>, vector<16xf32>,
        tpu.vector_store %arg10[%swap3A_887, %swap3A_888], %broadcast_in_dim3A_3 {strides = array<i32>} : memref<16x2048xf32, #tpu.memory_space<vmem>>, vector<16xf32>,
        %swap3A_890 = arith.index_cast %scan3A_586 : i32 to index
        %swap3A_891 = arith.constant 1616 : index
        %swap3A_892 = tpu.vector_load %arg10[%swap3A_890, %swap3A_891] {strides = array<i32>} : memref<16x2048xf32, #tpu.memory_space<vmem>>, vector<16xf32>,
        tpu.vector_store %arg10[%swap3A_890, %swap3A_891], %broadcast_in_dim3A_3 {strides = array<i32>} : memref<16x2048xf32, #tpu.memory_space<vmem>>, vector<16xf32>,
        %swap3A_893 = arith.index_cast %scan3A_586 : i32 to index
        %swap3A_894 = arith.constant 1632 : index
        %swap3A_895 = tpu.vector_load %arg10[%swap3A_893, %swap3A_894] {strides = array<i32>} : memref<16x2048xf32, #tpu.memory_space<vmem>>, vector<16xf32>,
        tpu.vector_store %arg10[%swap3A_893, %swap3A_894], %broadcast_in_dim3A_3 {strides = array<i32>} : memref<16x2048xf32, #tpu.memory_space<vmem>>, vector<16xf32>,
        %swap3A_896 = arith.index_cast %scan3A_586 : i32 to index
        %swap3A_897 = arith.constant 1648 : index
        %swap3A_898 = tpu.vector_load %arg10[%swap3A_896, %swap3A_897] {strides = array<i32>} : memref<16x2048xf32, #tpu.memory_space<vmem>>, vector<16xf32>,
        tpu.vector_store %arg10[%swap3A_896, %swap3A_897], %broadcast_in_dim3A_3 {strides = array<i32>} : memref<16x2048xf32, #tpu.memory_space<vmem>>, vector<16xf32>,
        %swap3A_899 = arith.index_cast %scan3A_586 : i32 to index
        %swap3A_900 = arith.constant 1664 : index
        %swap3A_901 = tpu.vector_load %arg10[%swap3A_899, %swap3A_900] {strides = array<i32>} : memref<16x2048xf32, #tpu.memory_space<vmem>>, vector<16xf32>,
        tpu.vector_store %arg10[%swap3A_899, %swap3A_900], %broadcast_in_dim3A_3 {strides = array<i32>} : memref<16x2048xf32, #tpu.memory_space<vmem>>, vector<16xf32>,
        %swap3A_902 = arith.index_cast %scan3A_586 : i32 to index
        %swap3A_903 = arith.constant 1680 : index
        %swap3A_904 = tpu.vector_load %arg10[%swap3A_902, %swap3A_903] {strides = array<i32>} : memref<16x2048xf32, #tpu.memory_space<vmem>>, vector<16xf32>,
        tpu.vector_store %arg10[%swap3A_902, %swap3A_903], %broadcast_in_dim3A_3 {strides = array<i32>} : memref<16x2048xf32, #tpu.memory_space<vmem>>, vector<16xf32>,
        %swap3A_905 = arith.index_cast %scan3A_586 : i32 to index
        %swap3A_906 = arith.constant 1696 : index
        %swap3A_907 = tpu.vector_load %arg10[%swap3A_905, %swap3A_906] {strides = array<i32>} : memref<16x2048xf32, #tpu.memory_space<vmem>>, vector<16xf32>,
        tpu.vector_store %arg10[%swap3A_905, %swap3A_906], %broadcast_in_dim3A_3 {strides = array<i32>} : memref<16x2048xf32, #tpu.memory_space<vmem>>, vector<16xf32>,
        %swap3A_908 = arith.index_cast %scan3A_586 : i32 to index
        %swap3A_909 = arith.constant 1712 : index
        %swap3A_910 = tpu.vector_load %arg10[%swap3A_908, %swap3A_909] {strides = array<i32>} : memref<16x2048xf32, #tpu.memory_space<vmem>>, vector<16xf32>,
        tpu.vector_store %arg10[%swap3A_908, %swap3A_909], %broadcast_in_dim3A_3 {strides = array<i32>} : memref<16x2048xf32, #tpu.memory_space<vmem>>, vector<16xf32>,
        %swap3A_911 = arith.index_cast %scan3A_586 : i32 to index
        %swap3A_912 = arith.constant 1728 : index
        %swap3A_913 = tpu.vector_load %arg10[%swap3A_911, %swap3A_912] {strides = array<i32>} : memref<16x2048xf32, #tpu.memory_space<vmem>>, vector<16xf32>,
        tpu.vector_store %arg10[%swap3A_911, %swap3A_912], %broadcast_in_dim3A_3 {strides = array<i32>} : memref<16x2048xf32, #tpu.memory_space<vmem>>, vector<16xf32>,
        %swap3A_914 = arith.index_cast %scan3A_586 : i32 to index
        %swap3A_915 = arith.constant 1744 : index
        %swap3A_916 = tpu.vector_load %arg10[%swap3A_914, %swap3A_915] {strides = array<i32>} : memref<16x2048xf32, #tpu.memory_space<vmem>>, vector<16xf32>,
        tpu.vector_store %arg10[%swap3A_914, %swap3A_915], %broadcast_in_dim3A_3 {strides = array<i32>} : memref<16x2048xf32, #tpu.memory_space<vmem>>, vector<16xf32>,
        %swap3A_917 = arith.index_cast %scan3A_586 : i32 to index
        %swap3A_918 = arith.constant 1760 : index
        %swap3A_919 = tpu.vector_load %arg10[%swap3A_917, %swap3A_918] {strides = array<i32>} : memref<16x2048xf32, #tpu.memory_space<vmem>>, vector<16xf32>,
        tpu.vector_store %arg10[%swap3A_917, %swap3A_918], %broadcast_in_dim3A_3 {strides = array<i32>} : memref<16x2048xf32, #tpu.memory_space<vmem>>, vector<16xf32>,
        %swap3A_920 = arith.index_cast %scan3A_586 : i32 to index
        %swap3A_921 = arith.constant 1776 : index
        %swap3A_922 = tpu.vector_load %arg10[%swap3A_920, %swap3A_921] {strides = array<i32>} : memref<16x2048xf32, #tpu.memory_space<vmem>>, vector<16xf32>,
        tpu.vector_store %arg10[%swap3A_920, %swap3A_921], %broadcast_in_dim3A_3 {strides = array<i32>} : memref<16x2048xf32, #tpu.memory_space<vmem>>, vector<16xf32>,
        %swap3A_923 = arith.index_cast %scan3A_586 : i32 to index
        %swap3A_924 = arith.constant 1792 : index
        %swap3A_925 = tpu.vector_load %arg10[%swap3A_923, %swap3A_924] {strides = array<i32>} : memref<16x2048xf32, #tpu.memory_space<vmem>>, vector<16xf32>,
        tpu.vector_store %arg10[%swap3A_923, %swap3A_924], %broadcast_in_dim3A_3 {strides = array<i32>} : memref<16x2048xf32, #tpu.memory_space<vmem>>, vector<16xf32>,
        %swap3A_926 = arith.index_cast %scan3A_586 : i32 to index
        %swap3A_927 = arith.constant 1808 : index
        %swap3A_928 = tpu.vector_load %arg10[%swap3A_926, %swap3A_927] {strides = array<i32>} : memref<16x2048xf32, #tpu.memory_space<vmem>>, vector<16xf32>,
        tpu.vector_store %arg10[%swap3A_926, %swap3A_927], %broadcast_in_dim3A_3 {strides = array<i32>} : memref<16x2048xf32, #tpu.memory_space<vmem>>, vector<16xf32>,
        %swap3A_929 = arith.index_cast %scan3A_586 : i32 to index
        %swap3A_930 = arith.constant 1824 : index
        %swap3A_931 = tpu.vector_load %arg10[%swap3A_929, %swap3A_930] {strides = array<i32>} : memref<16x2048xf32, #tpu.memory_space<vmem>>, vector<16xf32>,
        tpu.vector_store %arg10[%swap3A_929, %swap3A_930], %broadcast_in_dim3A_3 {strides = array<i32>} : memref<16x2048xf32, #tpu.memory_space<vmem>>, vector<16xf32>,
        %swap3A_932 = arith.index_cast %scan3A_586 : i32 to index
        %swap3A_933 = arith.constant 1840 : index
        %swap3A_934 = tpu.vector_load %arg10[%swap3A_932, %swap3A_933] {strides = array<i32>} : memref<16x2048xf32, #tpu.memory_space<vmem>>, vector<16xf32>,
        tpu.vector_store %arg10[%swap3A_932, %swap3A_933], %broadcast_in_dim3A_3 {strides = array<i32>} : memref<16x2048xf32, #tpu.memory_space<vmem>>, vector<16xf32>,
        %swap3A_935 = arith.index_cast %scan3A_586 : i32 to index
        %swap3A_936 = arith.constant 1856 : index
        %swap3A_937 = tpu.vector_load %arg10[%swap3A_935, %swap3A_936] {strides = array<i32>} : memref<16x2048xf32, #tpu.memory_space<vmem>>, vector<16xf32>,
        tpu.vector_store %arg10[%swap3A_935, %swap3A_936], %broadcast_in_dim3A_3 {strides = array<i32>} : memref<16x2048xf32, #tpu.memory_space<vmem>>, vector<16xf32>,
        %swap3A_938 = arith.index_cast %scan3A_586 : i32 to index
        %swap3A_939 = arith.constant 1872 : index
        %swap3A_940 = tpu.vector_load %arg10[%swap3A_938, %swap3A_939] {strides = array<i32>} : memref<16x2048xf32, #tpu.memory_space<vmem>>, vector<16xf32>,
        tpu.vector_store %arg10[%swap3A_938, %swap3A_939], %broadcast_in_dim3A_3 {strides = array<i32>} : memref<16x2048xf32, #tpu.memory_space<vmem>>, vector<16xf32>,
        %swap3A_941 = arith.index_cast %scan3A_586 : i32 to index
        %swap3A_942 = arith.constant 1888 : index
        %swap3A_943 = tpu.vector_load %arg10[%swap3A_941, %swap3A_942] {strides = array<i32>} : memref<16x2048xf32, #tpu.memory_space<vmem>>, vector<16xf32>,
        tpu.vector_store %arg10[%swap3A_941, %swap3A_942], %broadcast_in_dim3A_3 {strides = array<i32>} : memref<16x2048xf32, #tpu.memory_space<vmem>>, vector<16xf32>,
        %swap3A_944 = arith.index_cast %scan3A_586 : i32 to index
        %swap3A_945 = arith.constant 1904 : index
        %swap3A_946 = tpu.vector_load %arg10[%swap3A_944, %swap3A_945] {strides = array<i32>} : memref<16x2048xf32, #tpu.memory_space<vmem>>, vector<16xf32>,
        tpu.vector_store %arg10[%swap3A_944, %swap3A_945], %broadcast_in_dim3A_3 {strides = array<i32>} : memref<16x2048xf32, #tpu.memory_space<vmem>>, vector<16xf32>,
        %swap3A_947 = arith.index_cast %scan3A_586 : i32 to index
        %swap3A_948 = arith.constant 1920 : index
        %swap3A_949 = tpu.vector_load %arg10[%swap3A_947, %swap3A_948] {strides = array<i32>} : memref<16x2048xf32, #tpu.memory_space<vmem>>, vector<16xf32>,
        tpu.vector_store %arg10[%swap3A_947, %swap3A_948], %broadcast_in_dim3A_3 {strides = array<i32>} : memref<16x2048xf32, #tpu.memory_space<vmem>>, vector<16xf32>,
        %swap3A_950 = arith.index_cast %scan3A_586 : i32 to index
        %swap3A_951 = arith.constant 1936 : index
        %swap3A_952 = tpu.vector_load %arg10[%swap3A_950, %swap3A_951] {strides = array<i32>} : memref<16x2048xf32, #tpu.memory_space<vmem>>, vector<16xf32>,
        tpu.vector_store %arg10[%swap3A_950, %swap3A_951], %broadcast_in_dim3A_3 {strides = array<i32>} : memref<16x2048xf32, #tpu.memory_space<vmem>>, vector<16xf32>,
        %swap3A_953 = arith.index_cast %scan3A_586 : i32 to index
        %swap3A_954 = arith.constant 1952 : index
        %swap3A_955 = tpu.vector_load %arg10[%swap3A_953, %swap3A_954] {strides = array<i32>} : memref<16x2048xf32, #tpu.memory_space<vmem>>, vector<16xf32>,
        tpu.vector_store %arg10[%swap3A_953, %swap3A_954], %broadcast_in_dim3A_3 {strides = array<i32>} : memref<16x2048xf32, #tpu.memory_space<vmem>>, vector<16xf32>,
        %swap3A_956 = arith.index_cast %scan3A_586 : i32 to index
        %swap3A_957 = arith.constant 1968 : index
        %swap3A_958 = tpu.vector_load %arg10[%swap3A_956, %swap3A_957] {strides = array<i32>} : memref<16x2048xf32, #tpu.memory_space<vmem>>, vector<16xf32>,
        tpu.vector_store %arg10[%swap3A_956, %swap3A_957], %broadcast_in_dim3A_3 {strides = array<i32>} : memref<16x2048xf32, #tpu.memory_space<vmem>>, vector<16xf32>,
        %swap3A_959 = arith.index_cast %scan3A_586 : i32 to index
        %swap3A_960 = arith.constant 1984 : index
        %swap3A_961 = tpu.vector_load %arg10[%swap3A_959, %swap3A_960] {strides = array<i32>} : memref<16x2048xf32, #tpu.memory_space<vmem>>, vector<16xf32>,
        tpu.vector_store %arg10[%swap3A_959, %swap3A_960], %broadcast_in_dim3A_3 {strides = array<i32>} : memref<16x2048xf32, #tpu.memory_space<vmem>>, vector<16xf32>,
        %swap3A_962 = arith.index_cast %scan3A_586 : i32 to index
        %swap3A_963 = arith.constant 2000 : index
        %swap3A_964 = tpu.vector_load %arg10[%swap3A_962, %swap3A_963] {strides = array<i32>} : memref<16x2048xf32, #tpu.memory_space<vmem>>, vector<16xf32>,
        tpu.vector_store %arg10[%swap3A_962, %swap3A_963], %broadcast_in_dim3A_3 {strides = array<i32>} : memref<16x2048xf32, #tpu.memory_space<vmem>>, vector<16xf32>,
        %swap3A_965 = arith.index_cast %scan3A_586 : i32 to index
        %swap3A_966 = arith.constant 2016 : index
        %swap3A_967 = tpu.vector_load %arg10[%swap3A_965, %swap3A_966] {strides = array<i32>} : memref<16x2048xf32, #tpu.memory_space<vmem>>, vector<16xf32>,
        tpu.vector_store %arg10[%swap3A_965, %swap3A_966], %broadcast_in_dim3A_3 {strides = array<i32>} : memref<16x2048xf32, #tpu.memory_space<vmem>>, vector<16xf32>,
        %swap3A_968 = arith.index_cast %scan3A_586 : i32 to index
        %swap3A_969 = arith.constant 2032 : index
        %swap3A_970 = tpu.vector_load %arg10[%swap3A_968, %swap3A_969] {strides = array<i32>} : memref<16x2048xf32, #tpu.memory_space<vmem>>, vector<16xf32>,
        tpu.vector_store %arg10[%swap3A_968, %swap3A_969], %broadcast_in_dim3A_3 {strides = array<i32>} : memref<16x2048xf32, #tpu.memory_space<vmem>>, vector<16xf32>,
      }
      %scan3A_155 = arith.constant 16 : i32
      %div3A_156 = arith.constant 4 : i32
      %div3A_157 = arith.divsi %add3A_144, %div3A_156 : i32
      %rem3A_158 = arith.constant 4 : i32
      %rem3A_159 = arith.remsi %add3A_144, %rem3A_158 : i32
      %mul3A_160 = arith.constant 16 : i32
      %mul3A_161 = arith.muli %rem3A_159, %mul3A_160 : i32
      %dma_wait3A_162 = arith.constant 0 : i32
      %dma_wait3A_163 = arith.constant 0 : i32
      %dma_wait3A_164 = tpu.memref_slice %arg3[%div3A_157, %dma_wait3A_162, %mul3A_161, %dma_wait3A_163] : memref<256x1x64x512xi32, #tpu.memory_space<hbm>> -> memref<1x1x16x512xi32, #tpu.memory_space<hbm>>
      %dma_wait3A_165 = tpu.memref_squeeze %dma_wait3A_164 : memref<1x1x16x512xi32, #tpu.memory_space<hbm>> -> memref<16x512xi32, #tpu.memory_space<hbm>>
      %dma_wait3A_166 = arith.constant 0 : i32
      %dma_wait3A_167 = tpu.memref_slice %arg3[%div3A_157, %dma_wait3A_162, %mul3A_161, %dma_wait3A_166] : memref<256x1x64x512xi32, #tpu.memory_space<hbm>> -> memref<1x1x16x512xi32, #tpu.memory_space<hbm>>
      %dma_wait3A_168 = tpu.memref_squeeze %dma_wait3A_167 : memref<1x1x16x512xi32, #tpu.memory_space<hbm>> -> memref<16x512xi32, #tpu.memory_space<hbm>>
      tpu.wait_dma2 semaphore(%arg12 : memref<!tpu.dma_semaphore, #tpu.memory_space<semaphore_mem>>) src(%dma_wait3A_168 : memref<16x512xi32, #tpu.memory_space<hbm>>) dst(%arg6 : memref<16x512xi32, #tpu.memory_space<vmem>>)
      %dma_wait3A_169 = arith.constant 0 : i32
      %dma_wait3A_170 = arith.constant 0 : i32
      %dma_wait3A_171 = tpu.memref_slice %arg2[%div3A_157, %dma_wait3A_169, %mul3A_161, %dma_wait3A_170] : memref<256x1x64x512xf32, #tpu.memory_space<hbm>> -> memref<1x1x16x512xf32, #tpu.memory_space<hbm>>
      %dma_wait3A_172 = tpu.memref_squeeze %dma_wait3A_171 : memref<1x1x16x512xf32, #tpu.memory_space<hbm>> -> memref<16x512xf32, #tpu.memory_space<hbm>>
      %dma_wait3A_173 = arith.constant 0 : i32
      %dma_wait3A_174 = tpu.memref_slice %arg2[%div3A_157, %dma_wait3A_169, %mul3A_161, %dma_wait3A_173] : memref<256x1x64x512xf32, #tpu.memory_space<hbm>> -> memref<1x1x16x512xf32, #tpu.memory_space<hbm>>
      %dma_wait3A_175 = tpu.memref_squeeze %dma_wait3A_174 : memref<1x1x16x512xf32, #tpu.memory_space<hbm>> -> memref<16x512xf32, #tpu.memory_space<hbm>>
      tpu.wait_dma2 semaphore(%arg12 : memref<!tpu.dma_semaphore, #tpu.memory_space<semaphore_mem>>) src(%dma_wait3A_175 : memref<16x512xf32, #tpu.memory_space<hbm>>) dst(%arg8 : memref<16x512xf32, #tpu.memory_space<vmem>>)
      %scan3A_176 = arith.constant 0 : i32
      %scan3A_177 = arith.constant 0 : i32
      %scan3A_178 = arith.constant 16 : i32
      %scan3A_179 = arith.addi %scan3A_177, %scan3A_178 : i32
      %scan3A_180 = arith.constant 2 : i32
      scf.for %scan3A_201 = %scan3A_177 to %scan3A_179 step %scan3A_180  : i32 {
        %broadcast_in_dim3A_202 = arith.constant 0 : i32
        %broadcast_in_dim3A_203 = vector.broadcast %broadcast_in_dim3A_202 : i32 to vector<16xi32>
        %add3A_204 = vector.broadcast %scan3A_201 : i32 to vector<16xi32>
        %add3A_205 = arith.addi %broadcast_in_dim3A_203, %add3A_204 : vector<16xi32>
        %get3A = arith.index_cast %scan3A_201 : i32 to index
        %get3A_206 = arith.constant 0 : index
        %get3A_207 = tpu.vector_load %arg6[%get3A, %get3A_206] {strides = array<i32>} : memref<16x512xi32, #tpu.memory_space<vmem>>, vector<16xi32>,
        %shift_right_logical3A = arith.constant 6 : i32
        %shift_right_logical3A_208 = vector.broadcast %shift_right_logical3A : i32 to vector<16xi32>
        %shift_right_logical3A_209 = arith.shrui %get3A_207, %shift_right_logical3A_208 : vector<16xi32>
        %get3A_210 = arith.index_cast %scan3A_201 : i32 to index
        %get3A_211 = arith.constant 0 : index
        %get3A_212 = tpu.vector_load %arg8[%get3A_210, %get3A_211] {strides = array<i32>} : memref<16x512xf32, #tpu.memory_space<vmem>>, vector<16xf32>,
        tpu.vector_store_idx %arg10[%add3A_205, %shift_right_logical3A_209], %get3A_212 : memref<16x2048xf32, #tpu.memory_space<vmem>>[vector<16xi32>, vector<16xi32>], vector<16xf32>,
        %get3A_213 = arith.index_cast %scan3A_201 : i32 to index
        %get3A_214 = arith.constant 16 : index
        %get3A_215 = tpu.vector_load %arg6[%get3A_213, %get3A_214] {strides = array<i32>} : memref<16x512xi32, #tpu.memory_space<vmem>>, vector<16xi32>,
        %shift_right_logical3A_216 = arith.constant 6 : i32
        %shift_right_logical3A_217 = vector.broadcast %shift_right_logical3A_216 : i32 to vector<16xi32>
        %shift_right_logical3A_218 = arith.shrui %get3A_215, %shift_right_logical3A_217 : vector<16xi32>
        %get3A_219 = arith.index_cast %scan3A_201 : i32 to index
        %get3A_220 = arith.constant 16 : index
        %get3A_221 = tpu.vector_load %arg8[%get3A_219, %get3A_220] {strides = array<i32>} : memref<16x512xf32, #tpu.memory_space<vmem>>, vector<16xf32>,
        tpu.vector_store_idx %arg10[%add3A_205, %shift_right_logical3A_218], %get3A_221 : memref<16x2048xf32, #tpu.memory_space<vmem>>[vector<16xi32>, vector<16xi32>], vector<16xf32>,
        %get3A_222 = arith.index_cast %scan3A_201 : i32 to index
        %get3A_223 = arith.constant 32 : index
        %get3A_224 = tpu.vector_load %arg6[%get3A_222, %get3A_223] {strides = array<i32>} : memref<16x512xi32, #tpu.memory_space<vmem>>, vector<16xi32>,
        %shift_right_logical3A_225 = arith.constant 6 : i32
        %shift_right_logical3A_226 = vector.broadcast %shift_right_logical3A_225 : i32 to vector<16xi32>
        %shift_right_logical3A_227 = arith.shrui %get3A_224, %shift_right_logical3A_226 : vector<16xi32>
        %get3A_228 = arith.index_cast %scan3A_201 : i32 to index
        %get3A_229 = arith.constant 32 : index
        %get3A_230 = tpu.vector_load %arg8[%get3A_228, %get3A_229] {strides = array<i32>} : memref<16x512xf32, #tpu.memory_space<vmem>>, vector<16xf32>,
        tpu.vector_store_idx %arg10[%add3A_205, %shift_right_logical3A_227], %get3A_230 : memref<16x2048xf32, #tpu.memory_space<vmem>>[vector<16xi32>, vector<16xi32>], vector<16xf32>,
        %get3A_231 = arith.index_cast %scan3A_201 : i32 to index
        %get3A_232 = arith.constant 48 : index
        %get3A_233 = tpu.vector_load %arg6[%get3A_231, %get3A_232] {strides = array<i32>} : memref<16x512xi32, #tpu.memory_space<vmem>>, vector<16xi32>,
        %shift_right_logical3A_234 = arith.constant 6 : i32
        %shift_right_logical3A_235 = vector.broadcast %shift_right_logical3A_234 : i32 to vector<16xi32>
        %shift_right_logical3A_236 = arith.shrui %get3A_233, %shift_right_logical3A_235 : vector<16xi32>
        %get3A_237 = arith.index_cast %scan3A_201 : i32 to index
        %get3A_238 = arith.constant 48 : index
        %get3A_239 = tpu.vector_load %arg8[%get3A_237, %get3A_238] {strides = array<i32>} : memref<16x512xf32, #tpu.memory_space<vmem>>, vector<16xf32>,
        tpu.vector_store_idx %arg10[%add3A_205, %shift_right_logical3A_236], %get3A_239 : memref<16x2048xf32, #tpu.memory_space<vmem>>[vector<16xi32>, vector<16xi32>], vector<16xf32>,
        %get3A_240 = arith.index_cast %scan3A_201 : i32 to index
        %get3A_241 = arith.constant 64 : index
        %get3A_242 = tpu.vector_load %arg6[%get3A_240, %get3A_241] {strides = array<i32>} : memref<16x512xi32, #tpu.memory_space<vmem>>, vector<16xi32>,
        %shift_right_logical3A_243 = arith.constant 6 : i32
        %shift_right_logical3A_244 = vector.broadcast %shift_right_logical3A_243 : i32 to vector<16xi32>
        %shift_right_logical3A_245 = arith.shrui %get3A_242, %shift_right_logical3A_244 : vector<16xi32>
        %get3A_246 = arith.index_cast %scan3A_201 : i32 to index
        %get3A_247 = arith.constant 64 : index
        %get3A_248 = tpu.vector_load %arg8[%get3A_246, %get3A_247] {strides = array<i32>} : memref<16x512xf32, #tpu.memory_space<vmem>>, vector<16xf32>,
        tpu.vector_store_idx %arg10[%add3A_205, %shift_right_logical3A_245], %get3A_248 : memref<16x2048xf32, #tpu.memory_space<vmem>>[vector<16xi32>, vector<16xi32>], vector<16xf32>,
        %get3A_249 = arith.index_cast %scan3A_201 : i32 to index
        %get3A_250 = arith.constant 80 : index
        %get3A_251 = tpu.vector_load %arg6[%get3A_249, %get3A_250] {strides = array<i32>} : memref<16x512xi32, #tpu.memory_space<vmem>>, vector<16xi32>,
        %shift_right_logical3A_252 = arith.constant 6 : i32
        %shift_right_logical3A_253 = vector.broadcast %shift_right_logical3A_252 : i32 to vector<16xi32>
        %shift_right_logical3A_254 = arith.shrui %get3A_251, %shift_right_logical3A_253 : vector<16xi32>
        %get3A_255 = arith.index_cast %scan3A_201 : i32 to index
        %get3A_256 = arith.constant 80 : index
        %get3A_257 = tpu.vector_load %arg8[%get3A_255, %get3A_256] {strides = array<i32>} : memref<16x512xf32, #tpu.memory_space<vmem>>, vector<16xf32>,
        tpu.vector_store_idx %arg10[%add3A_205, %shift_right_logical3A_254], %get3A_257 : memref<16x2048xf32, #tpu.memory_space<vmem>>[vector<16xi32>, vector<16xi32>], vector<16xf32>,
        %get3A_258 = arith.index_cast %scan3A_201 : i32 to index
        %get3A_259 = arith.constant 96 : index
        %get3A_260 = tpu.vector_load %arg6[%get3A_258, %get3A_259] {strides = array<i32>} : memref<16x512xi32, #tpu.memory_space<vmem>>, vector<16xi32>,
        %shift_right_logical3A_261 = arith.constant 6 : i32
        %shift_right_logical3A_262 = vector.broadcast %shift_right_logical3A_261 : i32 to vector<16xi32>
        %shift_right_logical3A_263 = arith.shrui %get3A_260, %shift_right_logical3A_262 : vector<16xi32>
        %get3A_264 = arith.index_cast %scan3A_201 : i32 to index
        %get3A_265 = arith.constant 96 : index
        %get3A_266 = tpu.vector_load %arg8[%get3A_264, %get3A_265] {strides = array<i32>} : memref<16x512xf32, #tpu.memory_space<vmem>>, vector<16xf32>,
        tpu.vector_store_idx %arg10[%add3A_205, %shift_right_logical3A_263], %get3A_266 : memref<16x2048xf32, #tpu.memory_space<vmem>>[vector<16xi32>, vector<16xi32>], vector<16xf32>,
        %get3A_267 = arith.index_cast %scan3A_201 : i32 to index
        %get3A_268 = arith.constant 112 : index
        %get3A_269 = tpu.vector_load %arg6[%get3A_267, %get3A_268] {strides = array<i32>} : memref<16x512xi32, #tpu.memory_space<vmem>>, vector<16xi32>,
        %shift_right_logical3A_270 = arith.constant 6 : i32
        %shift_right_logical3A_271 = vector.broadcast %shift_right_logical3A_270 : i32 to vector<16xi32>
        %shift_right_logical3A_272 = arith.shrui %get3A_269, %shift_right_logical3A_271 : vector<16xi32>
        %get3A_273 = arith.index_cast %scan3A_201 : i32 to index
        %get3A_274 = arith.constant 112 : index
        %get3A_275 = tpu.vector_load %arg8[%get3A_273, %get3A_274] {strides = array<i32>} : memref<16x512xf32, #tpu.memory_space<vmem>>, vector<16xf32>,
        tpu.vector_store_idx %arg10[%add3A_205, %shift_right_logical3A_272], %get3A_275 : memref<16x2048xf32, #tpu.memory_space<vmem>>[vector<16xi32>, vector<16xi32>], vector<16xf32>,
        %get3A_276 = arith.index_cast %scan3A_201 : i32 to index
        %get3A_277 = arith.constant 128 : index
        %get3A_278 = tpu.vector_load %arg6[%get3A_276, %get3A_277] {strides = array<i32>} : memref<16x512xi32, #tpu.memory_space<vmem>>, vector<16xi32>,
        %shift_right_logical3A_279 = arith.constant 6 : i32
        %shift_right_logical3A_280 = vector.broadcast %shift_right_logical3A_279 : i32 to vector<16xi32>
        %shift_right_logical3A_281 = arith.shrui %get3A_278, %shift_right_logical3A_280 : vector<16xi32>
        %get3A_282 = arith.index_cast %scan3A_201 : i32 to index
        %get3A_283 = arith.constant 128 : index
        %get3A_284 = tpu.vector_load %arg8[%get3A_282, %get3A_283] {strides = array<i32>} : memref<16x512xf32, #tpu.memory_space<vmem>>, vector<16xf32>,
        tpu.vector_store_idx %arg10[%add3A_205, %shift_right_logical3A_281], %get3A_284 : memref<16x2048xf32, #tpu.memory_space<vmem>>[vector<16xi32>, vector<16xi32>], vector<16xf32>,
        %get3A_285 = arith.index_cast %scan3A_201 : i32 to index
        %get3A_286 = arith.constant 144 : index
        %get3A_287 = tpu.vector_load %arg6[%get3A_285, %get3A_286] {strides = array<i32>} : memref<16x512xi32, #tpu.memory_space<vmem>>, vector<16xi32>,
        %shift_right_logical3A_288 = arith.constant 6 : i32
        %shift_right_logical3A_289 = vector.broadcast %shift_right_logical3A_288 : i32 to vector<16xi32>
        %shift_right_logical3A_290 = arith.shrui %get3A_287, %shift_right_logical3A_289 : vector<16xi32>
        %get3A_291 = arith.index_cast %scan3A_201 : i32 to index
        %get3A_292 = arith.constant 144 : index
        %get3A_293 = tpu.vector_load %arg8[%get3A_291, %get3A_292] {strides = array<i32>} : memref<16x512xf32, #tpu.memory_space<vmem>>, vector<16xf32>,
        tpu.vector_store_idx %arg10[%add3A_205, %shift_right_logical3A_290], %get3A_293 : memref<16x2048xf32, #tpu.memory_space<vmem>>[vector<16xi32>, vector<16xi32>], vector<16xf32>,
        %get3A_294 = arith.index_cast %scan3A_201 : i32 to index
        %get3A_295 = arith.constant 160 : index
        %get3A_296 = tpu.vector_load %arg6[%get3A_294, %get3A_295] {strides = array<i32>} : memref<16x512xi32, #tpu.memory_space<vmem>>, vector<16xi32>,
        %shift_right_logical3A_297 = arith.constant 6 : i32
        %shift_right_logical3A_298 = vector.broadcast %shift_right_logical3A_297 : i32 to vector<16xi32>
        %shift_right_logical3A_299 = arith.shrui %get3A_296, %shift_right_logical3A_298 : vector<16xi32>
        %get3A_300 = arith.index_cast %scan3A_201 : i32 to index
        %get3A_301 = arith.constant 160 : index
        %get3A_302 = tpu.vector_load %arg8[%get3A_300, %get3A_301] {strides = array<i32>} : memref<16x512xf32, #tpu.memory_space<vmem>>, vector<16xf32>,
        tpu.vector_store_idx %arg10[%add3A_205, %shift_right_logical3A_299], %get3A_302 : memref<16x2048xf32, #tpu.memory_space<vmem>>[vector<16xi32>, vector<16xi32>], vector<16xf32>,
        %get3A_303 = arith.index_cast %scan3A_201 : i32 to index
        %get3A_304 = arith.constant 176 : index
        %get3A_305 = tpu.vector_load %arg6[%get3A_303, %get3A_304] {strides = array<i32>} : memref<16x512xi32, #tpu.memory_space<vmem>>, vector<16xi32>,
        %shift_right_logical3A_306 = arith.constant 6 : i32
        %shift_right_logical3A_307 = vector.broadcast %shift_right_logical3A_306 : i32 to vector<16xi32>
        %shift_right_logical3A_308 = arith.shrui %get3A_305, %shift_right_logical3A_307 : vector<16xi32>
        %get3A_309 = arith.index_cast %scan3A_201 : i32 to index
        %get3A_310 = arith.constant 176 : index
        %get3A_311 = tpu.vector_load %arg8[%get3A_309, %get3A_310] {strides = array<i32>} : memref<16x512xf32, #tpu.memory_space<vmem>>, vector<16xf32>,
        tpu.vector_store_idx %arg10[%add3A_205, %shift_right_logical3A_308], %get3A_311 : memref<16x2048xf32, #tpu.memory_space<vmem>>[vector<16xi32>, vector<16xi32>], vector<16xf32>,
        %get3A_312 = arith.index_cast %scan3A_201 : i32 to index
        %get3A_313 = arith.constant 192 : index
        %get3A_314 = tpu.vector_load %arg6[%get3A_312, %get3A_313] {strides = array<i32>} : memref<16x512xi32, #tpu.memory_space<vmem>>, vector<16xi32>,
        %shift_right_logical3A_315 = arith.constant 6 : i32
        %shift_right_logical3A_316 = vector.broadcast %shift_right_logical3A_315 : i32 to vector<16xi32>
        %shift_right_logical3A_317 = arith.shrui %get3A_314, %shift_right_logical3A_316 : vector<16xi32>
        %get3A_318 = arith.index_cast %scan3A_201 : i32 to index
        %get3A_319 = arith.constant 192 : index
        %get3A_320 = tpu.vector_load %arg8[%get3A_318, %get3A_319] {strides = array<i32>} : memref<16x512xf32, #tpu.memory_space<vmem>>, vector<16xf32>,
        tpu.vector_store_idx %arg10[%add3A_205, %shift_right_logical3A_317], %get3A_320 : memref<16x2048xf32, #tpu.memory_space<vmem>>[vector<16xi32>, vector<16xi32>], vector<16xf32>,
        %get3A_321 = arith.index_cast %scan3A_201 : i32 to index
        %get3A_322 = arith.constant 208 : index
        %get3A_323 = tpu.vector_load %arg6[%get3A_321, %get3A_322] {strides = array<i32>} : memref<16x512xi32, #tpu.memory_space<vmem>>, vector<16xi32>,
        %shift_right_logical3A_324 = arith.constant 6 : i32
        %shift_right_logical3A_325 = vector.broadcast %shift_right_logical3A_324 : i32 to vector<16xi32>
        %shift_right_logical3A_326 = arith.shrui %get3A_323, %shift_right_logical3A_325 : vector<16xi32>
        %get3A_327 = arith.index_cast %scan3A_201 : i32 to index
        %get3A_328 = arith.constant 208 : index
        %get3A_329 = tpu.vector_load %arg8[%get3A_327, %get3A_328] {strides = array<i32>} : memref<16x512xf32, #tpu.memory_space<vmem>>, vector<16xf32>,
        tpu.vector_store_idx %arg10[%add3A_205, %shift_right_logical3A_326], %get3A_329 : memref<16x2048xf32, #tpu.memory_space<vmem>>[vector<16xi32>, vector<16xi32>], vector<16xf32>,
        %get3A_330 = arith.index_cast %scan3A_201 : i32 to index
        %get3A_331 = arith.constant 224 : index
        %get3A_332 = tpu.vector_load %arg6[%get3A_330, %get3A_331] {strides = array<i32>} : memref<16x512xi32, #tpu.memory_space<vmem>>, vector<16xi32>,
        %shift_right_logical3A_333 = arith.constant 6 : i32
        %shift_right_logical3A_334 = vector.broadcast %shift_right_logical3A_333 : i32 to vector<16xi32>
        %shift_right_logical3A_335 = arith.shrui %get3A_332, %shift_right_logical3A_334 : vector<16xi32>
        %get3A_336 = arith.index_cast %scan3A_201 : i32 to index
        %get3A_337 = arith.constant 224 : index
        %get3A_338 = tpu.vector_load %arg8[%get3A_336, %get3A_337] {strides = array<i32>} : memref<16x512xf32, #tpu.memory_space<vmem>>, vector<16xf32>,
        tpu.vector_store_idx %arg10[%add3A_205, %shift_right_logical3A_335], %get3A_338 : memref<16x2048xf32, #tpu.memory_space<vmem>>[vector<16xi32>, vector<16xi32>], vector<16xf32>,
        %get3A_339 = arith.index_cast %scan3A_201 : i32 to index
        %get3A_340 = arith.constant 240 : index
        %get3A_341 = tpu.vector_load %arg6[%get3A_339, %get3A_340] {strides = array<i32>} : memref<16x512xi32, #tpu.memory_space<vmem>>, vector<16xi32>,
        %shift_right_logical3A_342 = arith.constant 6 : i32
        %shift_right_logical3A_343 = vector.broadcast %shift_right_logical3A_342 : i32 to vector<16xi32>
        %shift_right_logical3A_344 = arith.shrui %get3A_341, %shift_right_logical3A_343 : vector<16xi32>
        %get3A_345 = arith.index_cast %scan3A_201 : i32 to index
        %get3A_346 = arith.constant 240 : index
        %get3A_347 = tpu.vector_load %arg8[%get3A_345, %get3A_346] {strides = array<i32>} : memref<16x512xf32, #tpu.memory_space<vmem>>, vector<16xf32>,
        tpu.vector_store_idx %arg10[%add3A_205, %shift_right_logical3A_344], %get3A_347 : memref<16x2048xf32, #tpu.memory_space<vmem>>[vector<16xi32>, vector<16xi32>], vector<16xf32>,
        %get3A_348 = arith.index_cast %scan3A_201 : i32 to index
        %get3A_349 = arith.constant 256 : index
        %get3A_350 = tpu.vector_load %arg6[%get3A_348, %get3A_349] {strides = array<i32>} : memref<16x512xi32, #tpu.memory_space<vmem>>, vector<16xi32>,
        %shift_right_logical3A_351 = arith.constant 6 : i32
        %shift_right_logical3A_352 = vector.broadcast %shift_right_logical3A_351 : i32 to vector<16xi32>
        %shift_right_logical3A_353 = arith.shrui %get3A_350, %shift_right_logical3A_352 : vector<16xi32>
        %get3A_354 = arith.index_cast %scan3A_201 : i32 to index
        %get3A_355 = arith.constant 256 : index
        %get3A_356 = tpu.vector_load %arg8[%get3A_354, %get3A_355] {strides = array<i32>} : memref<16x512xf32, #tpu.memory_space<vmem>>, vector<16xf32>,
        tpu.vector_store_idx %arg10[%add3A_205, %shift_right_logical3A_353], %get3A_356 : memref<16x2048xf32, #tpu.memory_space<vmem>>[vector<16xi32>, vector<16xi32>], vector<16xf32>,
        %get3A_357 = arith.index_cast %scan3A_201 : i32 to index
        %get3A_358 = arith.constant 272 : index
        %get3A_359 = tpu.vector_load %arg6[%get3A_357, %get3A_358] {strides = array<i32>} : memref<16x512xi32, #tpu.memory_space<vmem>>, vector<16xi32>,
        %shift_right_logical3A_360 = arith.constant 6 : i32
        %shift_right_logical3A_361 = vector.broadcast %shift_right_logical3A_360 : i32 to vector<16xi32>
        %shift_right_logical3A_362 = arith.shrui %get3A_359, %shift_right_logical3A_361 : vector<16xi32>
        %get3A_363 = arith.index_cast %scan3A_201 : i32 to index
        %get3A_364 = arith.constant 272 : index
        %get3A_365 = tpu.vector_load %arg8[%get3A_363, %get3A_364] {strides = array<i32>} : memref<16x512xf32, #tpu.memory_space<vmem>>, vector<16xf32>,
        tpu.vector_store_idx %arg10[%add3A_205, %shift_right_logical3A_362], %get3A_365 : memref<16x2048xf32, #tpu.memory_space<vmem>>[vector<16xi32>, vector<16xi32>], vector<16xf32>,
        %get3A_366 = arith.index_cast %scan3A_201 : i32 to index
        %get3A_367 = arith.constant 288 : index
        %get3A_368 = tpu.vector_load %arg6[%get3A_366, %get3A_367] {strides = array<i32>} : memref<16x512xi32, #tpu.memory_space<vmem>>, vector<16xi32>,
        %shift_right_logical3A_369 = arith.constant 6 : i32
        %shift_right_logical3A_370 = vector.broadcast %shift_right_logical3A_369 : i32 to vector<16xi32>
        %shift_right_logical3A_371 = arith.shrui %get3A_368, %shift_right_logical3A_370 : vector<16xi32>
        %get3A_372 = arith.index_cast %scan3A_201 : i32 to index
        %get3A_373 = arith.constant 288 : index
        %get3A_374 = tpu.vector_load %arg8[%get3A_372, %get3A_373] {strides = array<i32>} : memref<16x512xf32, #tpu.memory_space<vmem>>, vector<16xf32>,
        tpu.vector_store_idx %arg10[%add3A_205, %shift_right_logical3A_371], %get3A_374 : memref<16x2048xf32, #tpu.memory_space<vmem>>[vector<16xi32>, vector<16xi32>], vector<16xf32>,
        %get3A_375 = arith.index_cast %scan3A_201 : i32 to index
        %get3A_376 = arith.constant 304 : index
        %get3A_377 = tpu.vector_load %arg6[%get3A_375, %get3A_376] {strides = array<i32>} : memref<16x512xi32, #tpu.memory_space<vmem>>, vector<16xi32>,
        %shift_right_logical3A_378 = arith.constant 6 : i32
        %shift_right_logical3A_379 = vector.broadcast %shift_right_logical3A_378 : i32 to vector<16xi32>
        %shift_right_logical3A_380 = arith.shrui %get3A_377, %shift_right_logical3A_379 : vector<16xi32>
        %get3A_381 = arith.index_cast %scan3A_201 : i32 to index
        %get3A_382 = arith.constant 304 : index
        %get3A_383 = tpu.vector_load %arg8[%get3A_381, %get3A_382] {strides = array<i32>} : memref<16x512xf32, #tpu.memory_space<vmem>>, vector<16xf32>,
        tpu.vector_store_idx %arg10[%add3A_205, %shift_right_logical3A_380], %get3A_383 : memref<16x2048xf32, #tpu.memory_space<vmem>>[vector<16xi32>, vector<16xi32>], vector<16xf32>,
        %get3A_384 = arith.index_cast %scan3A_201 : i32 to index
        %get3A_385 = arith.constant 320 : index
        %get3A_386 = tpu.vector_load %arg6[%get3A_384, %get3A_385] {strides = array<i32>} : memref<16x512xi32, #tpu.memory_space<vmem>>, vector<16xi32>,
        %shift_right_logical3A_387 = arith.constant 6 : i32
        %shift_right_logical3A_388 = vector.broadcast %shift_right_logical3A_387 : i32 to vector<16xi32>
        %shift_right_logical3A_389 = arith.shrui %get3A_386, %shift_right_logical3A_388 : vector<16xi32>
        %get3A_390 = arith.index_cast %scan3A_201 : i32 to index
        %get3A_391 = arith.constant 320 : index
        %get3A_392 = tpu.vector_load %arg8[%get3A_390, %get3A_391] {strides = array<i32>} : memref<16x512xf32, #tpu.memory_space<vmem>>, vector<16xf32>,
        tpu.vector_store_idx %arg10[%add3A_205, %shift_right_logical3A_389], %get3A_392 : memref<16x2048xf32, #tpu.memory_space<vmem>>[vector<16xi32>, vector<16xi32>], vector<16xf32>,
        %get3A_393 = arith.index_cast %scan3A_201 : i32 to index
        %get3A_394 = arith.constant 336 : index
        %get3A_395 = tpu.vector_load %arg6[%get3A_393, %get3A_394] {strides = array<i32>} : memref<16x512xi32, #tpu.memory_space<vmem>>, vector<16xi32>,
        %shift_right_logical3A_396 = arith.constant 6 : i32
        %shift_right_logical3A_397 = vector.broadcast %shift_right_logical3A_396 : i32 to vector<16xi32>
        %shift_right_logical3A_398 = arith.shrui %get3A_395, %shift_right_logical3A_397 : vector<16xi32>
        %get3A_399 = arith.index_cast %scan3A_201 : i32 to index
        %get3A_400 = arith.constant 336 : index
        %get3A_401 = tpu.vector_load %arg8[%get3A_399, %get3A_400] {strides = array<i32>} : memref<16x512xf32, #tpu.memory_space<vmem>>, vector<16xf32>,
        tpu.vector_store_idx %arg10[%add3A_205, %shift_right_logical3A_398], %get3A_401 : memref<16x2048xf32, #tpu.memory_space<vmem>>[vector<16xi32>, vector<16xi32>], vector<16xf32>,
        %get3A_402 = arith.index_cast %scan3A_201 : i32 to index
        %get3A_403 = arith.constant 352 : index
        %get3A_404 = tpu.vector_load %arg6[%get3A_402, %get3A_403] {strides = array<i32>} : memref<16x512xi32, #tpu.memory_space<vmem>>, vector<16xi32>,
        %shift_right_logical3A_405 = arith.constant 6 : i32
        %shift_right_logical3A_406 = vector.broadcast %shift_right_logical3A_405 : i32 to vector<16xi32>
        %shift_right_logical3A_407 = arith.shrui %get3A_404, %shift_right_logical3A_406 : vector<16xi32>
        %get3A_408 = arith.index_cast %scan3A_201 : i32 to index
        %get3A_409 = arith.constant 352 : index
        %get3A_410 = tpu.vector_load %arg8[%get3A_408, %get3A_409] {strides = array<i32>} : memref<16x512xf32, #tpu.memory_space<vmem>>, vector<16xf32>,
        tpu.vector_store_idx %arg10[%add3A_205, %shift_right_logical3A_407], %get3A_410 : memref<16x2048xf32, #tpu.memory_space<vmem>>[vector<16xi32>, vector<16xi32>], vector<16xf32>,
        %get3A_411 = arith.index_cast %scan3A_201 : i32 to index
        %get3A_412 = arith.constant 368 : index
        %get3A_413 = tpu.vector_load %arg6[%get3A_411, %get3A_412] {strides = array<i32>} : memref<16x512xi32, #tpu.memory_space<vmem>>, vector<16xi32>,
        %shift_right_logical3A_414 = arith.constant 6 : i32
        %shift_right_logical3A_415 = vector.broadcast %shift_right_logical3A_414 : i32 to vector<16xi32>
        %shift_right_logical3A_416 = arith.shrui %get3A_413, %shift_right_logical3A_415 : vector<16xi32>
        %get3A_417 = arith.index_cast %scan3A_201 : i32 to index
        %get3A_418 = arith.constant 368 : index
        %get3A_419 = tpu.vector_load %arg8[%get3A_417, %get3A_418] {strides = array<i32>} : memref<16x512xf32, #tpu.memory_space<vmem>>, vector<16xf32>,
        tpu.vector_store_idx %arg10[%add3A_205, %shift_right_logical3A_416], %get3A_419 : memref<16x2048xf32, #tpu.memory_space<vmem>>[vector<16xi32>, vector<16xi32>], vector<16xf32>,
        %get3A_420 = arith.index_cast %scan3A_201 : i32 to index
        %get3A_421 = arith.constant 384 : index
        %get3A_422 = tpu.vector_load %arg6[%get3A_420, %get3A_421] {strides = array<i32>} : memref<16x512xi32, #tpu.memory_space<vmem>>, vector<16xi32>,
        %shift_right_logical3A_423 = arith.constant 6 : i32
        %shift_right_logical3A_424 = vector.broadcast %shift_right_logical3A_423 : i32 to vector<16xi32>
        %shift_right_logical3A_425 = arith.shrui %get3A_422, %shift_right_logical3A_424 : vector<16xi32>
        %get3A_426 = arith.index_cast %scan3A_201 : i32 to index
        %get3A_427 = arith.constant 384 : index
        %get3A_428 = tpu.vector_load %arg8[%get3A_426, %get3A_427] {strides = array<i32>} : memref<16x512xf32, #tpu.memory_space<vmem>>, vector<16xf32>,
        tpu.vector_store_idx %arg10[%add3A_205, %shift_right_logical3A_425], %get3A_428 : memref<16x2048xf32, #tpu.memory_space<vmem>>[vector<16xi32>, vector<16xi32>], vector<16xf32>,
        %get3A_429 = arith.index_cast %scan3A_201 : i32 to index
        %get3A_430 = arith.constant 400 : index
        %get3A_431 = tpu.vector_load %arg6[%get3A_429, %get3A_430] {strides = array<i32>} : memref<16x512xi32, #tpu.memory_space<vmem>>, vector<16xi32>,
        %shift_right_logical3A_432 = arith.constant 6 : i32
        %shift_right_logical3A_433 = vector.broadcast %shift_right_logical3A_432 : i32 to vector<16xi32>
        %shift_right_logical3A_434 = arith.shrui %get3A_431, %shift_right_logical3A_433 : vector<16xi32>
        %get3A_435 = arith.index_cast %scan3A_201 : i32 to index
        %get3A_436 = arith.constant 400 : index
        %get3A_437 = tpu.vector_load %arg8[%get3A_435, %get3A_436] {strides = array<i32>} : memref<16x512xf32, #tpu.memory_space<vmem>>, vector<16xf32>,
        tpu.vector_store_idx %arg10[%add3A_205, %shift_right_logical3A_434], %get3A_437 : memref<16x2048xf32, #tpu.memory_space<vmem>>[vector<16xi32>, vector<16xi32>], vector<16xf32>,
        %get3A_438 = arith.index_cast %scan3A_201 : i32 to index
        %get3A_439 = arith.constant 416 : index
        %get3A_440 = tpu.vector_load %arg6[%get3A_438, %get3A_439] {strides = array<i32>} : memref<16x512xi32, #tpu.memory_space<vmem>>, vector<16xi32>,
        %shift_right_logical3A_441 = arith.constant 6 : i32
        %shift_right_logical3A_442 = vector.broadcast %shift_right_logical3A_441 : i32 to vector<16xi32>
        %shift_right_logical3A_443 = arith.shrui %get3A_440, %shift_right_logical3A_442 : vector<16xi32>
        %get3A_444 = arith.index_cast %scan3A_201 : i32 to index
        %get3A_445 = arith.constant 416 : index
        %get3A_446 = tpu.vector_load %arg8[%get3A_444, %get3A_445] {strides = array<i32>} : memref<16x512xf32, #tpu.memory_space<vmem>>, vector<16xf32>,
        tpu.vector_store_idx %arg10[%add3A_205, %shift_right_logical3A_443], %get3A_446 : memref<16x2048xf32, #tpu.memory_space<vmem>>[vector<16xi32>, vector<16xi32>], vector<16xf32>,
        %get3A_447 = arith.index_cast %scan3A_201 : i32 to index
        %get3A_448 = arith.constant 432 : index
        %get3A_449 = tpu.vector_load %arg6[%get3A_447, %get3A_448] {strides = array<i32>} : memref<16x512xi32, #tpu.memory_space<vmem>>, vector<16xi32>,
        %shift_right_logical3A_450 = arith.constant 6 : i32
        %shift_right_logical3A_451 = vector.broadcast %shift_right_logical3A_450 : i32 to vector<16xi32>
        %shift_right_logical3A_452 = arith.shrui %get3A_449, %shift_right_logical3A_451 : vector<16xi32>
        %get3A_453 = arith.index_cast %scan3A_201 : i32 to index
        %get3A_454 = arith.constant 432 : index
        %get3A_455 = tpu.vector_load %arg8[%get3A_453, %get3A_454] {strides = array<i32>} : memref<16x512xf32, #tpu.memory_space<vmem>>, vector<16xf32>,
        tpu.vector_store_idx %arg10[%add3A_205, %shift_right_logical3A_452], %get3A_455 : memref<16x2048xf32, #tpu.memory_space<vmem>>[vector<16xi32>, vector<16xi32>], vector<16xf32>,
        %get3A_456 = arith.index_cast %scan3A_201 : i32 to index
        %get3A_457 = arith.constant 448 : index
        %get3A_458 = tpu.vector_load %arg6[%get3A_456, %get3A_457] {strides = array<i32>} : memref<16x512xi32, #tpu.memory_space<vmem>>, vector<16xi32>,
        %shift_right_logical3A_459 = arith.constant 6 : i32
        %shift_right_logical3A_460 = vector.broadcast %shift_right_logical3A_459 : i32 to vector<16xi32>
        %shift_right_logical3A_461 = arith.shrui %get3A_458, %shift_right_logical3A_460 : vector<16xi32>
        %get3A_462 = arith.index_cast %scan3A_201 : i32 to index
        %get3A_463 = arith.constant 448 : index
        %get3A_464 = tpu.vector_load %arg8[%get3A_462, %get3A_463] {strides = array<i32>} : memref<16x512xf32, #tpu.memory_space<vmem>>, vector<16xf32>,
        tpu.vector_store_idx %arg10[%add3A_205, %shift_right_logical3A_461], %get3A_464 : memref<16x2048xf32, #tpu.memory_space<vmem>>[vector<16xi32>, vector<16xi32>], vector<16xf32>,
        %get3A_465 = arith.index_cast %scan3A_201 : i32 to index
        %get3A_466 = arith.constant 464 : index
        %get3A_467 = tpu.vector_load %arg6[%get3A_465, %get3A_466] {strides = array<i32>} : memref<16x512xi32, #tpu.memory_space<vmem>>, vector<16xi32>,
        %shift_right_logical3A_468 = arith.constant 6 : i32
        %shift_right_logical3A_469 = vector.broadcast %shift_right_logical3A_468 : i32 to vector<16xi32>
        %shift_right_logical3A_470 = arith.shrui %get3A_467, %shift_right_logical3A_469 : vector<16xi32>
        %get3A_471 = arith.index_cast %scan3A_201 : i32 to index
        %get3A_472 = arith.constant 464 : index
        %get3A_473 = tpu.vector_load %arg8[%get3A_471, %get3A_472] {strides = array<i32>} : memref<16x512xf32, #tpu.memory_space<vmem>>, vector<16xf32>,
        tpu.vector_store_idx %arg10[%add3A_205, %shift_right_logical3A_470], %get3A_473 : memref<16x2048xf32, #tpu.memory_space<vmem>>[vector<16xi32>, vector<16xi32>], vector<16xf32>,
        %get3A_474 = arith.index_cast %scan3A_201 : i32 to index
        %get3A_475 = arith.constant 480 : index
        %get3A_476 = tpu.vector_load %arg6[%get3A_474, %get3A_475] {strides = array<i32>} : memref<16x512xi32, #tpu.memory_space<vmem>>, vector<16xi32>,
        %shift_right_logical3A_477 = arith.constant 6 : i32
        %shift_right_logical3A_478 = vector.broadcast %shift_right_logical3A_477 : i32 to vector<16xi32>
        %shift_right_logical3A_479 = arith.shrui %get3A_476, %shift_right_logical3A_478 : vector<16xi32>
        %get3A_480 = arith.index_cast %scan3A_201 : i32 to index
        %get3A_481 = arith.constant 480 : index
        %get3A_482 = tpu.vector_load %arg8[%get3A_480, %get3A_481] {strides = array<i32>} : memref<16x512xf32, #tpu.memory_space<vmem>>, vector<16xf32>,
        tpu.vector_store_idx %arg10[%add3A_205, %shift_right_logical3A_479], %get3A_482 : memref<16x2048xf32, #tpu.memory_space<vmem>>[vector<16xi32>, vector<16xi32>], vector<16xf32>,
        %get3A_483 = arith.index_cast %scan3A_201 : i32 to index
        %get3A_484 = arith.constant 496 : index
        %get3A_485 = tpu.vector_load %arg6[%get3A_483, %get3A_484] {strides = array<i32>} : memref<16x512xi32, #tpu.memory_space<vmem>>, vector<16xi32>,
        %shift_right_logical3A_486 = arith.constant 6 : i32
        %shift_right_logical3A_487 = vector.broadcast %shift_right_logical3A_486 : i32 to vector<16xi32>
        %shift_right_logical3A_488 = arith.shrui %get3A_485, %shift_right_logical3A_487 : vector<16xi32>
        %get3A_489 = arith.index_cast %scan3A_201 : i32 to index
        %get3A_490 = arith.constant 496 : index
        %get3A_491 = tpu.vector_load %arg8[%get3A_489, %get3A_490] {strides = array<i32>} : memref<16x512xf32, #tpu.memory_space<vmem>>, vector<16xf32>,
        tpu.vector_store_idx %arg10[%add3A_205, %shift_right_logical3A_488], %get3A_491 : memref<16x2048xf32, #tpu.memory_space<vmem>>[vector<16xi32>, vector<16xi32>], vector<16xf32>,
        %scan3A_492 = arith.constant 1 : i32
        %scan3A_493 = arith.addi %scan3A_201, %scan3A_492 : i32
        %broadcast_in_dim3A_494 = arith.constant 0 : i32
        %broadcast_in_dim3A_495 = vector.broadcast %broadcast_in_dim3A_494 : i32 to vector<16xi32>
        %add3A_496 = vector.broadcast %scan3A_493 : i32 to vector<16xi32>
        %add3A_497 = arith.addi %broadcast_in_dim3A_495, %add3A_496 : vector<16xi32>
        %get3A_498 = arith.index_cast %scan3A_493 : i32 to index
        %get3A_499 = arith.constant 0 : index
        %get3A_500 = tpu.vector_load %arg6[%get3A_498, %get3A_499] {strides = array<i32>} : memref<16x512xi32, #tpu.memory_space<vmem>>, vector<16xi32>,
        %shift_right_logical3A_501 = arith.constant 6 : i32
        %shift_right_logical3A_502 = vector.broadcast %shift_right_logical3A_501 : i32 to vector<16xi32>
        %shift_right_logical3A_503 = arith.shrui %get3A_500, %shift_right_logical3A_502 : vector<16xi32>
        %get3A_504 = arith.index_cast %scan3A_493 : i32 to index
        %get3A_505 = arith.constant 0 : index
        %get3A_506 = tpu.vector_load %arg8[%get3A_504, %get3A_505] {strides = array<i32>} : memref<16x512xf32, #tpu.memory_space<vmem>>, vector<16xf32>,
        tpu.vector_store_idx %arg10[%add3A_497, %shift_right_logical3A_503], %get3A_506 : memref<16x2048xf32, #tpu.memory_space<vmem>>[vector<16xi32>, vector<16xi32>], vector<16xf32>,
        %get3A_507 = arith.index_cast %scan3A_493 : i32 to index
        %get3A_508 = arith.constant 16 : index
        %get3A_509 = tpu.vector_load %arg6[%get3A_507, %get3A_508] {strides = array<i32>} : memref<16x512xi32, #tpu.memory_space<vmem>>, vector<16xi32>,
        %shift_right_logical3A_510 = arith.constant 6 : i32
        %shift_right_logical3A_511 = vector.broadcast %shift_right_logical3A_510 : i32 to vector<16xi32>
        %shift_right_logical3A_512 = arith.shrui %get3A_509, %shift_right_logical3A_511 : vector<16xi32>
        %get3A_513 = arith.index_cast %scan3A_493 : i32 to index
        %get3A_514 = arith.constant 16 : index
        %get3A_515 = tpu.vector_load %arg8[%get3A_513, %get3A_514] {strides = array<i32>} : memref<16x512xf32, #tpu.memory_space<vmem>>, vector<16xf32>,
        tpu.vector_store_idx %arg10[%add3A_497, %shift_right_logical3A_512], %get3A_515 : memref<16x2048xf32, #tpu.memory_space<vmem>>[vector<16xi32>, vector<16xi32>], vector<16xf32>,
        %get3A_516 = arith.index_cast %scan3A_493 : i32 to index
        %get3A_517 = arith.constant 32 : index
        %get3A_518 = tpu.vector_load %arg6[%get3A_516, %get3A_517] {strides = array<i32>} : memref<16x512xi32, #tpu.memory_space<vmem>>, vector<16xi32>,
        %shift_right_logical3A_519 = arith.constant 6 : i32
        %shift_right_logical3A_520 = vector.broadcast %shift_right_logical3A_519 : i32 to vector<16xi32>
        %shift_right_logical3A_521 = arith.shrui %get3A_518, %shift_right_logical3A_520 : vector<16xi32>
        %get3A_522 = arith.index_cast %scan3A_493 : i32 to index
        %get3A_523 = arith.constant 32 : index
        %get3A_524 = tpu.vector_load %arg8[%get3A_522, %get3A_523] {strides = array<i32>} : memref<16x512xf32, #tpu.memory_space<vmem>>, vector<16xf32>,
        tpu.vector_store_idx %arg10[%add3A_497, %shift_right_logical3A_521], %get3A_524 : memref<16x2048xf32, #tpu.memory_space<vmem>>[vector<16xi32>, vector<16xi32>], vector<16xf32>,
        %get3A_525 = arith.index_cast %scan3A_493 : i32 to index
        %get3A_526 = arith.constant 48 : index
        %get3A_527 = tpu.vector_load %arg6[%get3A_525, %get3A_526] {strides = array<i32>} : memref<16x512xi32, #tpu.memory_space<vmem>>, vector<16xi32>,
        %shift_right_logical3A_528 = arith.constant 6 : i32
        %shift_right_logical3A_529 = vector.broadcast %shift_right_logical3A_528 : i32 to vector<16xi32>
        %shift_right_logical3A_530 = arith.shrui %get3A_527, %shift_right_logical3A_529 : vector<16xi32>
        %get3A_531 = arith.index_cast %scan3A_493 : i32 to index
        %get3A_532 = arith.constant 48 : index
        %get3A_533 = tpu.vector_load %arg8[%get3A_531, %get3A_532] {strides = array<i32>} : memref<16x512xf32, #tpu.memory_space<vmem>>, vector<16xf32>,
        tpu.vector_store_idx %arg10[%add3A_497, %shift_right_logical3A_530], %get3A_533 : memref<16x2048xf32, #tpu.memory_space<vmem>>[vector<16xi32>, vector<16xi32>], vector<16xf32>,
        %get3A_534 = arith.index_cast %scan3A_493 : i32 to index
        %get3A_535 = arith.constant 64 : index
        %get3A_536 = tpu.vector_load %arg6[%get3A_534, %get3A_535] {strides = array<i32>} : memref<16x512xi32, #tpu.memory_space<vmem>>, vector<16xi32>,
        %shift_right_logical3A_537 = arith.constant 6 : i32
        %shift_right_logical3A_538 = vector.broadcast %shift_right_logical3A_537 : i32 to vector<16xi32>
        %shift_right_logical3A_539 = arith.shrui %get3A_536, %shift_right_logical3A_538 : vector<16xi32>
        %get3A_540 = arith.index_cast %scan3A_493 : i32 to index
        %get3A_541 = arith.constant 64 : index
        %get3A_542 = tpu.vector_load %arg8[%get3A_540, %get3A_541] {strides = array<i32>} : memref<16x512xf32, #tpu.memory_space<vmem>>, vector<16xf32>,
        tpu.vector_store_idx %arg10[%add3A_497, %shift_right_logical3A_539], %get3A_542 : memref<16x2048xf32, #tpu.memory_space<vmem>>[vector<16xi32>, vector<16xi32>], vector<16xf32>,
        %get3A_543 = arith.index_cast %scan3A_493 : i32 to index
        %get3A_544 = arith.constant 80 : index
        %get3A_545 = tpu.vector_load %arg6[%get3A_543, %get3A_544] {strides = array<i32>} : memref<16x512xi32, #tpu.memory_space<vmem>>, vector<16xi32>,
        %shift_right_logical3A_546 = arith.constant 6 : i32
        %shift_right_logical3A_547 = vector.broadcast %shift_right_logical3A_546 : i32 to vector<16xi32>
        %shift_right_logical3A_548 = arith.shrui %get3A_545, %shift_right_logical3A_547 : vector<16xi32>
        %get3A_549 = arith.index_cast %scan3A_493 : i32 to index
        %get3A_550 = arith.constant 80 : index
        %get3A_551 = tpu.vector_load %arg8[%get3A_549, %get3A_550] {strides = array<i32>} : memref<16x512xf32, #tpu.memory_space<vmem>>, vector<16xf32>,
        tpu.vector_store_idx %arg10[%add3A_497, %shift_right_logical3A_548], %get3A_551 : memref<16x2048xf32, #tpu.memory_space<vmem>>[vector<16xi32>, vector<16xi32>], vector<16xf32>,
        %get3A_552 = arith.index_cast %scan3A_493 : i32 to index
        %get3A_553 = arith.constant 96 : index
        %get3A_554 = tpu.vector_load %arg6[%get3A_552, %get3A_553] {strides = array<i32>} : memref<16x512xi32, #tpu.memory_space<vmem>>, vector<16xi32>,
        %shift_right_logical3A_555 = arith.constant 6 : i32
        %shift_right_logical3A_556 = vector.broadcast %shift_right_logical3A_555 : i32 to vector<16xi32>
        %shift_right_logical3A_557 = arith.shrui %get3A_554, %shift_right_logical3A_556 : vector<16xi32>
        %get3A_558 = arith.index_cast %scan3A_493 : i32 to index
        %get3A_559 = arith.constant 96 : index
        %get3A_560 = tpu.vector_load %arg8[%get3A_558, %get3A_559] {strides = array<i32>} : memref<16x512xf32, #tpu.memory_space<vmem>>, vector<16xf32>,
        tpu.vector_store_idx %arg10[%add3A_497, %shift_right_logical3A_557], %get3A_560 : memref<16x2048xf32, #tpu.memory_space<vmem>>[vector<16xi32>, vector<16xi32>], vector<16xf32>,
        %get3A_561 = arith.index_cast %scan3A_493 : i32 to index
        %get3A_562 = arith.constant 112 : index
        %get3A_563 = tpu.vector_load %arg6[%get3A_561, %get3A_562] {strides = array<i32>} : memref<16x512xi32, #tpu.memory_space<vmem>>, vector<16xi32>,
        %shift_right_logical3A_564 = arith.constant 6 : i32
        %shift_right_logical3A_565 = vector.broadcast %shift_right_logical3A_564 : i32 to vector<16xi32>
        %shift_right_logical3A_566 = arith.shrui %get3A_563, %shift_right_logical3A_565 : vector<16xi32>
        %get3A_567 = arith.index_cast %scan3A_493 : i32 to index
        %get3A_568 = arith.constant 112 : index
        %get3A_569 = tpu.vector_load %arg8[%get3A_567, %get3A_568] {strides = array<i32>} : memref<16x512xf32, #tpu.memory_space<vmem>>, vector<16xf32>,
        tpu.vector_store_idx %arg10[%add3A_497, %shift_right_logical3A_566], %get3A_569 : memref<16x2048xf32, #tpu.memory_space<vmem>>[vector<16xi32>, vector<16xi32>], vector<16xf32>,
        %get3A_570 = arith.index_cast %scan3A_493 : i32 to index
        %get3A_571 = arith.constant 128 : index
        %get3A_572 = tpu.vector_load %arg6[%get3A_570, %get3A_571] {strides = array<i32>} : memref<16x512xi32, #tpu.memory_space<vmem>>, vector<16xi32>,
        %shift_right_logical3A_573 = arith.constant 6 : i32
        %shift_right_logical3A_574 = vector.broadcast %shift_right_logical3A_573 : i32 to vector<16xi32>
        %shift_right_logical3A_575 = arith.shrui %get3A_572, %shift_right_logical3A_574 : vector<16xi32>
        %get3A_576 = arith.index_cast %scan3A_493 : i32 to index
        %get3A_577 = arith.constant 128 : index
        %get3A_578 = tpu.vector_load %arg8[%get3A_576, %get3A_577] {strides = array<i32>} : memref<16x512xf32, #tpu.memory_space<vmem>>, vector<16xf32>,
        tpu.vector_store_idx %arg10[%add3A_497, %shift_right_logical3A_575], %get3A_578 : memref<16x2048xf32, #tpu.memory_space<vmem>>[vector<16xi32>, vector<16xi32>], vector<16xf32>,
        %get3A_579 = arith.index_cast %scan3A_493 : i32 to index
        %get3A_580 = arith.constant 144 : index
        %get3A_581 = tpu.vector_load %arg6[%get3A_579, %get3A_580] {strides = array<i32>} : memref<16x512xi32, #tpu.memory_space<vmem>>, vector<16xi32>,
        %shift_right_logical3A_582 = arith.constant 6 : i32
        %shift_right_logical3A_583 = vector.broadcast %shift_right_logical3A_582 : i32 to vector<16xi32>
        %shift_right_logical3A_584 = arith.shrui %get3A_581, %shift_right_logical3A_583 : vector<16xi32>
        %get3A_585 = arith.index_cast %scan3A_493 : i32 to index
        %get3A_586 = arith.constant 144 : index
        %get3A_587 = tpu.vector_load %arg8[%get3A_585, %get3A_586] {strides = array<i32>} : memref<16x512xf32, #tpu.memory_space<vmem>>, vector<16xf32>,
        tpu.vector_store_idx %arg10[%add3A_497, %shift_right_logical3A_584], %get3A_587 : memref<16x2048xf32, #tpu.memory_space<vmem>>[vector<16xi32>, vector<16xi32>], vector<16xf32>,
        %get3A_588 = arith.index_cast %scan3A_493 : i32 to index
        %get3A_589 = arith.constant 160 : index
        %get3A_590 = tpu.vector_load %arg6[%get3A_588, %get3A_589] {strides = array<i32>} : memref<16x512xi32, #tpu.memory_space<vmem>>, vector<16xi32>,
        %shift_right_logical3A_591 = arith.constant 6 : i32
        %shift_right_logical3A_592 = vector.broadcast %shift_right_logical3A_591 : i32 to vector<16xi32>
        %shift_right_logical3A_593 = arith.shrui %get3A_590, %shift_right_logical3A_592 : vector<16xi32>
        %get3A_594 = arith.index_cast %scan3A_493 : i32 to index
        %get3A_595 = arith.constant 160 : index
        %get3A_596 = tpu.vector_load %arg8[%get3A_594, %get3A_595] {strides = array<i32>} : memref<16x512xf32, #tpu.memory_space<vmem>>, vector<16xf32>,
        tpu.vector_store_idx %arg10[%add3A_497, %shift_right_logical3A_593], %get3A_596 : memref<16x2048xf32, #tpu.memory_space<vmem>>[vector<16xi32>, vector<16xi32>], vector<16xf32>,
        %get3A_597 = arith.index_cast %scan3A_493 : i32 to index
        %get3A_598 = arith.constant 176 : index
        %get3A_599 = tpu.vector_load %arg6[%get3A_597, %get3A_598] {strides = array<i32>} : memref<16x512xi32, #tpu.memory_space<vmem>>, vector<16xi32>,
        %shift_right_logical3A_600 = arith.constant 6 : i32
        %shift_right_logical3A_601 = vector.broadcast %shift_right_logical3A_600 : i32 to vector<16xi32>
        %shift_right_logical3A_602 = arith.shrui %get3A_599, %shift_right_logical3A_601 : vector<16xi32>
        %get3A_603 = arith.index_cast %scan3A_493 : i32 to index
        %get3A_604 = arith.constant 176 : index
        %get3A_605 = tpu.vector_load %arg8[%get3A_603, %get3A_604] {strides = array<i32>} : memref<16x512xf32, #tpu.memory_space<vmem>>, vector<16xf32>,
        tpu.vector_store_idx %arg10[%add3A_497, %shift_right_logical3A_602], %get3A_605 : memref<16x2048xf32, #tpu.memory_space<vmem>>[vector<16xi32>, vector<16xi32>], vector<16xf32>,
        %get3A_606 = arith.index_cast %scan3A_493 : i32 to index
        %get3A_607 = arith.constant 192 : index
        %get3A_608 = tpu.vector_load %arg6[%get3A_606, %get3A_607] {strides = array<i32>} : memref<16x512xi32, #tpu.memory_space<vmem>>, vector<16xi32>,
        %shift_right_logical3A_609 = arith.constant 6 : i32
        %shift_right_logical3A_610 = vector.broadcast %shift_right_logical3A_609 : i32 to vector<16xi32>
        %shift_right_logical3A_611 = arith.shrui %get3A_608, %shift_right_logical3A_610 : vector<16xi32>
        %get3A_612 = arith.index_cast %scan3A_493 : i32 to index
        %get3A_613 = arith.constant 192 : index
        %get3A_614 = tpu.vector_load %arg8[%get3A_612, %get3A_613] {strides = array<i32>} : memref<16x512xf32, #tpu.memory_space<vmem>>, vector<16xf32>,
        tpu.vector_store_idx %arg10[%add3A_497, %shift_right_logical3A_611], %get3A_614 : memref<16x2048xf32, #tpu.memory_space<vmem>>[vector<16xi32>, vector<16xi32>], vector<16xf32>,
        %get3A_615 = arith.index_cast %scan3A_493 : i32 to index
        %get3A_616 = arith.constant 208 : index
        %get3A_617 = tpu.vector_load %arg6[%get3A_615, %get3A_616] {strides = array<i32>} : memref<16x512xi32, #tpu.memory_space<vmem>>, vector<16xi32>,
        %shift_right_logical3A_618 = arith.constant 6 : i32
        %shift_right_logical3A_619 = vector.broadcast %shift_right_logical3A_618 : i32 to vector<16xi32>
        %shift_right_logical3A_620 = arith.shrui %get3A_617, %shift_right_logical3A_619 : vector<16xi32>
        %get3A_621 = arith.index_cast %scan3A_493 : i32 to index
        %get3A_622 = arith.constant 208 : index
        %get3A_623 = tpu.vector_load %arg8[%get3A_621, %get3A_622] {strides = array<i32>} : memref<16x512xf32, #tpu.memory_space<vmem>>, vector<16xf32>,
        tpu.vector_store_idx %arg10[%add3A_497, %shift_right_logical3A_620], %get3A_623 : memref<16x2048xf32, #tpu.memory_space<vmem>>[vector<16xi32>, vector<16xi32>], vector<16xf32>,
        %get3A_624 = arith.index_cast %scan3A_493 : i32 to index
        %get3A_625 = arith.constant 224 : index
        %get3A_626 = tpu.vector_load %arg6[%get3A_624, %get3A_625] {strides = array<i32>} : memref<16x512xi32, #tpu.memory_space<vmem>>, vector<16xi32>,
        %shift_right_logical3A_627 = arith.constant 6 : i32
        %shift_right_logical3A_628 = vector.broadcast %shift_right_logical3A_627 : i32 to vector<16xi32>
        %shift_right_logical3A_629 = arith.shrui %get3A_626, %shift_right_logical3A_628 : vector<16xi32>
        %get3A_630 = arith.index_cast %scan3A_493 : i32 to index
        %get3A_631 = arith.constant 224 : index
        %get3A_632 = tpu.vector_load %arg8[%get3A_630, %get3A_631] {strides = array<i32>} : memref<16x512xf32, #tpu.memory_space<vmem>>, vector<16xf32>,
        tpu.vector_store_idx %arg10[%add3A_497, %shift_right_logical3A_629], %get3A_632 : memref<16x2048xf32, #tpu.memory_space<vmem>>[vector<16xi32>, vector<16xi32>], vector<16xf32>,
        %get3A_633 = arith.index_cast %scan3A_493 : i32 to index
        %get3A_634 = arith.constant 240 : index
        %get3A_635 = tpu.vector_load %arg6[%get3A_633, %get3A_634] {strides = array<i32>} : memref<16x512xi32, #tpu.memory_space<vmem>>, vector<16xi32>,
        %shift_right_logical3A_636 = arith.constant 6 : i32
        %shift_right_logical3A_637 = vector.broadcast %shift_right_logical3A_636 : i32 to vector<16xi32>
        %shift_right_logical3A_638 = arith.shrui %get3A_635, %shift_right_logical3A_637 : vector<16xi32>
        %get3A_639 = arith.index_cast %scan3A_493 : i32 to index
        %get3A_640 = arith.constant 240 : index
        %get3A_641 = tpu.vector_load %arg8[%get3A_639, %get3A_640] {strides = array<i32>} : memref<16x512xf32, #tpu.memory_space<vmem>>, vector<16xf32>,
        tpu.vector_store_idx %arg10[%add3A_497, %shift_right_logical3A_638], %get3A_641 : memref<16x2048xf32, #tpu.memory_space<vmem>>[vector<16xi32>, vector<16xi32>], vector<16xf32>,
        %get3A_642 = arith.index_cast %scan3A_493 : i32 to index
        %get3A_643 = arith.constant 256 : index
        %get3A_644 = tpu.vector_load %arg6[%get3A_642, %get3A_643] {strides = array<i32>} : memref<16x512xi32, #tpu.memory_space<vmem>>, vector<16xi32>,
        %shift_right_logical3A_645 = arith.constant 6 : i32
        %shift_right_logical3A_646 = vector.broadcast %shift_right_logical3A_645 : i32 to vector<16xi32>
        %shift_right_logical3A_647 = arith.shrui %get3A_644, %shift_right_logical3A_646 : vector<16xi32>
        %get3A_648 = arith.index_cast %scan3A_493 : i32 to index
        %get3A_649 = arith.constant 256 : index
        %get3A_650 = tpu.vector_load %arg8[%get3A_648, %get3A_649] {strides = array<i32>} : memref<16x512xf32, #tpu.memory_space<vmem>>, vector<16xf32>,
        tpu.vector_store_idx %arg10[%add3A_497, %shift_right_logical3A_647], %get3A_650 : memref<16x2048xf32, #tpu.memory_space<vmem>>[vector<16xi32>, vector<16xi32>], vector<16xf32>,
        %get3A_651 = arith.index_cast %scan3A_493 : i32 to index
        %get3A_652 = arith.constant 272 : index
        %get3A_653 = tpu.vector_load %arg6[%get3A_651, %get3A_652] {strides = array<i32>} : memref<16x512xi32, #tpu.memory_space<vmem>>, vector<16xi32>,
        %shift_right_logical3A_654 = arith.constant 6 : i32
        %shift_right_logical3A_655 = vector.broadcast %shift_right_logical3A_654 : i32 to vector<16xi32>
        %shift_right_logical3A_656 = arith.shrui %get3A_653, %shift_right_logical3A_655 : vector<16xi32>
        %get3A_657 = arith.index_cast %scan3A_493 : i32 to index
        %get3A_658 = arith.constant 272 : index
        %get3A_659 = tpu.vector_load %arg8[%get3A_657, %get3A_658] {strides = array<i32>} : memref<16x512xf32, #tpu.memory_space<vmem>>, vector<16xf32>,
        tpu.vector_store_idx %arg10[%add3A_497, %shift_right_logical3A_656], %get3A_659 : memref<16x2048xf32, #tpu.memory_space<vmem>>[vector<16xi32>, vector<16xi32>], vector<16xf32>,
        %get3A_660 = arith.index_cast %scan3A_493 : i32 to index
        %get3A_661 = arith.constant 288 : index
        %get3A_662 = tpu.vector_load %arg6[%get3A_660, %get3A_661] {strides = array<i32>} : memref<16x512xi32, #tpu.memory_space<vmem>>, vector<16xi32>,
        %shift_right_logical3A_663 = arith.constant 6 : i32
        %shift_right_logical3A_664 = vector.broadcast %shift_right_logical3A_663 : i32 to vector<16xi32>
        %shift_right_logical3A_665 = arith.shrui %get3A_662, %shift_right_logical3A_664 : vector<16xi32>
        %get3A_666 = arith.index_cast %scan3A_493 : i32 to index
        %get3A_667 = arith.constant 288 : index
        %get3A_668 = tpu.vector_load %arg8[%get3A_666, %get3A_667] {strides = array<i32>} : memref<16x512xf32, #tpu.memory_space<vmem>>, vector<16xf32>,
        tpu.vector_store_idx %arg10[%add3A_497, %shift_right_logical3A_665], %get3A_668 : memref<16x2048xf32, #tpu.memory_space<vmem>>[vector<16xi32>, vector<16xi32>], vector<16xf32>,
        %get3A_669 = arith.index_cast %scan3A_493 : i32 to index
        %get3A_670 = arith.constant 304 : index
        %get3A_671 = tpu.vector_load %arg6[%get3A_669, %get3A_670] {strides = array<i32>} : memref<16x512xi32, #tpu.memory_space<vmem>>, vector<16xi32>,
        %shift_right_logical3A_672 = arith.constant 6 : i32
        %shift_right_logical3A_673 = vector.broadcast %shift_right_logical3A_672 : i32 to vector<16xi32>
        %shift_right_logical3A_674 = arith.shrui %get3A_671, %shift_right_logical3A_673 : vector<16xi32>
        %get3A_675 = arith.index_cast %scan3A_493 : i32 to index
        %get3A_676 = arith.constant 304 : index
        %get3A_677 = tpu.vector_load %arg8[%get3A_675, %get3A_676] {strides = array<i32>} : memref<16x512xf32, #tpu.memory_space<vmem>>, vector<16xf32>,
        tpu.vector_store_idx %arg10[%add3A_497, %shift_right_logical3A_674], %get3A_677 : memref<16x2048xf32, #tpu.memory_space<vmem>>[vector<16xi32>, vector<16xi32>], vector<16xf32>,
        %get3A_678 = arith.index_cast %scan3A_493 : i32 to index
        %get3A_679 = arith.constant 320 : index
        %get3A_680 = tpu.vector_load %arg6[%get3A_678, %get3A_679] {strides = array<i32>} : memref<16x512xi32, #tpu.memory_space<vmem>>, vector<16xi32>,
        %shift_right_logical3A_681 = arith.constant 6 : i32
        %shift_right_logical3A_682 = vector.broadcast %shift_right_logical3A_681 : i32 to vector<16xi32>
        %shift_right_logical3A_683 = arith.shrui %get3A_680, %shift_right_logical3A_682 : vector<16xi32>
        %get3A_684 = arith.index_cast %scan3A_493 : i32 to index
        %get3A_685 = arith.constant 320 : index
        %get3A_686 = tpu.vector_load %arg8[%get3A_684, %get3A_685] {strides = array<i32>} : memref<16x512xf32, #tpu.memory_space<vmem>>, vector<16xf32>,
        tpu.vector_store_idx %arg10[%add3A_497, %shift_right_logical3A_683], %get3A_686 : memref<16x2048xf32, #tpu.memory_space<vmem>>[vector<16xi32>, vector<16xi32>], vector<16xf32>,
        %get3A_687 = arith.index_cast %scan3A_493 : i32 to index
        %get3A_688 = arith.constant 336 : index
        %get3A_689 = tpu.vector_load %arg6[%get3A_687, %get3A_688] {strides = array<i32>} : memref<16x512xi32, #tpu.memory_space<vmem>>, vector<16xi32>,
        %shift_right_logical3A_690 = arith.constant 6 : i32
        %shift_right_logical3A_691 = vector.broadcast %shift_right_logical3A_690 : i32 to vector<16xi32>
        %shift_right_logical3A_692 = arith.shrui %get3A_689, %shift_right_logical3A_691 : vector<16xi32>
        %get3A_693 = arith.index_cast %scan3A_493 : i32 to index
        %get3A_694 = arith.constant 336 : index
        %get3A_695 = tpu.vector_load %arg8[%get3A_693, %get3A_694] {strides = array<i32>} : memref<16x512xf32, #tpu.memory_space<vmem>>, vector<16xf32>,
        tpu.vector_store_idx %arg10[%add3A_497, %shift_right_logical3A_692], %get3A_695 : memref<16x2048xf32, #tpu.memory_space<vmem>>[vector<16xi32>, vector<16xi32>], vector<16xf32>,
        %get3A_696 = arith.index_cast %scan3A_493 : i32 to index
        %get3A_697 = arith.constant 352 : index
        %get3A_698 = tpu.vector_load %arg6[%get3A_696, %get3A_697] {strides = array<i32>} : memref<16x512xi32, #tpu.memory_space<vmem>>, vector<16xi32>,
        %shift_right_logical3A_699 = arith.constant 6 : i32
        %shift_right_logical3A_700 = vector.broadcast %shift_right_logical3A_699 : i32 to vector<16xi32>
        %shift_right_logical3A_701 = arith.shrui %get3A_698, %shift_right_logical3A_700 : vector<16xi32>
        %get3A_702 = arith.index_cast %scan3A_493 : i32 to index
        %get3A_703 = arith.constant 352 : index
        %get3A_704 = tpu.vector_load %arg8[%get3A_702, %get3A_703] {strides = array<i32>} : memref<16x512xf32, #tpu.memory_space<vmem>>, vector<16xf32>,
        tpu.vector_store_idx %arg10[%add3A_497, %shift_right_logical3A_701], %get3A_704 : memref<16x2048xf32, #tpu.memory_space<vmem>>[vector<16xi32>, vector<16xi32>], vector<16xf32>,
        %get3A_705 = arith.index_cast %scan3A_493 : i32 to index
        %get3A_706 = arith.constant 368 : index
        %get3A_707 = tpu.vector_load %arg6[%get3A_705, %get3A_706] {strides = array<i32>} : memref<16x512xi32, #tpu.memory_space<vmem>>, vector<16xi32>,
        %shift_right_logical3A_708 = arith.constant 6 : i32
        %shift_right_logical3A_709 = vector.broadcast %shift_right_logical3A_708 : i32 to vector<16xi32>
        %shift_right_logical3A_710 = arith.shrui %get3A_707, %shift_right_logical3A_709 : vector<16xi32>
        %get3A_711 = arith.index_cast %scan3A_493 : i32 to index
        %get3A_712 = arith.constant 368 : index
        %get3A_713 = tpu.vector_load %arg8[%get3A_711, %get3A_712] {strides = array<i32>} : memref<16x512xf32, #tpu.memory_space<vmem>>, vector<16xf32>,
        tpu.vector_store_idx %arg10[%add3A_497, %shift_right_logical3A_710], %get3A_713 : memref<16x2048xf32, #tpu.memory_space<vmem>>[vector<16xi32>, vector<16xi32>], vector<16xf32>,
        %get3A_714 = arith.index_cast %scan3A_493 : i32 to index
        %get3A_715 = arith.constant 384 : index
        %get3A_716 = tpu.vector_load %arg6[%get3A_714, %get3A_715] {strides = array<i32>} : memref<16x512xi32, #tpu.memory_space<vmem>>, vector<16xi32>,
        %shift_right_logical3A_717 = arith.constant 6 : i32
        %shift_right_logical3A_718 = vector.broadcast %shift_right_logical3A_717 : i32 to vector<16xi32>
        %shift_right_logical3A_719 = arith.shrui %get3A_716, %shift_right_logical3A_718 : vector<16xi32>
        %get3A_720 = arith.index_cast %scan3A_493 : i32 to index
        %get3A_721 = arith.constant 384 : index
        %get3A_722 = tpu.vector_load %arg8[%get3A_720, %get3A_721] {strides = array<i32>} : memref<16x512xf32, #tpu.memory_space<vmem>>, vector<16xf32>,
        tpu.vector_store_idx %arg10[%add3A_497, %shift_right_logical3A_719], %get3A_722 : memref<16x2048xf32, #tpu.memory_space<vmem>>[vector<16xi32>, vector<16xi32>], vector<16xf32>,
        %get3A_723 = arith.index_cast %scan3A_493 : i32 to index
        %get3A_724 = arith.constant 400 : index
        %get3A_725 = tpu.vector_load %arg6[%get3A_723, %get3A_724] {strides = array<i32>} : memref<16x512xi32, #tpu.memory_space<vmem>>, vector<16xi32>,
        %shift_right_logical3A_726 = arith.constant 6 : i32
        %shift_right_logical3A_727 = vector.broadcast %shift_right_logical3A_726 : i32 to vector<16xi32>
        %shift_right_logical3A_728 = arith.shrui %get3A_725, %shift_right_logical3A_727 : vector<16xi32>
        %get3A_729 = arith.index_cast %scan3A_493 : i32 to index
        %get3A_730 = arith.constant 400 : index
        %get3A_731 = tpu.vector_load %arg8[%get3A_729, %get3A_730] {strides = array<i32>} : memref<16x512xf32, #tpu.memory_space<vmem>>, vector<16xf32>,
        tpu.vector_store_idx %arg10[%add3A_497, %shift_right_logical3A_728], %get3A_731 : memref<16x2048xf32, #tpu.memory_space<vmem>>[vector<16xi32>, vector<16xi32>], vector<16xf32>,
        %get3A_732 = arith.index_cast %scan3A_493 : i32 to index
        %get3A_733 = arith.constant 416 : index
        %get3A_734 = tpu.vector_load %arg6[%get3A_732, %get3A_733] {strides = array<i32>} : memref<16x512xi32, #tpu.memory_space<vmem>>, vector<16xi32>,
        %shift_right_logical3A_735 = arith.constant 6 : i32
        %shift_right_logical3A_736 = vector.broadcast %shift_right_logical3A_735 : i32 to vector<16xi32>
        %shift_right_logical3A_737 = arith.shrui %get3A_734, %shift_right_logical3A_736 : vector<16xi32>
        %get3A_738 = arith.index_cast %scan3A_493 : i32 to index
        %get3A_739 = arith.constant 416 : index
        %get3A_740 = tpu.vector_load %arg8[%get3A_738, %get3A_739] {strides = array<i32>} : memref<16x512xf32, #tpu.memory_space<vmem>>, vector<16xf32>,
        tpu.vector_store_idx %arg10[%add3A_497, %shift_right_logical3A_737], %get3A_740 : memref<16x2048xf32, #tpu.memory_space<vmem>>[vector<16xi32>, vector<16xi32>], vector<16xf32>,
        %get3A_741 = arith.index_cast %scan3A_493 : i32 to index
        %get3A_742 = arith.constant 432 : index
        %get3A_743 = tpu.vector_load %arg6[%get3A_741, %get3A_742] {strides = array<i32>} : memref<16x512xi32, #tpu.memory_space<vmem>>, vector<16xi32>,
        %shift_right_logical3A_744 = arith.constant 6 : i32
        %shift_right_logical3A_745 = vector.broadcast %shift_right_logical3A_744 : i32 to vector<16xi32>
        %shift_right_logical3A_746 = arith.shrui %get3A_743, %shift_right_logical3A_745 : vector<16xi32>
        %get3A_747 = arith.index_cast %scan3A_493 : i32 to index
        %get3A_748 = arith.constant 432 : index
        %get3A_749 = tpu.vector_load %arg8[%get3A_747, %get3A_748] {strides = array<i32>} : memref<16x512xf32, #tpu.memory_space<vmem>>, vector<16xf32>,
        tpu.vector_store_idx %arg10[%add3A_497, %shift_right_logical3A_746], %get3A_749 : memref<16x2048xf32, #tpu.memory_space<vmem>>[vector<16xi32>, vector<16xi32>], vector<16xf32>,
        %get3A_750 = arith.index_cast %scan3A_493 : i32 to index
        %get3A_751 = arith.constant 448 : index
        %get3A_752 = tpu.vector_load %arg6[%get3A_750, %get3A_751] {strides = array<i32>} : memref<16x512xi32, #tpu.memory_space<vmem>>, vector<16xi32>,
        %shift_right_logical3A_753 = arith.constant 6 : i32
        %shift_right_logical3A_754 = vector.broadcast %shift_right_logical3A_753 : i32 to vector<16xi32>
        %shift_right_logical3A_755 = arith.shrui %get3A_752, %shift_right_logical3A_754 : vector<16xi32>
        %get3A_756 = arith.index_cast %scan3A_493 : i32 to index
        %get3A_757 = arith.constant 448 : index
        %get3A_758 = tpu.vector_load %arg8[%get3A_756, %get3A_757] {strides = array<i32>} : memref<16x512xf32, #tpu.memory_space<vmem>>, vector<16xf32>,
        tpu.vector_store_idx %arg10[%add3A_497, %shift_right_logical3A_755], %get3A_758 : memref<16x2048xf32, #tpu.memory_space<vmem>>[vector<16xi32>, vector<16xi32>], vector<16xf32>,
        %get3A_759 = arith.index_cast %scan3A_493 : i32 to index
        %get3A_760 = arith.constant 464 : index
        %get3A_761 = tpu.vector_load %arg6[%get3A_759, %get3A_760] {strides = array<i32>} : memref<16x512xi32, #tpu.memory_space<vmem>>, vector<16xi32>,
        %shift_right_logical3A_762 = arith.constant 6 : i32
        %shift_right_logical3A_763 = vector.broadcast %shift_right_logical3A_762 : i32 to vector<16xi32>
        %shift_right_logical3A_764 = arith.shrui %get3A_761, %shift_right_logical3A_763 : vector<16xi32>
        %get3A_765 = arith.index_cast %scan3A_493 : i32 to index
        %get3A_766 = arith.constant 464 : index
        %get3A_767 = tpu.vector_load %arg8[%get3A_765, %get3A_766] {strides = array<i32>} : memref<16x512xf32, #tpu.memory_space<vmem>>, vector<16xf32>,
        tpu.vector_store_idx %arg10[%add3A_497, %shift_right_logical3A_764], %get3A_767 : memref<16x2048xf32, #tpu.memory_space<vmem>>[vector<16xi32>, vector<16xi32>], vector<16xf32>,
        %get3A_768 = arith.index_cast %scan3A_493 : i32 to index
        %get3A_769 = arith.constant 480 : index
        %get3A_770 = tpu.vector_load %arg6[%get3A_768, %get3A_769] {strides = array<i32>} : memref<16x512xi32, #tpu.memory_space<vmem>>, vector<16xi32>,
        %shift_right_logical3A_771 = arith.constant 6 : i32
        %shift_right_logical3A_772 = vector.broadcast %shift_right_logical3A_771 : i32 to vector<16xi32>
        %shift_right_logical3A_773 = arith.shrui %get3A_770, %shift_right_logical3A_772 : vector<16xi32>
        %get3A_774 = arith.index_cast %scan3A_493 : i32 to index
        %get3A_775 = arith.constant 480 : index
        %get3A_776 = tpu.vector_load %arg8[%get3A_774, %get3A_775] {strides = array<i32>} : memref<16x512xf32, #tpu.memory_space<vmem>>, vector<16xf32>,
        tpu.vector_store_idx %arg10[%add3A_497, %shift_right_logical3A_773], %get3A_776 : memref<16x2048xf32, #tpu.memory_space<vmem>>[vector<16xi32>, vector<16xi32>], vector<16xf32>,
        %get3A_777 = arith.index_cast %scan3A_493 : i32 to index
        %get3A_778 = arith.constant 496 : index
        %get3A_779 = tpu.vector_load %arg6[%get3A_777, %get3A_778] {strides = array<i32>} : memref<16x512xi32, #tpu.memory_space<vmem>>, vector<16xi32>,
        %shift_right_logical3A_780 = arith.constant 6 : i32
        %shift_right_logical3A_781 = vector.broadcast %shift_right_logical3A_780 : i32 to vector<16xi32>
        %shift_right_logical3A_782 = arith.shrui %get3A_779, %shift_right_logical3A_781 : vector<16xi32>
        %get3A_783 = arith.index_cast %scan3A_493 : i32 to index
        %get3A_784 = arith.constant 496 : index
        %get3A_785 = tpu.vector_load %arg8[%get3A_783, %get3A_784] {strides = array<i32>} : memref<16x512xf32, #tpu.memory_space<vmem>>, vector<16xf32>,
        tpu.vector_store_idx %arg10[%add3A_497, %shift_right_logical3A_782], %get3A_785 : memref<16x2048xf32, #tpu.memory_space<vmem>>[vector<16xi32>, vector<16xi32>], vector<16xf32>,
      }
      %scan3A_181 = arith.constant 16 : i32
      %div3A_182 = arith.constant 4 : i32
      %div3A_183 = arith.divsi %add3A_144, %div3A_182 : i32
      %rem3A_184 = arith.constant 4 : i32
      %rem3A_185 = arith.remsi %add3A_144, %rem3A_184 : i32
      %mul3A_186 = arith.constant 16 : i32
      %mul3A_187 = arith.muli %rem3A_185, %mul3A_186 : i32
      %dma_start3A_188 = arith.constant 0 : i32
      %dma_start3A_189 = tpu.memref_slice %arg4[%div3A_183, %mul3A_187, %dma_start3A_188] : memref<256x64x2048xf32, #tpu.memory_space<hbm>> -> memref<1x16x2048xf32, #tpu.memory_space<hbm>>
      %dma_start3A_190 = tpu.memref_squeeze %dma_start3A_189 : memref<1x16x2048xf32, #tpu.memory_space<hbm>> -> memref<16x2048xf32, #tpu.memory_space<hbm>>
      %dma_start3A_191 = arith.constant 0 : i32
      %dma_start3A_192 = tpu.memref_slice %arg4[%div3A_183, %mul3A_187, %dma_start3A_191] : memref<256x64x2048xf32, #tpu.memory_space<hbm>> -> memref<1x16x2048xf32, #tpu.memory_space<hbm>>
      %dma_start3A_193 = tpu.memref_squeeze %dma_start3A_192 : memref<1x16x2048xf32, #tpu.memory_space<hbm>> -> memref<16x2048xf32, #tpu.memory_space<hbm>>
      tpu.enqueue_dma source(%arg10 : memref<16x2048xf32, #tpu.memory_space<vmem>>) target(%dma_start3A_193 : memref<16x2048xf32, #tpu.memory_space<hbm>>) target_semaphore(%arg14 : memref<!tpu.dma_semaphore, #tpu.memory_space<semaphore_mem>>)
      %add3A_194 = arith.constant 2 : i32
      %add3A_195 = arith.addi %add3A_143, %add3A_194 : i32
      %lt3A_196 = arith.constant 32 : i32
      %lt3A_197 = arith.cmpi slt, %add3A_195, %lt3A_196 : i32
      %convert_element_type3A_198 = arith.extui %lt3A_197 : i1 to i32
      %cond3A_199 = arith.constant 0 : i32
      %cond3A_200 = arith.cmpi ne, %convert_element_type3A_198, %cond3A_199 : i32
      scf.if %cond3A_200 {
        %add3A_201 = arith.constant 2 : i32
        %add3A_202 = arith.addi %add3A_144, %add3A_201 : i32
        %div3A_203 = arith.constant 4 : i32
        %div3A_204 = arith.divsi %add3A_202, %div3A_203 : i32
        %rem3A_205 = arith.constant 4 : i32
        %rem3A_206 = arith.remsi %add3A_202, %rem3A_205 : i32
        %mul3A_207 = arith.constant 16 : i32
        %mul3A_208 = arith.muli %rem3A_206, %mul3A_207 : i32
        %dma_start3A_209 = arith.constant 0 : i32
        %dma_start3A_210 = arith.constant 0 : i32
        %dma_start3A_211 = tpu.memref_slice %arg3[%div3A_204, %dma_start3A_209, %mul3A_208, %dma_start3A_210] : memref<256x1x64x512xi32, #tpu.memory_space<hbm>> -> memref<1x1x16x512xi32, #tpu.memory_space<hbm>>
        %dma_start3A_212 = tpu.memref_squeeze %dma_start3A_211 : memref<1x1x16x512xi32, #tpu.memory_space<hbm>> -> memref<16x512xi32, #tpu.memory_space<hbm>>
        %dma_start3A_213 = arith.constant 0 : i32
        %dma_start3A_214 = tpu.memref_slice %arg3[%div3A_204, %dma_start3A_209, %mul3A_208, %dma_start3A_213] : memref<256x1x64x512xi32, #tpu.memory_space<hbm>> -> memref<1x1x16x512xi32, #tpu.memory_space<hbm>>
        %dma_start3A_215 = tpu.memref_squeeze %dma_start3A_214 : memref<1x1x16x512xi32, #tpu.memory_space<hbm>> -> memref<16x512xi32, #tpu.memory_space<hbm>>
        tpu.enqueue_dma source(%dma_start3A_215 : memref<16x512xi32, #tpu.memory_space<hbm>>) target(%arg6 : memref<16x512xi32, #tpu.memory_space<vmem>>) target_semaphore(%arg12 : memref<!tpu.dma_semaphore, #tpu.memory_space<semaphore_mem>>)
        %dma_start3A_216 = arith.constant 0 : i32
        %dma_start3A_217 = arith.constant 0 : i32
        %dma_start3A_218 = tpu.memref_slice %arg2[%div3A_204, %dma_start3A_216, %mul3A_208, %dma_start3A_217] : memref<256x1x64x512xf32, #tpu.memory_space<hbm>> -> memref<1x1x16x512xf32, #tpu.memory_space<hbm>>
        %dma_start3A_219 = tpu.memref_squeeze %dma_start3A_218 : memref<1x1x16x512xf32, #tpu.memory_space<hbm>> -> memref<16x512xf32, #tpu.memory_space<hbm>>
        %dma_start3A_220 = arith.constant 0 : i32
        %dma_start3A_221 = tpu.memref_slice %arg2[%div3A_204, %dma_start3A_216, %mul3A_208, %dma_start3A_220] : memref<256x1x64x512xf32, #tpu.memory_space<hbm>> -> memref<1x1x16x512xf32, #tpu.memory_space<hbm>>
        %dma_start3A_222 = tpu.memref_squeeze %dma_start3A_221 : memref<1x1x16x512xf32, #tpu.memory_space<hbm>> -> memref<16x512xf32, #tpu.memory_space<hbm>>
        tpu.enqueue_dma source(%dma_start3A_222 : memref<16x512xf32, #tpu.memory_space<hbm>>) target(%arg8 : memref<16x512xf32, #tpu.memory_space<vmem>>) target_semaphore(%arg12 : memref<!tpu.dma_semaphore, #tpu.memory_space<semaphore_mem>>)
      } else {
      }
    }
    %scan3A_47 = arith.constant 16 : i32
    %add3A_48 = arith.constant 32 : i32
    %add3A_49 = arith.addi %mul3A_2, %add3A_48 : i32
    %sub3A = arith.constant 2 : i32
    %sub3A_50 = arith.subi %add3A_49, %sub3A : i32
    %add3A_51 = arith.constant 0 : i32
    %add3A_52 = arith.addi %sub3A_50, %add3A_51 : i32
    %div3A_53 = arith.constant 4 : i32
    %div3A_54 = arith.divsi %add3A_52, %div3A_53 : i32
    %rem3A_55 = arith.constant 4 : i32
    %rem3A_56 = arith.remsi %add3A_52, %rem3A_55 : i32
    %mul3A_57 = arith.constant 16 : i32
    %mul3A_58 = arith.muli %rem3A_56, %mul3A_57 : i32
    %dma_wait3A = arith.constant 0 : i32
    %dma_wait3A_59 = tpu.memref_slice %arg4[%div3A_54, %mul3A_58, %dma_wait3A] : memref<256x64x2048xf32, #tpu.memory_space<hbm>> -> memref<1x16x2048xf32, #tpu.memory_space<hbm>>
    %dma_wait3A_60 = tpu.memref_squeeze %dma_wait3A_59 : memref<1x16x2048xf32, #tpu.memory_space<hbm>> -> memref<16x2048xf32, #tpu.memory_space<hbm>>
    %dma_wait3A_61 = arith.constant 0 : i32
    %dma_wait3A_62 = tpu.memref_slice %arg4[%div3A_54, %mul3A_58, %dma_wait3A_61] : memref<256x64x2048xf32, #tpu.memory_space<hbm>> -> memref<1x16x2048xf32, #tpu.memory_space<hbm>>
    %dma_wait3A_63 = tpu.memref_squeeze %dma_wait3A_62 : memref<1x16x2048xf32, #tpu.memory_space<hbm>> -> memref<16x2048xf32, #tpu.memory_space<hbm>>
    tpu.wait_dma2 semaphore(%arg13 : memref<!tpu.dma_semaphore, #tpu.memory_space<semaphore_mem>>) src(%arg9 : memref<16x2048xf32, #tpu.memory_space<vmem>>) dst(%dma_wait3A_63 : memref<16x2048xf32, #tpu.memory_space<hbm>>)
    %add3A_64 = arith.constant 32 : i32
    %add3A_65 = arith.addi %mul3A_2, %add3A_64 : i32
    %sub3A_66 = arith.constant 2 : i32
    %sub3A_67 = arith.subi %add3A_65, %sub3A_66 : i32
    %add3A_68 = arith.constant 1 : i32
    %add3A_69 = arith.addi %sub3A_67, %add3A_68 : i32
    %div3A_70 = arith.constant 4 : i32
    %div3A_71 = arith.divsi %add3A_69, %div3A_70 : i32
    %rem3A_72 = arith.constant 4 : i32
    %rem3A_73 = arith.remsi %add3A_69, %rem3A_72 : i32
    %mul3A_74 = arith.constant 16 : i32
    %mul3A_75 = arith.muli %rem3A_73, %mul3A_74 : i32
    %dma_wait3A_76 = arith.constant 0 : i32
    %dma_wait3A_77 = tpu.memref_slice %arg4[%div3A_71, %mul3A_75, %dma_wait3A_76] : memref<256x64x2048xf32, #tpu.memory_space<hbm>> -> memref<1x16x2048xf32, #tpu.memory_space<hbm>>
    %dma_wait3A_78 = tpu.memref_squeeze %dma_wait3A_77 : memref<1x16x2048xf32, #tpu.memory_space<hbm>> -> memref<16x2048xf32, #tpu.memory_space<hbm>>
    %dma_wait3A_79 = arith.constant 0 : i32
    %dma_wait3A_80 = tpu.memref_slice %arg4[%div3A_71, %mul3A_75, %dma_wait3A_79] : memref<256x64x2048xf32, #tpu.memory_space<hbm>> -> memref<1x16x2048xf32, #tpu.memory_space<hbm>>
    %dma_wait3A_81 = tpu.memref_squeeze %dma_wait3A_80 : memref<1x16x2048xf32, #tpu.memory_space<hbm>> -> memref<16x2048xf32, #tpu.memory_space<hbm>>
    tpu.wait_dma2 semaphore(%arg14 : memref<!tpu.dma_semaphore, #tpu.memory_space<semaphore_mem>>) src(%arg10 : memref<16x2048xf32, #tpu.memory_space<vmem>>) dst(%dma_wait3A_81 : memref<16x2048xf32, #tpu.memory_space<hbm>>)
    return
  }
}

</mosaic_0001>

<sc_bundles>
// kernel: kernel.3.cloned.1.call-start
scs
__scs_entry_jumppad:
0x0: {  	(pc) =	sbr.rel $0x88, $3  }
0x1: {  	(tag) =	ssettag $0x0;
	lr =	simm.s32 $0x1  }
0x2: {  	[smem:$0x3F9F] =	sst lr;
	_ =	strace $0xD0000000  }
0x3: {  	_ = 	snop  }
0x4: {  	_ = 	snop  }
0x5: {  	_ = 	snop  }
0x6: {  	_ = 	snop  }
0x7: {  	_ = 	snop  }
__scs_overlays_trampoline_lowered:
0x8: {  	[smem:$0x3FAE] =	sst s0  }
0x9: {  	[smem:$0x3FAF] =	sst s1  }
0xa: {  	[smem:$0x3FB0] =	sst s2  }
0xb: {  	[smem:$0x3FB1] =	sst s3  }
0xc: {  	[smem:$0x3FB2] =	sst s4  }
0xd: {  	[smem:$0x3FB3] =	sst s5  }
0xe: {  	[smem:$0x3FB4] =	sst s6  }
0xf: {  	[smem:$0x3FB5] =	sst s7  }
0x10: {  	[smem:$0x3FB6] =	sst s8  }
0x11: {  	[smem:$0x3FB7] =	sst s9;
	s0 =	simm.s32 @!p0 $0x0  }
0x12: {  	s1 =	sld [smem:$0x3F9D];
	s0 =	simm.s32 @p0 $0x1  }
0x13: {  	[smem:$0x3FB8] =	sst s0;
	s0 =	simm.s32 @!p1 $0x0  }
0x14: {  	s2 =	sld [smem:$0x3F9C];
	s0 =	simm.s32 @p1 $0x1  }
0x15: {  	[smem:$0x3FB9] =	sst s0;
	s0 =	simm.s32 @!p2 $0x0  }
0x16: {  	s3 =	sld [smem:$0x3FDB];
	s0 =	simm.s32 @p2 $0x1  }
0x17: {  	s4 =	simm.s32 $0x1BF5;
	[smem:$0x3FBB] =	sst s0  }
0x18: {  	s0 =	sld [smem:$0x3F9E];
	_ =	swait.ge [sflag:s4], $0x0  }
0x19: {  	s7 =	sld [smem:$0x3F9F]  }
0x1a: {  	s8 =	sadd.s32 $0xFFFFE003, lr  }
0x1b: {  	s9 =	sadd.s32 $0xFFFFFEF7, lr;
	s5 =	simm.s32 $0xFFFFFFFF;
	p2 =	slt.u32 s8, $0xFFFFF086  }
0x1c: {  	p1 =	slt.u32 s9, $0xF7A;
	s5 =	simm.s32 @!p2 $0x0  }
0x1d: {  	s5 =	simm.s32 @p1 $0x1;
	p0 =	seq.s32 s7, s2  }
0x1e: {  	s7 =	smul.u32 @!p0 $0xF7A, s2;
	p2 =	seq.s32 @!p0 s5, $0x0  }
0x1f: {  	s9 =	smul.u32 $0xF7A, s1;
	s8 =	simm.s32 @!p0 $0x1BF5;
	p2 =	por !p2, p0  }
0x20: {  	[sflag:s8] =	ssyncset.s32 @!p0 $0xFFFFF086;
	s6 =	sadd.s32 @!p0 s3, s7;
	s7 =	simm.s32 @!p0 $0x108  }
0x21: {  	s3 =	sadd.s32 s3, s9;
	s6 =	sadd.s32 @!p0 $0x88, s6;
	s7 =	simm.s32 @p2 $0x1082  }
0x22: {  	[simem:s7], [sflag:s8] =	dma.local @!p0 [hbm:s6], $0xF7A  }
0x23: {  	s9 =	sor.u32 $0xD0000000, s2;
	s6 =	simm.s32 $0x108;
	_ =	swait.ge @!p0 [sflag:s8], $0x0  }
0x24: {  	s3 =	sadd.s32 $0x88, s3;
	s6 =	simm.s32 @!p1 $0x1082;
	[sflag:s4] =	ssyncset.s32 $0xFFFFF086  }
0x25: {  	[simem:s6], [sflag:s4] =	dma.local [hbm:s3], $0xF7A  }
0x26: {  	[smem:$0x3F9F] =	sst s1;
	(tag) =	ssettag s2;
	_ =	strace s9  }
0x27: {  	s1 =	sld [smem:$0x3FAF]  }
0x28: {  	s2 =	sld [smem:$0x3FB0]  }
0x29: {  	s4 =	sld [smem:$0x3FB2]  }
0x2a: {  	p0 =	seq.s32 s5, $0x0;
	s5 =	sld [smem:$0x3FB3]  }
0x2b: {  	s6 =	sld [smem:$0x3FB4]  }
0x2c: {  	s7 =	sld [smem:$0x3FB5]  }
0x2d: {  	s3 =	simm.s32 $0x108;
	s8 =	sld [smem:$0x3FB6]  }
0x2e: {  	s3 =	simm.s32 @!p0 $0x1082;
	s9 =	sld [smem:$0x3FB7]  }
0x2f: {  	lr =	sadd.s32 s0, s3;
	s0 =	sld [smem:$0x3FAE]  }
0x30: {  	s3 =	sld [smem:$0x3FB1]  }
0x31: {  	[smem:$0x3FBA] =	sst s10  }
0x32: {  	s10 =	sld [smem:$0x3FB8];
	_ =	sdelay $0x3  }
0x33: {  	p0 =	seq.s32 s10, $0x1;
	s10 =	sld [smem:$0x3FBA];
	_ =	sdelay $0x3  }
0x34: {  	[smem:$0x3FBA] =	sst s10  }
0x35: {  	s10 =	sld [smem:$0x3FB9];
	_ =	sdelay $0x3  }
0x36: {  	p1 =	seq.s32 s10, $0x1;
	s10 =	sld [smem:$0x3FBA];
	_ =	sdelay $0x3  }
0x37: {  	[smem:$0x3FBA] =	sst s10  }
0x38: {  	s10 =	sld [smem:$0x3FBB]  }
0x39: {  	_ = 	snop;
	(pc) =	sbr.ind lr, $3  }
0x3a: {  	_ = 	snop  }
0x3b: {  	_ = 	snop  }
0x3c: {  	p2 =	seq.s32 s10, $0x1;
	s10 =	sld [smem:$0x3FBA]  }
0x3d: {  	_ =	shalt  }
0x3e: {  	_ =	shalt  }
0x3f: {  	_ =	shalt  }
0x40: {  	_ =	shalt  }
0x41: {  	_ =	shalt  }
0x42: {  	_ =	shalt  }
0x43: {  	_ =	shalt  }
0x44: {  	_ =	shalt  }
0x45: {  	_ =	shalt  }
0x46: {  	_ =	shalt  }
0x47: {  	_ =	shalt  }
0x48: {  	_ =	shalt  }
0x49: {  	_ =	shalt  }
0x4a: {  	_ =	shalt  }
0x4b: {  	_ =	shalt  }
0x4c: {  	_ =	shalt  }
0x4d: {  	_ =	shalt  }
0x4e: {  	_ =	shalt  }
0x4f: {  	_ =	shalt  }
0x50: {  	_ =	shalt  }
0x51: {  	_ =	shalt  }
0x52: {  	_ =	shalt  }
0x53: {  	_ =	shalt  }
0x54: {  	_ =	shalt  }
0x55: {  	_ =	shalt  }
0x56: {  	_ =	shalt  }
0x57: {  	_ =	shalt  }
0x58: {  	_ =	shalt  }
0x59: {  	_ =	shalt  }
0x5a: {  	_ =	shalt  }
0x5b: {  	_ =	shalt  }
0x5c: {  	_ =	shalt  }
0x5d: {  	_ =	shalt  }
0x5e: {  	_ =	shalt  }
0x5f: {  	_ =	shalt  }
0x60: {  	_ =	shalt  }
0x61: {  	_ =	shalt  }
0x62: {  	_ =	shalt  }
0x63: {  	_ =	shalt  }
0x64: {  	_ =	shalt  }
0x65: {  	_ =	shalt  }
0x66: {  	_ =	shalt  }
0x67: {  	_ =	shalt  }
0x68: {  	_ =	shalt  }
0x69: {  	_ =	shalt  }
0x6a: {  	_ =	shalt  }
0x6b: {  	_ =	shalt  }
0x6c: {  	_ =	shalt  }
0x6d: {  	_ =	shalt  }
0x6e: {  	_ =	shalt  }
0x6f: {  	_ =	shalt  }
0x70: {  	_ =	shalt  }
0x71: {  	_ =	shalt  }
0x72: {  	_ =	shalt  }
0x73: {  	_ =	shalt  }
0x74: {  	_ =	shalt  }
0x75: {  	_ =	shalt  }
0x76: {  	_ =	shalt  }
0x77: {  	_ =	shalt  }
0x78: {  	_ =	shalt  }
0x79: {  	_ =	shalt  }
0x7a: {  	_ =	shalt  }
0x7b: {  	_ =	shalt  }
0x7c: {  	_ =	shalt  }
0x7d: {  	_ =	shalt  }
0x7e: {  	_ =	shalt  }
0x7f: {  	_ =	shalt  }
0x80: {  	_ =	shalt  }
0x81: {  	_ =	shalt  }
0x82: {  	_ =	shalt  }
0x83: {  	_ =	shalt  }
0x84: {  	_ =	shalt  }
0x85: {  	_ =	shalt  }
0x86: {  	_ =	shalt  }
0x87: {  	_ =	shalt  }
.Lfunc_end0:
.L_simem_size_0:
called_computation_lowered:
.L_overlay_start_0:
0x88: {  	s2 =	sld [smem:$0x3FD9]  }
0x89: {  	s3 =	sld [smem:$0x3FFE];
	_ =	sdelay $0x1  }
0x8a: {  	s1 =	srdreg.scid  }
0x8b: {  	s0 =	sand.u32 $0x1, s1  }
0x8c: {  	s18 =	sshll.u32 s0, $0xA;
	s2 =	sadd.s32 s3, s2  }
0x8d: {  	s2 =	sadd.s32 s2, s18  }
0x8e: {  	[smem:$0x3FC6] =	sst s2  }
0x8f: {  	_ = 	snop  }
0x90: {  	s2 =	sld [smem:$0x3FC9]  }
0x91: {  	s19 =	sld [smem:$0x3FC8]  }
0x92: {  	s4 =	sld [smem:$0x3FD0];
	(tm) =	ssettm $0x1  }
0x93: {  	s5 =	sld [smem:$0x3FFB];
	_ =	sdelay $0x3  }
0x94: {  	_ =	strace s5  }
0x95: {  	s5 =	sld [smem:$0x3FFC];
	_ =	sdelay $0x3  }
0x96: {  	_ =	strace s5  }
0x97: {  	s5 =	sld [smem:$0x3FFD];
	_ =	sdelay $0x3  }
0x98: {  	_ =	strace s5  }
0x99: {  	_ =	strace $0x8FFFFFFF  }
0x9a: {  	s20 =	sld [smem:$0x3FDB];
	_ =	sdelay $0x1  }
0x9b: {  	s6 =	simm.s32 $_scs_section_size  }
0x9c: {  	s7 =	simm.s32 $_size__tile_overlayer_lowered;
	s8 =	simm.s32 $_tile_overlayer_lowered  }
0x9d: {  	s23 =	simm.s32 $0x1BFF;
	s22 =	sshll.u32 s8, $0x1;
	s5 =	sadd.s32 s6, s20  }
0x9e: {  	s9 =	simm.s32 $0x0;
	s21 =	sshll.u32 s7, $0x1;
	s7 =	sadd.s32 s22, s5  }
0x9f: {  	[timem:s9], [sflag:s23] =	dma.local [hbm:s7], s21  }
0xa0: {  	_ =	swait.ge [sflag:s23], s21  }
0xa1: {  	s6 =	ssub.s32 $0x0, s21;
	[sflag:s23] =	ssyncset.done $0x0  }
0xa2: {  	[sflag:s23] =	ssyncadd.s32 s6;
	_ =	sdelay $0x1  }
0xa3: {  	s24 =	simm.s32 $0x1B8B  }
0xa4: {  	_ =	swait.ge [sflag:s24], $0x1  }
0xa5: {  	[sflag:s24] =	ssyncset.done $0x0  }
0xa6: {  	s25 =	simm.s32 $0x1B8E;
	[sflag:s24] =	ssyncadd.s32 $0xFFFFFFFF  }
0xa7: {  	s26 =	simm.s32 $execute0_lowered;
	[smem:$0x3FD2] =	sst s25  }
0xa8: {  	s6 =	sshll.u32 s26, $0x1;
	_ =	strace $0x80000046;
	[dreg:$0x1] =	wrdreg $0xFFFFFFFF  }
0xa9: {  	s28 =	simm.s32 $_size_execute0_lowered;
	s5 =	sadd.s32 s5, s6;
	[dreg:$0x0] =	wrdreg $0x0  }
0xaa: {  	s6 =	sshll.u32 s28, $0x1;
	[dreg:$0x2] =	wrdreg s5  }
0xab: {  	[dreg:$0x3] =	wrdreg s6  }
0xac: {  	[dreg:$0x4] =	wrdreg $0xC0  }
0xad: {  	_ =	task [dreg:s9], $0x5FFFF  }
0xae: {  	[dreg:$0x1] =	wrdreg $0xFFFFFFFF  }
0xaf: {  	[dreg:$0x0] =	wrdreg $0x60  }
0xb0: {  	[dreg:$0x2] =	wrdreg s2  }
0xb1: {  	[dreg:$0x3] =	wrdreg s19  }
0xb2: {  	[dreg:$0x4] =	wrdreg s4  }
0xb3: {  	[dreg:$0x5] =	wrdreg $0x9  }
0xb4: {  	_ =	task.clear_ibuf [dreg:s9], $0x6FFFF;
	_ =	strace $0x90000046  }
0xb5: {  	s29 =	simm.s32 $0x9;
	_ =	strace $0x80000048  }
0xb6: {  	_ =	swait.ge [sflag:s29], $0x1  }
0xb7: {  	[sflag:s29] =	ssyncadd.s32 $0xFFFFFFFF  }
0xb8: {  	_ =	strace $0x90000048  }
0xb9: {  	_ =	sfence  }
0xba: {  	s30 =	sld [smem:$0x0];
	_ =	sdelay $0x2  }
0xbb: {  	s31 =	sshll.u32 s1, $0xD;
	s1 =	sshrl.u32 s1, $0x2  }
0xbc: {  	s3 =	sand.u32 $0x4000, s31;
	s1 =	sadd.s32 s1, s30  }
0xbd: {  	s0 =	sor.u32 s3, s0;
	s1 =	sshll.u32 s1, $0x11  }
0xbe: {  	s0 =	sor.u32 s1, s0  }
0xbf: {  	s0 =	sadd.s32 $0x8F2B, s0  }
0xc0: {  	[sflag:s0] =	ssyncadd.remote.s32 $0x1  }
0xc1: {  	_ =	sfence.sel $0xFFFF  }
0xc2: {  	[dreg:$0x0] =	wrdreg $0xFFFFFFFF;
	(pc) =	sbr.abs _section_cstart, $3  }
0xc3: {  	[dreg:$0x1] =	wrdreg $0xFFFFFFFF  }
0xc4: {  	_ =	task.clear_ibuf [dreg:s9], $0x2FFFF;
	_ =	strace $0x9FFFFFFF  }
0xc5: {  	(tm) =	ssettm $0x7FFFFFFF  }
tec
execute0_lowered:
.L_overlay_start_1:
0x0: {  	(tag) =	ssettag $0x1  }
0x1: {  	s1 =	rddreg [dreg:$0x0]  }
0x2: {  	s3 =	rddreg [dreg:$0x1]  }
0x3: {  	s4 =	rddreg [dreg:$0x2];
	s0 =	srdreg.scid  }
0x4: {  	s2 =	stileid.u32;
	s5 =	simm.s32 $0x0;
	s14 =	simm.s32 $0x2000  }
0x5: {  	s15 =	simm.s32 $0x6000;
	s16 =	simm.s32 $0x1;
	s17 =	simm.s32 $0x8000  }
0x6: {  	s18 =	simm.s32 $0x2;
	s19 =	simm.s32 $0x10000;
	s20 =	simm.s32 $0x3  }
0x7: {  	s21 =	simm.s32 $0x4;
	s22 =	simm.s32 $0x0;
	s0 =	sand.u32 $0x1, s0  }
0x8: {  	s2 =	sshll.u32 s2, $0x6;
	[smem:$0x7FF] =	sst s5;
	s6 =	sshll.u32 s0, $0x5  }
.Ltmp0:
0x9: {  	s0 =	ssub.s32 $0x2, s0;
	s6 =	sor.u32 s6, s2;
	(pc) =	sbr.rel .LBB2_1-.Ltmp0, $4  }
0xa: {  	_ =	strace $0x80000047;
	s29 =	sshrl.u32 s0, $0x1;
	s8 =	sshll.u32 s6, $0xA  }
0xb: {  	s0 =	ssub.s32 s0, s29;
	s11 =	sor.u32 $0x1F, s6;
	s30 =	sadd.s32 s3, s8  }
0xc: {  	s31 =	sor.u32 $0x400, s8;
	s8 =	sadd.s32 s1, s8;
	s12 =	smax.u32 s0, $0x1  }
0xd: {  	v0 =	vimm.f32 $0.0e+00;
	[dreg:$0x4] =	wrdreg s30;
	s9 =	sadd.s32 s3, s31;
	s10 =	sadd.s32 s1, s31  }
.LBB2_14:
0xe: {  	s22 =	sadd.s32 $0x1, s22  }
0xf: {  	_ =	swait.ge [sflag:s20], $0x8000;
	p0 =	sne.s32 s22, s12  }
.Ltmp1:
0x10: {  	[sflag:s20] =	ssyncset.done $0x0;
	(pc) =	sbr.rel @!p0 .LBB2_15-.Ltmp1, $4  }
0x11: {  	[sflag:s20] =	ssyncadd.s32 $0xFFFF8000  }
0x12: {  	_ =	swait.ge [sflag:s21], $0x8000  }
0x13: {  	[sflag:s21] =	ssyncset.done $0x0  }
0x14: {  	[sflag:s21] =	ssyncadd.s32 $0xFFFF8000  }
.LBB2_1:
0x15: {  	s0 =	rddreg [dreg:$0x4]  }
0x16: {  	[tilespmem:s5], [sflag:$0x1] =	stream.linear.gather [hbm4b:s0+s5], $0x2000, $0x38;
	[tilespmem:$0x18000] =	vst v63  }
0x17: {  	s31 =	simm.s32 $0x4000  }
0x18: {  	[tilespmem:s31], [sflag:$0x1] =	stream.linear.gather [hbm4b:s8+s5], $0x2000, $0x38;
	[tilespmem:$0x18000] =	vst v63  }
0x19: {  	_ = 	snop  }
0x1a: {  	[tilespmem:s14], [sflag:$0x2] =	stream.linear.gather [hbm4b:s9+s5], $0x2000, $0x38;
	[tilespmem:$0x18000] =	vst v63  }
0x1b: {  	s23 =	simm.s32 $0x0  }
0x1c: {  	[tilespmem:s15], [sflag:$0x2] =	stream.linear.gather [hbm4b:s10+s5], $0x2000, $0x38;
	[tilespmem:$0x18000] =	vst v63  }
.LBB2_2:
0x1d: {  	p0 =	seq.s32 s23, $0x0  }
0x1e: {  	s0 =	simm.s32 @!p0 $0x3  }
0x1f: {  	s24 =	sshll.u32 s23, $0x1;
	s2 =	simm.s32 $0x0;
	_ =	swait.ge @!p0 [sflag:s0], $0x8000  }
0x20: {  	s26 =	simm.s32 $0x0;
	s28 =	simm.s32 $0x0;
	[sflag:s0] =	ssyncset.done @!p0 $0x0  }
0x21: {  	s25 =	sor.u32 s6, s24;
	[sflag:s0] =	ssyncadd.s32 @!p0 $0xFFFF8000;
	s0 =	simm.s32 $0xFFFFFFFE  }
.LBB2_3:
0x22: {  	s13 =	sand.u32 $0x4000, s26;
	s29 =	sand.u32 $0x300, s28  }
0x23: {  	s29 =	sor.u32 s29, s13  }
0x24: {  	[tilespmem:s29+$0x8000] =	vst v0  }
0x25: {  	[tilespmem:s29+$0x8010] =	vst v0  }
0x26: {  	[tilespmem:s29+$0x8020] =	vst v0  }
0x27: {  	[tilespmem:s29+$0x8030] =	vst v0  }
0x28: {  	[tilespmem:s29+$0x8040] =	vst v0  }
0x29: {  	[tilespmem:s29+$0x8050] =	vst v0  }
0x2a: {  	[tilespmem:s29+$0x8060] =	vst v0  }
0x2b: {  	[tilespmem:s29+$0x8070] =	vst v0  }
0x2c: {  	[tilespmem:s29+$0x8400] =	vst v0  }
0x2d: {  	[tilespmem:s29+$0x8410] =	vst v0  }
0x2e: {  	[tilespmem:s29+$0x8420] =	vst v0  }
0x2f: {  	[tilespmem:s29+$0x8430] =	vst v0  }
0x30: {  	[tilespmem:s29+$0x8440] =	vst v0  }
0x31: {  	[tilespmem:s29+$0x8450] =	vst v0  }
0x32: {  	[tilespmem:s29+$0x8460] =	vst v0  }
0x33: {  	[tilespmem:s29+$0x8470] =	vst v0  }
0x34: {  	[tilespmem:s29+$0x8800] =	vst v0  }
0x35: {  	[tilespmem:s29+$0x8810] =	vst v0  }
0x36: {  	[tilespmem:s29+$0x8820] =	vst v0  }
0x37: {  	[tilespmem:s29+$0x8830] =	vst v0  }
0x38: {  	[tilespmem:s29+$0x8840] =	vst v0  }
0x39: {  	[tilespmem:s29+$0x8850] =	vst v0  }
0x3a: {  	[tilespmem:s29+$0x8860] =	vst v0  }
0x3b: {  	[tilespmem:s29+$0x8870] =	vst v0  }
0x3c: {  	[tilespmem:s29+$0x8C00] =	vst v0  }
0x3d: {  	[tilespmem:s29+$0x8C10] =	vst v0  }
0x3e: {  	[tilespmem:s29+$0x8C20] =	vst v0  }
0x3f: {  	[tilespmem:s29+$0x8C30] =	vst v0  }
0x40: {  	[tilespmem:s29+$0x8C40] =	vst v0  }
0x41: {  	[tilespmem:s29+$0x8C50] =	vst v0  }
0x42: {  	[tilespmem:s29+$0x8C60] =	vst v0  }
0x43: {  	[tilespmem:s29+$0x8C70] =	vst v0  }
0x44: {  	[tilespmem:s29+$0x9000] =	vst v0  }
0x45: {  	[tilespmem:s29+$0x9010] =	vst v0  }
0x46: {  	[tilespmem:s29+$0x9020] =	vst v0  }
0x47: {  	[tilespmem:s29+$0x9030] =	vst v0  }
0x48: {  	[tilespmem:s29+$0x9040] =	vst v0  }
0x49: {  	[tilespmem:s29+$0x9050] =	vst v0  }
0x4a: {  	[tilespmem:s29+$0x9060] =	vst v0  }
0x4b: {  	[tilespmem:s29+$0x9070] =	vst v0  }
0x4c: {  	[tilespmem:s29+$0x9400] =	vst v0  }
0x4d: {  	[tilespmem:s29+$0x9410] =	vst v0  }
0x4e: {  	[tilespmem:s29+$0x9420] =	vst v0  }
0x4f: {  	[tilespmem:s29+$0x9430] =	vst v0  }
0x50: {  	[tilespmem:s29+$0x9440] =	vst v0  }
0x51: {  	[tilespmem:s29+$0x9450] =	vst v0  }
0x52: {  	[tilespmem:s29+$0x9460] =	vst v0  }
0x53: {  	[tilespmem:s29+$0x9470] =	vst v0  }
0x54: {  	[tilespmem:s29+$0x9800] =	vst v0  }
0x55: {  	[tilespmem:s29+$0x9810] =	vst v0  }
0x56: {  	[tilespmem:s29+$0x9820] =	vst v0  }
0x57: {  	[tilespmem:s29+$0x9830] =	vst v0  }
0x58: {  	[tilespmem:s29+$0x9840] =	vst v0  }
0x59: {  	[tilespmem:s29+$0x9850] =	vst v0  }
0x5a: {  	[tilespmem:s29+$0x9860] =	vst v0  }
0x5b: {  	[tilespmem:s29+$0x9870] =	vst v0  }
0x5c: {  	[tilespmem:s29+$0x9C00] =	vst v0  }
0x5d: {  	[tilespmem:s29+$0x9C10] =	vst v0  }
0x5e: {  	[tilespmem:s29+$0x9C20] =	vst v0  }
0x5f: {  	[tilespmem:s29+$0x9C30] =	vst v0  }
0x60: {  	[tilespmem:s29+$0x9C40] =	vst v0  }
0x61: {  	[tilespmem:s29+$0x9C50] =	vst v0  }
0x62: {  	[tilespmem:s29+$0x9C60] =	vst v0  }
0x63: {  	[tilespmem:s29+$0x9C70] =	vst v0  }
0x64: {  	[tilespmem:s29+$0xA000] =	vst v0  }
0x65: {  	[tilespmem:s29+$0xA010] =	vst v0  }
0x66: {  	[tilespmem:s29+$0xA020] =	vst v0  }
0x67: {  	[tilespmem:s29+$0xA030] =	vst v0  }
0x68: {  	[tilespmem:s29+$0xA040] =	vst v0  }
0x69: {  	[tilespmem:s29+$0xA050] =	vst v0  }
0x6a: {  	[tilespmem:s29+$0xA060] =	vst v0  }
0x6b: {  	[tilespmem:s29+$0xA070] =	vst v0  }
0x6c: {  	[tilespmem:s29+$0xA400] =	vst v0  }
0x6d: {  	[tilespmem:s29+$0xA410] =	vst v0  }
0x6e: {  	[tilespmem:s29+$0xA420] =	vst v0  }
0x6f: {  	[tilespmem:s29+$0xA430] =	vst v0  }
0x70: {  	[tilespmem:s29+$0xA440] =	vst v0  }
0x71: {  	[tilespmem:s29+$0xA450] =	vst v0  }
0x72: {  	[tilespmem:s29+$0xA460] =	vst v0  }
0x73: {  	[tilespmem:s29+$0xA470] =	vst v0  }
0x74: {  	[tilespmem:s29+$0xA800] =	vst v0  }
0x75: {  	[tilespmem:s29+$0xA810] =	vst v0  }
0x76: {  	[tilespmem:s29+$0xA820] =	vst v0  }
0x77: {  	[tilespmem:s29+$0xA830] =	vst v0  }
0x78: {  	[tilespmem:s29+$0xA840] =	vst v0  }
0x79: {  	[tilespmem:s29+$0xA850] =	vst v0  }
0x7a: {  	[tilespmem:s29+$0xA860] =	vst v0  }
0x7b: {  	[tilespmem:s29+$0xA870] =	vst v0  }
0x7c: {  	[tilespmem:s29+$0xAC00] =	vst v0  }
0x7d: {  	[tilespmem:s29+$0xAC10] =	vst v0  }
0x7e: {  	[tilespmem:s29+$0xAC20] =	vst v0  }
0x7f: {  	[tilespmem:s29+$0xAC30] =	vst v0  }
0x80: {  	s31 =	sand.u32 $0x3, s2;
	[tilespmem:s29+$0xAC40] =	vst v0  }
0x81: {  	s13 =	sshll.u32 s31, $0x8;
	[tilespmem:s29+$0xAC50] =	vst v0  }
0x82: {  	s13 =	sadd.s32 s13, s26;
	[tilespmem:s29+$0xAC60] =	vst v0  }
0x83: {  	[tilespmem:s29+$0xAC70] =	vst v0;
	s30 =	sor.u32 $0x3000, s13  }
0x84: {  	s7 =	sor.u32 $0x3010, s13;
	[tilespmem:s30+$0x8000] =	vst v0  }
0x85: {  	s31 =	sor.u32 $0x3020, s13;
	[tilespmem:s7+$0x8000] =	vst v0  }
0x86: {  	s7 =	sor.u32 $0x3030, s13;
	[tilespmem:s31+$0x8000] =	vst v0  }
0x87: {  	s31 =	sor.u32 $0x3040, s13;
	[tilespmem:s7+$0x8000] =	vst v0  }
0x88: {  	s7 =	sor.u32 $0x3050, s13;
	[tilespmem:s31+$0x8000] =	vst v0  }
0x89: {  	s31 =	sor.u32 $0x3060, s13;
	[tilespmem:s7+$0x8000] =	vst v0  }
0x8a: {  	s7 =	sor.u32 $0x3070, s13;
	[tilespmem:s31+$0x8000] =	vst v0  }
0x8b: {  	s31 =	sor.u32 $0x3400, s13;
	[tilespmem:s7+$0x8000] =	vst v0  }
0x8c: {  	s7 =	sor.u32 $0x3410, s13;
	[tilespmem:s31+$0x8000] =	vst v0  }
0x8d: {  	s31 =	sor.u32 $0x3420, s13;
	[tilespmem:s7+$0x8000] =	vst v0  }
0x8e: {  	s7 =	sor.u32 $0x3430, s13;
	[tilespmem:s31+$0x8000] =	vst v0  }
0x8f: {  	s31 =	sor.u32 $0x3440, s13;
	[tilespmem:s7+$0x8000] =	vst v0  }
0x90: {  	s7 =	sor.u32 $0x3450, s13;
	[tilespmem:s31+$0x8000] =	vst v0  }
0x91: {  	s31 =	sor.u32 $0x3460, s13;
	[tilespmem:s7+$0x8000] =	vst v0  }
0x92: {  	s7 =	sor.u32 $0x3470, s13;
	[tilespmem:s31+$0x8000] =	vst v0  }
0x93: {  	s31 =	sor.u32 $0x3800, s13;
	[tilespmem:s7+$0x8000] =	vst v0  }
0x94: {  	s7 =	sor.u32 $0x3810, s13;
	[tilespmem:s31+$0x8000] =	vst v0  }
0x95: {  	s31 =	sor.u32 $0x3820, s13;
	[tilespmem:s7+$0x8000] =	vst v0  }
0x96: {  	s7 =	sor.u32 $0x3830, s13;
	[tilespmem:s31+$0x8000] =	vst v0  }
0x97: {  	s31 =	sor.u32 $0x3840, s13;
	[tilespmem:s7+$0x8000] =	vst v0  }
0x98: {  	s7 =	sor.u32 $0x3850, s13;
	[tilespmem:s31+$0x8000] =	vst v0  }
0x99: {  	s31 =	sor.u32 $0x3860, s13;
	[tilespmem:s7+$0x8000] =	vst v0  }
0x9a: {  	s7 =	sor.u32 $0x3870, s13;
	[tilespmem:s31+$0x8000] =	vst v0  }
0x9b: {  	s31 =	sor.u32 $0x3C00, s13;
	[tilespmem:s7+$0x8000] =	vst v0  }
0x9c: {  	s7 =	sor.u32 $0x3C10, s13;
	[tilespmem:s31+$0x8000] =	vst v0  }
0x9d: {  	s31 =	sor.u32 $0x3C20, s13;
	[tilespmem:s7+$0x8000] =	vst v0  }
0x9e: {  	s7 =	sor.u32 $0x3C30, s13;
	[tilespmem:s31+$0x8000] =	vst v0  }
0x9f: {  	s31 =	sor.u32 $0x3C40, s13;
	[tilespmem:s7+$0x8000] =	vst v0  }
0xa0: {  	s7 =	sor.u32 $0x3C50, s13;
	[tilespmem:s31+$0x8000] =	vst v0  }
0xa1: {  	s31 =	sor.u32 $0x3C60, s13;
	[tilespmem:s7+$0x8000] =	vst v0  }
0xa2: {  	s7 =	sor.u32 $0x3C70, s13;
	[tilespmem:s31+$0x8000] =	vst v0  }
0xa3: {  	[tilespmem:s7+$0x8000] =	vst v0  }
0xa4: {  	[tilespmem:s29+$0x8080] =	vst v0  }
0xa5: {  	[tilespmem:s29+$0x8090] =	vst v0  }
0xa6: {  	[tilespmem:s29+$0x80A0] =	vst v0  }
0xa7: {  	[tilespmem:s29+$0x80B0] =	vst v0  }
0xa8: {  	[tilespmem:s29+$0x80C0] =	vst v0  }
0xa9: {  	[tilespmem:s29+$0x80D0] =	vst v0  }
0xaa: {  	[tilespmem:s29+$0x80E0] =	vst v0  }
0xab: {  	[tilespmem:s29+$0x80F0] =	vst v0  }
0xac: {  	[tilespmem:s29+$0x8480] =	vst v0  }
0xad: {  	[tilespmem:s29+$0x8490] =	vst v0  }
0xae: {  	[tilespmem:s29+$0x84A0] =	vst v0  }
0xaf: {  	[tilespmem:s29+$0x84B0] =	vst v0  }
0xb0: {  	[tilespmem:s29+$0x84C0] =	vst v0  }
0xb1: {  	[tilespmem:s29+$0x84D0] =	vst v0  }
0xb2: {  	[tilespmem:s29+$0x84E0] =	vst v0  }
0xb3: {  	[tilespmem:s29+$0x84F0] =	vst v0  }
0xb4: {  	[tilespmem:s29+$0x8880] =	vst v0  }
0xb5: {  	[tilespmem:s29+$0x8890] =	vst v0  }
0xb6: {  	[tilespmem:s29+$0x88A0] =	vst v0  }
0xb7: {  	[tilespmem:s29+$0x88B0] =	vst v0  }
0xb8: {  	[tilespmem:s29+$0x88C0] =	vst v0  }
0xb9: {  	[tilespmem:s29+$0x88D0] =	vst v0  }
0xba: {  	[tilespmem:s29+$0x88E0] =	vst v0  }
0xbb: {  	[tilespmem:s29+$0x88F0] =	vst v0  }
0xbc: {  	[tilespmem:s29+$0x8C80] =	vst v0  }
0xbd: {  	[tilespmem:s29+$0x8C90] =	vst v0  }
0xbe: {  	[tilespmem:s29+$0x8CA0] =	vst v0  }
0xbf: {  	[tilespmem:s29+$0x8CB0] =	vst v0  }
0xc0: {  	[tilespmem:s29+$0x8CC0] =	vst v0  }
0xc1: {  	[tilespmem:s29+$0x8CD0] =	vst v0  }
0xc2: {  	[tilespmem:s29+$0x8CE0] =	vst v0  }
0xc3: {  	[tilespmem:s29+$0x8CF0] =	vst v0  }
0xc4: {  	[tilespmem:s29+$0x9080] =	vst v0  }
0xc5: {  	[tilespmem:s29+$0x9090] =	vst v0  }
0xc6: {  	[tilespmem:s29+$0x90A0] =	vst v0  }
0xc7: {  	[tilespmem:s29+$0x90B0] =	vst v0  }
0xc8: {  	[tilespmem:s29+$0x90C0] =	vst v0  }
0xc9: {  	[tilespmem:s29+$0x90D0] =	vst v0  }
0xca: {  	[tilespmem:s29+$0x90E0] =	vst v0  }
0xcb: {  	[tilespmem:s29+$0x90F0] =	vst v0  }
0xcc: {  	[tilespmem:s29+$0x9480] =	vst v0  }
0xcd: {  	[tilespmem:s29+$0x9490] =	vst v0  }
0xce: {  	[tilespmem:s29+$0x94A0] =	vst v0  }
0xcf: {  	[tilespmem:s29+$0x94B0] =	vst v0  }
0xd0: {  	[tilespmem:s29+$0x94C0] =	vst v0  }
0xd1: {  	[tilespmem:s29+$0x94D0] =	vst v0  }
0xd2: {  	[tilespmem:s29+$0x94E0] =	vst v0  }
0xd3: {  	[tilespmem:s29+$0x94F0] =	vst v0  }
0xd4: {  	[tilespmem:s29+$0x9880] =	vst v0  }
0xd5: {  	[tilespmem:s29+$0x9890] =	vst v0  }
0xd6: {  	[tilespmem:s29+$0x98A0] =	vst v0  }
0xd7: {  	[tilespmem:s29+$0x98B0] =	vst v0  }
0xd8: {  	[tilespmem:s29+$0x98C0] =	vst v0  }
0xd9: {  	[tilespmem:s29+$0x98D0] =	vst v0  }
0xda: {  	[tilespmem:s29+$0x98E0] =	vst v0  }
0xdb: {  	[tilespmem:s29+$0x98F0] =	vst v0  }
0xdc: {  	[tilespmem:s29+$0x9C80] =	vst v0  }
0xdd: {  	[tilespmem:s29+$0x9C90] =	vst v0  }
0xde: {  	[tilespmem:s29+$0x9CA0] =	vst v0  }
0xdf: {  	[tilespmem:s29+$0x9CB0] =	vst v0  }
0xe0: {  	[tilespmem:s29+$0x9CC0] =	vst v0  }
0xe1: {  	[tilespmem:s29+$0x9CD0] =	vst v0  }
0xe2: {  	[tilespmem:s29+$0x9CE0] =	vst v0  }
0xe3: {  	[tilespmem:s29+$0x9CF0] =	vst v0  }
0xe4: {  	[tilespmem:s29+$0xA080] =	vst v0  }
0xe5: {  	[tilespmem:s29+$0xA090] =	vst v0  }
0xe6: {  	[tilespmem:s29+$0xA0A0] =	vst v0  }
0xe7: {  	[tilespmem:s29+$0xA0B0] =	vst v0  }
0xe8: {  	[tilespmem:s29+$0xA0C0] =	vst v0  }
0xe9: {  	[tilespmem:s29+$0xA0D0] =	vst v0  }
0xea: {  	[tilespmem:s29+$0xA0E0] =	vst v0  }
0xeb: {  	[tilespmem:s29+$0xA0F0] =	vst v0  }
0xec: {  	[tilespmem:s29+$0xA480] =	vst v0  }
0xed: {  	[tilespmem:s29+$0xA490] =	vst v0  }
0xee: {  	[tilespmem:s29+$0xA4A0] =	vst v0  }
0xef: {  	[tilespmem:s29+$0xA4B0] =	vst v0  }
0xf0: {  	[tilespmem:s29+$0xA4C0] =	vst v0  }
0xf1: {  	[tilespmem:s29+$0xA4D0] =	vst v0  }
0xf2: {  	[tilespmem:s29+$0xA4E0] =	vst v0  }
0xf3: {  	[tilespmem:s29+$0xA4F0] =	vst v0  }
0xf4: {  	[tilespmem:s29+$0xA880] =	vst v0  }
0xf5: {  	[tilespmem:s29+$0xA890] =	vst v0  }
0xf6: {  	[tilespmem:s29+$0xA8A0] =	vst v0  }
0xf7: {  	[tilespmem:s29+$0xA8B0] =	vst v0  }
0xf8: {  	[tilespmem:s29+$0xA8C0] =	vst v0  }
0xf9: {  	[tilespmem:s29+$0xA8D0] =	vst v0  }
0xfa: {  	[tilespmem:s29+$0xA8E0] =	vst v0  }
0xfb: {  	[tilespmem:s29+$0xA8F0] =	vst v0  }
0xfc: {  	[tilespmem:s29+$0xAC80] =	vst v0  }
0xfd: {  	[tilespmem:s29+$0xAC90] =	vst v0  }
0xfe: {  	[tilespmem:s29+$0xACA0] =	vst v0  }
0xff: {  	[tilespmem:s29+$0xACB0] =	vst v0  }
0x100: {  	[tilespmem:s29+$0xACC0] =	vst v0  }
0x101: {  	[tilespmem:s29+$0xACD0] =	vst v0  }
0x102: {  	s13 =	sadd.s32 $0x80, s13;
	[tilespmem:s29+$0xACE0] =	vst v0  }
0x103: {  	s31 =	sor.u32 $0x3000, s13;
	[tilespmem:s29+$0xACF0] =	vst v0  }
0x104: {  	s7 =	sor.u32 $0x3010, s13;
	[tilespmem:s31+$0x8000] =	vst v0  }
0x105: {  	s30 =	sor.u32 $0x3020, s13;
	[tilespmem:s7+$0x8000] =	vst v0  }
0x106: {  	s31 =	sor.u32 $0x3030, s13;
	[tilespmem:s30+$0x8000] =	vst v0  }
0x107: {  	s7 =	sor.u32 $0x3040, s13;
	[tilespmem:s31+$0x8000] =	vst v0  }
0x108: {  	s30 =	sor.u32 $0x3050, s13;
	[tilespmem:s7+$0x8000] =	vst v0  }
0x109: {  	s31 =	sor.u32 $0x3060, s13;
	[tilespmem:s30+$0x8000] =	vst v0  }
0x10a: {  	s7 =	sor.u32 $0x3070, s13;
	[tilespmem:s31+$0x8000] =	vst v0  }
0x10b: {  	s30 =	sor.u32 $0x3400, s13;
	[tilespmem:s7+$0x8000] =	vst v0  }
0x10c: {  	s31 =	sor.u32 $0x3410, s13;
	[tilespmem:s30+$0x8000] =	vst v0  }
0x10d: {  	s7 =	sor.u32 $0x3420, s13;
	[tilespmem:s31+$0x8000] =	vst v0  }
0x10e: {  	s30 =	sor.u32 $0x3430, s13;
	[tilespmem:s7+$0x8000] =	vst v0  }
0x10f: {  	s31 =	sor.u32 $0x3440, s13;
	[tilespmem:s30+$0x8000] =	vst v0  }
0x110: {  	s7 =	sor.u32 $0x3450, s13;
	[tilespmem:s31+$0x8000] =	vst v0  }
0x111: {  	s30 =	sor.u32 $0x3460, s13;
	[tilespmem:s7+$0x8000] =	vst v0  }
0x112: {  	s31 =	sor.u32 $0x3470, s13;
	[tilespmem:s30+$0x8000] =	vst v0  }
0x113: {  	s7 =	sor.u32 $0x3800, s13;
	[tilespmem:s31+$0x8000] =	vst v0  }
0x114: {  	s30 =	sor.u32 $0x3810, s13;
	[tilespmem:s7+$0x8000] =	vst v0  }
0x115: {  	s31 =	sor.u32 $0x3820, s13;
	[tilespmem:s30+$0x8000] =	vst v0  }
0x116: {  	s7 =	sor.u32 $0x3830, s13;
	[tilespmem:s31+$0x8000] =	vst v0  }
0x117: {  	s30 =	sor.u32 $0x3840, s13;
	[tilespmem:s7+$0x8000] =	vst v0  }
0x118: {  	s31 =	sor.u32 $0x3850, s13;
	[tilespmem:s30+$0x8000] =	vst v0  }
0x119: {  	s7 =	sor.u32 $0x3860, s13;
	[tilespmem:s31+$0x8000] =	vst v0  }
0x11a: {  	s30 =	sor.u32 $0x3870, s13;
	[tilespmem:s7+$0x8000] =	vst v0  }
0x11b: {  	s31 =	sor.u32 $0x3C00, s13;
	[tilespmem:s30+$0x8000] =	vst v0  }
0x11c: {  	s7 =	sor.u32 $0x3C10, s13;
	[tilespmem:s31+$0x8000] =	vst v0  }
0x11d: {  	s0 =	sadd.s32 $0x2, s0;
	s30 =	sor.u32 $0x3C20, s13;
	[tilespmem:s7+$0x8000] =	vst v0  }
0x11e: {  	p0 =	slt.u32 s0, $0xE;
	s31 =	sor.u32 $0x3C30, s13;
	[tilespmem:s30+$0x8000] =	vst v0  }
.Ltmp2:
0x11f: {  	s7 =	sor.u32 $0x3C40, s13;
	[tilespmem:s31+$0x8000] =	vst v0;
	(pc) =	sbr.rel @p0 .LBB2_3-.Ltmp2, $4  }
0x120: {  	s30 =	sor.u32 $0x3C50, s13;
	[tilespmem:s7+$0x8000] =	vst v0  }
0x121: {  	s31 =	sor.u32 $0x3C60, s13;
	[tilespmem:s30+$0x8000] =	vst v0  }
0x122: {  	s13 =	sor.u32 $0x3C70, s13;
	[tilespmem:s31+$0x8000] =	vst v0  }
0x123: {  	s28 =	sadd.s32 $0x100, s28;
	s2 =	sadd.s32 $0x1, s2;
	s26 =	sadd.s32 $0x1000, s26;
	[tilespmem:s13+$0x8000] =	vst v0  }
0x124: {  	_ =	swait.ge [sflag:s16], $0x2000  }
0x125: {  	[sflag:s16] =	ssyncset.done $0x0  }
0x126: {  	[sflag:s16] =	ssyncadd.s32 $0xFFFFE000  }
0x127: {  	s26 =	simm.s32 $0x80;
	s28 =	simm.s32 $0x0;
	_ =	swait.ge [sflag:s16], $0x2000  }
0x128: {  	s29 =	simm.s32 $0x0;
	s30 =	simm.s32 $0x0;
	[sflag:s16] =	ssyncset.done $0x0  }
0x129: {  	s31 =	simm.s32 $0x80;
	s0 =	simm.s32 $0x0;
	[sflag:s16] =	ssyncadd.s32 $0xFFFFE000  }
.LBB2_5:
0x12a: {  	s13 =	sadd.s32 $0xFFFFFF80, s31  }
0x12b: {  	s2 =	sand.u32 $0x1000, s29;
	s13 =	sand.u32 $0x300, s13  }
0x12c: {  	s13 =	sor.u32 s13, s2  }
0x12d: {  	v1 =	vld [tilespmem:s13+$0x0];
	_ =	sdelay $0x3  }
0x12e: {  	v2 =	vmov s0  }
0x12f: {  	v3 =	vshll.u32 v2, $0xB;
	v4 =	vshrl.u32 v1, $0x3  }
0x130: {  	v5 =	vshrl.u32 v1, $0x6;
	v1 =	vand.u32 $0x4000, v3;
	v3 =	vand.u32 $0x1FFFFC00, v4  }
0x131: {  	v2 =	vshll.u32 v2, $0x7;
	v48 =	vand.u32 $0x7F, v5;
	v3 =	vadd.s32 v1, v3  }
0x132: {  	v2 =	vand.u32 $0x300, v2;
	v3 =	vor.u32 v48, v3  }
0x133: {  	v49 =	vld [tilespmem:s13+$0x4000];
	v3 =	vor.u32 v2, v3;
	_ =	sdelay $0x4  }
0x134: {  	[tilespmem:v3+s17+$0x0] =	vst.idx.msk $0xffff, v49  }
0x135: {  	v3 =	vld [tilespmem:s13+$0x10];
	_ =	sdelay $0x4  }
0x136: {  	v50 =	vshrl.u32 v3, $0x3  }
0x137: {  	v3 =	vshrl.u32 v3, $0x6;
	v4 =	vand.u32 $0x1FFFFC00, v50  }
0x138: {  	v3 =	vand.u32 $0x7F, v3;
	v4 =	vadd.s32 v1, v4  }
0x139: {  	v3 =	vor.u32 v3, v4  }
0x13a: {  	v51 =	vld [tilespmem:s13+$0x4010];
	v3 =	vor.u32 v2, v3;
	_ =	sdelay $0x4  }
0x13b: {  	[tilespmem:v3+s17+$0x0] =	vst.idx.msk $0xffff, v51  }
0x13c: {  	v3 =	vld [tilespmem:s13+$0x20];
	_ =	sdelay $0x4  }
0x13d: {  	v52 =	vshrl.u32 v3, $0x3  }
0x13e: {  	v3 =	vshrl.u32 v3, $0x6;
	v4 =	vand.u32 $0x1FFFFC00, v52  }
0x13f: {  	v3 =	vand.u32 $0x7F, v3;
	v4 =	vadd.s32 v1, v4  }
0x140: {  	v3 =	vor.u32 v3, v4  }
0x141: {  	v53 =	vld [tilespmem:s13+$0x4020];
	v3 =	vor.u32 v2, v3;
	_ =	sdelay $0x4  }
0x142: {  	[tilespmem:v3+s17+$0x0] =	vst.idx.msk $0xffff, v53  }
0x143: {  	v3 =	vld [tilespmem:s13+$0x30];
	_ =	sdelay $0x4  }
0x144: {  	v54 =	vshrl.u32 v3, $0x3  }
0x145: {  	v3 =	vshrl.u32 v3, $0x6;
	v4 =	vand.u32 $0x1FFFFC00, v54  }
0x146: {  	v3 =	vand.u32 $0x7F, v3;
	v4 =	vadd.s32 v1, v4  }
0x147: {  	v3 =	vor.u32 v3, v4  }
0x148: {  	v55 =	vld [tilespmem:s13+$0x4030];
	v3 =	vor.u32 v2, v3;
	_ =	sdelay $0x4  }
0x149: {  	[tilespmem:v3+s17+$0x0] =	vst.idx.msk $0xffff, v55  }
0x14a: {  	v3 =	vld [tilespmem:s13+$0x40];
	_ =	sdelay $0x4  }
0x14b: {  	v56 =	vshrl.u32 v3, $0x3  }
0x14c: {  	v3 =	vshrl.u32 v3, $0x6;
	v4 =	vand.u32 $0x1FFFFC00, v56  }
0x14d: {  	v3 =	vand.u32 $0x7F, v3;
	v4 =	vadd.s32 v1, v4  }
0x14e: {  	v3 =	vor.u32 v3, v4  }
0x14f: {  	v57 =	vld [tilespmem:s13+$0x4040];
	v3 =	vor.u32 v2, v3;
	_ =	sdelay $0x4  }
0x150: {  	[tilespmem:v3+s17+$0x0] =	vst.idx.msk $0xffff, v57  }
0x151: {  	v3 =	vld [tilespmem:s13+$0x50];
	_ =	sdelay $0x4  }
0x152: {  	v58 =	vshrl.u32 v3, $0x3  }
0x153: {  	v3 =	vshrl.u32 v3, $0x6;
	v4 =	vand.u32 $0x1FFFFC00, v58  }
0x154: {  	v3 =	vand.u32 $0x7F, v3;
	v4 =	vadd.s32 v1, v4  }
0x155: {  	v3 =	vor.u32 v3, v4  }
0x156: {  	v59 =	vld [tilespmem:s13+$0x4050];
	v3 =	vor.u32 v2, v3;
	_ =	sdelay $0x4  }
0x157: {  	[tilespmem:v3+s17+$0x0] =	vst.idx.msk $0xffff, v59  }
0x158: {  	v3 =	vld [tilespmem:s13+$0x60];
	_ =	sdelay $0x4  }
0x159: {  	v60 =	vshrl.u32 v3, $0x3  }
0x15a: {  	v3 =	vshrl.u32 v3, $0x6;
	v4 =	vand.u32 $0x1FFFFC00, v60  }
0x15b: {  	v3 =	vand.u32 $0x7F, v3;
	v4 =	vadd.s32 v1, v4  }
0x15c: {  	v3 =	vor.u32 v3, v4  }
0x15d: {  	v61 =	vld [tilespmem:s13+$0x4060];
	v3 =	vor.u32 v2, v3;
	_ =	sdelay $0x4  }
0x15e: {  	[tilespmem:v3+s17+$0x0] =	vst.idx.msk $0xffff, v61  }
0x15f: {  	v3 =	vld [tilespmem:s13+$0x70];
	_ =	sdelay $0x4  }
0x160: {  	v62 =	vshrl.u32 v3, $0x3  }
0x161: {  	v3 =	vshrl.u32 v3, $0x6;
	v4 =	vand.u32 $0x1FFFFC00, v62  }
0x162: {  	v3 =	vand.u32 $0x7F, v3;
	v4 =	vadd.s32 v1, v4  }
0x163: {  	v3 =	vor.u32 v3, v4  }
0x164: {  	v63 =	vld [tilespmem:s13+$0x4070];
	v3 =	vor.u32 v2, v3;
	_ =	sdelay $0x4  }
0x165: {  	[tilespmem:v3+s17+$0x0] =	vst.idx.msk $0xffff, v63  }
0x166: {  	v3 =	vld [tilespmem:s13+$0x400];
	_ =	sdelay $0x4  }
0x167: {  	v8 =	vshrl.u32 v3, $0x3  }
0x168: {  	v3 =	vshrl.u32 v3, $0x6;
	v4 =	vand.u32 $0x1FFFFC00, v8  }
0x169: {  	v3 =	vand.u32 $0x7F, v3;
	v4 =	vadd.s32 v1, v4  }
0x16a: {  	v3 =	vor.u32 v3, v4  }
0x16b: {  	v9 =	vld [tilespmem:s13+$0x4400];
	v3 =	vor.u32 v2, v3;
	_ =	sdelay $0x4  }
0x16c: {  	[tilespmem:v3+s17+$0x0] =	vst.idx.msk $0xffff, v9  }
0x16d: {  	v3 =	vld [tilespmem:s13+$0x410];
	_ =	sdelay $0x4  }
0x16e: {  	v10 =	vshrl.u32 v3, $0x3  }
0x16f: {  	v3 =	vshrl.u32 v3, $0x6;
	v4 =	vand.u32 $0x1FFFFC00, v10  }
0x170: {  	v3 =	vand.u32 $0x7F, v3;
	v4 =	vadd.s32 v1, v4  }
0x171: {  	v3 =	vor.u32 v3, v4  }
0x172: {  	v11 =	vld [tilespmem:s13+$0x4410];
	v3 =	vor.u32 v2, v3;
	_ =	sdelay $0x4  }
0x173: {  	[tilespmem:v3+s17+$0x0] =	vst.idx.msk $0xffff, v11  }
0x174: {  	v3 =	vld [tilespmem:s13+$0x420];
	_ =	sdelay $0x4  }
0x175: {  	v12 =	vshrl.u32 v3, $0x3  }
0x176: {  	v3 =	vshrl.u32 v3, $0x6;
	v4 =	vand.u32 $0x1FFFFC00, v12  }
0x177: {  	v3 =	vand.u32 $0x7F, v3;
	v4 =	vadd.s32 v1, v4  }
0x178: {  	v3 =	vor.u32 v3, v4  }
0x179: {  	v13 =	vld [tilespmem:s13+$0x4420];
	v3 =	vor.u32 v2, v3;
	_ =	sdelay $0x4  }
0x17a: {  	[tilespmem:v3+s17+$0x0] =	vst.idx.msk $0xffff, v13  }
0x17b: {  	v3 =	vld [tilespmem:s13+$0x430];
	_ =	sdelay $0x4  }
0x17c: {  	v14 =	vshrl.u32 v3, $0x3  }
0x17d: {  	v3 =	vshrl.u32 v3, $0x6;
	v4 =	vand.u32 $0x1FFFFC00, v14  }
0x17e: {  	v3 =	vand.u32 $0x7F, v3;
	v4 =	vadd.s32 v1, v4  }
0x17f: {  	v3 =	vor.u32 v3, v4  }
0x180: {  	v15 =	vld [tilespmem:s13+$0x4430];
	v3 =	vor.u32 v2, v3;
	_ =	sdelay $0x4  }
0x181: {  	[tilespmem:v3+s17+$0x0] =	vst.idx.msk $0xffff, v15  }
0x182: {  	v3 =	vld [tilespmem:s13+$0x440];
	_ =	sdelay $0x4  }
0x183: {  	v16 =	vshrl.u32 v3, $0x3  }
0x184: {  	v3 =	vshrl.u32 v3, $0x6;
	v4 =	vand.u32 $0x1FFFFC00, v16  }
0x185: {  	v3 =	vand.u32 $0x7F, v3;
	v4 =	vadd.s32 v1, v4  }
0x186: {  	v3 =	vor.u32 v3, v4  }
0x187: {  	v17 =	vld [tilespmem:s13+$0x4440];
	v3 =	vor.u32 v2, v3;
	_ =	sdelay $0x4  }
0x188: {  	[tilespmem:v3+s17+$0x0] =	vst.idx.msk $0xffff, v17  }
0x189: {  	v3 =	vld [tilespmem:s13+$0x450];
	_ =	sdelay $0x4  }
0x18a: {  	v18 =	vshrl.u32 v3, $0x3  }
0x18b: {  	v3 =	vshrl.u32 v3, $0x6;
	v4 =	vand.u32 $0x1FFFFC00, v18  }
0x18c: {  	v3 =	vand.u32 $0x7F, v3;
	v4 =	vadd.s32 v1, v4  }
0x18d: {  	v3 =	vor.u32 v3, v4  }
0x18e: {  	v19 =	vld [tilespmem:s13+$0x4450];
	v3 =	vor.u32 v2, v3;
	_ =	sdelay $0x4  }
0x18f: {  	[tilespmem:v3+s17+$0x0] =	vst.idx.msk $0xffff, v19  }
0x190: {  	v3 =	vld [tilespmem:s13+$0x460];
	_ =	sdelay $0x4  }
0x191: {  	v20 =	vshrl.u32 v3, $0x3  }
0x192: {  	v3 =	vshrl.u32 v3, $0x6;
	v4 =	vand.u32 $0x1FFFFC00, v20  }
0x193: {  	v3 =	vand.u32 $0x7F, v3;
	v4 =	vadd.s32 v1, v4  }
0x194: {  	v3 =	vor.u32 v3, v4  }
0x195: {  	v21 =	vld [tilespmem:s13+$0x4460];
	v3 =	vor.u32 v2, v3;
	_ =	sdelay $0x4  }
0x196: {  	[tilespmem:v3+s17+$0x0] =	vst.idx.msk $0xffff, v21  }
0x197: {  	v3 =	vld [tilespmem:s13+$0x470];
	_ =	sdelay $0x4  }
0x198: {  	v22 =	vshrl.u32 v3, $0x3  }
0x199: {  	v3 =	vshrl.u32 v3, $0x6;
	v4 =	vand.u32 $0x1FFFFC00, v22  }
0x19a: {  	v3 =	vand.u32 $0x7F, v3;
	v4 =	vadd.s32 v1, v4  }
0x19b: {  	v3 =	vor.u32 v3, v4  }
0x19c: {  	v23 =	vld [tilespmem:s13+$0x4470];
	v3 =	vor.u32 v2, v3;
	_ =	sdelay $0x4  }
0x19d: {  	[tilespmem:v3+s17+$0x0] =	vst.idx.msk $0xffff, v23  }
0x19e: {  	v3 =	vld [tilespmem:s13+$0x800];
	_ =	sdelay $0x4  }
0x19f: {  	v24 =	vshrl.u32 v3, $0x3  }
0x1a0: {  	v3 =	vshrl.u32 v3, $0x6;
	v4 =	vand.u32 $0x1FFFFC00, v24  }
0x1a1: {  	v3 =	vand.u32 $0x7F, v3;
	v4 =	vadd.s32 v1, v4  }
0x1a2: {  	v3 =	vor.u32 v3, v4  }
0x1a3: {  	v25 =	vld [tilespmem:s13+$0x4800];
	v3 =	vor.u32 v2, v3;
	_ =	sdelay $0x4  }
0x1a4: {  	[tilespmem:v3+s17+$0x0] =	vst.idx.msk $0xffff, v25  }
0x1a5: {  	v3 =	vld [tilespmem:s13+$0x810];
	_ =	sdelay $0x4  }
0x1a6: {  	v26 =	vshrl.u32 v3, $0x3  }
0x1a7: {  	v3 =	vshrl.u32 v3, $0x6;
	v4 =	vand.u32 $0x1FFFFC00, v26  }
0x1a8: {  	v3 =	vand.u32 $0x7F, v3;
	v4 =	vadd.s32 v1, v4  }
0x1a9: {  	v3 =	vor.u32 v3, v4  }
0x1aa: {  	v27 =	vld [tilespmem:s13+$0x4810];
	v3 =	vor.u32 v2, v3;
	_ =	sdelay $0x4  }
0x1ab: {  	[tilespmem:v3+s17+$0x0] =	vst.idx.msk $0xffff, v27  }
0x1ac: {  	v3 =	vld [tilespmem:s13+$0x820];
	_ =	sdelay $0x4  }
0x1ad: {  	v28 =	vshrl.u32 v3, $0x3  }
0x1ae: {  	v3 =	vshrl.u32 v3, $0x6;
	v4 =	vand.u32 $0x1FFFFC00, v28  }
0x1af: {  	v3 =	vand.u32 $0x7F, v3;
	v4 =	vadd.s32 v1, v4  }
0x1b0: {  	v3 =	vor.u32 v3, v4  }
0x1b1: {  	v29 =	vld [tilespmem:s13+$0x4820];
	v3 =	vor.u32 v2, v3;
	_ =	sdelay $0x4  }
0x1b2: {  	[tilespmem:v3+s17+$0x0] =	vst.idx.msk $0xffff, v29  }
0x1b3: {  	v3 =	vld [tilespmem:s13+$0x830];
	_ =	sdelay $0x4  }
0x1b4: {  	v30 =	vshrl.u32 v3, $0x3  }
0x1b5: {  	v3 =	vshrl.u32 v3, $0x6;
	v4 =	vand.u32 $0x1FFFFC00, v30  }
0x1b6: {  	v3 =	vand.u32 $0x7F, v3;
	v4 =	vadd.s32 v1, v4  }
0x1b7: {  	v3 =	vor.u32 v3, v4  }
0x1b8: {  	v31 =	vld [tilespmem:s13+$0x4830];
	v3 =	vor.u32 v2, v3;
	_ =	sdelay $0x4  }
0x1b9: {  	[tilespmem:v3+s17+$0x0] =	vst.idx.msk $0xffff, v31  }
0x1ba: {  	v3 =	vld [tilespmem:s13+$0x840];
	_ =	sdelay $0x4  }
0x1bb: {  	v32 =	vshrl.u32 v3, $0x3  }
0x1bc: {  	v3 =	vshrl.u32 v3, $0x6;
	v4 =	vand.u32 $0x1FFFFC00, v32  }
0x1bd: {  	v3 =	vand.u32 $0x7F, v3;
	v4 =	vadd.s32 v1, v4  }
0x1be: {  	v3 =	vor.u32 v3, v4  }
0x1bf: {  	v33 =	vld [tilespmem:s13+$0x4840];
	v3 =	vor.u32 v2, v3;
	_ =	sdelay $0x4  }
0x1c0: {  	[tilespmem:v3+s17+$0x0] =	vst.idx.msk $0xffff, v33  }
0x1c1: {  	v3 =	vld [tilespmem:s13+$0x850];
	_ =	sdelay $0x4  }
0x1c2: {  	v34 =	vshrl.u32 v3, $0x3  }
0x1c3: {  	v3 =	vshrl.u32 v3, $0x6;
	v4 =	vand.u32 $0x1FFFFC00, v34  }
0x1c4: {  	v3 =	vand.u32 $0x7F, v3;
	v4 =	vadd.s32 v1, v4  }
0x1c5: {  	v3 =	vor.u32 v3, v4  }
0x1c6: {  	v35 =	vld [tilespmem:s13+$0x4850];
	v3 =	vor.u32 v2, v3;
	_ =	sdelay $0x4  }
0x1c7: {  	[tilespmem:v3+s17+$0x0] =	vst.idx.msk $0xffff, v35  }
0x1c8: {  	v3 =	vld [tilespmem:s13+$0x860];
	_ =	sdelay $0x4  }
0x1c9: {  	v36 =	vshrl.u32 v3, $0x3  }
0x1ca: {  	v3 =	vshrl.u32 v3, $0x6;
	v4 =	vand.u32 $0x1FFFFC00, v36  }
0x1cb: {  	v3 =	vand.u32 $0x7F, v3;
	v4 =	vadd.s32 v1, v4  }
0x1cc: {  	v3 =	vor.u32 v3, v4  }
0x1cd: {  	v37 =	vld [tilespmem:s13+$0x4860];
	v3 =	vor.u32 v2, v3;
	_ =	sdelay $0x4  }
0x1ce: {  	[tilespmem:v3+s17+$0x0] =	vst.idx.msk $0xffff, v37  }
0x1cf: {  	v3 =	vld [tilespmem:s13+$0x870];
	_ =	sdelay $0x4  }
0x1d0: {  	v38 =	vshrl.u32 v3, $0x3  }
0x1d1: {  	v3 =	vshrl.u32 v3, $0x6;
	v4 =	vand.u32 $0x1FFFFC00, v38  }
0x1d2: {  	v3 =	vand.u32 $0x7F, v3;
	v4 =	vadd.s32 v1, v4  }
0x1d3: {  	v3 =	vor.u32 v3, v4  }
0x1d4: {  	v39 =	vld [tilespmem:s13+$0x4870];
	v3 =	vor.u32 v2, v3;
	_ =	sdelay $0x1  }
0x1d5: {  	s7 =	sand.u32 $0x3, s28  }
0x1d6: {  	s13 =	sshll.u32 s7, $0x8  }
0x1d7: {  	s13 =	sadd.s32 s13, s29  }
0x1d8: {  	s7 =	sor.u32 $0xC00, s13;
	[tilespmem:v3+s17+$0x0] =	vst.idx.msk $0xffff, v39  }
0x1d9: {  	v3 =	vld [tilespmem:s7+$0x0];
	_ =	sdelay $0x4  }
0x1da: {  	v40 =	vshrl.u32 v3, $0x3  }
0x1db: {  	v3 =	vshrl.u32 v3, $0x6;
	v4 =	vand.u32 $0x1FFFFC00, v40  }
0x1dc: {  	v3 =	vand.u32 $0x7F, v3;
	v4 =	vadd.s32 v1, v4  }
0x1dd: {  	v3 =	vor.u32 v3, v4  }
0x1de: {  	v41 =	vld [tilespmem:s7+$0x4000];
	v3 =	vor.u32 v2, v3;
	_ =	sdelay $0x4  }
0x1df: {  	s7 =	sor.u32 $0xC10, s13;
	[tilespmem:v3+s17+$0x0] =	vst.idx.msk $0xffff, v41  }
0x1e0: {  	v3 =	vld [tilespmem:s7+$0x0];
	_ =	sdelay $0x4  }
0x1e1: {  	v42 =	vshrl.u32 v3, $0x3  }
0x1e2: {  	v3 =	vshrl.u32 v3, $0x6;
	v4 =	vand.u32 $0x1FFFFC00, v42  }
0x1e3: {  	v3 =	vand.u32 $0x7F, v3;
	v4 =	vadd.s32 v1, v4  }
0x1e4: {  	v3 =	vor.u32 v3, v4  }
0x1e5: {  	v43 =	vld [tilespmem:s7+$0x4000];
	v3 =	vor.u32 v2, v3;
	_ =	sdelay $0x4  }
0x1e6: {  	s7 =	sor.u32 $0xC20, s13;
	[tilespmem:v3+s17+$0x0] =	vst.idx.msk $0xffff, v43  }
0x1e7: {  	v3 =	vld [tilespmem:s7+$0x0];
	_ =	sdelay $0x4  }
0x1e8: {  	v44 =	vshrl.u32 v3, $0x3  }
0x1e9: {  	v3 =	vshrl.u32 v3, $0x6;
	v4 =	vand.u32 $0x1FFFFC00, v44  }
0x1ea: {  	v3 =	vand.u32 $0x7F, v3;
	v4 =	vadd.s32 v1, v4  }
0x1eb: {  	v3 =	vor.u32 v3, v4  }
0x1ec: {  	v45 =	vld [tilespmem:s7+$0x4000];
	v3 =	vor.u32 v2, v3;
	_ =	sdelay $0x4  }
0x1ed: {  	s7 =	sor.u32 $0xC30, s13;
	[tilespmem:v3+s17+$0x0] =	vst.idx.msk $0xffff, v45  }
0x1ee: {  	v3 =	vld [tilespmem:s7+$0x0];
	_ =	sdelay $0x4  }
0x1ef: {  	v46 =	vshrl.u32 v3, $0x3  }
0x1f0: {  	v3 =	vshrl.u32 v3, $0x6;
	v4 =	vand.u32 $0x1FFFFC00, v46  }
0x1f1: {  	v3 =	vand.u32 $0x7F, v3;
	v4 =	vadd.s32 v1, v4  }
0x1f2: {  	v3 =	vor.u32 v3, v4  }
0x1f3: {  	v47 =	vld [tilespmem:s7+$0x4000];
	v3 =	vor.u32 v2, v3;
	_ =	sdelay $0x4  }
0x1f4: {  	s7 =	sor.u32 $0xC40, s13;
	[tilespmem:v3+s17+$0x0] =	vst.idx.msk $0xffff, v47  }
0x1f5: {  	v3 =	vld [tilespmem:s7+$0x0];
	_ =	sdelay $0x4  }
0x1f6: {  	v48 =	vshrl.u32 v3, $0x3  }
0x1f7: {  	v3 =	vshrl.u32 v3, $0x6;
	v4 =	vand.u32 $0x1FFFFC00, v48  }
0x1f8: {  	v3 =	vand.u32 $0x7F, v3;
	v4 =	vadd.s32 v1, v4  }
0x1f9: {  	v3 =	vor.u32 v3, v4  }
0x1fa: {  	v49 =	vld [tilespmem:s7+$0x4000];
	v3 =	vor.u32 v2, v3;
	_ =	sdelay $0x4  }
0x1fb: {  	s7 =	sor.u32 $0xC50, s13;
	[tilespmem:v3+s17+$0x0] =	vst.idx.msk $0xffff, v49  }
0x1fc: {  	v3 =	vld [tilespmem:s7+$0x0];
	_ =	sdelay $0x4  }
0x1fd: {  	v50 =	vshrl.u32 v3, $0x3  }
0x1fe: {  	v3 =	vshrl.u32 v3, $0x6;
	v4 =	vand.u32 $0x1FFFFC00, v50  }
0x1ff: {  	v3 =	vand.u32 $0x7F, v3;
	v4 =	vadd.s32 v1, v4  }
0x200: {  	v3 =	vor.u32 v3, v4  }
0x201: {  	v51 =	vld [tilespmem:s7+$0x4000];
	v3 =	vor.u32 v2, v3;
	_ =	sdelay $0x4  }
0x202: {  	s7 =	sor.u32 $0xC60, s13;
	[tilespmem:v3+s17+$0x0] =	vst.idx.msk $0xffff, v51  }
0x203: {  	v3 =	vld [tilespmem:s7+$0x0];
	_ =	sdelay $0x4  }
0x204: {  	v52 =	vshrl.u32 v3, $0x3  }
0x205: {  	v3 =	vshrl.u32 v3, $0x6;
	v4 =	vand.u32 $0x1FFFFC00, v52  }
0x206: {  	v3 =	vand.u32 $0x7F, v3;
	v4 =	vadd.s32 v1, v4  }
0x207: {  	v3 =	vor.u32 v3, v4  }
0x208: {  	v53 =	vld [tilespmem:s7+$0x4000];
	v3 =	vor.u32 v2, v3;
	_ =	sdelay $0x4  }
0x209: {  	s13 =	sor.u32 $0xC70, s13;
	[tilespmem:v3+s17+$0x0] =	vst.idx.msk $0xffff, v53  }
0x20a: {  	v3 =	vld [tilespmem:s13+$0x0];
	_ =	sdelay $0x4  }
0x20b: {  	v54 =	vshrl.u32 v3, $0x3  }
0x20c: {  	v3 =	vshrl.u32 v3, $0x6;
	v4 =	vand.u32 $0x1FFFFC00, v54  }
0x20d: {  	v3 =	vand.u32 $0x7F, v3;
	v1 =	vadd.s32 v1, v4  }
0x20e: {  	v1 =	vor.u32 v3, v1  }
0x20f: {  	v3 =	vld [tilespmem:s13+$0x4000];
	v1 =	vor.u32 v2, v1;
	_ =	sdelay $0x3  }
0x210: {  	s13 =	sand.u32 $0x380, s31  }
0x211: {  	s2 =	sor.u32 s2, s13;
	[tilespmem:v1+s17+$0x0] =	vst.idx.msk $0xffff, v3  }
0x212: {  	v1 =	vld [tilespmem:s2+$0x0];
	_ =	sdelay $0x2  }
0x213: {  	s13 =	sadd.s32 $0x1, s0  }
0x214: {  	v2 =	vmov s13  }
0x215: {  	v3 =	vshll.u32 v2, $0xB;
	v55 =	vshrl.u32 v1, $0x3  }
0x216: {  	v56 =	vshrl.u32 v1, $0x6;
	v1 =	vand.u32 $0x4000, v3;
	v3 =	vand.u32 $0x1FFFFC00, v55  }
0x217: {  	v2 =	vshll.u32 v2, $0x7;
	v57 =	vand.u32 $0x7F, v56;
	v3 =	vadd.s32 v1, v3  }
0x218: {  	v2 =	vand.u32 $0x380, v2;
	v3 =	vor.u32 v57, v3  }
0x219: {  	v58 =	vld [tilespmem:s2+$0x4000];
	v3 =	vor.u32 v2, v3;
	_ =	sdelay $0x4  }
0x21a: {  	[tilespmem:v3+s17+$0x0] =	vst.idx.msk $0xffff, v58  }
0x21b: {  	v3 =	vld [tilespmem:s2+$0x10];
	_ =	sdelay $0x4  }
0x21c: {  	v59 =	vshrl.u32 v3, $0x3  }
0x21d: {  	v3 =	vshrl.u32 v3, $0x6;
	v4 =	vand.u32 $0x1FFFFC00, v59  }
0x21e: {  	v3 =	vand.u32 $0x7F, v3;
	v4 =	vadd.s32 v1, v4  }
0x21f: {  	v3 =	vor.u32 v3, v4  }
0x220: {  	v60 =	vld [tilespmem:s2+$0x4010];
	v3 =	vor.u32 v2, v3;
	_ =	sdelay $0x4  }
0x221: {  	[tilespmem:v3+s17+$0x0] =	vst.idx.msk $0xffff, v60  }
0x222: {  	v3 =	vld [tilespmem:s2+$0x20];
	_ =	sdelay $0x4  }
0x223: {  	v61 =	vshrl.u32 v3, $0x3  }
0x224: {  	v3 =	vshrl.u32 v3, $0x6;
	v4 =	vand.u32 $0x1FFFFC00, v61  }
0x225: {  	v3 =	vand.u32 $0x7F, v3;
	v4 =	vadd.s32 v1, v4  }
0x226: {  	v3 =	vor.u32 v3, v4  }
0x227: {  	v62 =	vld [tilespmem:s2+$0x4020];
	v3 =	vor.u32 v2, v3;
	_ =	sdelay $0x4  }
0x228: {  	[tilespmem:v3+s17+$0x0] =	vst.idx.msk $0xffff, v62  }
0x229: {  	v3 =	vld [tilespmem:s2+$0x30];
	_ =	sdelay $0x4  }
0x22a: {  	v63 =	vshrl.u32 v3, $0x3  }
0x22b: {  	v3 =	vshrl.u32 v3, $0x6;
	v4 =	vand.u32 $0x1FFFFC00, v63  }
0x22c: {  	v3 =	vand.u32 $0x7F, v3;
	v4 =	vadd.s32 v1, v4  }
0x22d: {  	v3 =	vor.u32 v3, v4  }
0x22e: {  	v8 =	vld [tilespmem:s2+$0x4030];
	v3 =	vor.u32 v2, v3;
	_ =	sdelay $0x4  }
0x22f: {  	[tilespmem:v3+s17+$0x0] =	vst.idx.msk $0xffff, v8  }
0x230: {  	v3 =	vld [tilespmem:s2+$0x40];
	_ =	sdelay $0x4  }
0x231: {  	v9 =	vshrl.u32 v3, $0x3  }
0x232: {  	v3 =	vshrl.u32 v3, $0x6;
	v4 =	vand.u32 $0x1FFFFC00, v9  }
0x233: {  	v3 =	vand.u32 $0x7F, v3;
	v4 =	vadd.s32 v1, v4  }
0x234: {  	v3 =	vor.u32 v3, v4  }
0x235: {  	v10 =	vld [tilespmem:s2+$0x4040];
	v3 =	vor.u32 v2, v3;
	_ =	sdelay $0x4  }
0x236: {  	[tilespmem:v3+s17+$0x0] =	vst.idx.msk $0xffff, v10  }
0x237: {  	v3 =	vld [tilespmem:s2+$0x50];
	_ =	sdelay $0x4  }
0x238: {  	v11 =	vshrl.u32 v3, $0x3  }
0x239: {  	v3 =	vshrl.u32 v3, $0x6;
	v4 =	vand.u32 $0x1FFFFC00, v11  }
0x23a: {  	v3 =	vand.u32 $0x7F, v3;
	v4 =	vadd.s32 v1, v4  }
0x23b: {  	v3 =	vor.u32 v3, v4  }
0x23c: {  	v12 =	vld [tilespmem:s2+$0x4050];
	v3 =	vor.u32 v2, v3;
	_ =	sdelay $0x4  }
0x23d: {  	[tilespmem:v3+s17+$0x0] =	vst.idx.msk $0xffff, v12  }
0x23e: {  	v3 =	vld [tilespmem:s2+$0x60];
	_ =	sdelay $0x4  }
0x23f: {  	v13 =	vshrl.u32 v3, $0x3  }
0x240: {  	v3 =	vshrl.u32 v3, $0x6;
	v4 =	vand.u32 $0x1FFFFC00, v13  }
0x241: {  	v3 =	vand.u32 $0x7F, v3;
	v4 =	vadd.s32 v1, v4  }
0x242: {  	v3 =	vor.u32 v3, v4  }
0x243: {  	v14 =	vld [tilespmem:s2+$0x4060];
	v3 =	vor.u32 v2, v3;
	_ =	sdelay $0x4  }
0x244: {  	[tilespmem:v3+s17+$0x0] =	vst.idx.msk $0xffff, v14  }
0x245: {  	v3 =	vld [tilespmem:s2+$0x70];
	_ =	sdelay $0x4  }
0x246: {  	v15 =	vshrl.u32 v3, $0x3  }
0x247: {  	v3 =	vshrl.u32 v3, $0x6;
	v4 =	vand.u32 $0x1FFFFC00, v15  }
0x248: {  	v3 =	vand.u32 $0x7F, v3;
	v4 =	vadd.s32 v1, v4  }
0x249: {  	v3 =	vor.u32 v3, v4  }
0x24a: {  	v16 =	vld [tilespmem:s2+$0x4070];
	v3 =	vor.u32 v2, v3;
	_ =	sdelay $0x4  }
0x24b: {  	[tilespmem:v3+s17+$0x0] =	vst.idx.msk $0xffff, v16  }
0x24c: {  	v3 =	vld [tilespmem:s2+$0x400];
	_ =	sdelay $0x4  }
0x24d: {  	v17 =	vshrl.u32 v3, $0x3  }
0x24e: {  	v3 =	vshrl.u32 v3, $0x6;
	v4 =	vand.u32 $0x1FFFFC00, v17  }
0x24f: {  	v3 =	vand.u32 $0x7F, v3;
	v4 =	vadd.s32 v1, v4  }
0x250: {  	v3 =	vor.u32 v3, v4  }
0x251: {  	v18 =	vld [tilespmem:s2+$0x4400];
	v3 =	vor.u32 v2, v3;
	_ =	sdelay $0x4  }
0x252: {  	[tilespmem:v3+s17+$0x0] =	vst.idx.msk $0xffff, v18  }
0x253: {  	v3 =	vld [tilespmem:s2+$0x410];
	_ =	sdelay $0x4  }
0x254: {  	v19 =	vshrl.u32 v3, $0x3  }
0x255: {  	v3 =	vshrl.u32 v3, $0x6;
	v4 =	vand.u32 $0x1FFFFC00, v19  }
0x256: {  	v3 =	vand.u32 $0x7F, v3;
	v4 =	vadd.s32 v1, v4  }
0x257: {  	v3 =	vor.u32 v3, v4  }
0x258: {  	v20 =	vld [tilespmem:s2+$0x4410];
	v3 =	vor.u32 v2, v3;
	_ =	sdelay $0x4  }
0x259: {  	[tilespmem:v3+s17+$0x0] =	vst.idx.msk $0xffff, v20  }
0x25a: {  	v3 =	vld [tilespmem:s2+$0x420];
	_ =	sdelay $0x4  }
0x25b: {  	v21 =	vshrl.u32 v3, $0x3  }
0x25c: {  	v3 =	vshrl.u32 v3, $0x6;
	v4 =	vand.u32 $0x1FFFFC00, v21  }
0x25d: {  	v3 =	vand.u32 $0x7F, v3;
	v4 =	vadd.s32 v1, v4  }
0x25e: {  	v3 =	vor.u32 v3, v4  }
0x25f: {  	v22 =	vld [tilespmem:s2+$0x4420];
	v3 =	vor.u32 v2, v3;
	_ =	sdelay $0x4  }
0x260: {  	[tilespmem:v3+s17+$0x0] =	vst.idx.msk $0xffff, v22  }
0x261: {  	v3 =	vld [tilespmem:s2+$0x430];
	_ =	sdelay $0x4  }
0x262: {  	v23 =	vshrl.u32 v3, $0x3  }
0x263: {  	v3 =	vshrl.u32 v3, $0x6;
	v4 =	vand.u32 $0x1FFFFC00, v23  }
0x264: {  	v3 =	vand.u32 $0x7F, v3;
	v4 =	vadd.s32 v1, v4  }
0x265: {  	v3 =	vor.u32 v3, v4  }
0x266: {  	v24 =	vld [tilespmem:s2+$0x4430];
	v3 =	vor.u32 v2, v3;
	_ =	sdelay $0x4  }
0x267: {  	[tilespmem:v3+s17+$0x0] =	vst.idx.msk $0xffff, v24  }
0x268: {  	v3 =	vld [tilespmem:s2+$0x440];
	_ =	sdelay $0x4  }
0x269: {  	v25 =	vshrl.u32 v3, $0x3  }
0x26a: {  	v3 =	vshrl.u32 v3, $0x6;
	v4 =	vand.u32 $0x1FFFFC00, v25  }
0x26b: {  	v3 =	vand.u32 $0x7F, v3;
	v4 =	vadd.s32 v1, v4  }
0x26c: {  	v3 =	vor.u32 v3, v4  }
0x26d: {  	v26 =	vld [tilespmem:s2+$0x4440];
	v3 =	vor.u32 v2, v3;
	_ =	sdelay $0x4  }
0x26e: {  	[tilespmem:v3+s17+$0x0] =	vst.idx.msk $0xffff, v26  }
0x26f: {  	v3 =	vld [tilespmem:s2+$0x450];
	_ =	sdelay $0x4  }
0x270: {  	v27 =	vshrl.u32 v3, $0x3  }
0x271: {  	v3 =	vshrl.u32 v3, $0x6;
	v4 =	vand.u32 $0x1FFFFC00, v27  }
0x272: {  	v3 =	vand.u32 $0x7F, v3;
	v4 =	vadd.s32 v1, v4  }
0x273: {  	v3 =	vor.u32 v3, v4  }
0x274: {  	v28 =	vld [tilespmem:s2+$0x4450];
	v3 =	vor.u32 v2, v3;
	_ =	sdelay $0x4  }
0x275: {  	[tilespmem:v3+s17+$0x0] =	vst.idx.msk $0xffff, v28  }
0x276: {  	v3 =	vld [tilespmem:s2+$0x460];
	_ =	sdelay $0x4  }
0x277: {  	v29 =	vshrl.u32 v3, $0x3  }
0x278: {  	v3 =	vshrl.u32 v3, $0x6;
	v4 =	vand.u32 $0x1FFFFC00, v29  }
0x279: {  	v3 =	vand.u32 $0x7F, v3;
	v4 =	vadd.s32 v1, v4  }
0x27a: {  	v3 =	vor.u32 v3, v4  }
0x27b: {  	v30 =	vld [tilespmem:s2+$0x4460];
	v3 =	vor.u32 v2, v3;
	_ =	sdelay $0x4  }
0x27c: {  	[tilespmem:v3+s17+$0x0] =	vst.idx.msk $0xffff, v30  }
0x27d: {  	v3 =	vld [tilespmem:s2+$0x470];
	_ =	sdelay $0x4  }
0x27e: {  	v31 =	vshrl.u32 v3, $0x3  }
0x27f: {  	v3 =	vshrl.u32 v3, $0x6;
	v4 =	vand.u32 $0x1FFFFC00, v31  }
0x280: {  	v3 =	vand.u32 $0x7F, v3;
	v4 =	vadd.s32 v1, v4  }
0x281: {  	v3 =	vor.u32 v3, v4  }
0x282: {  	v32 =	vld [tilespmem:s2+$0x4470];
	v3 =	vor.u32 v2, v3;
	_ =	sdelay $0x4  }
0x283: {  	[tilespmem:v3+s17+$0x0] =	vst.idx.msk $0xffff, v32  }
0x284: {  	v3 =	vld [tilespmem:s2+$0x800];
	_ =	sdelay $0x4  }
0x285: {  	v33 =	vshrl.u32 v3, $0x3  }
0x286: {  	v3 =	vshrl.u32 v3, $0x6;
	v4 =	vand.u32 $0x1FFFFC00, v33  }
0x287: {  	v3 =	vand.u32 $0x7F, v3;
	v4 =	vadd.s32 v1, v4  }
0x288: {  	v3 =	vor.u32 v3, v4  }
0x289: {  	v34 =	vld [tilespmem:s2+$0x4800];
	v3 =	vor.u32 v2, v3;
	_ =	sdelay $0x4  }
0x28a: {  	[tilespmem:v3+s17+$0x0] =	vst.idx.msk $0xffff, v34  }
0x28b: {  	v3 =	vld [tilespmem:s2+$0x810];
	_ =	sdelay $0x4  }
0x28c: {  	v35 =	vshrl.u32 v3, $0x3  }
0x28d: {  	v3 =	vshrl.u32 v3, $0x6;
	v4 =	vand.u32 $0x1FFFFC00, v35  }
0x28e: {  	v3 =	vand.u32 $0x7F, v3;
	v4 =	vadd.s32 v1, v4  }
0x28f: {  	v3 =	vor.u32 v3, v4  }
0x290: {  	v36 =	vld [tilespmem:s2+$0x4810];
	v3 =	vor.u32 v2, v3;
	_ =	sdelay $0x4  }
0x291: {  	[tilespmem:v3+s17+$0x0] =	vst.idx.msk $0xffff, v36  }
0x292: {  	v3 =	vld [tilespmem:s2+$0x820];
	_ =	sdelay $0x4  }
0x293: {  	v37 =	vshrl.u32 v3, $0x3  }
0x294: {  	v3 =	vshrl.u32 v3, $0x6;
	v4 =	vand.u32 $0x1FFFFC00, v37  }
0x295: {  	v3 =	vand.u32 $0x7F, v3;
	v4 =	vadd.s32 v1, v4  }
0x296: {  	v3 =	vor.u32 v3, v4  }
0x297: {  	v38 =	vld [tilespmem:s2+$0x4820];
	v3 =	vor.u32 v2, v3;
	_ =	sdelay $0x4  }
0x298: {  	[tilespmem:v3+s17+$0x0] =	vst.idx.msk $0xffff, v38  }
0x299: {  	v3 =	vld [tilespmem:s2+$0x830];
	_ =	sdelay $0x4  }
0x29a: {  	v39 =	vshrl.u32 v3, $0x3  }
0x29b: {  	v3 =	vshrl.u32 v3, $0x6;
	v4 =	vand.u32 $0x1FFFFC00, v39  }
0x29c: {  	v3 =	vand.u32 $0x7F, v3;
	v4 =	vadd.s32 v1, v4  }
0x29d: {  	v3 =	vor.u32 v3, v4  }
0x29e: {  	v40 =	vld [tilespmem:s2+$0x4830];
	v3 =	vor.u32 v2, v3;
	_ =	sdelay $0x4  }
0x29f: {  	[tilespmem:v3+s17+$0x0] =	vst.idx.msk $0xffff, v40  }
0x2a0: {  	v3 =	vld [tilespmem:s2+$0x840];
	_ =	sdelay $0x4  }
0x2a1: {  	v41 =	vshrl.u32 v3, $0x3  }
0x2a2: {  	v3 =	vshrl.u32 v3, $0x6;
	v4 =	vand.u32 $0x1FFFFC00, v41  }
0x2a3: {  	v3 =	vand.u32 $0x7F, v3;
	v4 =	vadd.s32 v1, v4  }
0x2a4: {  	v3 =	vor.u32 v3, v4  }
0x2a5: {  	v42 =	vld [tilespmem:s2+$0x4840];
	v3 =	vor.u32 v2, v3;
	_ =	sdelay $0x4  }
0x2a6: {  	[tilespmem:v3+s17+$0x0] =	vst.idx.msk $0xffff, v42  }
0x2a7: {  	v3 =	vld [tilespmem:s2+$0x850];
	_ =	sdelay $0x4  }
0x2a8: {  	v43 =	vshrl.u32 v3, $0x3  }
0x2a9: {  	v3 =	vshrl.u32 v3, $0x6;
	v4 =	vand.u32 $0x1FFFFC00, v43  }
0x2aa: {  	v3 =	vand.u32 $0x7F, v3;
	v4 =	vadd.s32 v1, v4  }
0x2ab: {  	v3 =	vor.u32 v3, v4  }
0x2ac: {  	v44 =	vld [tilespmem:s2+$0x4850];
	v3 =	vor.u32 v2, v3;
	_ =	sdelay $0x4  }
0x2ad: {  	[tilespmem:v3+s17+$0x0] =	vst.idx.msk $0xffff, v44  }
0x2ae: {  	v3 =	vld [tilespmem:s2+$0x860];
	_ =	sdelay $0x4  }
0x2af: {  	v45 =	vshrl.u32 v3, $0x3  }
0x2b0: {  	v3 =	vshrl.u32 v3, $0x6;
	v4 =	vand.u32 $0x1FFFFC00, v45  }
0x2b1: {  	v3 =	vand.u32 $0x7F, v3;
	v4 =	vadd.s32 v1, v4  }
0x2b2: {  	v3 =	vor.u32 v3, v4  }
0x2b3: {  	v46 =	vld [tilespmem:s2+$0x4860];
	v3 =	vor.u32 v2, v3;
	_ =	sdelay $0x4  }
0x2b4: {  	[tilespmem:v3+s17+$0x0] =	vst.idx.msk $0xffff, v46  }
0x2b5: {  	v3 =	vld [tilespmem:s2+$0x870];
	_ =	sdelay $0x4  }
0x2b6: {  	v47 =	vshrl.u32 v3, $0x3  }
0x2b7: {  	v3 =	vshrl.u32 v3, $0x6;
	v4 =	vand.u32 $0x1FFFFC00, v47  }
0x2b8: {  	v3 =	vand.u32 $0x7F, v3;
	v4 =	vadd.s32 v1, v4  }
0x2b9: {  	v3 =	vor.u32 v3, v4  }
0x2ba: {  	v48 =	vld [tilespmem:s2+$0x4870];
	v3 =	vor.u32 v2, v3;
	_ =	sdelay $0x1  }
0x2bb: {  	s7 =	sand.u32 $0x7, s30  }
0x2bc: {  	s2 =	sshll.u32 s7, $0x7  }
0x2bd: {  	s2 =	sadd.s32 s2, s26  }
0x2be: {  	s13 =	sor.u32 $0xC00, s2;
	[tilespmem:v3+s17+$0x0] =	vst.idx.msk $0xffff, v48  }
0x2bf: {  	v3 =	vld [tilespmem:s13+$0x0];
	_ =	sdelay $0x4  }
0x2c0: {  	v49 =	vshrl.u32 v3, $0x3  }
0x2c1: {  	v3 =	vshrl.u32 v3, $0x6;
	v4 =	vand.u32 $0x1FFFFC00, v49  }
0x2c2: {  	v3 =	vand.u32 $0x7F, v3;
	v4 =	vadd.s32 v1, v4  }
0x2c3: {  	v3 =	vor.u32 v3, v4  }
0x2c4: {  	v50 =	vld [tilespmem:s13+$0x4000];
	v3 =	vor.u32 v2, v3;
	_ =	sdelay $0x4  }
0x2c5: {  	s13 =	sor.u32 $0xC10, s2;
	[tilespmem:v3+s17+$0x0] =	vst.idx.msk $0xffff, v50  }
0x2c6: {  	v3 =	vld [tilespmem:s13+$0x0];
	_ =	sdelay $0x4  }
0x2c7: {  	v51 =	vshrl.u32 v3, $0x3  }
0x2c8: {  	v3 =	vshrl.u32 v3, $0x6;
	v4 =	vand.u32 $0x1FFFFC00, v51  }
0x2c9: {  	v3 =	vand.u32 $0x7F, v3;
	v4 =	vadd.s32 v1, v4  }
0x2ca: {  	v3 =	vor.u32 v3, v4  }
0x2cb: {  	v52 =	vld [tilespmem:s13+$0x4000];
	v3 =	vor.u32 v2, v3;
	_ =	sdelay $0x4  }
0x2cc: {  	s13 =	sor.u32 $0xC20, s2;
	[tilespmem:v3+s17+$0x0] =	vst.idx.msk $0xffff, v52  }
0x2cd: {  	v3 =	vld [tilespmem:s13+$0x0];
	_ =	sdelay $0x4  }
0x2ce: {  	v53 =	vshrl.u32 v3, $0x3  }
0x2cf: {  	v3 =	vshrl.u32 v3, $0x6;
	v4 =	vand.u32 $0x1FFFFC00, v53  }
0x2d0: {  	v3 =	vand.u32 $0x7F, v3;
	v4 =	vadd.s32 v1, v4  }
0x2d1: {  	v3 =	vor.u32 v3, v4  }
0x2d2: {  	v54 =	vld [tilespmem:s13+$0x4000];
	v3 =	vor.u32 v2, v3;
	_ =	sdelay $0x4  }
0x2d3: {  	s13 =	sor.u32 $0xC30, s2;
	[tilespmem:v3+s17+$0x0] =	vst.idx.msk $0xffff, v54  }
0x2d4: {  	v3 =	vld [tilespmem:s13+$0x0];
	_ =	sdelay $0x4  }
0x2d5: {  	v55 =	vshrl.u32 v3, $0x3  }
0x2d6: {  	v3 =	vshrl.u32 v3, $0x6;
	v4 =	vand.u32 $0x1FFFFC00, v55  }
0x2d7: {  	v3 =	vand.u32 $0x7F, v3;
	v4 =	vadd.s32 v1, v4  }
0x2d8: {  	v3 =	vor.u32 v3, v4  }
0x2d9: {  	v56 =	vld [tilespmem:s13+$0x4000];
	v3 =	vor.u32 v2, v3;
	_ =	sdelay $0x4  }
0x2da: {  	s13 =	sor.u32 $0xC40, s2;
	[tilespmem:v3+s17+$0x0] =	vst.idx.msk $0xffff, v56  }
0x2db: {  	v3 =	vld [tilespmem:s13+$0x0];
	_ =	sdelay $0x4  }
0x2dc: {  	v57 =	vshrl.u32 v3, $0x3  }
0x2dd: {  	v3 =	vshrl.u32 v3, $0x6;
	v4 =	vand.u32 $0x1FFFFC00, v57  }
0x2de: {  	v3 =	vand.u32 $0x7F, v3;
	v4 =	vadd.s32 v1, v4  }
0x2df: {  	v3 =	vor.u32 v3, v4  }
0x2e0: {  	v58 =	vld [tilespmem:s13+$0x4000];
	v3 =	vor.u32 v2, v3;
	_ =	sdelay $0x4  }
0x2e1: {  	s13 =	sor.u32 $0xC50, s2;
	[tilespmem:v3+s17+$0x0] =	vst.idx.msk $0xffff, v58  }
0x2e2: {  	v3 =	vld [tilespmem:s13+$0x0];
	_ =	sdelay $0x4  }
0x2e3: {  	v59 =	vshrl.u32 v3, $0x3  }
0x2e4: {  	v3 =	vshrl.u32 v3, $0x6;
	v4 =	vand.u32 $0x1FFFFC00, v59  }
0x2e5: {  	v3 =	vand.u32 $0x7F, v3;
	v4 =	vadd.s32 v1, v4  }
0x2e6: {  	v3 =	vor.u32 v3, v4  }
0x2e7: {  	v60 =	vld [tilespmem:s13+$0x4000];
	v3 =	vor.u32 v2, v3;
	_ =	sdelay $0x4  }
0x2e8: {  	s13 =	sor.u32 $0xC60, s2;
	[tilespmem:v3+s17+$0x0] =	vst.idx.msk $0xffff, v60  }
0x2e9: {  	v3 =	vld [tilespmem:s13+$0x0];
	_ =	sdelay $0x4  }
0x2ea: {  	v61 =	vshrl.u32 v3, $0x3  }
0x2eb: {  	v3 =	vshrl.u32 v3, $0x6;
	v4 =	vand.u32 $0x1FFFFC00, v61  }
0x2ec: {  	v3 =	vand.u32 $0x7F, v3;
	v4 =	vadd.s32 v1, v4  }
0x2ed: {  	v3 =	vor.u32 v3, v4  }
0x2ee: {  	v62 =	vld [tilespmem:s13+$0x4000];
	v3 =	vor.u32 v2, v3;
	_ =	sdelay $0x4  }
0x2ef: {  	s2 =	sor.u32 $0xC70, s2;
	[tilespmem:v3+s17+$0x0] =	vst.idx.msk $0xffff, v62  }
0x2f0: {  	v3 =	vld [tilespmem:s2+$0x0];
	_ =	sdelay $0x4  }
0x2f1: {  	v63 =	vshrl.u32 v3, $0x3  }
0x2f2: {  	v3 =	vshrl.u32 v3, $0x6;
	v4 =	vand.u32 $0x1FFFFC00, v63  }
0x2f3: {  	v3 =	vand.u32 $0x7F, v3;
	v1 =	vadd.s32 v1, v4  }
0x2f4: {  	v1 =	vor.u32 v3, v1  }
0x2f5: {  	p0 =	slt.u32 s0, $0xE;
	v3 =	vld [tilespmem:s2+$0x4000];
	v1 =	vor.u32 v2, v1  }
.Ltmp3:
0x2f6: {  	_ = 	snop;
	(pc) =	sbr.rel @p0 .LBB2_5-.Ltmp3, $3  }
0x2f7: {  	_ =	sdelay $0x1  }
0x2f8: {  	s28 =	sadd.s32 $0x1, s28;
	s29 =	sadd.s32 $0x400, s29;
	s30 =	sadd.s32 $0x2, s30  }
0x2f9: {  	s31 =	sadd.s32 $0x100, s31;
	s0 =	sadd.s32 $0x2, s0;
	s26 =	sadd.s32 $0x400, s26;
	[tilespmem:v1+s17+$0x0] =	vst.idx.msk $0xffff, v3  }
0x2fa: {  	s0 =	sshll.u32 s23, $0xD  }
0x2fb: {  	s2 =	sshll.u32 s25, $0xC;
	s0 =	sand.u32 $0x2000, s0  }
0x2fc: {  	p0 =	seq.s32 s23, $0xF;
	s2 =	sand.u32 $0x3FC000, s2;
	s0 =	sadd.s32 s4, s0  }
0x2fd: {  	p1 =	seq.s32 @!p0 s23, $0x0;
	s0 =	sadd.s32 s2, s0  }
0x2fe: {  	[hbm4b:s0+s5] =	stream.linear.scatter [tilespmem:s17], [sflag:$0x3], $0x8000, $0x38;
	[tilespmem:$0x18000] =	vst v63  }
0x2ff: {  	p1 =	por p0, !p1;
	s0 =	sshll.u32 @!p0 s25, $0xA  }
.Ltmp4:
0x300: {  	s0 =	sadd.s32 @!p0 $0x800, s0;
	(pc) =	sbr.rel @!p1 .LBB2_8-.Ltmp4, $4  }
0x301: {  	s7 =	simm.s32 @!p0 $0x0;
	s25 =	sor.u32 @!p0 $0x1, s24;
	s2 =	sadd.s32 @!p0 s3, s0  }
0x302: {  	[tilespmem:s7], [sflag:$0x1] =	stream.linear.gather @!p0 [hbm4b:s2+s7], $0x2000, $0x38;
	[tilespmem:$0x18000] =	vst v63  }
0x303: {  	s24 =	sor.u32 @!p0 s6, s25;
	s0 =	sadd.s32 @!p0 s1, s0;
	s2 =	simm.s32 @!p0 $0x4000  }
0x304: {  	[tilespmem:s2], [sflag:$0x1] =	stream.linear.gather @!p0 [hbm4b:s0+s7], $0x2000, $0x38;
	[tilespmem:$0x18000] =	vst v63  }
0x305: {  	_ =	swait.ge [sflag:s21], $0x8000  }
0x306: {  	[sflag:s21] =	ssyncset.done $0x0  }
0x307: {  	s24 =	smov.u32 @p0 s11;
	s25 =	simm.s32 @p0 $0x1F;
	[sflag:s21] =	ssyncadd.s32 $0xFFFF8000  }
.LBB2_8:
0x308: {  	s0 =	simm.s32 $0xFFFFFFFE  }
0x309: {  	s2 =	simm.s32 $0x0;
	s26 =	simm.s32 $0x0;
	s28 =	simm.s32 $0x0  }
.LBB2_9:
0x30a: {  	s7 =	sand.u32 $0x4000, s26;
	s13 =	sand.u32 $0x300, s28  }
0x30b: {  	s29 =	sor.u32 s13, s7  }
0x30c: {  	[tilespmem:s29+$0x10000] =	vst v0  }
0x30d: {  	[tilespmem:s29+$0x10010] =	vst v0  }
0x30e: {  	[tilespmem:s29+$0x10020] =	vst v0  }
0x30f: {  	[tilespmem:s29+$0x10030] =	vst v0  }
0x310: {  	[tilespmem:s29+$0x10040] =	vst v0  }
0x311: {  	[tilespmem:s29+$0x10050] =	vst v0  }
0x312: {  	[tilespmem:s29+$0x10060] =	vst v0  }
0x313: {  	[tilespmem:s29+$0x10070] =	vst v0  }
0x314: {  	[tilespmem:s29+$0x10400] =	vst v0  }
0x315: {  	[tilespmem:s29+$0x10410] =	vst v0  }
0x316: {  	[tilespmem:s29+$0x10420] =	vst v0  }
0x317: {  	[tilespmem:s29+$0x10430] =	vst v0  }
0x318: {  	[tilespmem:s29+$0x10440] =	vst v0  }
0x319: {  	[tilespmem:s29+$0x10450] =	vst v0  }
0x31a: {  	[tilespmem:s29+$0x10460] =	vst v0  }
0x31b: {  	[tilespmem:s29+$0x10470] =	vst v0  }
0x31c: {  	[tilespmem:s29+$0x10800] =	vst v0  }
0x31d: {  	[tilespmem:s29+$0x10810] =	vst v0  }
0x31e: {  	[tilespmem:s29+$0x10820] =	vst v0  }
0x31f: {  	[tilespmem:s29+$0x10830] =	vst v0  }
0x320: {  	[tilespmem:s29+$0x10840] =	vst v0  }
0x321: {  	[tilespmem:s29+$0x10850] =	vst v0  }
0x322: {  	[tilespmem:s29+$0x10860] =	vst v0  }
0x323: {  	[tilespmem:s29+$0x10870] =	vst v0  }
0x324: {  	[tilespmem:s29+$0x10C00] =	vst v0  }
0x325: {  	[tilespmem:s29+$0x10C10] =	vst v0  }
0x326: {  	[tilespmem:s29+$0x10C20] =	vst v0  }
0x327: {  	[tilespmem:s29+$0x10C30] =	vst v0  }
0x328: {  	[tilespmem:s29+$0x10C40] =	vst v0  }
0x329: {  	[tilespmem:s29+$0x10C50] =	vst v0  }
0x32a: {  	[tilespmem:s29+$0x10C60] =	vst v0  }
0x32b: {  	[tilespmem:s29+$0x10C70] =	vst v0  }
0x32c: {  	[tilespmem:s29+$0x11000] =	vst v0  }
0x32d: {  	[tilespmem:s29+$0x11010] =	vst v0  }
0x32e: {  	[tilespmem:s29+$0x11020] =	vst v0  }
0x32f: {  	[tilespmem:s29+$0x11030] =	vst v0  }
0x330: {  	[tilespmem:s29+$0x11040] =	vst v0  }
0x331: {  	[tilespmem:s29+$0x11050] =	vst v0  }
0x332: {  	[tilespmem:s29+$0x11060] =	vst v0  }
0x333: {  	[tilespmem:s29+$0x11070] =	vst v0  }
0x334: {  	[tilespmem:s29+$0x11400] =	vst v0  }
0x335: {  	[tilespmem:s29+$0x11410] =	vst v0  }
0x336: {  	[tilespmem:s29+$0x11420] =	vst v0  }
0x337: {  	[tilespmem:s29+$0x11430] =	vst v0  }
0x338: {  	[tilespmem:s29+$0x11440] =	vst v0  }
0x339: {  	[tilespmem:s29+$0x11450] =	vst v0  }
0x33a: {  	[tilespmem:s29+$0x11460] =	vst v0  }
0x33b: {  	[tilespmem:s29+$0x11470] =	vst v0  }
0x33c: {  	[tilespmem:s29+$0x11800] =	vst v0  }
0x33d: {  	[tilespmem:s29+$0x11810] =	vst v0  }
0x33e: {  	[tilespmem:s29+$0x11820] =	vst v0  }
0x33f: {  	[tilespmem:s29+$0x11830] =	vst v0  }
0x340: {  	[tilespmem:s29+$0x11840] =	vst v0  }
0x341: {  	[tilespmem:s29+$0x11850] =	vst v0  }
0x342: {  	[tilespmem:s29+$0x11860] =	vst v0  }
0x343: {  	[tilespmem:s29+$0x11870] =	vst v0  }
0x344: {  	[tilespmem:s29+$0x11C00] =	vst v0  }
0x345: {  	[tilespmem:s29+$0x11C10] =	vst v0  }
0x346: {  	[tilespmem:s29+$0x11C20] =	vst v0  }
0x347: {  	[tilespmem:s29+$0x11C30] =	vst v0  }
0x348: {  	[tilespmem:s29+$0x11C40] =	vst v0  }
0x349: {  	[tilespmem:s29+$0x11C50] =	vst v0  }
0x34a: {  	[tilespmem:s29+$0x11C60] =	vst v0  }
0x34b: {  	[tilespmem:s29+$0x11C70] =	vst v0  }
0x34c: {  	[tilespmem:s29+$0x12000] =	vst v0  }
0x34d: {  	[tilespmem:s29+$0x12010] =	vst v0  }
0x34e: {  	[tilespmem:s29+$0x12020] =	vst v0  }
0x34f: {  	[tilespmem:s29+$0x12030] =	vst v0  }
0x350: {  	[tilespmem:s29+$0x12040] =	vst v0  }
0x351: {  	[tilespmem:s29+$0x12050] =	vst v0  }
0x352: {  	[tilespmem:s29+$0x12060] =	vst v0  }
0x353: {  	[tilespmem:s29+$0x12070] =	vst v0  }
0x354: {  	[tilespmem:s29+$0x12400] =	vst v0  }
0x355: {  	[tilespmem:s29+$0x12410] =	vst v0  }
0x356: {  	[tilespmem:s29+$0x12420] =	vst v0  }
0x357: {  	[tilespmem:s29+$0x12430] =	vst v0  }
0x358: {  	[tilespmem:s29+$0x12440] =	vst v0  }
0x359: {  	[tilespmem:s29+$0x12450] =	vst v0  }
0x35a: {  	[tilespmem:s29+$0x12460] =	vst v0  }
0x35b: {  	[tilespmem:s29+$0x12470] =	vst v0  }
0x35c: {  	[tilespmem:s29+$0x12800] =	vst v0  }
0x35d: {  	[tilespmem:s29+$0x12810] =	vst v0  }
0x35e: {  	[tilespmem:s29+$0x12820] =	vst v0  }
0x35f: {  	[tilespmem:s29+$0x12830] =	vst v0  }
0x360: {  	[tilespmem:s29+$0x12840] =	vst v0  }
0x361: {  	[tilespmem:s29+$0x12850] =	vst v0  }
0x362: {  	[tilespmem:s29+$0x12860] =	vst v0  }
0x363: {  	[tilespmem:s29+$0x12870] =	vst v0  }
0x364: {  	[tilespmem:s29+$0x12C00] =	vst v0  }
0x365: {  	[tilespmem:s29+$0x12C10] =	vst v0  }
0x366: {  	[tilespmem:s29+$0x12C20] =	vst v0  }
0x367: {  	[tilespmem:s29+$0x12C30] =	vst v0  }
0x368: {  	s30 =	sand.u32 $0x3, s2;
	[tilespmem:s29+$0x12C40] =	vst v0  }
0x369: {  	s7 =	sshll.u32 s30, $0x8;
	[tilespmem:s29+$0x12C50] =	vst v0  }
0x36a: {  	s13 =	sadd.s32 s7, s26;
	[tilespmem:s29+$0x12C60] =	vst v0  }
0x36b: {  	[tilespmem:s29+$0x12C70] =	vst v0;
	s7 =	sor.u32 $0x3000, s13  }
0x36c: {  	s31 =	sor.u32 $0x3010, s13;
	[tilespmem:s7+$0x10000] =	vst v0  }
0x36d: {  	s30 =	sor.u32 $0x3020, s13;
	[tilespmem:s31+$0x10000] =	vst v0  }
0x36e: {  	s31 =	sor.u32 $0x3030, s13;
	[tilespmem:s30+$0x10000] =	vst v0  }
0x36f: {  	s30 =	sor.u32 $0x3040, s13;
	[tilespmem:s31+$0x10000] =	vst v0  }
0x370: {  	s31 =	sor.u32 $0x3050, s13;
	[tilespmem:s30+$0x10000] =	vst v0  }
0x371: {  	s30 =	sor.u32 $0x3060, s13;
	[tilespmem:s31+$0x10000] =	vst v0  }
0x372: {  	s31 =	sor.u32 $0x3070, s13;
	[tilespmem:s30+$0x10000] =	vst v0  }
0x373: {  	s30 =	sor.u32 $0x3400, s13;
	[tilespmem:s31+$0x10000] =	vst v0  }
0x374: {  	s31 =	sor.u32 $0x3410, s13;
	[tilespmem:s30+$0x10000] =	vst v0  }
0x375: {  	s30 =	sor.u32 $0x3420, s13;
	[tilespmem:s31+$0x10000] =	vst v0  }
0x376: {  	s31 =	sor.u32 $0x3430, s13;
	[tilespmem:s30+$0x10000] =	vst v0  }
0x377: {  	s30 =	sor.u32 $0x3440, s13;
	[tilespmem:s31+$0x10000] =	vst v0  }
0x378: {  	s31 =	sor.u32 $0x3450, s13;
	[tilespmem:s30+$0x10000] =	vst v0  }
0x379: {  	s30 =	sor.u32 $0x3460, s13;
	[tilespmem:s31+$0x10000] =	vst v0  }
0x37a: {  	s31 =	sor.u32 $0x3470, s13;
	[tilespmem:s30+$0x10000] =	vst v0  }
0x37b: {  	s30 =	sor.u32 $0x3800, s13;
	[tilespmem:s31+$0x10000] =	vst v0  }
0x37c: {  	s31 =	sor.u32 $0x3810, s13;
	[tilespmem:s30+$0x10000] =	vst v0  }
0x37d: {  	s30 =	sor.u32 $0x3820, s13;
	[tilespmem:s31+$0x10000] =	vst v0  }
0x37e: {  	s31 =	sor.u32 $0x3830, s13;
	[tilespmem:s30+$0x10000] =	vst v0  }
0x37f: {  	s30 =	sor.u32 $0x3840, s13;
	[tilespmem:s31+$0x10000] =	vst v0  }
0x380: {  	s31 =	sor.u32 $0x3850, s13;
	[tilespmem:s30+$0x10000] =	vst v0  }
0x381: {  	s30 =	sor.u32 $0x3860, s13;
	[tilespmem:s31+$0x10000] =	vst v0  }
0x382: {  	s31 =	sor.u32 $0x3870, s13;
	[tilespmem:s30+$0x10000] =	vst v0  }
0x383: {  	s30 =	sor.u32 $0x3C00, s13;
	[tilespmem:s31+$0x10000] =	vst v0  }
0x384: {  	s31 =	sor.u32 $0x3C10, s13;
	[tilespmem:s30+$0x10000] =	vst v0  }
0x385: {  	s30 =	sor.u32 $0x3C20, s13;
	[tilespmem:s31+$0x10000] =	vst v0  }
0x386: {  	s31 =	sor.u32 $0x3C30, s13;
	[tilespmem:s30+$0x10000] =	vst v0  }
0x387: {  	s30 =	sor.u32 $0x3C40, s13;
	[tilespmem:s31+$0x10000] =	vst v0  }
0x388: {  	s31 =	sor.u32 $0x3C50, s13;
	[tilespmem:s30+$0x10000] =	vst v0  }
0x389: {  	s30 =	sor.u32 $0x3C60, s13;
	[tilespmem:s31+$0x10000] =	vst v0  }
0x38a: {  	s31 =	sor.u32 $0x3C70, s13;
	[tilespmem:s30+$0x10000] =	vst v0  }
0x38b: {  	[tilespmem:s31+$0x10000] =	vst v0  }
0x38c: {  	[tilespmem:s29+$0x10080] =	vst v0  }
0x38d: {  	[tilespmem:s29+$0x10090] =	vst v0  }
0x38e: {  	[tilespmem:s29+$0x100A0] =	vst v0  }
0x38f: {  	[tilespmem:s29+$0x100B0] =	vst v0  }
0x390: {  	[tilespmem:s29+$0x100C0] =	vst v0  }
0x391: {  	[tilespmem:s29+$0x100D0] =	vst v0  }
0x392: {  	[tilespmem:s29+$0x100E0] =	vst v0  }
0x393: {  	[tilespmem:s29+$0x100F0] =	vst v0  }
0x394: {  	[tilespmem:s29+$0x10480] =	vst v0  }
0x395: {  	[tilespmem:s29+$0x10490] =	vst v0  }
0x396: {  	[tilespmem:s29+$0x104A0] =	vst v0  }
0x397: {  	[tilespmem:s29+$0x104B0] =	vst v0  }
0x398: {  	[tilespmem:s29+$0x104C0] =	vst v0  }
0x399: {  	[tilespmem:s29+$0x104D0] =	vst v0  }
0x39a: {  	[tilespmem:s29+$0x104E0] =	vst v0  }
0x39b: {  	[tilespmem:s29+$0x104F0] =	vst v0  }
0x39c: {  	[tilespmem:s29+$0x10880] =	vst v0  }
0x39d: {  	[tilespmem:s29+$0x10890] =	vst v0  }
0x39e: {  	[tilespmem:s29+$0x108A0] =	vst v0  }
0x39f: {  	[tilespmem:s29+$0x108B0] =	vst v0  }
0x3a0: {  	[tilespmem:s29+$0x108C0] =	vst v0  }
0x3a1: {  	[tilespmem:s29+$0x108D0] =	vst v0  }
0x3a2: {  	[tilespmem:s29+$0x108E0] =	vst v0  }
0x3a3: {  	[tilespmem:s29+$0x108F0] =	vst v0  }
0x3a4: {  	[tilespmem:s29+$0x10C80] =	vst v0  }
0x3a5: {  	[tilespmem:s29+$0x10C90] =	vst v0  }
0x3a6: {  	[tilespmem:s29+$0x10CA0] =	vst v0  }
0x3a7: {  	[tilespmem:s29+$0x10CB0] =	vst v0  }
0x3a8: {  	[tilespmem:s29+$0x10CC0] =	vst v0  }
0x3a9: {  	[tilespmem:s29+$0x10CD0] =	vst v0  }
0x3aa: {  	[tilespmem:s29+$0x10CE0] =	vst v0  }
0x3ab: {  	[tilespmem:s29+$0x10CF0] =	vst v0  }
0x3ac: {  	[tilespmem:s29+$0x11080] =	vst v0  }
0x3ad: {  	[tilespmem:s29+$0x11090] =	vst v0  }
0x3ae: {  	[tilespmem:s29+$0x110A0] =	vst v0  }
0x3af: {  	[tilespmem:s29+$0x110B0] =	vst v0  }
0x3b0: {  	[tilespmem:s29+$0x110C0] =	vst v0  }
0x3b1: {  	[tilespmem:s29+$0x110D0] =	vst v0  }
0x3b2: {  	[tilespmem:s29+$0x110E0] =	vst v0  }
0x3b3: {  	[tilespmem:s29+$0x110F0] =	vst v0  }
0x3b4: {  	[tilespmem:s29+$0x11480] =	vst v0  }
0x3b5: {  	[tilespmem:s29+$0x11490] =	vst v0  }
0x3b6: {  	[tilespmem:s29+$0x114A0] =	vst v0  }
0x3b7: {  	[tilespmem:s29+$0x114B0] =	vst v0  }
0x3b8: {  	[tilespmem:s29+$0x114C0] =	vst v0  }
0x3b9: {  	[tilespmem:s29+$0x114D0] =	vst v0  }
0x3ba: {  	[tilespmem:s29+$0x114E0] =	vst v0  }
0x3bb: {  	[tilespmem:s29+$0x114F0] =	vst v0  }
0x3bc: {  	[tilespmem:s29+$0x11880] =	vst v0  }
0x3bd: {  	[tilespmem:s29+$0x11890] =	vst v0  }
0x3be: {  	[tilespmem:s29+$0x118A0] =	vst v0  }
0x3bf: {  	[tilespmem:s29+$0x118B0] =	vst v0  }
0x3c0: {  	[tilespmem:s29+$0x118C0] =	vst v0  }
0x3c1: {  	[tilespmem:s29+$0x118D0] =	vst v0  }
0x3c2: {  	[tilespmem:s29+$0x118E0] =	vst v0  }
0x3c3: {  	[tilespmem:s29+$0x118F0] =	vst v0  }
0x3c4: {  	[tilespmem:s29+$0x11C80] =	vst v0  }
0x3c5: {  	[tilespmem:s29+$0x11C90] =	vst v0  }
0x3c6: {  	[tilespmem:s29+$0x11CA0] =	vst v0  }
0x3c7: {  	[tilespmem:s29+$0x11CB0] =	vst v0  }
0x3c8: {  	[tilespmem:s29+$0x11CC0] =	vst v0  }
0x3c9: {  	[tilespmem:s29+$0x11CD0] =	vst v0  }
0x3ca: {  	[tilespmem:s29+$0x11CE0] =	vst v0  }
0x3cb: {  	[tilespmem:s29+$0x11CF0] =	vst v0  }
0x3cc: {  	[tilespmem:s29+$0x12080] =	vst v0  }
0x3cd: {  	[tilespmem:s29+$0x12090] =	vst v0  }
0x3ce: {  	[tilespmem:s29+$0x120A0] =	vst v0  }
0x3cf: {  	[tilespmem:s29+$0x120B0] =	vst v0  }
0x3d0: {  	[tilespmem:s29+$0x120C0] =	vst v0  }
0x3d1: {  	[tilespmem:s29+$0x120D0] =	vst v0  }
0x3d2: {  	[tilespmem:s29+$0x120E0] =	vst v0  }
0x3d3: {  	[tilespmem:s29+$0x120F0] =	vst v0  }
0x3d4: {  	[tilespmem:s29+$0x12480] =	vst v0  }
0x3d5: {  	[tilespmem:s29+$0x12490] =	vst v0  }
0x3d6: {  	[tilespmem:s29+$0x124A0] =	vst v0  }
0x3d7: {  	[tilespmem:s29+$0x124B0] =	vst v0  }
0x3d8: {  	[tilespmem:s29+$0x124C0] =	vst v0  }
0x3d9: {  	[tilespmem:s29+$0x124D0] =	vst v0  }
0x3da: {  	[tilespmem:s29+$0x124E0] =	vst v0  }
0x3db: {  	[tilespmem:s29+$0x124F0] =	vst v0  }
0x3dc: {  	[tilespmem:s29+$0x12880] =	vst v0  }
0x3dd: {  	[tilespmem:s29+$0x12890] =	vst v0  }
0x3de: {  	[tilespmem:s29+$0x128A0] =	vst v0  }
0x3df: {  	[tilespmem:s29+$0x128B0] =	vst v0  }
0x3e0: {  	[tilespmem:s29+$0x128C0] =	vst v0  }
0x3e1: {  	[tilespmem:s29+$0x128D0] =	vst v0  }
0x3e2: {  	[tilespmem:s29+$0x128E0] =	vst v0  }
0x3e3: {  	[tilespmem:s29+$0x128F0] =	vst v0  }
0x3e4: {  	[tilespmem:s29+$0x12C80] =	vst v0  }
0x3e5: {  	[tilespmem:s29+$0x12C90] =	vst v0  }
0x3e6: {  	[tilespmem:s29+$0x12CA0] =	vst v0  }
0x3e7: {  	[tilespmem:s29+$0x12CB0] =	vst v0  }
0x3e8: {  	[tilespmem:s29+$0x12CC0] =	vst v0  }
0x3e9: {  	[tilespmem:s29+$0x12CD0] =	vst v0  }
0x3ea: {  	s13 =	sadd.s32 $0x80, s13;
	[tilespmem:s29+$0x12CE0] =	vst v0  }
0x3eb: {  	s30 =	sor.u32 $0x3000, s13;
	[tilespmem:s29+$0x12CF0] =	vst v0  }
0x3ec: {  	s31 =	sor.u32 $0x3010, s13;
	[tilespmem:s30+$0x10000] =	vst v0  }
0x3ed: {  	s29 =	sor.u32 $0x3020, s13;
	[tilespmem:s31+$0x10000] =	vst v0  }
0x3ee: {  	s30 =	sor.u32 $0x3030, s13;
	[tilespmem:s29+$0x10000] =	vst v0  }
0x3ef: {  	s31 =	sor.u32 $0x3040, s13;
	[tilespmem:s30+$0x10000] =	vst v0  }
0x3f0: {  	s29 =	sor.u32 $0x3050, s13;
	[tilespmem:s31+$0x10000] =	vst v0  }
0x3f1: {  	s30 =	sor.u32 $0x3060, s13;
	[tilespmem:s29+$0x10000] =	vst v0  }
0x3f2: {  	s31 =	sor.u32 $0x3070, s13;
	[tilespmem:s30+$0x10000] =	vst v0  }
0x3f3: {  	s29 =	sor.u32 $0x3400, s13;
	[tilespmem:s31+$0x10000] =	vst v0  }
0x3f4: {  	s30 =	sor.u32 $0x3410, s13;
	[tilespmem:s29+$0x10000] =	vst v0  }
0x3f5: {  	s31 =	sor.u32 $0x3420, s13;
	[tilespmem:s30+$0x10000] =	vst v0  }
0x3f6: {  	s29 =	sor.u32 $0x3430, s13;
	[tilespmem:s31+$0x10000] =	vst v0  }
0x3f7: {  	s30 =	sor.u32 $0x3440, s13;
	[tilespmem:s29+$0x10000] =	vst v0  }
0x3f8: {  	s31 =	sor.u32 $0x3450, s13;
	[tilespmem:s30+$0x10000] =	vst v0  }
0x3f9: {  	s29 =	sor.u32 $0x3460, s13;
	[tilespmem:s31+$0x10000] =	vst v0  }
0x3fa: {  	s30 =	sor.u32 $0x3470, s13;
	[tilespmem:s29+$0x10000] =	vst v0  }
0x3fb: {  	s31 =	sor.u32 $0x3800, s13;
	[tilespmem:s30+$0x10000] =	vst v0  }
0x3fc: {  	s29 =	sor.u32 $0x3810, s13;
	[tilespmem:s31+$0x10000] =	vst v0  }
0x3fd: {  	s30 =	sor.u32 $0x3820, s13;
	[tilespmem:s29+$0x10000] =	vst v0  }
0x3fe: {  	s31 =	sor.u32 $0x3830, s13;
	[tilespmem:s30+$0x10000] =	vst v0  }
0x3ff: {  	s29 =	sor.u32 $0x3840, s13;
	[tilespmem:s31+$0x10000] =	vst v0  }
0x400: {  	s30 =	sor.u32 $0x3850, s13;
	[tilespmem:s29+$0x10000] =	vst v0  }
0x401: {  	s31 =	sor.u32 $0x3860, s13;
	[tilespmem:s30+$0x10000] =	vst v0  }
0x402: {  	s29 =	sor.u32 $0x3870, s13;
	[tilespmem:s31+$0x10000] =	vst v0  }
0x403: {  	s30 =	sor.u32 $0x3C00, s13;
	[tilespmem:s29+$0x10000] =	vst v0  }
0x404: {  	s31 =	sor.u32 $0x3C10, s13;
	[tilespmem:s30+$0x10000] =	vst v0  }
0x405: {  	s0 =	sadd.s32 $0x2, s0;
	s29 =	sor.u32 $0x3C20, s13;
	[tilespmem:s31+$0x10000] =	vst v0  }
0x406: {  	p1 =	slt.u32 s0, $0xE;
	s30 =	sor.u32 $0x3C30, s13;
	[tilespmem:s29+$0x10000] =	vst v0  }
.Ltmp5:
0x407: {  	s31 =	sor.u32 $0x3C40, s13;
	[tilespmem:s30+$0x10000] =	vst v0;
	(pc) =	sbr.rel @p1 .LBB2_9-.Ltmp5, $4  }
0x408: {  	s29 =	sor.u32 $0x3C50, s13;
	[tilespmem:s31+$0x10000] =	vst v0  }
0x409: {  	s30 =	sor.u32 $0x3C60, s13;
	[tilespmem:s29+$0x10000] =	vst v0  }
0x40a: {  	s31 =	sor.u32 $0x3C70, s13;
	[tilespmem:s30+$0x10000] =	vst v0  }
0x40b: {  	s28 =	sadd.s32 $0x100, s28;
	s2 =	sadd.s32 $0x1, s2;
	s26 =	sadd.s32 $0x1000, s26;
	[tilespmem:s31+$0x10000] =	vst v0  }
0x40c: {  	_ =	swait.ge [sflag:s18], $0x2000  }
0x40d: {  	[sflag:s18] =	ssyncset.done $0x0  }
0x40e: {  	[sflag:s18] =	ssyncadd.s32 $0xFFFFE000  }
0x40f: {  	s26 =	simm.s32 $0x80;
	s28 =	simm.s32 $0x0;
	_ =	swait.ge [sflag:s18], $0x2000  }
0x410: {  	s29 =	simm.s32 $0x0;
	s30 =	simm.s32 $0x0;
	[sflag:s18] =	ssyncset.done $0x0  }
0x411: {  	s31 =	simm.s32 $0x80;
	s0 =	simm.s32 $0x0;
	[sflag:s18] =	ssyncadd.s32 $0xFFFFE000  }
.LBB2_11:
0x412: {  	s7 =	sadd.s32 $0xFFFFFF80, s31  }
0x413: {  	s2 =	sand.u32 $0x1000, s29;
	s7 =	sand.u32 $0x300, s7  }
0x414: {  	s13 =	sor.u32 s7, s2  }
0x415: {  	v1 =	vld [tilespmem:s13+$0x2000];
	_ =	sdelay $0x3  }
0x416: {  	v2 =	vmov s0  }
0x417: {  	v3 =	vshll.u32 v2, $0xB;
	v4 =	vshrl.u32 v1, $0x3  }
0x418: {  	v5 =	vshrl.u32 v1, $0x6;
	v1 =	vand.u32 $0x4000, v3;
	v3 =	vand.u32 $0x1FFFFC00, v4  }
0x419: {  	v2 =	vshll.u32 v2, $0x7;
	v48 =	vand.u32 $0x7F, v5;
	v3 =	vadd.s32 v1, v3  }
0x41a: {  	v2 =	vand.u32 $0x300, v2;
	v3 =	vor.u32 v48, v3  }
0x41b: {  	v49 =	vld [tilespmem:s13+$0x6000];
	v3 =	vor.u32 v2, v3;
	_ =	sdelay $0x4  }
0x41c: {  	[tilespmem:v3+s19+$0x0] =	vst.idx.msk $0xffff, v49  }
0x41d: {  	v3 =	vld [tilespmem:s13+$0x2010];
	_ =	sdelay $0x4  }
0x41e: {  	v50 =	vshrl.u32 v3, $0x3  }
0x41f: {  	v3 =	vshrl.u32 v3, $0x6;
	v4 =	vand.u32 $0x1FFFFC00, v50  }
0x420: {  	v3 =	vand.u32 $0x7F, v3;
	v4 =	vadd.s32 v1, v4  }
0x421: {  	v3 =	vor.u32 v3, v4  }
0x422: {  	v51 =	vld [tilespmem:s13+$0x6010];
	v3 =	vor.u32 v2, v3;
	_ =	sdelay $0x4  }
0x423: {  	[tilespmem:v3+s19+$0x0] =	vst.idx.msk $0xffff, v51  }
0x424: {  	v3 =	vld [tilespmem:s13+$0x2020];
	_ =	sdelay $0x4  }
0x425: {  	v52 =	vshrl.u32 v3, $0x3  }
0x426: {  	v3 =	vshrl.u32 v3, $0x6;
	v4 =	vand.u32 $0x1FFFFC00, v52  }
0x427: {  	v3 =	vand.u32 $0x7F, v3;
	v4 =	vadd.s32 v1, v4  }
0x428: {  	v3 =	vor.u32 v3, v4  }
0x429: {  	v53 =	vld [tilespmem:s13+$0x6020];
	v3 =	vor.u32 v2, v3;
	_ =	sdelay $0x4  }
0x42a: {  	[tilespmem:v3+s19+$0x0] =	vst.idx.msk $0xffff, v53  }
0x42b: {  	v3 =	vld [tilespmem:s13+$0x2030];
	_ =	sdelay $0x4  }
0x42c: {  	v54 =	vshrl.u32 v3, $0x3  }
0x42d: {  	v3 =	vshrl.u32 v3, $0x6;
	v4 =	vand.u32 $0x1FFFFC00, v54  }
0x42e: {  	v3 =	vand.u32 $0x7F, v3;
	v4 =	vadd.s32 v1, v4  }
0x42f: {  	v3 =	vor.u32 v3, v4  }
0x430: {  	v55 =	vld [tilespmem:s13+$0x6030];
	v3 =	vor.u32 v2, v3;
	_ =	sdelay $0x4  }
0x431: {  	[tilespmem:v3+s19+$0x0] =	vst.idx.msk $0xffff, v55  }
0x432: {  	v3 =	vld [tilespmem:s13+$0x2040];
	_ =	sdelay $0x4  }
0x433: {  	v56 =	vshrl.u32 v3, $0x3  }
0x434: {  	v3 =	vshrl.u32 v3, $0x6;
	v4 =	vand.u32 $0x1FFFFC00, v56  }
0x435: {  	v3 =	vand.u32 $0x7F, v3;
	v4 =	vadd.s32 v1, v4  }
0x436: {  	v3 =	vor.u32 v3, v4  }
0x437: {  	v57 =	vld [tilespmem:s13+$0x6040];
	v3 =	vor.u32 v2, v3;
	_ =	sdelay $0x4  }
0x438: {  	[tilespmem:v3+s19+$0x0] =	vst.idx.msk $0xffff, v57  }
0x439: {  	v3 =	vld [tilespmem:s13+$0x2050];
	_ =	sdelay $0x4  }
0x43a: {  	v58 =	vshrl.u32 v3, $0x3  }
0x43b: {  	v3 =	vshrl.u32 v3, $0x6;
	v4 =	vand.u32 $0x1FFFFC00, v58  }
0x43c: {  	v3 =	vand.u32 $0x7F, v3;
	v4 =	vadd.s32 v1, v4  }
0x43d: {  	v3 =	vor.u32 v3, v4  }
0x43e: {  	v59 =	vld [tilespmem:s13+$0x6050];
	v3 =	vor.u32 v2, v3;
	_ =	sdelay $0x4  }
0x43f: {  	[tilespmem:v3+s19+$0x0] =	vst.idx.msk $0xffff, v59  }
0x440: {  	v3 =	vld [tilespmem:s13+$0x2060];
	_ =	sdelay $0x4  }
0x441: {  	v60 =	vshrl.u32 v3, $0x3  }
0x442: {  	v3 =	vshrl.u32 v3, $0x6;
	v4 =	vand.u32 $0x1FFFFC00, v60  }
0x443: {  	v3 =	vand.u32 $0x7F, v3;
	v4 =	vadd.s32 v1, v4  }
0x444: {  	v3 =	vor.u32 v3, v4  }
0x445: {  	v61 =	vld [tilespmem:s13+$0x6060];
	v3 =	vor.u32 v2, v3;
	_ =	sdelay $0x4  }
0x446: {  	[tilespmem:v3+s19+$0x0] =	vst.idx.msk $0xffff, v61  }
0x447: {  	v3 =	vld [tilespmem:s13+$0x2070];
	_ =	sdelay $0x4  }
0x448: {  	v62 =	vshrl.u32 v3, $0x3  }
0x449: {  	v3 =	vshrl.u32 v3, $0x6;
	v4 =	vand.u32 $0x1FFFFC00, v62  }
0x44a: {  	v3 =	vand.u32 $0x7F, v3;
	v4 =	vadd.s32 v1, v4  }
0x44b: {  	v3 =	vor.u32 v3, v4  }
0x44c: {  	v63 =	vld [tilespmem:s13+$0x6070];
	v3 =	vor.u32 v2, v3;
	_ =	sdelay $0x4  }
0x44d: {  	[tilespmem:v3+s19+$0x0] =	vst.idx.msk $0xffff, v63  }
0x44e: {  	v3 =	vld [tilespmem:s13+$0x2400];
	_ =	sdelay $0x4  }
0x44f: {  	v8 =	vshrl.u32 v3, $0x3  }
0x450: {  	v3 =	vshrl.u32 v3, $0x6;
	v4 =	vand.u32 $0x1FFFFC00, v8  }
0x451: {  	v3 =	vand.u32 $0x7F, v3;
	v4 =	vadd.s32 v1, v4  }
0x452: {  	v3 =	vor.u32 v3, v4  }
0x453: {  	v9 =	vld [tilespmem:s13+$0x6400];
	v3 =	vor.u32 v2, v3;
	_ =	sdelay $0x4  }
0x454: {  	[tilespmem:v3+s19+$0x0] =	vst.idx.msk $0xffff, v9  }
0x455: {  	v3 =	vld [tilespmem:s13+$0x2410];
	_ =	sdelay $0x4  }
0x456: {  	v10 =	vshrl.u32 v3, $0x3  }
0x457: {  	v3 =	vshrl.u32 v3, $0x6;
	v4 =	vand.u32 $0x1FFFFC00, v10  }
0x458: {  	v3 =	vand.u32 $0x7F, v3;
	v4 =	vadd.s32 v1, v4  }
0x459: {  	v3 =	vor.u32 v3, v4  }
0x45a: {  	v11 =	vld [tilespmem:s13+$0x6410];
	v3 =	vor.u32 v2, v3;
	_ =	sdelay $0x4  }
0x45b: {  	[tilespmem:v3+s19+$0x0] =	vst.idx.msk $0xffff, v11  }
0x45c: {  	v3 =	vld [tilespmem:s13+$0x2420];
	_ =	sdelay $0x4  }
0x45d: {  	v12 =	vshrl.u32 v3, $0x3  }
0x45e: {  	v3 =	vshrl.u32 v3, $0x6;
	v4 =	vand.u32 $0x1FFFFC00, v12  }
0x45f: {  	v3 =	vand.u32 $0x7F, v3;
	v4 =	vadd.s32 v1, v4  }
0x460: {  	v3 =	vor.u32 v3, v4  }
0x461: {  	v13 =	vld [tilespmem:s13+$0x6420];
	v3 =	vor.u32 v2, v3;
	_ =	sdelay $0x4  }
0x462: {  	[tilespmem:v3+s19+$0x0] =	vst.idx.msk $0xffff, v13  }
0x463: {  	v3 =	vld [tilespmem:s13+$0x2430];
	_ =	sdelay $0x4  }
0x464: {  	v14 =	vshrl.u32 v3, $0x3  }
0x465: {  	v3 =	vshrl.u32 v3, $0x6;
	v4 =	vand.u32 $0x1FFFFC00, v14  }
0x466: {  	v3 =	vand.u32 $0x7F, v3;
	v4 =	vadd.s32 v1, v4  }
0x467: {  	v3 =	vor.u32 v3, v4  }
0x468: {  	v15 =	vld [tilespmem:s13+$0x6430];
	v3 =	vor.u32 v2, v3;
	_ =	sdelay $0x4  }
0x469: {  	[tilespmem:v3+s19+$0x0] =	vst.idx.msk $0xffff, v15  }
0x46a: {  	v3 =	vld [tilespmem:s13+$0x2440];
	_ =	sdelay $0x4  }
0x46b: {  	v16 =	vshrl.u32 v3, $0x3  }
0x46c: {  	v3 =	vshrl.u32 v3, $0x6;
	v4 =	vand.u32 $0x1FFFFC00, v16  }
0x46d: {  	v3 =	vand.u32 $0x7F, v3;
	v4 =	vadd.s32 v1, v4  }
0x46e: {  	v3 =	vor.u32 v3, v4  }
0x46f: {  	v17 =	vld [tilespmem:s13+$0x6440];
	v3 =	vor.u32 v2, v3;
	_ =	sdelay $0x4  }
0x470: {  	[tilespmem:v3+s19+$0x0] =	vst.idx.msk $0xffff, v17  }
0x471: {  	v3 =	vld [tilespmem:s13+$0x2450];
	_ =	sdelay $0x4  }
0x472: {  	v18 =	vshrl.u32 v3, $0x3  }
0x473: {  	v3 =	vshrl.u32 v3, $0x6;
	v4 =	vand.u32 $0x1FFFFC00, v18  }
0x474: {  	v3 =	vand.u32 $0x7F, v3;
	v4 =	vadd.s32 v1, v4  }
0x475: {  	v3 =	vor.u32 v3, v4  }
0x476: {  	v19 =	vld [tilespmem:s13+$0x6450];
	v3 =	vor.u32 v2, v3;
	_ =	sdelay $0x4  }
0x477: {  	[tilespmem:v3+s19+$0x0] =	vst.idx.msk $0xffff, v19  }
0x478: {  	v3 =	vld [tilespmem:s13+$0x2460];
	_ =	sdelay $0x4  }
0x479: {  	v20 =	vshrl.u32 v3, $0x3  }
0x47a: {  	v3 =	vshrl.u32 v3, $0x6;
	v4 =	vand.u32 $0x1FFFFC00, v20  }
0x47b: {  	v3 =	vand.u32 $0x7F, v3;
	v4 =	vadd.s32 v1, v4  }
0x47c: {  	v3 =	vor.u32 v3, v4  }
0x47d: {  	v21 =	vld [tilespmem:s13+$0x6460];
	v3 =	vor.u32 v2, v3;
	_ =	sdelay $0x4  }
0x47e: {  	[tilespmem:v3+s19+$0x0] =	vst.idx.msk $0xffff, v21  }
0x47f: {  	v3 =	vld [tilespmem:s13+$0x2470];
	_ =	sdelay $0x4  }
0x480: {  	v22 =	vshrl.u32 v3, $0x3  }
0x481: {  	v3 =	vshrl.u32 v3, $0x6;
	v4 =	vand.u32 $0x1FFFFC00, v22  }
0x482: {  	v3 =	vand.u32 $0x7F, v3;
	v4 =	vadd.s32 v1, v4  }
0x483: {  	v3 =	vor.u32 v3, v4  }
0x484: {  	v23 =	vld [tilespmem:s13+$0x6470];
	v3 =	vor.u32 v2, v3;
	_ =	sdelay $0x4  }
0x485: {  	[tilespmem:v3+s19+$0x0] =	vst.idx.msk $0xffff, v23  }
0x486: {  	v3 =	vld [tilespmem:s13+$0x2800];
	_ =	sdelay $0x4  }
0x487: {  	v24 =	vshrl.u32 v3, $0x3  }
0x488: {  	v3 =	vshrl.u32 v3, $0x6;
	v4 =	vand.u32 $0x1FFFFC00, v24  }
0x489: {  	v3 =	vand.u32 $0x7F, v3;
	v4 =	vadd.s32 v1, v4  }
0x48a: {  	v3 =	vor.u32 v3, v4  }
0x48b: {  	v25 =	vld [tilespmem:s13+$0x6800];
	v3 =	vor.u32 v2, v3;
	_ =	sdelay $0x4  }
0x48c: {  	[tilespmem:v3+s19+$0x0] =	vst.idx.msk $0xffff, v25  }
0x48d: {  	v3 =	vld [tilespmem:s13+$0x2810];
	_ =	sdelay $0x4  }
0x48e: {  	v26 =	vshrl.u32 v3, $0x3  }
0x48f: {  	v3 =	vshrl.u32 v3, $0x6;
	v4 =	vand.u32 $0x1FFFFC00, v26  }
0x490: {  	v3 =	vand.u32 $0x7F, v3;
	v4 =	vadd.s32 v1, v4  }
0x491: {  	v3 =	vor.u32 v3, v4  }
0x492: {  	v27 =	vld [tilespmem:s13+$0x6810];
	v3 =	vor.u32 v2, v3;
	_ =	sdelay $0x4  }
0x493: {  	[tilespmem:v3+s19+$0x0] =	vst.idx.msk $0xffff, v27  }
0x494: {  	v3 =	vld [tilespmem:s13+$0x2820];
	_ =	sdelay $0x4  }
0x495: {  	v28 =	vshrl.u32 v3, $0x3  }
0x496: {  	v3 =	vshrl.u32 v3, $0x6;
	v4 =	vand.u32 $0x1FFFFC00, v28  }
0x497: {  	v3 =	vand.u32 $0x7F, v3;
	v4 =	vadd.s32 v1, v4  }
0x498: {  	v3 =	vor.u32 v3, v4  }
0x499: {  	v29 =	vld [tilespmem:s13+$0x6820];
	v3 =	vor.u32 v2, v3;
	_ =	sdelay $0x4  }
0x49a: {  	[tilespmem:v3+s19+$0x0] =	vst.idx.msk $0xffff, v29  }
0x49b: {  	v3 =	vld [tilespmem:s13+$0x2830];
	_ =	sdelay $0x4  }
0x49c: {  	v30 =	vshrl.u32 v3, $0x3  }
0x49d: {  	v3 =	vshrl.u32 v3, $0x6;
	v4 =	vand.u32 $0x1FFFFC00, v30  }
0x49e: {  	v3 =	vand.u32 $0x7F, v3;
	v4 =	vadd.s32 v1, v4  }
0x49f: {  	v3 =	vor.u32 v3, v4  }
0x4a0: {  	v31 =	vld [tilespmem:s13+$0x6830];
	v3 =	vor.u32 v2, v3;
	_ =	sdelay $0x4  }
0x4a1: {  	[tilespmem:v3+s19+$0x0] =	vst.idx.msk $0xffff, v31  }
0x4a2: {  	v3 =	vld [tilespmem:s13+$0x2840];
	_ =	sdelay $0x4  }
0x4a3: {  	v32 =	vshrl.u32 v3, $0x3  }
0x4a4: {  	v3 =	vshrl.u32 v3, $0x6;
	v4 =	vand.u32 $0x1FFFFC00, v32  }
0x4a5: {  	v3 =	vand.u32 $0x7F, v3;
	v4 =	vadd.s32 v1, v4  }
0x4a6: {  	v3 =	vor.u32 v3, v4  }
0x4a7: {  	v33 =	vld [tilespmem:s13+$0x6840];
	v3 =	vor.u32 v2, v3;
	_ =	sdelay $0x4  }
0x4a8: {  	[tilespmem:v3+s19+$0x0] =	vst.idx.msk $0xffff, v33  }
0x4a9: {  	v3 =	vld [tilespmem:s13+$0x2850];
	_ =	sdelay $0x4  }
0x4aa: {  	v34 =	vshrl.u32 v3, $0x3  }
0x4ab: {  	v3 =	vshrl.u32 v3, $0x6;
	v4 =	vand.u32 $0x1FFFFC00, v34  }
0x4ac: {  	v3 =	vand.u32 $0x7F, v3;
	v4 =	vadd.s32 v1, v4  }
0x4ad: {  	v3 =	vor.u32 v3, v4  }
0x4ae: {  	v35 =	vld [tilespmem:s13+$0x6850];
	v3 =	vor.u32 v2, v3;
	_ =	sdelay $0x4  }
0x4af: {  	[tilespmem:v3+s19+$0x0] =	vst.idx.msk $0xffff, v35  }
0x4b0: {  	v3 =	vld [tilespmem:s13+$0x2860];
	_ =	sdelay $0x4  }
0x4b1: {  	v36 =	vshrl.u32 v3, $0x3  }
0x4b2: {  	v3 =	vshrl.u32 v3, $0x6;
	v4 =	vand.u32 $0x1FFFFC00, v36  }
0x4b3: {  	v3 =	vand.u32 $0x7F, v3;
	v4 =	vadd.s32 v1, v4  }
0x4b4: {  	v3 =	vor.u32 v3, v4  }
0x4b5: {  	v37 =	vld [tilespmem:s13+$0x6860];
	v3 =	vor.u32 v2, v3;
	_ =	sdelay $0x4  }
0x4b6: {  	[tilespmem:v3+s19+$0x0] =	vst.idx.msk $0xffff, v37  }
0x4b7: {  	v3 =	vld [tilespmem:s13+$0x2870];
	_ =	sdelay $0x4  }
0x4b8: {  	v38 =	vshrl.u32 v3, $0x3  }
0x4b9: {  	v3 =	vshrl.u32 v3, $0x6;
	v4 =	vand.u32 $0x1FFFFC00, v38  }
0x4ba: {  	v3 =	vand.u32 $0x7F, v3;
	v4 =	vadd.s32 v1, v4  }
0x4bb: {  	v3 =	vor.u32 v3, v4  }
0x4bc: {  	v39 =	vld [tilespmem:s13+$0x6870];
	v3 =	vor.u32 v2, v3;
	_ =	sdelay $0x1  }
0x4bd: {  	s13 =	sand.u32 $0x3, s28  }
0x4be: {  	s7 =	sshll.u32 s13, $0x8  }
0x4bf: {  	s13 =	sadd.s32 s7, s29  }
0x4c0: {  	s7 =	sor.u32 $0xC00, s13;
	[tilespmem:v3+s19+$0x0] =	vst.idx.msk $0xffff, v39  }
0x4c1: {  	v3 =	vld [tilespmem:s7+$0x2000];
	_ =	sdelay $0x4  }
0x4c2: {  	v40 =	vshrl.u32 v3, $0x3  }
0x4c3: {  	v3 =	vshrl.u32 v3, $0x6;
	v4 =	vand.u32 $0x1FFFFC00, v40  }
0x4c4: {  	v3 =	vand.u32 $0x7F, v3;
	v4 =	vadd.s32 v1, v4  }
0x4c5: {  	v3 =	vor.u32 v3, v4  }
0x4c6: {  	v41 =	vld [tilespmem:s7+$0x6000];
	v3 =	vor.u32 v2, v3;
	_ =	sdelay $0x4  }
0x4c7: {  	s7 =	sor.u32 $0xC10, s13;
	[tilespmem:v3+s19+$0x0] =	vst.idx.msk $0xffff, v41  }
0x4c8: {  	v3 =	vld [tilespmem:s7+$0x2000];
	_ =	sdelay $0x4  }
0x4c9: {  	v42 =	vshrl.u32 v3, $0x3  }
0x4ca: {  	v3 =	vshrl.u32 v3, $0x6;
	v4 =	vand.u32 $0x1FFFFC00, v42  }
0x4cb: {  	v3 =	vand.u32 $0x7F, v3;
	v4 =	vadd.s32 v1, v4  }
0x4cc: {  	v3 =	vor.u32 v3, v4  }
0x4cd: {  	v43 =	vld [tilespmem:s7+$0x6000];
	v3 =	vor.u32 v2, v3;
	_ =	sdelay $0x4  }
0x4ce: {  	s7 =	sor.u32 $0xC20, s13;
	[tilespmem:v3+s19+$0x0] =	vst.idx.msk $0xffff, v43  }
0x4cf: {  	v3 =	vld [tilespmem:s7+$0x2000];
	_ =	sdelay $0x4  }
0x4d0: {  	v44 =	vshrl.u32 v3, $0x3  }
0x4d1: {  	v3 =	vshrl.u32 v3, $0x6;
	v4 =	vand.u32 $0x1FFFFC00, v44  }
0x4d2: {  	v3 =	vand.u32 $0x7F, v3;
	v4 =	vadd.s32 v1, v4  }
0x4d3: {  	v3 =	vor.u32 v3, v4  }
0x4d4: {  	v45 =	vld [tilespmem:s7+$0x6000];
	v3 =	vor.u32 v2, v3;
	_ =	sdelay $0x4  }
0x4d5: {  	s7 =	sor.u32 $0xC30, s13;
	[tilespmem:v3+s19+$0x0] =	vst.idx.msk $0xffff, v45  }
0x4d6: {  	v3 =	vld [tilespmem:s7+$0x2000];
	_ =	sdelay $0x4  }
0x4d7: {  	v46 =	vshrl.u32 v3, $0x3  }
0x4d8: {  	v3 =	vshrl.u32 v3, $0x6;
	v4 =	vand.u32 $0x1FFFFC00, v46  }
0x4d9: {  	v3 =	vand.u32 $0x7F, v3;
	v4 =	vadd.s32 v1, v4  }
0x4da: {  	v3 =	vor.u32 v3, v4  }
0x4db: {  	v47 =	vld [tilespmem:s7+$0x6000];
	v3 =	vor.u32 v2, v3;
	_ =	sdelay $0x4  }
0x4dc: {  	s7 =	sor.u32 $0xC40, s13;
	[tilespmem:v3+s19+$0x0] =	vst.idx.msk $0xffff, v47  }
0x4dd: {  	v3 =	vld [tilespmem:s7+$0x2000];
	_ =	sdelay $0x4  }
0x4de: {  	v48 =	vshrl.u32 v3, $0x3  }
0x4df: {  	v3 =	vshrl.u32 v3, $0x6;
	v4 =	vand.u32 $0x1FFFFC00, v48  }
0x4e0: {  	v3 =	vand.u32 $0x7F, v3;
	v4 =	vadd.s32 v1, v4  }
0x4e1: {  	v3 =	vor.u32 v3, v4  }
0x4e2: {  	v49 =	vld [tilespmem:s7+$0x6000];
	v3 =	vor.u32 v2, v3;
	_ =	sdelay $0x4  }
0x4e3: {  	s7 =	sor.u32 $0xC50, s13;
	[tilespmem:v3+s19+$0x0] =	vst.idx.msk $0xffff, v49  }
0x4e4: {  	v3 =	vld [tilespmem:s7+$0x2000];
	_ =	sdelay $0x4  }
0x4e5: {  	v50 =	vshrl.u32 v3, $0x3  }
0x4e6: {  	v3 =	vshrl.u32 v3, $0x6;
	v4 =	vand.u32 $0x1FFFFC00, v50  }
0x4e7: {  	v3 =	vand.u32 $0x7F, v3;
	v4 =	vadd.s32 v1, v4  }
0x4e8: {  	v3 =	vor.u32 v3, v4  }
0x4e9: {  	v51 =	vld [tilespmem:s7+$0x6000];
	v3 =	vor.u32 v2, v3;
	_ =	sdelay $0x4  }
0x4ea: {  	s7 =	sor.u32 $0xC60, s13;
	[tilespmem:v3+s19+$0x0] =	vst.idx.msk $0xffff, v51  }
0x4eb: {  	v3 =	vld [tilespmem:s7+$0x2000];
	_ =	sdelay $0x4  }
0x4ec: {  	v52 =	vshrl.u32 v3, $0x3  }
0x4ed: {  	v3 =	vshrl.u32 v3, $0x6;
	v4 =	vand.u32 $0x1FFFFC00, v52  }
0x4ee: {  	v3 =	vand.u32 $0x7F, v3;
	v4 =	vadd.s32 v1, v4  }
0x4ef: {  	v3 =	vor.u32 v3, v4  }
0x4f0: {  	v53 =	vld [tilespmem:s7+$0x6000];
	v3 =	vor.u32 v2, v3;
	_ =	sdelay $0x4  }
0x4f1: {  	s13 =	sor.u32 $0xC70, s13;
	[tilespmem:v3+s19+$0x0] =	vst.idx.msk $0xffff, v53  }
0x4f2: {  	v3 =	vld [tilespmem:s13+$0x2000];
	_ =	sdelay $0x4  }
0x4f3: {  	v54 =	vshrl.u32 v3, $0x3  }
0x4f4: {  	v3 =	vshrl.u32 v3, $0x6;
	v4 =	vand.u32 $0x1FFFFC00, v54  }
0x4f5: {  	v3 =	vand.u32 $0x7F, v3;
	v1 =	vadd.s32 v1, v4  }
0x4f6: {  	v1 =	vor.u32 v3, v1  }
0x4f7: {  	v3 =	vld [tilespmem:s13+$0x6000];
	v1 =	vor.u32 v2, v1;
	_ =	sdelay $0x3  }
0x4f8: {  	s13 =	sand.u32 $0x380, s31  }
0x4f9: {  	s2 =	sor.u32 s2, s13;
	[tilespmem:v1+s19+$0x0] =	vst.idx.msk $0xffff, v3  }
0x4fa: {  	v1 =	vld [tilespmem:s2+$0x2000];
	_ =	sdelay $0x2  }
0x4fb: {  	s13 =	sadd.s32 $0x1, s0  }
0x4fc: {  	v2 =	vmov s13  }
0x4fd: {  	v3 =	vshll.u32 v2, $0xB;
	v55 =	vshrl.u32 v1, $0x3  }
0x4fe: {  	v56 =	vshrl.u32 v1, $0x6;
	v1 =	vand.u32 $0x4000, v3;
	v3 =	vand.u32 $0x1FFFFC00, v55  }
0x4ff: {  	v2 =	vshll.u32 v2, $0x7;
	v57 =	vand.u32 $0x7F, v56;
	v3 =	vadd.s32 v1, v3  }
0x500: {  	v2 =	vand.u32 $0x380, v2;
	v3 =	vor.u32 v57, v3  }
0x501: {  	v58 =	vld [tilespmem:s2+$0x6000];
	v3 =	vor.u32 v2, v3;
	_ =	sdelay $0x4  }
0x502: {  	[tilespmem:v3+s19+$0x0] =	vst.idx.msk $0xffff, v58  }
0x503: {  	v3 =	vld [tilespmem:s2+$0x2010];
	_ =	sdelay $0x4  }
0x504: {  	v59 =	vshrl.u32 v3, $0x3  }
0x505: {  	v3 =	vshrl.u32 v3, $0x6;
	v4 =	vand.u32 $0x1FFFFC00, v59  }
0x506: {  	v3 =	vand.u32 $0x7F, v3;
	v4 =	vadd.s32 v1, v4  }
0x507: {  	v3 =	vor.u32 v3, v4  }
0x508: {  	v60 =	vld [tilespmem:s2+$0x6010];
	v3 =	vor.u32 v2, v3;
	_ =	sdelay $0x4  }
0x509: {  	[tilespmem:v3+s19+$0x0] =	vst.idx.msk $0xffff, v60  }
0x50a: {  	v3 =	vld [tilespmem:s2+$0x2020];
	_ =	sdelay $0x4  }
0x50b: {  	v61 =	vshrl.u32 v3, $0x3  }
0x50c: {  	v3 =	vshrl.u32 v3, $0x6;
	v4 =	vand.u32 $0x1FFFFC00, v61  }
0x50d: {  	v3 =	vand.u32 $0x7F, v3;
	v4 =	vadd.s32 v1, v4  }
0x50e: {  	v3 =	vor.u32 v3, v4  }
0x50f: {  	v62 =	vld [tilespmem:s2+$0x6020];
	v3 =	vor.u32 v2, v3;
	_ =	sdelay $0x4  }
0x510: {  	[tilespmem:v3+s19+$0x0] =	vst.idx.msk $0xffff, v62  }
0x511: {  	v3 =	vld [tilespmem:s2+$0x2030];
	_ =	sdelay $0x4  }
0x512: {  	v63 =	vshrl.u32 v3, $0x3  }
0x513: {  	v3 =	vshrl.u32 v3, $0x6;
	v4 =	vand.u32 $0x1FFFFC00, v63  }
0x514: {  	v3 =	vand.u32 $0x7F, v3;
	v4 =	vadd.s32 v1, v4  }
0x515: {  	v3 =	vor.u32 v3, v4  }
0x516: {  	v8 =	vld [tilespmem:s2+$0x6030];
	v3 =	vor.u32 v2, v3;
	_ =	sdelay $0x4  }
0x517: {  	[tilespmem:v3+s19+$0x0] =	vst.idx.msk $0xffff, v8  }
0x518: {  	v3 =	vld [tilespmem:s2+$0x2040];
	_ =	sdelay $0x4  }
0x519: {  	v9 =	vshrl.u32 v3, $0x3  }
0x51a: {  	v3 =	vshrl.u32 v3, $0x6;
	v4 =	vand.u32 $0x1FFFFC00, v9  }
0x51b: {  	v3 =	vand.u32 $0x7F, v3;
	v4 =	vadd.s32 v1, v4  }
0x51c: {  	v3 =	vor.u32 v3, v4  }
0x51d: {  	v10 =	vld [tilespmem:s2+$0x6040];
	v3 =	vor.u32 v2, v3;
	_ =	sdelay $0x4  }
0x51e: {  	[tilespmem:v3+s19+$0x0] =	vst.idx.msk $0xffff, v10  }
0x51f: {  	v3 =	vld [tilespmem:s2+$0x2050];
	_ =	sdelay $0x4  }
0x520: {  	v11 =	vshrl.u32 v3, $0x3  }
0x521: {  	v3 =	vshrl.u32 v3, $0x6;
	v4 =	vand.u32 $0x1FFFFC00, v11  }
0x522: {  	v3 =	vand.u32 $0x7F, v3;
	v4 =	vadd.s32 v1, v4  }
0x523: {  	v3 =	vor.u32 v3, v4  }
0x524: {  	v12 =	vld [tilespmem:s2+$0x6050];
	v3 =	vor.u32 v2, v3;
	_ =	sdelay $0x4  }
0x525: {  	[tilespmem:v3+s19+$0x0] =	vst.idx.msk $0xffff, v12  }
0x526: {  	v3 =	vld [tilespmem:s2+$0x2060];
	_ =	sdelay $0x4  }
0x527: {  	v13 =	vshrl.u32 v3, $0x3  }
0x528: {  	v3 =	vshrl.u32 v3, $0x6;
	v4 =	vand.u32 $0x1FFFFC00, v13  }
0x529: {  	v3 =	vand.u32 $0x7F, v3;
	v4 =	vadd.s32 v1, v4  }
0x52a: {  	v3 =	vor.u32 v3, v4  }
0x52b: {  	v14 =	vld [tilespmem:s2+$0x6060];
	v3 =	vor.u32 v2, v3;
	_ =	sdelay $0x4  }
0x52c: {  	[tilespmem:v3+s19+$0x0] =	vst.idx.msk $0xffff, v14  }
0x52d: {  	v3 =	vld [tilespmem:s2+$0x2070];
	_ =	sdelay $0x4  }
0x52e: {  	v15 =	vshrl.u32 v3, $0x3  }
0x52f: {  	v3 =	vshrl.u32 v3, $0x6;
	v4 =	vand.u32 $0x1FFFFC00, v15  }
0x530: {  	v3 =	vand.u32 $0x7F, v3;
	v4 =	vadd.s32 v1, v4  }
0x531: {  	v3 =	vor.u32 v3, v4  }
0x532: {  	v16 =	vld [tilespmem:s2+$0x6070];
	v3 =	vor.u32 v2, v3;
	_ =	sdelay $0x4  }
0x533: {  	[tilespmem:v3+s19+$0x0] =	vst.idx.msk $0xffff, v16  }
0x534: {  	v3 =	vld [tilespmem:s2+$0x2400];
	_ =	sdelay $0x4  }
0x535: {  	v17 =	vshrl.u32 v3, $0x3  }
0x536: {  	v3 =	vshrl.u32 v3, $0x6;
	v4 =	vand.u32 $0x1FFFFC00, v17  }
0x537: {  	v3 =	vand.u32 $0x7F, v3;
	v4 =	vadd.s32 v1, v4  }
0x538: {  	v3 =	vor.u32 v3, v4  }
0x539: {  	v18 =	vld [tilespmem:s2+$0x6400];
	v3 =	vor.u32 v2, v3;
	_ =	sdelay $0x4  }
0x53a: {  	[tilespmem:v3+s19+$0x0] =	vst.idx.msk $0xffff, v18  }
0x53b: {  	v3 =	vld [tilespmem:s2+$0x2410];
	_ =	sdelay $0x4  }
0x53c: {  	v19 =	vshrl.u32 v3, $0x3  }
0x53d: {  	v3 =	vshrl.u32 v3, $0x6;
	v4 =	vand.u32 $0x1FFFFC00, v19  }
0x53e: {  	v3 =	vand.u32 $0x7F, v3;
	v4 =	vadd.s32 v1, v4  }
0x53f: {  	v3 =	vor.u32 v3, v4  }
0x540: {  	v20 =	vld [tilespmem:s2+$0x6410];
	v3 =	vor.u32 v2, v3;
	_ =	sdelay $0x4  }
0x541: {  	[tilespmem:v3+s19+$0x0] =	vst.idx.msk $0xffff, v20  }
0x542: {  	v3 =	vld [tilespmem:s2+$0x2420];
	_ =	sdelay $0x4  }
0x543: {  	v21 =	vshrl.u32 v3, $0x3  }
0x544: {  	v3 =	vshrl.u32 v3, $0x6;
	v4 =	vand.u32 $0x1FFFFC00, v21  }
0x545: {  	v3 =	vand.u32 $0x7F, v3;
	v4 =	vadd.s32 v1, v4  }
0x546: {  	v3 =	vor.u32 v3, v4  }
0x547: {  	v22 =	vld [tilespmem:s2+$0x6420];
	v3 =	vor.u32 v2, v3;
	_ =	sdelay $0x4  }
0x548: {  	[tilespmem:v3+s19+$0x0] =	vst.idx.msk $0xffff, v22  }
0x549: {  	v3 =	vld [tilespmem:s2+$0x2430];
	_ =	sdelay $0x4  }
0x54a: {  	v23 =	vshrl.u32 v3, $0x3  }
0x54b: {  	v3 =	vshrl.u32 v3, $0x6;
	v4 =	vand.u32 $0x1FFFFC00, v23  }
0x54c: {  	v3 =	vand.u32 $0x7F, v3;
	v4 =	vadd.s32 v1, v4  }
0x54d: {  	v3 =	vor.u32 v3, v4  }
0x54e: {  	v24 =	vld [tilespmem:s2+$0x6430];
	v3 =	vor.u32 v2, v3;
	_ =	sdelay $0x4  }
0x54f: {  	[tilespmem:v3+s19+$0x0] =	vst.idx.msk $0xffff, v24  }
0x550: {  	v3 =	vld [tilespmem:s2+$0x2440];
	_ =	sdelay $0x4  }
0x551: {  	v25 =	vshrl.u32 v3, $0x3  }
0x552: {  	v3 =	vshrl.u32 v3, $0x6;
	v4 =	vand.u32 $0x1FFFFC00, v25  }
0x553: {  	v3 =	vand.u32 $0x7F, v3;
	v4 =	vadd.s32 v1, v4  }
0x554: {  	v3 =	vor.u32 v3, v4  }
0x555: {  	v26 =	vld [tilespmem:s2+$0x6440];
	v3 =	vor.u32 v2, v3;
	_ =	sdelay $0x4  }
0x556: {  	[tilespmem:v3+s19+$0x0] =	vst.idx.msk $0xffff, v26  }
0x557: {  	v3 =	vld [tilespmem:s2+$0x2450];
	_ =	sdelay $0x4  }
0x558: {  	v27 =	vshrl.u32 v3, $0x3  }
0x559: {  	v3 =	vshrl.u32 v3, $0x6;
	v4 =	vand.u32 $0x1FFFFC00, v27  }
0x55a: {  	v3 =	vand.u32 $0x7F, v3;
	v4 =	vadd.s32 v1, v4  }
0x55b: {  	v3 =	vor.u32 v3, v4  }
0x55c: {  	v28 =	vld [tilespmem:s2+$0x6450];
	v3 =	vor.u32 v2, v3;
	_ =	sdelay $0x4  }
0x55d: {  	[tilespmem:v3+s19+$0x0] =	vst.idx.msk $0xffff, v28  }
0x55e: {  	v3 =	vld [tilespmem:s2+$0x2460];
	_ =	sdelay $0x4  }
0x55f: {  	v29 =	vshrl.u32 v3, $0x3  }
0x560: {  	v3 =	vshrl.u32 v3, $0x6;
	v4 =	vand.u32 $0x1FFFFC00, v29  }
0x561: {  	v3 =	vand.u32 $0x7F, v3;
	v4 =	vadd.s32 v1, v4  }
0x562: {  	v3 =	vor.u32 v3, v4  }
0x563: {  	v30 =	vld [tilespmem:s2+$0x6460];
	v3 =	vor.u32 v2, v3;
	_ =	sdelay $0x4  }
0x564: {  	[tilespmem:v3+s19+$0x0] =	vst.idx.msk $0xffff, v30  }
0x565: {  	v3 =	vld [tilespmem:s2+$0x2470];
	_ =	sdelay $0x4  }
0x566: {  	v31 =	vshrl.u32 v3, $0x3  }
0x567: {  	v3 =	vshrl.u32 v3, $0x6;
	v4 =	vand.u32 $0x1FFFFC00, v31  }
0x568: {  	v3 =	vand.u32 $0x7F, v3;
	v4 =	vadd.s32 v1, v4  }
0x569: {  	v3 =	vor.u32 v3, v4  }
0x56a: {  	v32 =	vld [tilespmem:s2+$0x6470];
	v3 =	vor.u32 v2, v3;
	_ =	sdelay $0x4  }
0x56b: {  	[tilespmem:v3+s19+$0x0] =	vst.idx.msk $0xffff, v32  }
0x56c: {  	v3 =	vld [tilespmem:s2+$0x2800];
	_ =	sdelay $0x4  }
0x56d: {  	v33 =	vshrl.u32 v3, $0x3  }
0x56e: {  	v3 =	vshrl.u32 v3, $0x6;
	v4 =	vand.u32 $0x1FFFFC00, v33  }
0x56f: {  	v3 =	vand.u32 $0x7F, v3;
	v4 =	vadd.s32 v1, v4  }
0x570: {  	v3 =	vor.u32 v3, v4  }
0x571: {  	v34 =	vld [tilespmem:s2+$0x6800];
	v3 =	vor.u32 v2, v3;
	_ =	sdelay $0x4  }
0x572: {  	[tilespmem:v3+s19+$0x0] =	vst.idx.msk $0xffff, v34  }
0x573: {  	v3 =	vld [tilespmem:s2+$0x2810];
	_ =	sdelay $0x4  }
0x574: {  	v35 =	vshrl.u32 v3, $0x3  }
0x575: {  	v3 =	vshrl.u32 v3, $0x6;
	v4 =	vand.u32 $0x1FFFFC00, v35  }
0x576: {  	v3 =	vand.u32 $0x7F, v3;
	v4 =	vadd.s32 v1, v4  }
0x577: {  	v3 =	vor.u32 v3, v4  }
0x578: {  	v36 =	vld [tilespmem:s2+$0x6810];
	v3 =	vor.u32 v2, v3;
	_ =	sdelay $0x4  }
0x579: {  	[tilespmem:v3+s19+$0x0] =	vst.idx.msk $0xffff, v36  }
0x57a: {  	v3 =	vld [tilespmem:s2+$0x2820];
	_ =	sdelay $0x4  }
0x57b: {  	v37 =	vshrl.u32 v3, $0x3  }
0x57c: {  	v3 =	vshrl.u32 v3, $0x6;
	v4 =	vand.u32 $0x1FFFFC00, v37  }
0x57d: {  	v3 =	vand.u32 $0x7F, v3;
	v4 =	vadd.s32 v1, v4  }
0x57e: {  	v3 =	vor.u32 v3, v4  }
0x57f: {  	v38 =	vld [tilespmem:s2+$0x6820];
	v3 =	vor.u32 v2, v3;
	_ =	sdelay $0x4  }
0x580: {  	[tilespmem:v3+s19+$0x0] =	vst.idx.msk $0xffff, v38  }
0x581: {  	v3 =	vld [tilespmem:s2+$0x2830];
	_ =	sdelay $0x4  }
0x582: {  	v39 =	vshrl.u32 v3, $0x3  }
0x583: {  	v3 =	vshrl.u32 v3, $0x6;
	v4 =	vand.u32 $0x1FFFFC00, v39  }
0x584: {  	v3 =	vand.u32 $0x7F, v3;
	v4 =	vadd.s32 v1, v4  }
0x585: {  	v3 =	vor.u32 v3, v4  }
0x586: {  	v40 =	vld [tilespmem:s2+$0x6830];
	v3 =	vor.u32 v2, v3;
	_ =	sdelay $0x4  }
0x587: {  	[tilespmem:v3+s19+$0x0] =	vst.idx.msk $0xffff, v40  }
0x588: {  	v3 =	vld [tilespmem:s2+$0x2840];
	_ =	sdelay $0x4  }
0x589: {  	v41 =	vshrl.u32 v3, $0x3  }
0x58a: {  	v3 =	vshrl.u32 v3, $0x6;
	v4 =	vand.u32 $0x1FFFFC00, v41  }
0x58b: {  	v3 =	vand.u32 $0x7F, v3;
	v4 =	vadd.s32 v1, v4  }
0x58c: {  	v3 =	vor.u32 v3, v4  }
0x58d: {  	v42 =	vld [tilespmem:s2+$0x6840];
	v3 =	vor.u32 v2, v3;
	_ =	sdelay $0x4  }
0x58e: {  	[tilespmem:v3+s19+$0x0] =	vst.idx.msk $0xffff, v42  }
0x58f: {  	v3 =	vld [tilespmem:s2+$0x2850];
	_ =	sdelay $0x4  }
0x590: {  	v43 =	vshrl.u32 v3, $0x3  }
0x591: {  	v3 =	vshrl.u32 v3, $0x6;
	v4 =	vand.u32 $0x1FFFFC00, v43  }
0x592: {  	v3 =	vand.u32 $0x7F, v3;
	v4 =	vadd.s32 v1, v4  }
0x593: {  	v3 =	vor.u32 v3, v4  }
0x594: {  	v44 =	vld [tilespmem:s2+$0x6850];
	v3 =	vor.u32 v2, v3;
	_ =	sdelay $0x4  }
0x595: {  	[tilespmem:v3+s19+$0x0] =	vst.idx.msk $0xffff, v44  }
0x596: {  	v3 =	vld [tilespmem:s2+$0x2860];
	_ =	sdelay $0x4  }
0x597: {  	v45 =	vshrl.u32 v3, $0x3  }
0x598: {  	v3 =	vshrl.u32 v3, $0x6;
	v4 =	vand.u32 $0x1FFFFC00, v45  }
0x599: {  	v3 =	vand.u32 $0x7F, v3;
	v4 =	vadd.s32 v1, v4  }
0x59a: {  	v3 =	vor.u32 v3, v4  }
0x59b: {  	v46 =	vld [tilespmem:s2+$0x6860];
	v3 =	vor.u32 v2, v3;
	_ =	sdelay $0x4  }
0x59c: {  	[tilespmem:v3+s19+$0x0] =	vst.idx.msk $0xffff, v46  }
0x59d: {  	v3 =	vld [tilespmem:s2+$0x2870];
	_ =	sdelay $0x4  }
0x59e: {  	v47 =	vshrl.u32 v3, $0x3  }
0x59f: {  	v3 =	vshrl.u32 v3, $0x6;
	v4 =	vand.u32 $0x1FFFFC00, v47  }
0x5a0: {  	v3 =	vand.u32 $0x7F, v3;
	v4 =	vadd.s32 v1, v4  }
0x5a1: {  	v3 =	vor.u32 v3, v4  }
0x5a2: {  	v48 =	vld [tilespmem:s2+$0x6870];
	v3 =	vor.u32 v2, v3;
	_ =	sdelay $0x1  }
0x5a3: {  	s7 =	sand.u32 $0x7, s30  }
0x5a4: {  	s2 =	sshll.u32 s7, $0x7  }
0x5a5: {  	s2 =	sadd.s32 s2, s26  }
0x5a6: {  	s13 =	sor.u32 $0xC00, s2;
	[tilespmem:v3+s19+$0x0] =	vst.idx.msk $0xffff, v48  }
0x5a7: {  	v3 =	vld [tilespmem:s13+$0x2000];
	_ =	sdelay $0x4  }
0x5a8: {  	v49 =	vshrl.u32 v3, $0x3  }
0x5a9: {  	v3 =	vshrl.u32 v3, $0x6;
	v4 =	vand.u32 $0x1FFFFC00, v49  }
0x5aa: {  	v3 =	vand.u32 $0x7F, v3;
	v4 =	vadd.s32 v1, v4  }
0x5ab: {  	v3 =	vor.u32 v3, v4  }
0x5ac: {  	v50 =	vld [tilespmem:s13+$0x6000];
	v3 =	vor.u32 v2, v3;
	_ =	sdelay $0x4  }
0x5ad: {  	s13 =	sor.u32 $0xC10, s2;
	[tilespmem:v3+s19+$0x0] =	vst.idx.msk $0xffff, v50  }
0x5ae: {  	v3 =	vld [tilespmem:s13+$0x2000];
	_ =	sdelay $0x4  }
0x5af: {  	v51 =	vshrl.u32 v3, $0x3  }
0x5b0: {  	v3 =	vshrl.u32 v3, $0x6;
	v4 =	vand.u32 $0x1FFFFC00, v51  }
0x5b1: {  	v3 =	vand.u32 $0x7F, v3;
	v4 =	vadd.s32 v1, v4  }
0x5b2: {  	v3 =	vor.u32 v3, v4  }
0x5b3: {  	v52 =	vld [tilespmem:s13+$0x6000];
	v3 =	vor.u32 v2, v3;
	_ =	sdelay $0x4  }
0x5b4: {  	s13 =	sor.u32 $0xC20, s2;
	[tilespmem:v3+s19+$0x0] =	vst.idx.msk $0xffff, v52  }
0x5b5: {  	v3 =	vld [tilespmem:s13+$0x2000];
	_ =	sdelay $0x4  }
0x5b6: {  	v53 =	vshrl.u32 v3, $0x3  }
0x5b7: {  	v3 =	vshrl.u32 v3, $0x6;
	v4 =	vand.u32 $0x1FFFFC00, v53  }
0x5b8: {  	v3 =	vand.u32 $0x7F, v3;
	v4 =	vadd.s32 v1, v4  }
0x5b9: {  	v3 =	vor.u32 v3, v4  }
0x5ba: {  	v54 =	vld [tilespmem:s13+$0x6000];
	v3 =	vor.u32 v2, v3;
	_ =	sdelay $0x4  }
0x5bb: {  	s13 =	sor.u32 $0xC30, s2;
	[tilespmem:v3+s19+$0x0] =	vst.idx.msk $0xffff, v54  }
0x5bc: {  	v3 =	vld [tilespmem:s13+$0x2000];
	_ =	sdelay $0x4  }
0x5bd: {  	v55 =	vshrl.u32 v3, $0x3  }
0x5be: {  	v3 =	vshrl.u32 v3, $0x6;
	v4 =	vand.u32 $0x1FFFFC00, v55  }
0x5bf: {  	v3 =	vand.u32 $0x7F, v3;
	v4 =	vadd.s32 v1, v4  }
0x5c0: {  	v3 =	vor.u32 v3, v4  }
0x5c1: {  	v56 =	vld [tilespmem:s13+$0x6000];
	v3 =	vor.u32 v2, v3;
	_ =	sdelay $0x4  }
0x5c2: {  	s13 =	sor.u32 $0xC40, s2;
	[tilespmem:v3+s19+$0x0] =	vst.idx.msk $0xffff, v56  }
0x5c3: {  	v3 =	vld [tilespmem:s13+$0x2000];
	_ =	sdelay $0x4  }
0x5c4: {  	v57 =	vshrl.u32 v3, $0x3  }
0x5c5: {  	v3 =	vshrl.u32 v3, $0x6;
	v4 =	vand.u32 $0x1FFFFC00, v57  }
0x5c6: {  	v3 =	vand.u32 $0x7F, v3;
	v4 =	vadd.s32 v1, v4  }
0x5c7: {  	v3 =	vor.u32 v3, v4  }
0x5c8: {  	v58 =	vld [tilespmem:s13+$0x6000];
	v3 =	vor.u32 v2, v3;
	_ =	sdelay $0x4  }
0x5c9: {  	s13 =	sor.u32 $0xC50, s2;
	[tilespmem:v3+s19+$0x0] =	vst.idx.msk $0xffff, v58  }
0x5ca: {  	v3 =	vld [tilespmem:s13+$0x2000];
	_ =	sdelay $0x4  }
0x5cb: {  	v59 =	vshrl.u32 v3, $0x3  }
0x5cc: {  	v3 =	vshrl.u32 v3, $0x6;
	v4 =	vand.u32 $0x1FFFFC00, v59  }
0x5cd: {  	v3 =	vand.u32 $0x7F, v3;
	v4 =	vadd.s32 v1, v4  }
0x5ce: {  	v3 =	vor.u32 v3, v4  }
0x5cf: {  	v60 =	vld [tilespmem:s13+$0x6000];
	v3 =	vor.u32 v2, v3;
	_ =	sdelay $0x4  }
0x5d0: {  	s13 =	sor.u32 $0xC60, s2;
	[tilespmem:v3+s19+$0x0] =	vst.idx.msk $0xffff, v60  }
0x5d1: {  	v3 =	vld [tilespmem:s13+$0x2000];
	_ =	sdelay $0x4  }
0x5d2: {  	v61 =	vshrl.u32 v3, $0x3  }
0x5d3: {  	v3 =	vshrl.u32 v3, $0x6;
	v4 =	vand.u32 $0x1FFFFC00, v61  }
0x5d4: {  	v3 =	vand.u32 $0x7F, v3;
	v4 =	vadd.s32 v1, v4  }
0x5d5: {  	v3 =	vor.u32 v3, v4  }
0x5d6: {  	v62 =	vld [tilespmem:s13+$0x6000];
	v3 =	vor.u32 v2, v3;
	_ =	sdelay $0x4  }
0x5d7: {  	s2 =	sor.u32 $0xC70, s2;
	[tilespmem:v3+s19+$0x0] =	vst.idx.msk $0xffff, v62  }
0x5d8: {  	v3 =	vld [tilespmem:s2+$0x2000];
	_ =	sdelay $0x4  }
0x5d9: {  	v63 =	vshrl.u32 v3, $0x3  }
0x5da: {  	v3 =	vshrl.u32 v3, $0x6;
	v4 =	vand.u32 $0x1FFFFC00, v63  }
0x5db: {  	v3 =	vand.u32 $0x7F, v3;
	v1 =	vadd.s32 v1, v4  }
0x5dc: {  	v1 =	vor.u32 v3, v1  }
0x5dd: {  	p1 =	slt.u32 s0, $0xE;
	v3 =	vld [tilespmem:s2+$0x6000];
	v1 =	vor.u32 v2, v1  }
.Ltmp6:
0x5de: {  	_ = 	snop;
	(pc) =	sbr.rel @p1 .LBB2_11-.Ltmp6, $3  }
0x5df: {  	_ =	sdelay $0x1  }
0x5e0: {  	s28 =	sadd.s32 $0x1, s28;
	s29 =	sadd.s32 $0x400, s29;
	s30 =	sadd.s32 $0x2, s30  }
0x5e1: {  	s31 =	sadd.s32 $0x100, s31;
	s0 =	sadd.s32 $0x2, s0;
	s26 =	sadd.s32 $0x400, s26;
	[tilespmem:v1+s19+$0x0] =	vst.idx.msk $0xffff, v3  }
.Ltmp7:
0x5e2: {  	s0 =	sshll.u32 s24, $0xC;
	(pc) =	sbr.rel @p0 .LBB2_14-.Ltmp7, $4  }
0x5e3: {  	s2 =	sshll.u32 s25, $0xC;
	s0 =	sand.u32 $0x3FC000, s0  }
0x5e4: {  	s2 =	sand.u32 $0x3000, s2;
	s0 =	sadd.s32 s4, s0  }
0x5e5: {  	s0 =	sadd.s32 s2, s0  }
0x5e6: {  	[hbm4b:s0+s5] =	stream.linear.scatter [tilespmem:s19], [sflag:$0x4], $0x8000, $0x38;
	[tilespmem:$0x18000] =	vst v63  }
0x5e7: {  	s0 =	sshll.u32 s24, $0xA  }
0x5e8: {  	s0 =	sadd.s32 $0x800, s0  }
.Ltmp8:
0x5e9: {  	s0 =	sand.u32 $0xFFFFC00, s0;
	(pc) =	sbr.rel .LBB2_2-.Ltmp8, $4  }
0x5ea: {  	s2 =	sadd.s32 s3, s0  }
0x5eb: {  	[tilespmem:s14], [sflag:$0x2] =	stream.linear.gather [hbm4b:s2+s5], $0x2000, $0x38;
	[tilespmem:$0x18000] =	vst v63  }
0x5ec: {  	s23 =	sadd.s32 $0x1, s23;
	s0 =	sadd.s32 s1, s0  }
0x5ed: {  	[tilespmem:s15], [sflag:$0x2] =	stream.linear.gather [hbm4b:s0+s5], $0x2000, $0x38;
	[tilespmem:$0x18000] =	vst v63  }
.LBB2_15:
0x5ee: {  	_ =	sfence.sel $0x180000  }
0x5ef: {  	[bflag:$0x0] =	sbarrier.arrive $0xFFFF  }
0x5f0: {  	_ =	strace $0x90000047  }
0x5f1: {  	s0 =	stileid.u32;
	[bflag:$0x2] =	sbarrier.arrive $0xFFFF  }
0x5f2: {  	p0 =	sne.s32 s0, $0x0;
	s0 =	rddreg [dreg:$0x3]  }
0x5f3: {  	s0 =	sadd.s32 @!p0 $0x100000, s0  }
0x5f4: {  	[sflag:s0] =	ssyncadd.tile.s32 @!p0 $0x1;
	_ =	shalt  }
.Lfunc_end2:
_tile_overlayer_lowered:
.L_overlay_start_2:
0x5f5: {  	(tag) =	ssettag $0x2  }
0x5f6: {  	s0 =	rddreg [dreg:$0x0];
	s2 =	stileid.u32  }
0x5f7: {  	s1 =	rddreg [dreg:$0x1];
	p0 =	sne.s32 s2, $0x0  }
0x5f8: {  	s3 =	rddreg [dreg:$0x2];
	[bflag:$0x3] =	sbarrier.arrive $0xFFFF;
	s2 =	simm.s32 @!p0 $0x1C05  }
0x5f9: {  	[timem:s3], [sflag:s2] =	dma.local @!p0 [hbm:s0], s1  }
0x5fa: {  	s0 =	simm.s32 @!p0 $0x5  }
0x5fb: {  	_ =	swait.ge @!p0 [sflag:s0], s1  }
0x5fc: {  	s1 =	ssub.s32 @!p0 $0x0, s1;
	[sflag:s0] =	ssyncset.done @!p0 $0x0  }
0x5fd: {  	[sflag:s0] =	ssyncadd.s32 @!p0 s1  }
0x5fe: {  	[bflag:$0x3] =	sbarrier.arrive $0xFFFF  }
0x5ff: {  	_ =	shalt  }

</sc_bundles>
